<compile_context>
chip_gen: v7x
topology: tpu7x:2x2x1
jax: 0.10.2.dev20260603
libtpu: 0.0.44.dev20260713+nightly
codegen_flags: <defaults>
</compile_context>

<pallas_src>
import functools

import jax
import jax.numpy as jnp
from jax import lax
from jax.experimental import pallas as pl
from jax.experimental.pallas import tpu as pltpu
from jax.experimental.pallas import tpu_sc as plsc

_SC_PARAMS = pltpu.CompilerParams(needs_layout_passes=False)

N_SUBCORES = 16
N_CORES = 2
LANES = 16


def _sc_mesh():
    return plsc.VectorSubcoreMesh(
        core_axis_name="c", subcore_axis_name="s",
        num_cores=N_CORES, num_subcores=N_SUBCORES)


def _make_deg_c_kernel(E, NPR):
    EPT = E // N_SUBCORES
    assert EPT * N_SUBCORES == E and EPT % LANES == 0
    NITER = EPT // LANES

    E2 = E // N_CORES
    EPT2 = E2 // N_SUBCORES
    assert EPT2 % (5 * LANES) == 0

    @functools.partial(
        pl.kernel,
        out_type=(
            jax.ShapeDtypeStruct((NPR, 128), jnp.float32),
            jax.ShapeDtypeStruct((N_CORES, NPR, 128), jnp.float32),
        ),
        mesh=_sc_mesh(),
        compiler_params=_SC_PARAMS,
        scratch_types=[
            pltpu.VMEM((EPT,), jnp.int32),
            pltpu.VMEM((EPT,), jnp.int32),
            pltpu.VMEM((NPR, 128), jnp.float32),
            pltpu.VMEM((NPR, 128), jnp.float32),
            pltpu.VMEM((NPR,), jnp.int32),
            pltpu.VMEM_SHARED((NPR, 128), jnp.float32),
            pltpu.VMEM_SHARED((NPR, 128), jnp.float32),
        ],
    )
    def deg_c_kernel(ef_hbm, r_hbm, c_hbm,
                     dst_v, src_v, part_v, rec_v, rows_v, sh_deg, sh_c):
        cid = lax.axis_index("c")
        sid = lax.axis_index("s")
        iota = lax.iota(jnp.int32, LANES)
        ones = jnp.ones((LANES,), jnp.float32)
        zeros = jnp.zeros((LANES,), jnp.float32)
        base = sid * EPT

        def _fill_rows(i, _):
            rows_v[pl.ds(i * LANES, LANES)] = iota + i * LANES
            return 0
        lax.fori_loop(0, NPR // LANES, _fill_rows, 0)

        def _zero_part(k, _):
            part_v[k >> 3, pl.ds((k & 7) * LANES, LANES)] = zeros
            return 0
        nvec = NPR * 8
        lax.fori_loop(0, nvec, _zero_part, 0)

        @pl.when(sid == 0)
        def _():
            pltpu.sync_copy(part_v, sh_deg)
            pltpu.sync_copy(part_v, sh_c)

        plsc.subcore_barrier()

        pltpu.sync_copy(ef_hbm.at[pl.ds(E + base, EPT)], dst_v)
        pltpu.sync_copy(ef_hbm.at[pl.ds(base, EPT)], src_v)

        def _deg_step(e2, _):
            for q in range(2):
                dv = dst_v[pl.ds((e2 * 2 + q) * LANES, LANES)]
                plsc.addupdate_scatter(part_v, [dv >> 7, dv & 127], ones)
            return 0
        lax.fori_loop(0, NITER // 2, _deg_step, 0)

        pltpu.sync_copy(part_v, sh_deg.at[rows_v], add=True)
        plsc.subcore_barrier()

        pltpu.sync_copy(sh_deg, rec_v)

        def _recip(k, _):
            v = rec_v[k >> 3, pl.ds((k & 7) * LANES, LANES)]
            rec_v[k >> 3, pl.ds((k & 7) * LANES, LANES)] = 1.0 / jnp.maximum(v, 1.0)
            return 0
        lax.fori_loop(0, nvec, _recip, 0)

        lax.fori_loop(0, nvec, _zero_part, 0)
        base2 = cid * E2 + sid * EPT2
        pltpu.sync_copy(ef_hbm.at[pl.ds(E + base2, EPT2)],
                        dst_v.at[pl.ds(0, EPT2)])
        pltpu.sync_copy(ef_hbm.at[pl.ds(base2, EPT2)],
                        src_v.at[pl.ds(0, EPT2)])

        def _c_step(e5, _):
            for q in range(5):
                e = e5 * 5 + q
                dv = dst_v[pl.ds(e * LANES, LANES)]
                sv = src_v[pl.ds(e * LANES, LANES)]
                rv = plsc.load_gather(rec_v, [dv >> 7, dv & 127])
                plsc.addupdate_scatter(part_v, [sv >> 7, sv & 127], rv)
            return 0
        lax.fori_loop(0, EPT2 // LANES // 5, _c_step, 0)

        pltpu.sync_copy(part_v, sh_c.at[rows_v], add=True)
        plsc.subcore_barrier()

        NCHUNK = NPR // 8

        @pl.when(sid < NCHUNK)
        def _():
            pltpu.sync_copy(sh_c.at[pl.ds(sid * 8, 8)],
                            part_v.at[pl.ds(0, 8)])
            pltpu.sync_copy(part_v.at[pl.ds(0, 8)],
                            c_hbm.at[cid, pl.ds(sid * 8, 8)])

            @pl.when(cid == 0)
            def _():
                pltpu.sync_copy(rec_v.at[pl.ds(sid * 8, 8)],
                                r_hbm.at[pl.ds(sid * 8, 8)])

    return deg_c_kernel


def _make_spmm_kernel(ROWS_PER_W, NPR, H, TAIL0):
    NW = N_CORES * N_SUBCORES
    NP = NPR * 128
    RPT = NP // 128 // N_SUBCORES

    @functools.partial(
        pl.kernel,
        out_type=jax.ShapeDtypeStruct((N_CORES, NP, H), jnp.float32),
        mesh=_sc_mesh(),
        compiler_params=_SC_PARAMS,
        scratch_types=[
            pltpu.VMEM((2, 16, 128), jnp.int32),
            pltpu.VMEM((2, 16, 128), jnp.int32),
            pltpu.VMEM((128, H), jnp.float32),
            pltpu.VMEM((128, H), jnp.float32),
            pltpu.SemaphoreType.DMA,
            pltpu.SemaphoreType.DMA,
            pltpu.SemaphoreType.DMA,
            pltpu.SemaphoreType.DMA,
            pltpu.SemaphoreType.DMA,
            pltpu.VMEM_SHARED((NP, H), jnp.float32),
        ],
    )
    def spmm_kernel(src2d_hbm, dst2d_hbm, stail_hbm, dtail_hbm, x_hbm,
                    m_hbm,
                    src_v, dst_v, rows_a, rows_b,
                    sem_a, sem_b, sem_i, sem_sa, sem_sb, sh_m):
        cid = lax.axis_index("c")
        sid = lax.axis_index("s")
        w = sid * N_CORES + cid
        zeros = jnp.zeros((LANES,), jnp.float32)

        def _zero_buf(k, _):
            rows_a[k >> 3, pl.ds((k & 7) * LANES, LANES)] = zeros
            return 0
        lax.fori_loop(0, 128 * 8, _zero_buf, 0)
        for k in range(RPT):
            pltpu.sync_copy(rows_a, sh_m.at[pl.ds((sid * RPT + k) * 128, 128)])

        plsc.subcore_barrier()

        r0 = w * ROWS_PER_W
        NCH = ROWS_PER_W // 16
        nhalf = 8

        def _stage(ch, buf):
            cbase = r0 + ch * 16

            @pl.when(cbase < TAIL0)
            def _():
                pltpu.async_copy(src2d_hbm.at[pl.ds(cbase, 16)],
                                 src_v.at[buf], sem_i)
                pltpu.async_copy(dst2d_hbm.at[pl.ds(cbase, 16)],
                                 dst_v.at[buf], sem_i)

            @pl.when(cbase >= TAIL0)
            def _():
                pltpu.async_copy(stail_hbm.at[pl.ds(cbase - TAIL0, 16)],
                                 src_v.at[buf], sem_i)
                pltpu.async_copy(dtail_hbm.at[pl.ds(cbase - TAIL0, 16)],
                                 dst_v.at[buf], sem_i)

        def _drain_stage(buf):
            pltpu.make_async_copy(src2d_hbm.at[pl.ds(0, 16)],
                                  src_v.at[buf], sem_i).wait()
            pltpu.make_async_copy(dst2d_hbm.at[pl.ds(0, 16)],
                                  dst_v.at[buf], sem_i).wait()

        _stage(0, 0)
        for ch in range(NCH):
            b = ch % 2
            sv = src_v.at[b]
            dv = dst_v.at[b]
            _drain_stage(b)
            if ch + 1 < NCH:
                _stage(ch + 1, 1 - b)
            pltpu.async_copy(x_hbm.at[sv.at[0]], rows_a, sem_a)

            def _step(j2, _, sv=sv, dv=dv):
                j = j2 * 2
                pltpu.make_async_copy(
                    x_hbm.at[sv.at[j]], rows_a, sem_a).wait()
                cp_b = pltpu.async_copy(
                    x_hbm.at[sv.at[j + 1]], rows_b, sem_b)
                pltpu.sync_copy(rows_a, sh_m.at[dv.at[j]], add=True)

                @pl.when(j2 + 1 < nhalf)
                def _():
                    pltpu.async_copy(
                        x_hbm.at[sv.at[j + 2]], rows_a, sem_a)
                cp_b.wait()
                pltpu.sync_copy(rows_b, sh_m.at[dv.at[j + 1]], add=True)
                return 0

            lax.fori_loop(0, nhalf, _step, 0)

        plsc.subcore_barrier()

        for k in range(RPT):
            rbase = (sid * RPT + k) * 128
            pltpu.sync_copy(sh_m.at[pl.ds(rbase, 128)], rows_a)
            pltpu.sync_copy(rows_a, m_hbm.at[cid, pl.ds(rbase, 128)])

    return spmm_kernel


def _make_epilogue(nblocks, blk, N, H, OUT):
    SUB = blk // 8

    def body(x_ref, m0_ref, m1_ref, r_ref, c0_ref, c1_ref, b1_ref,
             w1s_ref, w1n_ref, w2s_ref, w2n_ref, b2_ref, wh_ref, bh_ref,
             out_ref, u_acc, v_acc):
        i = pl.program_id(0)

        @pl.when(i == 0)
        def _():
            u_acc[...] = jnp.zeros_like(u_acc)
            v_acc[...] = jnp.zeros_like(v_acc)

        mean = (m0_ref[0] + m1_ref[0]) * r_ref[...]
        h1 = jnp.maximum(
            jnp.dot(x_ref[...], w1s_ref[...],
                    preferred_element_type=jnp.float32)
            + jnp.dot(mean, w1n_ref[...],
                      preferred_element_type=jnp.float32)
            + b1_ref[...], 0.0)
        ccol = c0_ref[0] + c1_ref[0]
        u_acc[0:1, :] += jnp.sum(h1, axis=0, keepdims=True)
        v_acc[0:1, :] += jnp.sum(h1 * ccol, axis=0, keepdims=True)

        @pl.when(i == nblocks - 1)
        def _():
            u = u_acc[0:1, :]
            v = v_acc[0:1, :]
            pooled = (jnp.dot(u, w2s_ref[...], preferred_element_type=jnp.float32)
                      + jnp.dot(v, w2n_ref[...], preferred_element_type=jnp.float32)
                      ) * (1.0 / N) + b2_ref[...]
            out_ref[...] = (jnp.dot(pooled, wh_ref[...],
                                    preferred_element_type=jnp.float32)
                            + bh_ref[...])

    return body


def kernel(x, edge_index, batch, W1_self, W1_neigh, b1,
           W2_self, W2_neigh, b2, W_head, b_head):
    N, D = x.shape
    E = edge_index.shape[1]
    H = W1_self.shape[0]
    OUT = W_head.shape[0]

    NPR = (N + 127) // 128 + 1
    NP = NPR * 128

    NW = N_CORES * N_SUBCORES
    nrows = (E + 127) // 128
    rows_per_w = (nrows + NW - 1) // NW
    rows_per_w = (rows_per_w + 15) // 16 * 16
    E_pad = rows_per_w * NW * 128
    pad = E_pad - E
    TAIL0 = (nrows // 16) * 16
    TR = rows_per_w * NW - TAIL0
    ntail_real = E - TAIL0 * 128
    npad = TR * 128 - ntail_real
    pad_ids = lax.iota(jnp.int32, npad)
    junk0 = NP - 128
    src2d = edge_index[0].reshape(nrows, 128)
    dst2d = edge_index[1].reshape(nrows, 128)
    stail = jnp.concatenate(
        [edge_index[0, TAIL0 * 128:], pad_ids % N]).reshape(TR, 128)
    dtail = jnp.concatenate(
        [edge_index[1, TAIL0 * 128:],
         junk0 + (pad_ids % 128)]).reshape(TR, 128)

    r2d, c2d = _make_deg_c_kernel(E, NPR)(edge_index.reshape(2 * E))

    m_parts = _make_spmm_kernel(rows_per_w, NPR, H, TAIL0)(
        src2d, dst2d, stail, dtail, x)

    BLK = 2000
    nblocks = N // BLK
    r_col = r2d.reshape(NP)[:N].reshape(N, 1)
    c_cols = c2d.reshape(N_CORES, NP)[:, :N].reshape(N_CORES, N, 1)

    out = pl.pallas_call(
        _make_epilogue(nblocks, BLK, N, H, OUT),
        grid=(nblocks,),
        in_specs=[
            pl.BlockSpec((BLK, D), lambda i: (i, 0)),
            pl.BlockSpec((1, BLK, H), lambda i: (0, i, 0)),
            pl.BlockSpec((1, BLK, H), lambda i: (1, i, 0)),
            pl.BlockSpec((BLK, 1), lambda i: (i, 0)),
            pl.BlockSpec((1, BLK, 1), lambda i: (0, i, 0)),
            pl.BlockSpec((1, BLK, 1), lambda i: (1, i, 0)),
            pl.BlockSpec((1, H), lambda i: (0, 0)),
            pl.BlockSpec((D, H), lambda i: (0, 0)),
            pl.BlockSpec((H, H), lambda i: (0, 0)),
            pl.BlockSpec((H, H), lambda i: (0, 0)),
            pl.BlockSpec((H, H), lambda i: (0, 0)),
            pl.BlockSpec((1, H), lambda i: (0, 0)),
            pl.BlockSpec((H, OUT), lambda i: (0, 0)),
            pl.BlockSpec((1, OUT), lambda i: (0, 0)),
        ],
        out_specs=pl.BlockSpec((1, OUT), lambda i: (0, 0)),
        out_shape=jax.ShapeDtypeStruct((1, OUT), jnp.float32),
        scratch_shapes=[
            pltpu.VMEM((8, H), jnp.float32),
            pltpu.VMEM((8, H), jnp.float32),
        ],
    )(x, m_parts, m_parts, r_col, c_cols, c_cols,
      b1.reshape(1, H), W1_self.T, W1_neigh.T, W2_self.T, W2_neigh.T,
      b2.reshape(1, H), W_head.T, b_head.reshape(1, OUT))

    return out

# --- scband reference (transcript-rebuilt; emitter-appended) ---
"""Pipeline reference for scband-builtin-gnn-2276332667260 (READ-ONLY COPY).

The authoritative reference and input builder live on the scoring server;
editing this copy changes nothing except your own understanding.
"""

import jax, jax.numpy as jnp
import numpy as np

N = 10000
E = 320000
D = 128
H = 128
OUT = 64


def setup_inputs(seed: int = 0) -> dict:
    key = jax.random.key(seed)
    ks = jax.random.split(key, 12)
    x = jax.random.normal(ks[0], (N, D), dtype=jnp.float32)
    edge_index = jax.random.randint(ks[1], (2, E), 0, N, dtype=jnp.int32)
    batch = jnp.zeros((N,), dtype=jnp.int32)
    s1 = 1.0 / np.sqrt(D)
    s2 = 1.0 / np.sqrt(H)
    W1_self = jax.random.normal(ks[2], (H, D), dtype=jnp.float32) * s1
    W1_neigh = jax.random.normal(ks[3], (H, D), dtype=jnp.float32) * s1
    b1 = jnp.zeros((H,), dtype=jnp.float32)
    W2_self = jax.random.normal(ks[4], (H, H), dtype=jnp.float32) * s2
    W2_neigh = jax.random.normal(ks[5], (H, H), dtype=jnp.float32) * s2
    b2 = jnp.zeros((H,), dtype=jnp.float32)
    W_head = jax.random.normal(ks[6], (OUT, H), dtype=jnp.float32) * s2
    b_head = jnp.zeros((OUT,), dtype=jnp.float32)
    return {
        'x': x, 'edge_index': edge_index, 'batch': batch,
        'W1_self': W1_self, 'W1_neigh': W1_neigh, 'b1': b1,
        'W2_self': W2_self, 'W2_neigh': W2_neigh, 'b2': b2,
        'W_head': W_head, 'b_head': b_head,
    }


def _sage_conv(x, src, dst, W_self, W_neigh, b, num_nodes):
    # mean aggregation of neighbor messages (SAGEConv with aggr='mean')
    msg = jnp.take(x, src, axis=0)                      # gather [E, d]
    summed = jax.ops.segment_sum(msg, dst, num_segments=num_nodes)
    deg = jax.ops.segment_sum(jnp.ones((msg.shape[0],), dtype=x.dtype), dst, num_segments=num_nodes)
    mean = summed / jnp.clip(deg, 1.0, None)[:, None]
    return x @ W_self.T + mean @ W_neigh.T + b


def reference(x, edge_index, batch, W1_self, W1_neigh, b1, W2_self, W2_neigh, b2, W_head, b_head):
    src = edge_index[0]
    dst = edge_index[1]
    h = _sage_conv(x, src, dst, W1_self, W1_neigh, b1, N)
    h = jax.nn.relu(h)
    # dropout is identity in eval/inference mode
    h = _sage_conv(h, src, dst, W2_self, W2_neigh, b2, N)
    # global mean pool over batch assignment (single graph: batch all zeros)
    num_graphs = 1
    pooled_sum = jax.ops.segment_sum(h, batch, num_segments=num_graphs)
    counts = jax.ops.segment_sum(jnp.ones((N,), dtype=h.dtype), batch, num_segments=num_graphs)
    pooled = pooled_sum / jnp.clip(counts, 1.0, None)[:, None]
    out = pooled @ W_head.T + b_head                    # [num_graphs, OUT]
    return out

if __name__ == "__main__":
    import jax
    _d = setup_inputs()
    print(jax.jit(kernel)(*tuple(_d.values())))

</pallas_src>

<mosaic_0001>
#map = affine_map<(d0, d1) -> (0)>
#map1 = affine_map<(d0, d1) -> (0, 0)>
#map2 = affine_map<(d0, d1) -> (0, 0, 0)>
module attributes {stable_mosaic.version = 14 : i64} {
  func.func @deg_c_kernel(%arg0: i32, %arg1: i32, %arg2: memref<640000xi32, #tpu.memory_space<hbm>>, %arg3: memref<80x128xf32, #tpu.memory_space<hbm>>, %arg4: memref<2x80x128xf32, #tpu.memory_space<hbm>>, %arg5: memref<20000xi32, #tpu.memory_space<vmem>>, %arg6: memref<20000xi32, #tpu.memory_space<vmem>>, %arg7: memref<80x128xf32, #tpu.memory_space<vmem>>, %arg8: memref<80x128xf32, #tpu.memory_space<vmem>>, %arg9: memref<80xi32, #tpu.memory_space<vmem>>, %arg10: memref<80x128xf32, #tpu.memory_space<vmem_shared>>, %arg11: memref<80x128xf32, #tpu.memory_space<vmem_shared>>) attributes {dimension_semantics = [#tpu.dimension_semantics<core_parallel>, #tpu.dimension_semantics<subcore_parallel>], iteration_bounds = array<i64: 2, 16>, scalar_prefetch = 0 : i64, scratch_operands = 7 : i64, tpu.core_type = #tpu.core_type<sc_vector_subcore>, window_params = [{transform_indices = #map}, {transform_indices = #map1}, {transform_indices = #map2}]} {
    %iota3A = tpu.iota {dimensions = array<i32: 0>} : vector<16xi32>
    %broadcast_in_dim3A = arith.constant 1.000000e+00 : f32
    %broadcast_in_dim3A_0 = vector.broadcast %broadcast_in_dim3A : f32 to vector<16xf32>
    %broadcast_in_dim3A_1 = arith.constant 0.000000e+00 : f32
    %broadcast_in_dim3A_2 = vector.broadcast %broadcast_in_dim3A_1 : f32 to vector<16xf32>
    %mul3A = arith.constant 20000 : i32
    %mul3A_3 = arith.muli %arg1, %mul3A : i32
    %scan3A = arith.constant 0 : i32
    %scan3A_4 = arith.constant 0 : i32
    %scan3A_5 = arith.constant 5 : i32
    %scan3A_6 = arith.addi %scan3A_4, %scan3A_5 : i32
    %scan3A_7 = arith.constant 1 : i32
    %scan3A_8 = scf.for %scan3A_61 = %scan3A_4 to %scan3A_6 step %scan3A_7 iter_args(%scan3A_62 = %scan3A) -> (i32)  : i32 {
      %mul3A_63 = arith.constant 16 : i32
      %mul3A_64 = arith.muli %scan3A_61, %mul3A_63 : i32
      %add3A_65 = vector.broadcast %mul3A_64 : i32 to vector<16xi32>
      %add3A_66 = arith.addi %iota3A, %add3A_65 : vector<16xi32>
      %mul3A_67 = arith.constant 16 : i32
      %mul3A_68 = arith.muli %scan3A_61, %mul3A_67 : i32
      %swap3A = arith.index_cast %mul3A_68 : i32 to index
      %swap3A_69 = tpu.vector_load %arg9[%swap3A] {strides = array<i32>} : memref<80xi32, #tpu.memory_space<vmem>>, vector<16xi32>,
      tpu.vector_store %arg9[%swap3A], %add3A_66 {strides = array<i32>} : memref<80xi32, #tpu.memory_space<vmem>>, vector<16xi32>,
      %scan3A_70 = arith.constant 0 : i32
      scf.yield %scan3A_70 : i32
    }
    %scan3A_9 = arith.constant 5 : i32
    %scan3A_10 = arith.constant 0 : i32
    %scan3A_11 = arith.constant 0 : i32
    %scan3A_12 = arith.constant 640 : i32
    %scan3A_13 = arith.addi %scan3A_11, %scan3A_12 : i32
    %scan3A_14 = arith.constant 1 : i32
    %scan3A_15 = scf.for %scan3A_61 = %scan3A_11 to %scan3A_13 step %scan3A_14 iter_args(%scan3A_62 = %scan3A_10) -> (i32)  : i32 {
      %shift_right_arithmetic3A = arith.constant 3 : i32
      %shift_right_arithmetic3A_63 = arith.shrsi %scan3A_61, %shift_right_arithmetic3A : i32
      %and3A = arith.constant 7 : i32
      %and3A_64 = arith.andi %scan3A_61, %and3A : i32
      %mul3A_65 = arith.constant 16 : i32
      %mul3A_66 = arith.muli %and3A_64, %mul3A_65 : i32
      %swap3A = arith.index_cast %shift_right_arithmetic3A_63 : i32 to index
      %swap3A_67 = arith.index_cast %mul3A_66 : i32 to index
      %swap3A_68 = tpu.vector_load %arg7[%swap3A, %swap3A_67] {strides = array<i32>} : memref<80x128xf32, #tpu.memory_space<vmem>>, vector<16xf32>,
      tpu.vector_store %arg7[%swap3A, %swap3A_67], %broadcast_in_dim3A_2 {strides = array<i32>} : memref<80x128xf32, #tpu.memory_space<vmem>>, vector<16xf32>,
      %scan3A_69 = arith.constant 0 : i32
      scf.yield %scan3A_69 : i32
    }
    %scan3A_16 = arith.constant 640 : i32
    %eq3A = arith.constant 0 : i32
    %eq3A_17 = arith.cmpi eq, %arg1, %eq3A : i32
    %convert_element_type3A = arith.extui %eq3A_17 : i1 to i32
    %cond3A = arith.constant 0 : i32
    %cond3A_18 = arith.cmpi ne, %convert_element_type3A, %cond3A : i32
    scf.if %cond3A_18 {
      "tpu.region"() ({
        %run_scoped3A = tpu.sem_alloc : memref<!tpu.dma_semaphore, #tpu.memory_space<semaphore_mem>>
        tpu.enqueue_dma source(%arg7 : memref<80x128xf32, #tpu.memory_space<vmem>>) target(%arg10 : memref<80x128xf32, #tpu.memory_space<vmem_shared>>) target_semaphore(%run_scoped3A : memref<!tpu.dma_semaphore, #tpu.memory_space<semaphore_mem>>)
        tpu.wait_dma2 semaphore(%run_scoped3A : memref<!tpu.dma_semaphore, #tpu.memory_space<semaphore_mem>>) src(%arg7 : memref<80x128xf32, #tpu.memory_space<vmem>>) dst(%arg10 : memref<80x128xf32, #tpu.memory_space<vmem_shared>>)
        tpu.yield
      }) : () -> ()
      "tpu.region"() ({
        %run_scoped3A = tpu.sem_alloc : memref<!tpu.dma_semaphore, #tpu.memory_space<semaphore_mem>>
        tpu.enqueue_dma source(%arg7 : memref<80x128xf32, #tpu.memory_space<vmem>>) target(%arg11 : memref<80x128xf32, #tpu.memory_space<vmem_shared>>) target_semaphore(%run_scoped3A : memref<!tpu.dma_semaphore, #tpu.memory_space<semaphore_mem>>)
        tpu.wait_dma2 semaphore(%run_scoped3A : memref<!tpu.dma_semaphore, #tpu.memory_space<semaphore_mem>>) src(%arg7 : memref<80x128xf32, #tpu.memory_space<vmem>>) dst(%arg11 : memref<80x128xf32, #tpu.memory_space<vmem_shared>>)
        tpu.yield
      }) : () -> ()
    } else {
    }
    %barrier3A = arith.constant 0 : index
    tpu.barrier barrier_id(%barrier3A)
    %add3A = arith.constant 320000 : i32
    %add3A_19 = arith.addi %add3A, %mul3A_3 : i32
    "tpu.region"() ({
      %run_scoped3A = tpu.sem_alloc : memref<!tpu.dma_semaphore, #tpu.memory_space<semaphore_mem>>
      %dma_start3A = tpu.memref_slice %arg2[%add3A_19] : memref<640000xi32, #tpu.memory_space<hbm>> -> memref<20000xi32, #tpu.memory_space<hbm>>
      %dma_start3A_61 = tpu.memref_slice %arg2[%add3A_19] : memref<640000xi32, #tpu.memory_space<hbm>> -> memref<20000xi32, #tpu.memory_space<hbm>>
      tpu.enqueue_dma source(%dma_start3A_61 : memref<20000xi32, #tpu.memory_space<hbm>>) target(%arg5 : memref<20000xi32, #tpu.memory_space<vmem>>) target_semaphore(%run_scoped3A : memref<!tpu.dma_semaphore, #tpu.memory_space<semaphore_mem>>)
      %dma_wait3A = tpu.memref_slice %arg2[%add3A_19] : memref<640000xi32, #tpu.memory_space<hbm>> -> memref<20000xi32, #tpu.memory_space<hbm>>
      %dma_wait3A_62 = tpu.memref_slice %arg2[%add3A_19] : memref<640000xi32, #tpu.memory_space<hbm>> -> memref<20000xi32, #tpu.memory_space<hbm>>
      tpu.wait_dma2 semaphore(%run_scoped3A : memref<!tpu.dma_semaphore, #tpu.memory_space<semaphore_mem>>) src(%dma_wait3A_62 : memref<20000xi32, #tpu.memory_space<hbm>>) dst(%arg5 : memref<20000xi32, #tpu.memory_space<vmem>>)
      tpu.yield
    }) : () -> ()
    "tpu.region"() ({
      %run_scoped3A = tpu.sem_alloc : memref<!tpu.dma_semaphore, #tpu.memory_space<semaphore_mem>>
      %dma_start3A = tpu.memref_slice %arg2[%mul3A_3] : memref<640000xi32, #tpu.memory_space<hbm>> -> memref<20000xi32, #tpu.memory_space<hbm>>
      %dma_start3A_61 = tpu.memref_slice %arg2[%mul3A_3] : memref<640000xi32, #tpu.memory_space<hbm>> -> memref<20000xi32, #tpu.memory_space<hbm>>
      tpu.enqueue_dma source(%dma_start3A_61 : memref<20000xi32, #tpu.memory_space<hbm>>) target(%arg6 : memref<20000xi32, #tpu.memory_space<vmem>>) target_semaphore(%run_scoped3A : memref<!tpu.dma_semaphore, #tpu.memory_space<semaphore_mem>>)
      %dma_wait3A = tpu.memref_slice %arg2[%mul3A_3] : memref<640000xi32, #tpu.memory_space<hbm>> -> memref<20000xi32, #tpu.memory_space<hbm>>
      %dma_wait3A_62 = tpu.memref_slice %arg2[%mul3A_3] : memref<640000xi32, #tpu.memory_space<hbm>> -> memref<20000xi32, #tpu.memory_space<hbm>>
      tpu.wait_dma2 semaphore(%run_scoped3A : memref<!tpu.dma_semaphore, #tpu.memory_space<semaphore_mem>>) src(%dma_wait3A_62 : memref<20000xi32, #tpu.memory_space<hbm>>) dst(%arg6 : memref<20000xi32, #tpu.memory_space<vmem>>)
      tpu.yield
    }) : () -> ()
    %scan3A_20 = arith.constant 0 : i32
    %scan3A_21 = arith.constant 0 : i32
    %scan3A_22 = arith.constant 625 : i32
    %scan3A_23 = arith.addi %scan3A_21, %scan3A_22 : i32
    %scan3A_24 = arith.constant 1 : i32
    %scan3A_25 = scf.for %scan3A_61 = %scan3A_21 to %scan3A_23 step %scan3A_24 iter_args(%scan3A_62 = %scan3A_20) -> (i32)  : i32 {
      %mul3A_63 = arith.constant 2 : i32
      %mul3A_64 = arith.muli %scan3A_61, %mul3A_63 : i32
      %add3A_65 = arith.constant 0 : i32
      %add3A_66 = arith.addi %mul3A_64, %add3A_65 : i32
      %mul3A_67 = arith.constant 16 : i32
      %mul3A_68 = arith.muli %add3A_66, %mul3A_67 : i32
      %get3A = arith.index_cast %mul3A_68 : i32 to index
      %get3A_69 = tpu.vector_load %arg5[%get3A] {strides = array<i32>} : memref<20000xi32, #tpu.memory_space<vmem>>, vector<16xi32>,
      %shift_right_arithmetic3A = arith.constant 7 : i32
      %shift_right_arithmetic3A_70 = vector.broadcast %shift_right_arithmetic3A : i32 to vector<16xi32>
      %shift_right_arithmetic3A_71 = arith.shrsi %get3A_69, %shift_right_arithmetic3A_70 : vector<16xi32>
      %and3A = arith.constant 127 : i32
      %and3A_72 = vector.broadcast %and3A : i32 to vector<16xi32>
      %and3A_73 = arith.andi %get3A_69, %and3A_72 : vector<16xi32>
      tpu.vector_store_idx %arg7[%shift_right_arithmetic3A_71, %and3A_73], %broadcast_in_dim3A_0 {add = true} : memref<80x128xf32, #tpu.memory_space<vmem>>[vector<16xi32>, vector<16xi32>], vector<16xf32>,
      %mul3A_74 = arith.constant 2 : i32
      %mul3A_75 = arith.muli %scan3A_61, %mul3A_74 : i32
      %add3A_76 = arith.constant 1 : i32
      %add3A_77 = arith.addi %mul3A_75, %add3A_76 : i32
      %mul3A_78 = arith.constant 16 : i32
      %mul3A_79 = arith.muli %add3A_77, %mul3A_78 : i32
      %get3A_80 = arith.index_cast %mul3A_79 : i32 to index
      %get3A_81 = tpu.vector_load %arg5[%get3A_80] {strides = array<i32>} : memref<20000xi32, #tpu.memory_space<vmem>>, vector<16xi32>,
      %shift_right_arithmetic3A_82 = arith.constant 7 : i32
      %shift_right_arithmetic3A_83 = vector.broadcast %shift_right_arithmetic3A_82 : i32 to vector<16xi32>
      %shift_right_arithmetic3A_84 = arith.shrsi %get3A_81, %shift_right_arithmetic3A_83 : vector<16xi32>
      %and3A_85 = arith.constant 127 : i32
      %and3A_86 = vector.broadcast %and3A_85 : i32 to vector<16xi32>
      %and3A_87 = arith.andi %get3A_81, %and3A_86 : vector<16xi32>
      tpu.vector_store_idx %arg7[%shift_right_arithmetic3A_84, %and3A_87], %broadcast_in_dim3A_0 {add = true} : memref<80x128xf32, #tpu.memory_space<vmem>>[vector<16xi32>, vector<16xi32>], vector<16xf32>,
      %scan3A_88 = arith.constant 0 : i32
      scf.yield %scan3A_88 : i32
    }
    %scan3A_26 = arith.constant 625 : i32
    "tpu.region"() ({
      %run_scoped3A = tpu.sem_alloc : memref<!tpu.dma_semaphore, #tpu.memory_space<semaphore_mem>>
      %dma_start3A = arith.constant 0 : i32
      %dma_start3A_61 = arith.constant 0 : i32
      %dma_start3A_62 = tpu.memref_slice %arg10[%dma_start3A, %dma_start3A_61] : memref<80x128xf32, #tpu.memory_space<vmem_shared>> -> memref<80x128xf32, #tpu.memory_space<vmem_shared>>
      tpu.enqueue_indirect_dma source(%arg7 : memref<80x128xf32, #tpu.memory_space<vmem>>) target(%dma_start3A_62 : memref<80x128xf32, #tpu.memory_space<vmem_shared>>) offsets(%arg9 : memref<80xi32, #tpu.memory_space<vmem>>) semaphore(%run_scoped3A : memref<!tpu.dma_semaphore, #tpu.memory_space<semaphore_mem>>) {add = true}
      %dma_wait3A = arith.constant 0 : i32
      %dma_wait3A_63 = arith.constant 0 : i32
      %dma_wait3A_64 = tpu.memref_slice %arg10[%dma_wait3A, %dma_wait3A_63] : memref<80x128xf32, #tpu.memory_space<vmem_shared>> -> memref<80x128xf32, #tpu.memory_space<vmem_shared>>
      tpu.wait_indirect_dma semaphore(%run_scoped3A : memref<!tpu.dma_semaphore, #tpu.memory_space<semaphore_mem>>) src(%arg7 : memref<80x128xf32, #tpu.memory_space<vmem>>) dst(%dma_wait3A_64 : memref<80x128xf32, #tpu.memory_space<vmem_shared>>)
      tpu.yield
    }) : () -> ()
    %barrier3A_27 = arith.constant 0 : index
    tpu.barrier barrier_id(%barrier3A_27)
    "tpu.region"() ({
      %run_scoped3A = tpu.sem_alloc : memref<!tpu.dma_semaphore, #tpu.memory_space<semaphore_mem>>
      tpu.enqueue_dma source(%arg10 : memref<80x128xf32, #tpu.memory_space<vmem_shared>>) target(%arg8 : memref<80x128xf32, #tpu.memory_space<vmem>>) target_semaphore(%run_scoped3A : memref<!tpu.dma_semaphore, #tpu.memory_space<semaphore_mem>>)
      tpu.wait_dma2 semaphore(%run_scoped3A : memref<!tpu.dma_semaphore, #tpu.memory_space<semaphore_mem>>) src(%arg10 : memref<80x128xf32, #tpu.memory_space<vmem_shared>>) dst(%arg8 : memref<80x128xf32, #tpu.memory_space<vmem>>)
      tpu.yield
    }) : () -> ()
    %scan3A_28 = arith.constant 0 : i32
    %scan3A_29 = arith.constant 0 : i32
    %scan3A_30 = arith.constant 640 : i32
    %scan3A_31 = arith.addi %scan3A_29, %scan3A_30 : i32
    %scan3A_32 = arith.constant 1 : i32
    %scan3A_33 = scf.for %scan3A_61 = %scan3A_29 to %scan3A_31 step %scan3A_32 iter_args(%scan3A_62 = %scan3A_28) -> (i32)  : i32 {
      %shift_right_arithmetic3A = arith.constant 3 : i32
      %shift_right_arithmetic3A_63 = arith.shrsi %scan3A_61, %shift_right_arithmetic3A : i32
      %and3A = arith.constant 7 : i32
      %and3A_64 = arith.andi %scan3A_61, %and3A : i32
      %mul3A_65 = arith.constant 16 : i32
      %mul3A_66 = arith.muli %and3A_64, %mul3A_65 : i32
      %get3A = arith.index_cast %shift_right_arithmetic3A_63 : i32 to index
      %get3A_67 = arith.index_cast %mul3A_66 : i32 to index
      %get3A_68 = tpu.vector_load %arg8[%get3A, %get3A_67] {strides = array<i32>} : memref<80x128xf32, #tpu.memory_space<vmem>>, vector<16xf32>,
      %max3A = arith.constant 1.000000e+00 : f32
      %max3A_69 = vector.broadcast %max3A : f32 to vector<16xf32>
      %max3A_70 = arith.maximumf %get3A_68, %max3A_69 : vector<16xf32>
      %div3A = arith.constant 1.000000e+00 : f32
      %div3A_71 = vector.broadcast %div3A : f32 to vector<16xf32>
      %div3A_72 = arith.divf %div3A_71, %max3A_70 : vector<16xf32>
      %shift_right_arithmetic3A_73 = arith.constant 3 : i32
      %shift_right_arithmetic3A_74 = arith.shrsi %scan3A_61, %shift_right_arithmetic3A_73 : i32
      %and3A_75 = arith.constant 7 : i32
      %and3A_76 = arith.andi %scan3A_61, %and3A_75 : i32
      %mul3A_77 = arith.constant 16 : i32
      %mul3A_78 = arith.muli %and3A_76, %mul3A_77 : i32
      %swap3A = arith.index_cast %shift_right_arithmetic3A_74 : i32 to index
      %swap3A_79 = arith.index_cast %mul3A_78 : i32 to index
      %swap3A_80 = tpu.vector_load %arg8[%swap3A, %swap3A_79] {strides = array<i32>} : memref<80x128xf32, #tpu.memory_space<vmem>>, vector<16xf32>,
      tpu.vector_store %arg8[%swap3A, %swap3A_79], %div3A_72 {strides = array<i32>} : memref<80x128xf32, #tpu.memory_space<vmem>>, vector<16xf32>,
      %scan3A_81 = arith.constant 0 : i32
      scf.yield %scan3A_81 : i32
    }
    %scan3A_34 = arith.constant 640 : i32
    %scan3A_35 = arith.constant 0 : i32
    %scan3A_36 = arith.constant 0 : i32
    %scan3A_37 = arith.constant 640 : i32
    %scan3A_38 = arith.addi %scan3A_36, %scan3A_37 : i32
    %scan3A_39 = arith.constant 1 : i32
    %scan3A_40 = scf.for %scan3A_61 = %scan3A_36 to %scan3A_38 step %scan3A_39 iter_args(%scan3A_62 = %scan3A_35) -> (i32)  : i32 {
      %shift_right_arithmetic3A = arith.constant 3 : i32
      %shift_right_arithmetic3A_63 = arith.shrsi %scan3A_61, %shift_right_arithmetic3A : i32
      %and3A = arith.constant 7 : i32
      %and3A_64 = arith.andi %scan3A_61, %and3A : i32
      %mul3A_65 = arith.constant 16 : i32
      %mul3A_66 = arith.muli %and3A_64, %mul3A_65 : i32
      %swap3A = arith.index_cast %shift_right_arithmetic3A_63 : i32 to index
      %swap3A_67 = arith.index_cast %mul3A_66 : i32 to index
      %swap3A_68 = tpu.vector_load %arg7[%swap3A, %swap3A_67] {strides = array<i32>} : memref<80x128xf32, #tpu.memory_space<vmem>>, vector<16xf32>,
      tpu.vector_store %arg7[%swap3A, %swap3A_67], %broadcast_in_dim3A_2 {strides = array<i32>} : memref<80x128xf32, #tpu.memory_space<vmem>>, vector<16xf32>,
      %scan3A_69 = arith.constant 0 : i32
      scf.yield %scan3A_69 : i32
    }
    %scan3A_41 = arith.constant 640 : i32
    %mul3A_42 = arith.constant 160000 : i32
    %mul3A_43 = arith.muli %arg0, %mul3A_42 : i32
    %mul3A_44 = arith.constant 10000 : i32
    %mul3A_45 = arith.muli %arg1, %mul3A_44 : i32
    %add3A_46 = arith.addi %mul3A_43, %mul3A_45 : i32
    %add3A_47 = arith.constant 320000 : i32
    %add3A_48 = arith.addi %add3A_47, %add3A_46 : i32
    "tpu.region"() ({
      %run_scoped3A = tpu.sem_alloc : memref<!tpu.dma_semaphore, #tpu.memory_space<semaphore_mem>>
      %dma_start3A = arith.constant 0 : i32
      %dma_start3A_61 = tpu.memref_slice %arg5[%dma_start3A] : memref<20000xi32, #tpu.memory_space<vmem>> -> memref<10000xi32, #tpu.memory_space<vmem>>
      %dma_start3A_62 = tpu.memref_slice %arg2[%add3A_48] : memref<640000xi32, #tpu.memory_space<hbm>> -> memref<10000xi32, #tpu.memory_space<hbm>>
      %dma_start3A_63 = arith.constant 0 : i32
      %dma_start3A_64 = tpu.memref_slice %arg5[%dma_start3A_63] : memref<20000xi32, #tpu.memory_space<vmem>> -> memref<10000xi32, #tpu.memory_space<vmem>>
      %dma_start3A_65 = tpu.memref_slice %arg2[%add3A_48] : memref<640000xi32, #tpu.memory_space<hbm>> -> memref<10000xi32, #tpu.memory_space<hbm>>
      tpu.enqueue_dma source(%dma_start3A_65 : memref<10000xi32, #tpu.memory_space<hbm>>) target(%dma_start3A_64 : memref<10000xi32, #tpu.memory_space<vmem>>) target_semaphore(%run_scoped3A : memref<!tpu.dma_semaphore, #tpu.memory_space<semaphore_mem>>)
      %dma_wait3A = arith.constant 0 : i32
      %dma_wait3A_66 = tpu.memref_slice %arg5[%dma_wait3A] : memref<20000xi32, #tpu.memory_space<vmem>> -> memref<10000xi32, #tpu.memory_space<vmem>>
      %dma_wait3A_67 = tpu.memref_slice %arg2[%add3A_48] : memref<640000xi32, #tpu.memory_space<hbm>> -> memref<10000xi32, #tpu.memory_space<hbm>>
      %dma_wait3A_68 = arith.constant 0 : i32
      %dma_wait3A_69 = tpu.memref_slice %arg5[%dma_wait3A_68] : memref<20000xi32, #tpu.memory_space<vmem>> -> memref<10000xi32, #tpu.memory_space<vmem>>
      %dma_wait3A_70 = tpu.memref_slice %arg2[%add3A_48] : memref<640000xi32, #tpu.memory_space<hbm>> -> memref<10000xi32, #tpu.memory_space<hbm>>
      tpu.wait_dma2 semaphore(%run_scoped3A : memref<!tpu.dma_semaphore, #tpu.memory_space<semaphore_mem>>) src(%dma_wait3A_70 : memref<10000xi32, #tpu.memory_space<hbm>>) dst(%dma_wait3A_69 : memref<10000xi32, #tpu.memory_space<vmem>>)
      tpu.yield
    }) : () -> ()
    "tpu.region"() ({
      %run_scoped3A = tpu.sem_alloc : memref<!tpu.dma_semaphore, #tpu.memory_space<semaphore_mem>>
      %dma_start3A = arith.constant 0 : i32
      %dma_start3A_61 = tpu.memref_slice %arg6[%dma_start3A] : memref<20000xi32, #tpu.memory_space<vmem>> -> memref<10000xi32, #tpu.memory_space<vmem>>
      %dma_start3A_62 = tpu.memref_slice %arg2[%add3A_46] : memref<640000xi32, #tpu.memory_space<hbm>> -> memref<10000xi32, #tpu.memory_space<hbm>>
      %dma_start3A_63 = arith.constant 0 : i32
      %dma_start3A_64 = tpu.memref_slice %arg6[%dma_start3A_63] : memref<20000xi32, #tpu.memory_space<vmem>> -> memref<10000xi32, #tpu.memory_space<vmem>>
      %dma_start3A_65 = tpu.memref_slice %arg2[%add3A_46] : memref<640000xi32, #tpu.memory_space<hbm>> -> memref<10000xi32, #tpu.memory_space<hbm>>
      tpu.enqueue_dma source(%dma_start3A_65 : memref<10000xi32, #tpu.memory_space<hbm>>) target(%dma_start3A_64 : memref<10000xi32, #tpu.memory_space<vmem>>) target_semaphore(%run_scoped3A : memref<!tpu.dma_semaphore, #tpu.memory_space<semaphore_mem>>)
      %dma_wait3A = arith.constant 0 : i32
      %dma_wait3A_66 = tpu.memref_slice %arg6[%dma_wait3A] : memref<20000xi32, #tpu.memory_space<vmem>> -> memref<10000xi32, #tpu.memory_space<vmem>>
      %dma_wait3A_67 = tpu.memref_slice %arg2[%add3A_46] : memref<640000xi32, #tpu.memory_space<hbm>> -> memref<10000xi32, #tpu.memory_space<hbm>>
      %dma_wait3A_68 = arith.constant 0 : i32
      %dma_wait3A_69 = tpu.memref_slice %arg6[%dma_wait3A_68] : memref<20000xi32, #tpu.memory_space<vmem>> -> memref<10000xi32, #tpu.memory_space<vmem>>
      %dma_wait3A_70 = tpu.memref_slice %arg2[%add3A_46] : memref<640000xi32, #tpu.memory_space<hbm>> -> memref<10000xi32, #tpu.memory_space<hbm>>
      tpu.wait_dma2 semaphore(%run_scoped3A : memref<!tpu.dma_semaphore, #tpu.memory_space<semaphore_mem>>) src(%dma_wait3A_70 : memref<10000xi32, #tpu.memory_space<hbm>>) dst(%dma_wait3A_69 : memref<10000xi32, #tpu.memory_space<vmem>>)
      tpu.yield
    }) : () -> ()
    %scan3A_49 = arith.constant 0 : i32
    %scan3A_50 = arith.constant 0 : i32
    %scan3A_51 = arith.constant 125 : i32
    %scan3A_52 = arith.addi %scan3A_50, %scan3A_51 : i32
    %scan3A_53 = arith.constant 1 : i32
    %scan3A_54 = scf.for %scan3A_61 = %scan3A_50 to %scan3A_52 step %scan3A_53 iter_args(%scan3A_62 = %scan3A_49) -> (i32)  : i32 {
      %mul3A_63 = arith.constant 5 : i32
      %mul3A_64 = arith.muli %scan3A_61, %mul3A_63 : i32
      %add3A_65 = arith.constant 0 : i32
      %add3A_66 = arith.addi %mul3A_64, %add3A_65 : i32
      %mul3A_67 = arith.constant 16 : i32
      %mul3A_68 = arith.muli %add3A_66, %mul3A_67 : i32
      %get3A = arith.index_cast %mul3A_68 : i32 to index
      %get3A_69 = tpu.vector_load %arg5[%get3A] {strides = array<i32>} : memref<20000xi32, #tpu.memory_space<vmem>>, vector<16xi32>,
      %mul3A_70 = arith.constant 16 : i32
      %mul3A_71 = arith.muli %add3A_66, %mul3A_70 : i32
      %get3A_72 = arith.index_cast %mul3A_71 : i32 to index
      %get3A_73 = tpu.vector_load %arg6[%get3A_72] {strides = array<i32>} : memref<20000xi32, #tpu.memory_space<vmem>>, vector<16xi32>,
      %shift_right_arithmetic3A = arith.constant 7 : i32
      %shift_right_arithmetic3A_74 = vector.broadcast %shift_right_arithmetic3A : i32 to vector<16xi32>
      %shift_right_arithmetic3A_75 = arith.shrsi %get3A_69, %shift_right_arithmetic3A_74 : vector<16xi32>
      %and3A = arith.constant 127 : i32
      %and3A_76 = vector.broadcast %and3A : i32 to vector<16xi32>
      %and3A_77 = arith.andi %get3A_69, %and3A_76 : vector<16xi32>
      %gather3A = tpu.vector_load_idx %arg8[%shift_right_arithmetic3A_75, %and3A_77] : memref<80x128xf32, #tpu.memory_space<vmem>>[vector<16xi32>, vector<16xi32>], vector<16xf32>,
      %shift_right_arithmetic3A_78 = arith.constant 7 : i32
      %shift_right_arithmetic3A_79 = vector.broadcast %shift_right_arithmetic3A_78 : i32 to vector<16xi32>
      %shift_right_arithmetic3A_80 = arith.shrsi %get3A_73, %shift_right_arithmetic3A_79 : vector<16xi32>
      %and3A_81 = arith.constant 127 : i32
      %and3A_82 = vector.broadcast %and3A_81 : i32 to vector<16xi32>
      %and3A_83 = arith.andi %get3A_73, %and3A_82 : vector<16xi32>
      tpu.vector_store_idx %arg7[%shift_right_arithmetic3A_80, %and3A_83], %gather3A {add = true} : memref<80x128xf32, #tpu.memory_space<vmem>>[vector<16xi32>, vector<16xi32>], vector<16xf32>,
      %mul3A_84 = arith.constant 5 : i32
      %mul3A_85 = arith.muli %scan3A_61, %mul3A_84 : i32
      %add3A_86 = arith.constant 1 : i32
      %add3A_87 = arith.addi %mul3A_85, %add3A_86 : i32
      %mul3A_88 = arith.constant 16 : i32
      %mul3A_89 = arith.muli %add3A_87, %mul3A_88 : i32
      %get3A_90 = arith.index_cast %mul3A_89 : i32 to index
      %get3A_91 = tpu.vector_load %arg5[%get3A_90] {strides = array<i32>} : memref<20000xi32, #tpu.memory_space<vmem>>, vector<16xi32>,
      %mul3A_92 = arith.constant 16 : i32
      %mul3A_93 = arith.muli %add3A_87, %mul3A_92 : i32
      %get3A_94 = arith.index_cast %mul3A_93 : i32 to index
      %get3A_95 = tpu.vector_load %arg6[%get3A_94] {strides = array<i32>} : memref<20000xi32, #tpu.memory_space<vmem>>, vector<16xi32>,
      %shift_right_arithmetic3A_96 = arith.constant 7 : i32
      %shift_right_arithmetic3A_97 = vector.broadcast %shift_right_arithmetic3A_96 : i32 to vector<16xi32>
      %shift_right_arithmetic3A_98 = arith.shrsi %get3A_91, %shift_right_arithmetic3A_97 : vector<16xi32>
      %and3A_99 = arith.constant 127 : i32
      %and3A_100 = vector.broadcast %and3A_99 : i32 to vector<16xi32>
      %and3A_101 = arith.andi %get3A_91, %and3A_100 : vector<16xi32>
      %gather3A_102 = tpu.vector_load_idx %arg8[%shift_right_arithmetic3A_98, %and3A_101] : memref<80x128xf32, #tpu.memory_space<vmem>>[vector<16xi32>, vector<16xi32>], vector<16xf32>,
      %shift_right_arithmetic3A_103 = arith.constant 7 : i32
      %shift_right_arithmetic3A_104 = vector.broadcast %shift_right_arithmetic3A_103 : i32 to vector<16xi32>
      %shift_right_arithmetic3A_105 = arith.shrsi %get3A_95, %shift_right_arithmetic3A_104 : vector<16xi32>
      %and3A_106 = arith.constant 127 : i32
      %and3A_107 = vector.broadcast %and3A_106 : i32 to vector<16xi32>
      %and3A_108 = arith.andi %get3A_95, %and3A_107 : vector<16xi32>
      tpu.vector_store_idx %arg7[%shift_right_arithmetic3A_105, %and3A_108], %gather3A_102 {add = true} : memref<80x128xf32, #tpu.memory_space<vmem>>[vector<16xi32>, vector<16xi32>], vector<16xf32>,
      %mul3A_109 = arith.constant 5 : i32
      %mul3A_110 = arith.muli %scan3A_61, %mul3A_109 : i32
      %add3A_111 = arith.constant 2 : i32
      %add3A_112 = arith.addi %mul3A_110, %add3A_111 : i32
      %mul3A_113 = arith.constant 16 : i32
      %mul3A_114 = arith.muli %add3A_112, %mul3A_113 : i32
      %get3A_115 = arith.index_cast %mul3A_114 : i32 to index
      %get3A_116 = tpu.vector_load %arg5[%get3A_115] {strides = array<i32>} : memref<20000xi32, #tpu.memory_space<vmem>>, vector<16xi32>,
      %mul3A_117 = arith.constant 16 : i32
      %mul3A_118 = arith.muli %add3A_112, %mul3A_117 : i32
      %get3A_119 = arith.index_cast %mul3A_118 : i32 to index
      %get3A_120 = tpu.vector_load %arg6[%get3A_119] {strides = array<i32>} : memref<20000xi32, #tpu.memory_space<vmem>>, vector<16xi32>,
      %shift_right_arithmetic3A_121 = arith.constant 7 : i32
      %shift_right_arithmetic3A_122 = vector.broadcast %shift_right_arithmetic3A_121 : i32 to vector<16xi32>
      %shift_right_arithmetic3A_123 = arith.shrsi %get3A_116, %shift_right_arithmetic3A_122 : vector<16xi32>
      %and3A_124 = arith.constant 127 : i32
      %and3A_125 = vector.broadcast %and3A_124 : i32 to vector<16xi32>
      %and3A_126 = arith.andi %get3A_116, %and3A_125 : vector<16xi32>
      %gather3A_127 = tpu.vector_load_idx %arg8[%shift_right_arithmetic3A_123, %and3A_126] : memref<80x128xf32, #tpu.memory_space<vmem>>[vector<16xi32>, vector<16xi32>], vector<16xf32>,
      %shift_right_arithmetic3A_128 = arith.constant 7 : i32
      %shift_right_arithmetic3A_129 = vector.broadcast %shift_right_arithmetic3A_128 : i32 to vector<16xi32>
      %shift_right_arithmetic3A_130 = arith.shrsi %get3A_120, %shift_right_arithmetic3A_129 : vector<16xi32>
      %and3A_131 = arith.constant 127 : i32
      %and3A_132 = vector.broadcast %and3A_131 : i32 to vector<16xi32>
      %and3A_133 = arith.andi %get3A_120, %and3A_132 : vector<16xi32>
      tpu.vector_store_idx %arg7[%shift_right_arithmetic3A_130, %and3A_133], %gather3A_127 {add = true} : memref<80x128xf32, #tpu.memory_space<vmem>>[vector<16xi32>, vector<16xi32>], vector<16xf32>,
      %mul3A_134 = arith.constant 5 : i32
      %mul3A_135 = arith.muli %scan3A_61, %mul3A_134 : i32
      %add3A_136 = arith.constant 3 : i32
      %add3A_137 = arith.addi %mul3A_135, %add3A_136 : i32
      %mul3A_138 = arith.constant 16 : i32
      %mul3A_139 = arith.muli %add3A_137, %mul3A_138 : i32
      %get3A_140 = arith.index_cast %mul3A_139 : i32 to index
      %get3A_141 = tpu.vector_load %arg5[%get3A_140] {strides = array<i32>} : memref<20000xi32, #tpu.memory_space<vmem>>, vector<16xi32>,
      %mul3A_142 = arith.constant 16 : i32
      %mul3A_143 = arith.muli %add3A_137, %mul3A_142 : i32
      %get3A_144 = arith.index_cast %mul3A_143 : i32 to index
      %get3A_145 = tpu.vector_load %arg6[%get3A_144] {strides = array<i32>} : memref<20000xi32, #tpu.memory_space<vmem>>, vector<16xi32>,
      %shift_right_arithmetic3A_146 = arith.constant 7 : i32
      %shift_right_arithmetic3A_147 = vector.broadcast %shift_right_arithmetic3A_146 : i32 to vector<16xi32>
      %shift_right_arithmetic3A_148 = arith.shrsi %get3A_141, %shift_right_arithmetic3A_147 : vector<16xi32>
      %and3A_149 = arith.constant 127 : i32
      %and3A_150 = vector.broadcast %and3A_149 : i32 to vector<16xi32>
      %and3A_151 = arith.andi %get3A_141, %and3A_150 : vector<16xi32>
      %gather3A_152 = tpu.vector_load_idx %arg8[%shift_right_arithmetic3A_148, %and3A_151] : memref<80x128xf32, #tpu.memory_space<vmem>>[vector<16xi32>, vector<16xi32>], vector<16xf32>,
      %shift_right_arithmetic3A_153 = arith.constant 7 : i32
      %shift_right_arithmetic3A_154 = vector.broadcast %shift_right_arithmetic3A_153 : i32 to vector<16xi32>
      %shift_right_arithmetic3A_155 = arith.shrsi %get3A_145, %shift_right_arithmetic3A_154 : vector<16xi32>
      %and3A_156 = arith.constant 127 : i32
      %and3A_157 = vector.broadcast %and3A_156 : i32 to vector<16xi32>
      %and3A_158 = arith.andi %get3A_145, %and3A_157 : vector<16xi32>
      tpu.vector_store_idx %arg7[%shift_right_arithmetic3A_155, %and3A_158], %gather3A_152 {add = true} : memref<80x128xf32, #tpu.memory_space<vmem>>[vector<16xi32>, vector<16xi32>], vector<16xf32>,
      %mul3A_159 = arith.constant 5 : i32
      %mul3A_160 = arith.muli %scan3A_61, %mul3A_159 : i32
      %add3A_161 = arith.constant 4 : i32
      %add3A_162 = arith.addi %mul3A_160, %add3A_161 : i32
      %mul3A_163 = arith.constant 16 : i32
      %mul3A_164 = arith.muli %add3A_162, %mul3A_163 : i32
      %get3A_165 = arith.index_cast %mul3A_164 : i32 to index
      %get3A_166 = tpu.vector_load %arg5[%get3A_165] {strides = array<i32>} : memref<20000xi32, #tpu.memory_space<vmem>>, vector<16xi32>,
      %mul3A_167 = arith.constant 16 : i32
      %mul3A_168 = arith.muli %add3A_162, %mul3A_167 : i32
      %get3A_169 = arith.index_cast %mul3A_168 : i32 to index
      %get3A_170 = tpu.vector_load %arg6[%get3A_169] {strides = array<i32>} : memref<20000xi32, #tpu.memory_space<vmem>>, vector<16xi32>,
      %shift_right_arithmetic3A_171 = arith.constant 7 : i32
      %shift_right_arithmetic3A_172 = vector.broadcast %shift_right_arithmetic3A_171 : i32 to vector<16xi32>
      %shift_right_arithmetic3A_173 = arith.shrsi %get3A_166, %shift_right_arithmetic3A_172 : vector<16xi32>
      %and3A_174 = arith.constant 127 : i32
      %and3A_175 = vector.broadcast %and3A_174 : i32 to vector<16xi32>
      %and3A_176 = arith.andi %get3A_166, %and3A_175 : vector<16xi32>
      %gather3A_177 = tpu.vector_load_idx %arg8[%shift_right_arithmetic3A_173, %and3A_176] : memref<80x128xf32, #tpu.memory_space<vmem>>[vector<16xi32>, vector<16xi32>], vector<16xf32>,
      %shift_right_arithmetic3A_178 = arith.constant 7 : i32
      %shift_right_arithmetic3A_179 = vector.broadcast %shift_right_arithmetic3A_178 : i32 to vector<16xi32>
      %shift_right_arithmetic3A_180 = arith.shrsi %get3A_170, %shift_right_arithmetic3A_179 : vector<16xi32>
      %and3A_181 = arith.constant 127 : i32
      %and3A_182 = vector.broadcast %and3A_181 : i32 to vector<16xi32>
      %and3A_183 = arith.andi %get3A_170, %and3A_182 : vector<16xi32>
      tpu.vector_store_idx %arg7[%shift_right_arithmetic3A_180, %and3A_183], %gather3A_177 {add = true} : memref<80x128xf32, #tpu.memory_space<vmem>>[vector<16xi32>, vector<16xi32>], vector<16xf32>,
      %scan3A_184 = arith.constant 0 : i32
      scf.yield %scan3A_184 : i32
    }
    %scan3A_55 = arith.constant 125 : i32
    "tpu.region"() ({
      %run_scoped3A = tpu.sem_alloc : memref<!tpu.dma_semaphore, #tpu.memory_space<semaphore_mem>>
      %dma_start3A = arith.constant 0 : i32
      %dma_start3A_61 = arith.constant 0 : i32
      %dma_start3A_62 = tpu.memref_slice %arg11[%dma_start3A, %dma_start3A_61] : memref<80x128xf32, #tpu.memory_space<vmem_shared>> -> memref<80x128xf32, #tpu.memory_space<vmem_shared>>
      tpu.enqueue_indirect_dma source(%arg7 : memref<80x128xf32, #tpu.memory_space<vmem>>) target(%dma_start3A_62 : memref<80x128xf32, #tpu.memory_space<vmem_shared>>) offsets(%arg9 : memref<80xi32, #tpu.memory_space<vmem>>) semaphore(%run_scoped3A : memref<!tpu.dma_semaphore, #tpu.memory_space<semaphore_mem>>) {add = true}
      %dma_wait3A = arith.constant 0 : i32
      %dma_wait3A_63 = arith.constant 0 : i32
      %dma_wait3A_64 = tpu.memref_slice %arg11[%dma_wait3A, %dma_wait3A_63] : memref<80x128xf32, #tpu.memory_space<vmem_shared>> -> memref<80x128xf32, #tpu.memory_space<vmem_shared>>
      tpu.wait_indirect_dma semaphore(%run_scoped3A : memref<!tpu.dma_semaphore, #tpu.memory_space<semaphore_mem>>) src(%arg7 : memref<80x128xf32, #tpu.memory_space<vmem>>) dst(%dma_wait3A_64 : memref<80x128xf32, #tpu.memory_space<vmem_shared>>)
      tpu.yield
    }) : () -> ()
    %barrier3A_56 = arith.constant 0 : index
    tpu.barrier barrier_id(%barrier3A_56)
    %lt3A = arith.constant 10 : i32
    %lt3A_57 = arith.cmpi slt, %arg1, %lt3A : i32
    %convert_element_type3A_58 = arith.extui %lt3A_57 : i1 to i32
    %cond3A_59 = arith.constant 0 : i32
    %cond3A_60 = arith.cmpi ne, %convert_element_type3A_58, %cond3A_59 : i32
    scf.if %cond3A_60 {
      %mul3A_61 = arith.constant 8 : i32
      %mul3A_62 = arith.muli %arg1, %mul3A_61 : i32
      "tpu.region"() ({
        %run_scoped3A = tpu.sem_alloc : memref<!tpu.dma_semaphore, #tpu.memory_space<semaphore_mem>>
        %dma_start3A = arith.constant 0 : i32
        %dma_start3A_70 = arith.constant 0 : i32
        %dma_start3A_71 = tpu.memref_slice %arg7[%dma_start3A, %dma_start3A_70] : memref<80x128xf32, #tpu.memory_space<vmem>> -> memref<8x128xf32, #tpu.memory_space<vmem>>
        %dma_start3A_72 = arith.constant 0 : i32
        %dma_start3A_73 = tpu.memref_slice %arg11[%mul3A_62, %dma_start3A_72] : memref<80x128xf32, #tpu.memory_space<vmem_shared>> -> memref<8x128xf32, #tpu.memory_space<vmem_shared>>
        %dma_start3A_74 = arith.constant 0 : i32
        %dma_start3A_75 = arith.constant 0 : i32
        %dma_start3A_76 = tpu.memref_slice %arg7[%dma_start3A_74, %dma_start3A_75] : memref<80x128xf32, #tpu.memory_space<vmem>> -> memref<8x128xf32, #tpu.memory_space<vmem>>
        %dma_start3A_77 = arith.constant 0 : i32
        %dma_start3A_78 = tpu.memref_slice %arg11[%mul3A_62, %dma_start3A_77] : memref<80x128xf32, #tpu.memory_space<vmem_shared>> -> memref<8x128xf32, #tpu.memory_space<vmem_shared>>
        tpu.enqueue_dma source(%dma_start3A_78 : memref<8x128xf32, #tpu.memory_space<vmem_shared>>) target(%dma_start3A_76 : memref<8x128xf32, #tpu.memory_space<vmem>>) target_semaphore(%run_scoped3A : memref<!tpu.dma_semaphore, #tpu.memory_space<semaphore_mem>>)
        %dma_wait3A = arith.constant 0 : i32
        %dma_wait3A_79 = arith.constant 0 : i32
        %dma_wait3A_80 = tpu.memref_slice %arg7[%dma_wait3A, %dma_wait3A_79] : memref<80x128xf32, #tpu.memory_space<vmem>> -> memref<8x128xf32, #tpu.memory_space<vmem>>
        %dma_wait3A_81 = arith.constant 0 : i32
        %dma_wait3A_82 = tpu.memref_slice %arg11[%mul3A_62, %dma_wait3A_81] : memref<80x128xf32, #tpu.memory_space<vmem_shared>> -> memref<8x128xf32, #tpu.memory_space<vmem_shared>>
        %dma_wait3A_83 = arith.constant 0 : i32
        %dma_wait3A_84 = arith.constant 0 : i32
        %dma_wait3A_85 = tpu.memref_slice %arg7[%dma_wait3A_83, %dma_wait3A_84] : memref<80x128xf32, #tpu.memory_space<vmem>> -> memref<8x128xf32, #tpu.memory_space<vmem>>
        %dma_wait3A_86 = arith.constant 0 : i32
        %dma_wait3A_87 = tpu.memref_slice %arg11[%mul3A_62, %dma_wait3A_86] : memref<80x128xf32, #tpu.memory_space<vmem_shared>> -> memref<8x128xf32, #tpu.memory_space<vmem_shared>>
        tpu.wait_dma2 semaphore(%run_scoped3A : memref<!tpu.dma_semaphore, #tpu.memory_space<semaphore_mem>>) src(%dma_wait3A_87 : memref<8x128xf32, #tpu.memory_space<vmem_shared>>) dst(%dma_wait3A_85 : memref<8x128xf32, #tpu.memory_space<vmem>>)
        tpu.yield
      }) : () -> ()
      %mul3A_63 = arith.constant 8 : i32
      %mul3A_64 = arith.muli %arg1, %mul3A_63 : i32
      "tpu.region"() ({
        %run_scoped3A = tpu.sem_alloc : memref<!tpu.dma_semaphore, #tpu.memory_space<semaphore_mem>>
        %dma_start3A = arith.constant 0 : i32
        %dma_start3A_70 = arith.constant 0 : i32
        %dma_start3A_71 = tpu.memref_slice %arg7[%dma_start3A, %dma_start3A_70] : memref<80x128xf32, #tpu.memory_space<vmem>> -> memref<8x128xf32, #tpu.memory_space<vmem>>
        %dma_start3A_72 = arith.constant 0 : i32
        %dma_start3A_73 = tpu.memref_slice %arg4[%arg0, %mul3A_64, %dma_start3A_72] : memref<2x80x128xf32, #tpu.memory_space<hbm>> -> memref<1x8x128xf32, #tpu.memory_space<hbm>>
        %dma_start3A_74 = tpu.memref_squeeze %dma_start3A_73 : memref<1x8x128xf32, #tpu.memory_space<hbm>> -> memref<8x128xf32, #tpu.memory_space<hbm>>
        %dma_start3A_75 = arith.constant 0 : i32
        %dma_start3A_76 = tpu.memref_slice %arg4[%arg0, %mul3A_64, %dma_start3A_75] : memref<2x80x128xf32, #tpu.memory_space<hbm>> -> memref<1x8x128xf32, #tpu.memory_space<hbm>>
        %dma_start3A_77 = tpu.memref_squeeze %dma_start3A_76 : memref<1x8x128xf32, #tpu.memory_space<hbm>> -> memref<8x128xf32, #tpu.memory_space<hbm>>
        %dma_start3A_78 = arith.constant 0 : i32
        %dma_start3A_79 = arith.constant 0 : i32
        %dma_start3A_80 = tpu.memref_slice %arg7[%dma_start3A_78, %dma_start3A_79] : memref<80x128xf32, #tpu.memory_space<vmem>> -> memref<8x128xf32, #tpu.memory_space<vmem>>
        tpu.enqueue_dma source(%dma_start3A_80 : memref<8x128xf32, #tpu.memory_space<vmem>>) target(%dma_start3A_77 : memref<8x128xf32, #tpu.memory_space<hbm>>) target_semaphore(%run_scoped3A : memref<!tpu.dma_semaphore, #tpu.memory_space<semaphore_mem>>)
        %dma_wait3A = arith.constant 0 : i32
        %dma_wait3A_81 = arith.constant 0 : i32
        %dma_wait3A_82 = tpu.memref_slice %arg7[%dma_wait3A, %dma_wait3A_81] : memref<80x128xf32, #tpu.memory_space<vmem>> -> memref<8x128xf32, #tpu.memory_space<vmem>>
        %dma_wait3A_83 = arith.constant 0 : i32
        %dma_wait3A_84 = tpu.memref_slice %arg4[%arg0, %mul3A_64, %dma_wait3A_83] : memref<2x80x128xf32, #tpu.memory_space<hbm>> -> memref<1x8x128xf32, #tpu.memory_space<hbm>>
        %dma_wait3A_85 = tpu.memref_squeeze %dma_wait3A_84 : memref<1x8x128xf32, #tpu.memory_space<hbm>> -> memref<8x128xf32, #tpu.memory_space<hbm>>
        %dma_wait3A_86 = arith.constant 0 : i32
        %dma_wait3A_87 = tpu.memref_slice %arg4[%arg0, %mul3A_64, %dma_wait3A_86] : memref<2x80x128xf32, #tpu.memory_space<hbm>> -> memref<1x8x128xf32, #tpu.memory_space<hbm>>
        %dma_wait3A_88 = tpu.memref_squeeze %dma_wait3A_87 : memref<1x8x128xf32, #tpu.memory_space<hbm>> -> memref<8x128xf32, #tpu.memory_space<hbm>>
        %dma_wait3A_89 = arith.constant 0 : i32
        %dma_wait3A_90 = arith.constant 0 : i32
        %dma_wait3A_91 = tpu.memref_slice %arg7[%dma_wait3A_89, %dma_wait3A_90] : memref<80x128xf32, #tpu.memory_space<vmem>> -> memref<8x128xf32, #tpu.memory_space<vmem>>
        tpu.wait_dma2 semaphore(%run_scoped3A : memref<!tpu.dma_semaphore, #tpu.memory_space<semaphore_mem>>) src(%dma_wait3A_91 : memref<8x128xf32, #tpu.memory_space<vmem>>) dst(%dma_wait3A_88 : memref<8x128xf32, #tpu.memory_space<hbm>>)
        tpu.yield
      }) : () -> ()
      %eq3A_65 = arith.constant 0 : i32
      %eq3A_66 = arith.cmpi eq, %arg0, %eq3A_65 : i32
      %convert_element_type3A_67 = arith.extui %eq3A_66 : i1 to i32
      %cond3A_68 = arith.constant 0 : i32
      %cond3A_69 = arith.cmpi ne, %convert_element_type3A_67, %cond3A_68 : i32
      scf.if %cond3A_69 {
        %mul3A_70 = arith.constant 8 : i32
        %mul3A_71 = arith.muli %arg1, %mul3A_70 : i32
        %mul3A_72 = arith.constant 8 : i32
        %mul3A_73 = arith.muli %arg1, %mul3A_72 : i32
        "tpu.region"() ({
          %run_scoped3A = tpu.sem_alloc : memref<!tpu.dma_semaphore, #tpu.memory_space<semaphore_mem>>
          %dma_start3A = arith.constant 0 : i32
          %dma_start3A_74 = tpu.memref_slice %arg8[%mul3A_71, %dma_start3A] : memref<80x128xf32, #tpu.memory_space<vmem>> -> memref<8x128xf32, #tpu.memory_space<vmem>>
          %dma_start3A_75 = arith.constant 0 : i32
          %dma_start3A_76 = tpu.memref_slice %arg3[%mul3A_73, %dma_start3A_75] : memref<80x128xf32, #tpu.memory_space<hbm>> -> memref<8x128xf32, #tpu.memory_space<hbm>>
          %dma_start3A_77 = arith.constant 0 : i32
          %dma_start3A_78 = tpu.memref_slice %arg3[%mul3A_73, %dma_start3A_77] : memref<80x128xf32, #tpu.memory_space<hbm>> -> memref<8x128xf32, #tpu.memory_space<hbm>>
          %dma_start3A_79 = arith.constant 0 : i32
          %dma_start3A_80 = tpu.memref_slice %arg8[%mul3A_71, %dma_start3A_79] : memref<80x128xf32, #tpu.memory_space<vmem>> -> memref<8x128xf32, #tpu.memory_space<vmem>>
          tpu.enqueue_dma source(%dma_start3A_80 : memref<8x128xf32, #tpu.memory_space<vmem>>) target(%dma_start3A_78 : memref<8x128xf32, #tpu.memory_space<hbm>>) target_semaphore(%run_scoped3A : memref<!tpu.dma_semaphore, #tpu.memory_space<semaphore_mem>>)
          %dma_wait3A = arith.constant 0 : i32
          %dma_wait3A_81 = tpu.memref_slice %arg8[%mul3A_71, %dma_wait3A] : memref<80x128xf32, #tpu.memory_space<vmem>> -> memref<8x128xf32, #tpu.memory_space<vmem>>
          %dma_wait3A_82 = arith.constant 0 : i32
          %dma_wait3A_83 = tpu.memref_slice %arg3[%mul3A_73, %dma_wait3A_82] : memref<80x128xf32, #tpu.memory_space<hbm>> -> memref<8x128xf32, #tpu.memory_space<hbm>>
          %dma_wait3A_84 = arith.constant 0 : i32
          %dma_wait3A_85 = tpu.memref_slice %arg3[%mul3A_73, %dma_wait3A_84] : memref<80x128xf32, #tpu.memory_space<hbm>> -> memref<8x128xf32, #tpu.memory_space<hbm>>
          %dma_wait3A_86 = arith.constant 0 : i32
          %dma_wait3A_87 = tpu.memref_slice %arg8[%mul3A_71, %dma_wait3A_86] : memref<80x128xf32, #tpu.memory_space<vmem>> -> memref<8x128xf32, #tpu.memory_space<vmem>>
          tpu.wait_dma2 semaphore(%run_scoped3A : memref<!tpu.dma_semaphore, #tpu.memory_space<semaphore_mem>>) src(%dma_wait3A_87 : memref<8x128xf32, #tpu.memory_space<vmem>>) dst(%dma_wait3A_85 : memref<8x128xf32, #tpu.memory_space<hbm>>)
          tpu.yield
        }) : () -> ()
      } else {
      }
    } else {
    }
    return
  }
}

#map = affine_map<(d0, d1) -> (0, 0)>
#map1 = affine_map<(d0, d1) -> (0, 0, 0)>
module attributes {stable_mosaic.version = 14 : i64} {
  func.func @spmm_kernel(%arg0: i32, %arg1: i32, %arg2: memref<2500x128xi32, #tpu.memory_space<hbm>>, %arg3: memref<2500x128xi32, #tpu.memory_space<hbm>>, %arg4: memref<64x128xi32, #tpu.memory_space<hbm>>, %arg5: memref<64x128xi32, #tpu.memory_space<hbm>>, %arg6: memref<10000x128xf32, #tpu.memory_space<hbm>>, %arg7: memref<2x10240x128xf32, #tpu.memory_space<hbm>>, %arg8: memref<2x16x128xi32, #tpu.memory_space<vmem>>, %arg9: memref<2x16x128xi32, #tpu.memory_space<vmem>>, %arg10: memref<128x128xf32, #tpu.memory_space<vmem>>, %arg11: memref<128x128xf32, #tpu.memory_space<vmem>>, %arg12: memref<!tpu.dma_semaphore, #tpu.memory_space<semaphore_mem>>, %arg13: memref<!tpu.dma_semaphore, #tpu.memory_space<semaphore_mem>>, %arg14: memref<!tpu.dma_semaphore, #tpu.memory_space<semaphore_mem>>, %arg15: memref<!tpu.dma_semaphore, #tpu.memory_space<semaphore_mem>>, %arg16: memref<!tpu.dma_semaphore, #tpu.memory_space<semaphore_mem>>, %arg17: memref<10240x128xf32, #tpu.memory_space<vmem_shared>>) attributes {dimension_semantics = [#tpu.dimension_semantics<core_parallel>, #tpu.dimension_semantics<subcore_parallel>], iteration_bounds = array<i64: 2, 16>, scalar_prefetch = 0 : i64, scratch_operands = 10 : i64, tpu.core_type = #tpu.core_type<sc_vector_subcore>, window_params = [{transform_indices = #map}, {transform_indices = #map}, {transform_indices = #map}, {transform_indices = #map}, {transform_indices = #map}, {transform_indices = #map1}]} {
    %mul3A = arith.constant 2 : i32
    %mul3A_0 = arith.muli %arg1, %mul3A : i32
    %add3A = arith.addi %mul3A_0, %arg0 : i32
    %broadcast_in_dim3A = arith.constant 0.000000e+00 : f32
    %broadcast_in_dim3A_1 = vector.broadcast %broadcast_in_dim3A : f32 to vector<16xf32>
    %scan3A = arith.constant 0 : i32
    %scan3A_2 = arith.constant 0 : i32
    %scan3A_3 = arith.constant 1024 : i32
    %scan3A_4 = arith.addi %scan3A_2, %scan3A_3 : i32
    %scan3A_5 = arith.constant 1 : i32
    %scan3A_6 = scf.for %scan3A_380 = %scan3A_2 to %scan3A_4 step %scan3A_5 iter_args(%scan3A_381 = %scan3A) -> (i32)  : i32 {
      %shift_right_arithmetic3A = arith.constant 3 : i32
      %shift_right_arithmetic3A_382 = arith.shrsi %scan3A_380, %shift_right_arithmetic3A : i32
      %and3A = arith.constant 7 : i32
      %and3A_383 = arith.andi %scan3A_380, %and3A : i32
      %mul3A_384 = arith.constant 16 : i32
      %mul3A_385 = arith.muli %and3A_383, %mul3A_384 : i32
      %swap3A = arith.index_cast %shift_right_arithmetic3A_382 : i32 to index
      %swap3A_386 = arith.index_cast %mul3A_385 : i32 to index
      %swap3A_387 = tpu.vector_load %arg10[%swap3A, %swap3A_386] {strides = array<i32>} : memref<128x128xf32, #tpu.memory_space<vmem>>, vector<16xf32>,
      tpu.vector_store %arg10[%swap3A, %swap3A_386], %broadcast_in_dim3A_1 {strides = array<i32>} : memref<128x128xf32, #tpu.memory_space<vmem>>, vector<16xf32>,
      %scan3A_388 = arith.constant 0 : i32
      scf.yield %scan3A_388 : i32
    }
    %scan3A_7 = arith.constant 1024 : i32
    %mul3A_8 = arith.constant 5 : i32
    %mul3A_9 = arith.muli %arg1, %mul3A_8 : i32
    %add3A_10 = arith.constant 0 : i32
    %add3A_11 = arith.addi %mul3A_9, %add3A_10 : i32
    %mul3A_12 = arith.constant 128 : i32
    %mul3A_13 = arith.muli %add3A_11, %mul3A_12 : i32
    "tpu.region"() ({
      %run_scoped3A = tpu.sem_alloc : memref<!tpu.dma_semaphore, #tpu.memory_space<semaphore_mem>>
      %dma_start3A_380 = arith.constant 0 : i32
      %dma_start3A_381 = tpu.memref_slice %arg17[%mul3A_13, %dma_start3A_380] : memref<10240x128xf32, #tpu.memory_space<vmem_shared>> -> memref<128x128xf32, #tpu.memory_space<vmem_shared>>
      %dma_start3A_382 = arith.constant 0 : i32
      %dma_start3A_383 = tpu.memref_slice %arg17[%mul3A_13, %dma_start3A_382] : memref<10240x128xf32, #tpu.memory_space<vmem_shared>> -> memref<128x128xf32, #tpu.memory_space<vmem_shared>>
      tpu.enqueue_dma source(%arg10 : memref<128x128xf32, #tpu.memory_space<vmem>>) target(%dma_start3A_383 : memref<128x128xf32, #tpu.memory_space<vmem_shared>>) target_semaphore(%run_scoped3A : memref<!tpu.dma_semaphore, #tpu.memory_space<semaphore_mem>>)
      %dma_wait3A_384 = arith.constant 0 : i32
      %dma_wait3A_385 = tpu.memref_slice %arg17[%mul3A_13, %dma_wait3A_384] : memref<10240x128xf32, #tpu.memory_space<vmem_shared>> -> memref<128x128xf32, #tpu.memory_space<vmem_shared>>
      %dma_wait3A_386 = arith.constant 0 : i32
      %dma_wait3A_387 = tpu.memref_slice %arg17[%mul3A_13, %dma_wait3A_386] : memref<10240x128xf32, #tpu.memory_space<vmem_shared>> -> memref<128x128xf32, #tpu.memory_space<vmem_shared>>
      tpu.wait_dma2 semaphore(%run_scoped3A : memref<!tpu.dma_semaphore, #tpu.memory_space<semaphore_mem>>) src(%arg10 : memref<128x128xf32, #tpu.memory_space<vmem>>) dst(%dma_wait3A_387 : memref<128x128xf32, #tpu.memory_space<vmem_shared>>)
      tpu.yield
    }) : () -> ()
    %mul3A_14 = arith.constant 5 : i32
    %mul3A_15 = arith.muli %arg1, %mul3A_14 : i32
    %add3A_16 = arith.constant 1 : i32
    %add3A_17 = arith.addi %mul3A_15, %add3A_16 : i32
    %mul3A_18 = arith.constant 128 : i32
    %mul3A_19 = arith.muli %add3A_17, %mul3A_18 : i32
    "tpu.region"() ({
      %run_scoped3A = tpu.sem_alloc : memref<!tpu.dma_semaphore, #tpu.memory_space<semaphore_mem>>
      %dma_start3A_380 = arith.constant 0 : i32
      %dma_start3A_381 = tpu.memref_slice %arg17[%mul3A_19, %dma_start3A_380] : memref<10240x128xf32, #tpu.memory_space<vmem_shared>> -> memref<128x128xf32, #tpu.memory_space<vmem_shared>>
      %dma_start3A_382 = arith.constant 0 : i32
      %dma_start3A_383 = tpu.memref_slice %arg17[%mul3A_19, %dma_start3A_382] : memref<10240x128xf32, #tpu.memory_space<vmem_shared>> -> memref<128x128xf32, #tpu.memory_space<vmem_shared>>
      tpu.enqueue_dma source(%arg10 : memref<128x128xf32, #tpu.memory_space<vmem>>) target(%dma_start3A_383 : memref<128x128xf32, #tpu.memory_space<vmem_shared>>) target_semaphore(%run_scoped3A : memref<!tpu.dma_semaphore, #tpu.memory_space<semaphore_mem>>)
      %dma_wait3A_384 = arith.constant 0 : i32
      %dma_wait3A_385 = tpu.memref_slice %arg17[%mul3A_19, %dma_wait3A_384] : memref<10240x128xf32, #tpu.memory_space<vmem_shared>> -> memref<128x128xf32, #tpu.memory_space<vmem_shared>>
      %dma_wait3A_386 = arith.constant 0 : i32
      %dma_wait3A_387 = tpu.memref_slice %arg17[%mul3A_19, %dma_wait3A_386] : memref<10240x128xf32, #tpu.memory_space<vmem_shared>> -> memref<128x128xf32, #tpu.memory_space<vmem_shared>>
      tpu.wait_dma2 semaphore(%run_scoped3A : memref<!tpu.dma_semaphore, #tpu.memory_space<semaphore_mem>>) src(%arg10 : memref<128x128xf32, #tpu.memory_space<vmem>>) dst(%dma_wait3A_387 : memref<128x128xf32, #tpu.memory_space<vmem_shared>>)
      tpu.yield
    }) : () -> ()
    %mul3A_20 = arith.constant 5 : i32
    %mul3A_21 = arith.muli %arg1, %mul3A_20 : i32
    %add3A_22 = arith.constant 2 : i32
    %add3A_23 = arith.addi %mul3A_21, %add3A_22 : i32
    %mul3A_24 = arith.constant 128 : i32
    %mul3A_25 = arith.muli %add3A_23, %mul3A_24 : i32
    "tpu.region"() ({
      %run_scoped3A = tpu.sem_alloc : memref<!tpu.dma_semaphore, #tpu.memory_space<semaphore_mem>>
      %dma_start3A_380 = arith.constant 0 : i32
      %dma_start3A_381 = tpu.memref_slice %arg17[%mul3A_25, %dma_start3A_380] : memref<10240x128xf32, #tpu.memory_space<vmem_shared>> -> memref<128x128xf32, #tpu.memory_space<vmem_shared>>
      %dma_start3A_382 = arith.constant 0 : i32
      %dma_start3A_383 = tpu.memref_slice %arg17[%mul3A_25, %dma_start3A_382] : memref<10240x128xf32, #tpu.memory_space<vmem_shared>> -> memref<128x128xf32, #tpu.memory_space<vmem_shared>>
      tpu.enqueue_dma source(%arg10 : memref<128x128xf32, #tpu.memory_space<vmem>>) target(%dma_start3A_383 : memref<128x128xf32, #tpu.memory_space<vmem_shared>>) target_semaphore(%run_scoped3A : memref<!tpu.dma_semaphore, #tpu.memory_space<semaphore_mem>>)
      %dma_wait3A_384 = arith.constant 0 : i32
      %dma_wait3A_385 = tpu.memref_slice %arg17[%mul3A_25, %dma_wait3A_384] : memref<10240x128xf32, #tpu.memory_space<vmem_shared>> -> memref<128x128xf32, #tpu.memory_space<vmem_shared>>
      %dma_wait3A_386 = arith.constant 0 : i32
      %dma_wait3A_387 = tpu.memref_slice %arg17[%mul3A_25, %dma_wait3A_386] : memref<10240x128xf32, #tpu.memory_space<vmem_shared>> -> memref<128x128xf32, #tpu.memory_space<vmem_shared>>
      tpu.wait_dma2 semaphore(%run_scoped3A : memref<!tpu.dma_semaphore, #tpu.memory_space<semaphore_mem>>) src(%arg10 : memref<128x128xf32, #tpu.memory_space<vmem>>) dst(%dma_wait3A_387 : memref<128x128xf32, #tpu.memory_space<vmem_shared>>)
      tpu.yield
    }) : () -> ()
    %mul3A_26 = arith.constant 5 : i32
    %mul3A_27 = arith.muli %arg1, %mul3A_26 : i32
    %add3A_28 = arith.constant 3 : i32
    %add3A_29 = arith.addi %mul3A_27, %add3A_28 : i32
    %mul3A_30 = arith.constant 128 : i32
    %mul3A_31 = arith.muli %add3A_29, %mul3A_30 : i32
    "tpu.region"() ({
      %run_scoped3A = tpu.sem_alloc : memref<!tpu.dma_semaphore, #tpu.memory_space<semaphore_mem>>
      %dma_start3A_380 = arith.constant 0 : i32
      %dma_start3A_381 = tpu.memref_slice %arg17[%mul3A_31, %dma_start3A_380] : memref<10240x128xf32, #tpu.memory_space<vmem_shared>> -> memref<128x128xf32, #tpu.memory_space<vmem_shared>>
      %dma_start3A_382 = arith.constant 0 : i32
      %dma_start3A_383 = tpu.memref_slice %arg17[%mul3A_31, %dma_start3A_382] : memref<10240x128xf32, #tpu.memory_space<vmem_shared>> -> memref<128x128xf32, #tpu.memory_space<vmem_shared>>
      tpu.enqueue_dma source(%arg10 : memref<128x128xf32, #tpu.memory_space<vmem>>) target(%dma_start3A_383 : memref<128x128xf32, #tpu.memory_space<vmem_shared>>) target_semaphore(%run_scoped3A : memref<!tpu.dma_semaphore, #tpu.memory_space<semaphore_mem>>)
      %dma_wait3A_384 = arith.constant 0 : i32
      %dma_wait3A_385 = tpu.memref_slice %arg17[%mul3A_31, %dma_wait3A_384] : memref<10240x128xf32, #tpu.memory_space<vmem_shared>> -> memref<128x128xf32, #tpu.memory_space<vmem_shared>>
      %dma_wait3A_386 = arith.constant 0 : i32
      %dma_wait3A_387 = tpu.memref_slice %arg17[%mul3A_31, %dma_wait3A_386] : memref<10240x128xf32, #tpu.memory_space<vmem_shared>> -> memref<128x128xf32, #tpu.memory_space<vmem_shared>>
      tpu.wait_dma2 semaphore(%run_scoped3A : memref<!tpu.dma_semaphore, #tpu.memory_space<semaphore_mem>>) src(%arg10 : memref<128x128xf32, #tpu.memory_space<vmem>>) dst(%dma_wait3A_387 : memref<128x128xf32, #tpu.memory_space<vmem_shared>>)
      tpu.yield
    }) : () -> ()
    %mul3A_32 = arith.constant 5 : i32
    %mul3A_33 = arith.muli %arg1, %mul3A_32 : i32
    %add3A_34 = arith.constant 4 : i32
    %add3A_35 = arith.addi %mul3A_33, %add3A_34 : i32
    %mul3A_36 = arith.constant 128 : i32
    %mul3A_37 = arith.muli %add3A_35, %mul3A_36 : i32
    "tpu.region"() ({
      %run_scoped3A = tpu.sem_alloc : memref<!tpu.dma_semaphore, #tpu.memory_space<semaphore_mem>>
      %dma_start3A_380 = arith.constant 0 : i32
      %dma_start3A_381 = tpu.memref_slice %arg17[%mul3A_37, %dma_start3A_380] : memref<10240x128xf32, #tpu.memory_space<vmem_shared>> -> memref<128x128xf32, #tpu.memory_space<vmem_shared>>
      %dma_start3A_382 = arith.constant 0 : i32
      %dma_start3A_383 = tpu.memref_slice %arg17[%mul3A_37, %dma_start3A_382] : memref<10240x128xf32, #tpu.memory_space<vmem_shared>> -> memref<128x128xf32, #tpu.memory_space<vmem_shared>>
      tpu.enqueue_dma source(%arg10 : memref<128x128xf32, #tpu.memory_space<vmem>>) target(%dma_start3A_383 : memref<128x128xf32, #tpu.memory_space<vmem_shared>>) target_semaphore(%run_scoped3A : memref<!tpu.dma_semaphore, #tpu.memory_space<semaphore_mem>>)
      %dma_wait3A_384 = arith.constant 0 : i32
      %dma_wait3A_385 = tpu.memref_slice %arg17[%mul3A_37, %dma_wait3A_384] : memref<10240x128xf32, #tpu.memory_space<vmem_shared>> -> memref<128x128xf32, #tpu.memory_space<vmem_shared>>
      %dma_wait3A_386 = arith.constant 0 : i32
      %dma_wait3A_387 = tpu.memref_slice %arg17[%mul3A_37, %dma_wait3A_386] : memref<10240x128xf32, #tpu.memory_space<vmem_shared>> -> memref<128x128xf32, #tpu.memory_space<vmem_shared>>
      tpu.wait_dma2 semaphore(%run_scoped3A : memref<!tpu.dma_semaphore, #tpu.memory_space<semaphore_mem>>) src(%arg10 : memref<128x128xf32, #tpu.memory_space<vmem>>) dst(%dma_wait3A_387 : memref<128x128xf32, #tpu.memory_space<vmem_shared>>)
      tpu.yield
    }) : () -> ()
    %barrier3A = arith.constant 0 : index
    tpu.barrier barrier_id(%barrier3A)
    %mul3A_38 = arith.constant 80 : i32
    %mul3A_39 = arith.muli %add3A, %mul3A_38 : i32
    %add3A_40 = arith.constant 0 : i32
    %add3A_41 = arith.addi %mul3A_39, %add3A_40 : i32
    %lt3A = arith.constant 2496 : i32
    %lt3A_42 = arith.cmpi slt, %add3A_41, %lt3A : i32
    %convert_element_type3A = arith.extui %lt3A_42 : i1 to i32
    %cond3A = arith.constant 0 : i32
    %cond3A_43 = arith.cmpi ne, %convert_element_type3A, %cond3A : i32
    scf.if %cond3A_43 {
      %dma_start3A_380 = arith.constant 0 : i32
      %dma_start3A_381 = arith.constant 0 : i32
      %dma_start3A_382 = arith.constant 0 : i32
      %dma_start3A_383 = tpu.memref_slice %arg8[%dma_start3A_380, %dma_start3A_381, %dma_start3A_382] : memref<2x16x128xi32, #tpu.memory_space<vmem>> -> memref<1x16x128xi32, #tpu.memory_space<vmem>>
      %dma_start3A_384 = tpu.memref_squeeze %dma_start3A_383 : memref<1x16x128xi32, #tpu.memory_space<vmem>> -> memref<16x128xi32, #tpu.memory_space<vmem>>
      %dma_start3A_385 = arith.constant 0 : i32
      %dma_start3A_386 = tpu.memref_slice %arg2[%add3A_41, %dma_start3A_385] : memref<2500x128xi32, #tpu.memory_space<hbm>> -> memref<16x128xi32, #tpu.memory_space<hbm>>
      %dma_start3A_387 = arith.constant 0 : i32
      %dma_start3A_388 = arith.constant 0 : i32
      %dma_start3A_389 = tpu.memref_slice %arg8[%dma_start3A_380, %dma_start3A_387, %dma_start3A_388] : memref<2x16x128xi32, #tpu.memory_space<vmem>> -> memref<1x16x128xi32, #tpu.memory_space<vmem>>
      %dma_start3A_390 = tpu.memref_squeeze %dma_start3A_389 : memref<1x16x128xi32, #tpu.memory_space<vmem>> -> memref<16x128xi32, #tpu.memory_space<vmem>>
      %dma_start3A_391 = arith.constant 0 : i32
      %dma_start3A_392 = tpu.memref_slice %arg2[%add3A_41, %dma_start3A_391] : memref<2500x128xi32, #tpu.memory_space<hbm>> -> memref<16x128xi32, #tpu.memory_space<hbm>>
      tpu.enqueue_dma source(%dma_start3A_392 : memref<16x128xi32, #tpu.memory_space<hbm>>) target(%dma_start3A_390 : memref<16x128xi32, #tpu.memory_space<vmem>>) target_semaphore(%arg14 : memref<!tpu.dma_semaphore, #tpu.memory_space<semaphore_mem>>)
      %dma_start3A_393 = arith.constant 0 : i32
      %dma_start3A_394 = arith.constant 0 : i32
      %dma_start3A_395 = arith.constant 0 : i32
      %dma_start3A_396 = tpu.memref_slice %arg9[%dma_start3A_393, %dma_start3A_394, %dma_start3A_395] : memref<2x16x128xi32, #tpu.memory_space<vmem>> -> memref<1x16x128xi32, #tpu.memory_space<vmem>>
      %dma_start3A_397 = tpu.memref_squeeze %dma_start3A_396 : memref<1x16x128xi32, #tpu.memory_space<vmem>> -> memref<16x128xi32, #tpu.memory_space<vmem>>
      %dma_start3A_398 = arith.constant 0 : i32
      %dma_start3A_399 = tpu.memref_slice %arg3[%add3A_41, %dma_start3A_398] : memref<2500x128xi32, #tpu.memory_space<hbm>> -> memref<16x128xi32, #tpu.memory_space<hbm>>
      %dma_start3A_400 = arith.constant 0 : i32
      %dma_start3A_401 = arith.constant 0 : i32
      %dma_start3A_402 = tpu.memref_slice %arg9[%dma_start3A_393, %dma_start3A_400, %dma_start3A_401] : memref<2x16x128xi32, #tpu.memory_space<vmem>> -> memref<1x16x128xi32, #tpu.memory_space<vmem>>
      %dma_start3A_403 = tpu.memref_squeeze %dma_start3A_402 : memref<1x16x128xi32, #tpu.memory_space<vmem>> -> memref<16x128xi32, #tpu.memory_space<vmem>>
      %dma_start3A_404 = arith.constant 0 : i32
      %dma_start3A_405 = tpu.memref_slice %arg3[%add3A_41, %dma_start3A_404] : memref<2500x128xi32, #tpu.memory_space<hbm>> -> memref<16x128xi32, #tpu.memory_space<hbm>>
      tpu.enqueue_dma source(%dma_start3A_405 : memref<16x128xi32, #tpu.memory_space<hbm>>) target(%dma_start3A_403 : memref<16x128xi32, #tpu.memory_space<vmem>>) target_semaphore(%arg14 : memref<!tpu.dma_semaphore, #tpu.memory_space<semaphore_mem>>)
    } else {
    }
    %ge3A = arith.constant 2496 : i32
    %ge3A_44 = arith.cmpi sge, %add3A_41, %ge3A : i32
    %convert_element_type3A_45 = arith.extui %ge3A_44 : i1 to i32
    %cond3A_46 = arith.constant 0 : i32
    %cond3A_47 = arith.cmpi ne, %convert_element_type3A_45, %cond3A_46 : i32
    scf.if %cond3A_47 {
      %sub3A = arith.constant 2496 : i32
      %sub3A_380 = arith.subi %add3A_41, %sub3A : i32
      %dma_start3A_381 = arith.constant 0 : i32
      %dma_start3A_382 = arith.constant 0 : i32
      %dma_start3A_383 = arith.constant 0 : i32
      %dma_start3A_384 = tpu.memref_slice %arg8[%dma_start3A_381, %dma_start3A_382, %dma_start3A_383] : memref<2x16x128xi32, #tpu.memory_space<vmem>> -> memref<1x16x128xi32, #tpu.memory_space<vmem>>
      %dma_start3A_385 = tpu.memref_squeeze %dma_start3A_384 : memref<1x16x128xi32, #tpu.memory_space<vmem>> -> memref<16x128xi32, #tpu.memory_space<vmem>>
      %dma_start3A_386 = arith.constant 0 : i32
      %dma_start3A_387 = tpu.memref_slice %arg4[%sub3A_380, %dma_start3A_386] : memref<64x128xi32, #tpu.memory_space<hbm>> -> memref<16x128xi32, #tpu.memory_space<hbm>>
      %dma_start3A_388 = arith.constant 0 : i32
      %dma_start3A_389 = arith.constant 0 : i32
      %dma_start3A_390 = tpu.memref_slice %arg8[%dma_start3A_381, %dma_start3A_388, %dma_start3A_389] : memref<2x16x128xi32, #tpu.memory_space<vmem>> -> memref<1x16x128xi32, #tpu.memory_space<vmem>>
      %dma_start3A_391 = tpu.memref_squeeze %dma_start3A_390 : memref<1x16x128xi32, #tpu.memory_space<vmem>> -> memref<16x128xi32, #tpu.memory_space<vmem>>
      %dma_start3A_392 = arith.constant 0 : i32
      %dma_start3A_393 = tpu.memref_slice %arg4[%sub3A_380, %dma_start3A_392] : memref<64x128xi32, #tpu.memory_space<hbm>> -> memref<16x128xi32, #tpu.memory_space<hbm>>
      tpu.enqueue_dma source(%dma_start3A_393 : memref<16x128xi32, #tpu.memory_space<hbm>>) target(%dma_start3A_391 : memref<16x128xi32, #tpu.memory_space<vmem>>) target_semaphore(%arg14 : memref<!tpu.dma_semaphore, #tpu.memory_space<semaphore_mem>>)
      %sub3A_394 = arith.constant 2496 : i32
      %sub3A_395 = arith.subi %add3A_41, %sub3A_394 : i32
      %dma_start3A_396 = arith.constant 0 : i32
      %dma_start3A_397 = arith.constant 0 : i32
      %dma_start3A_398 = arith.constant 0 : i32
      %dma_start3A_399 = tpu.memref_slice %arg9[%dma_start3A_396, %dma_start3A_397, %dma_start3A_398] : memref<2x16x128xi32, #tpu.memory_space<vmem>> -> memref<1x16x128xi32, #tpu.memory_space<vmem>>
      %dma_start3A_400 = tpu.memref_squeeze %dma_start3A_399 : memref<1x16x128xi32, #tpu.memory_space<vmem>> -> memref<16x128xi32, #tpu.memory_space<vmem>>
      %dma_start3A_401 = arith.constant 0 : i32
      %dma_start3A_402 = tpu.memref_slice %arg5[%sub3A_395, %dma_start3A_401] : memref<64x128xi32, #tpu.memory_space<hbm>> -> memref<16x128xi32, #tpu.memory_space<hbm>>
      %dma_start3A_403 = arith.constant 0 : i32
      %dma_start3A_404 = arith.constant 0 : i32
      %dma_start3A_405 = tpu.memref_slice %arg9[%dma_start3A_396, %dma_start3A_403, %dma_start3A_404] : memref<2x16x128xi32, #tpu.memory_space<vmem>> -> memref<1x16x128xi32, #tpu.memory_space<vmem>>
      %dma_start3A_406 = tpu.memref_squeeze %dma_start3A_405 : memref<1x16x128xi32, #tpu.memory_space<vmem>> -> memref<16x128xi32, #tpu.memory_space<vmem>>
      %dma_start3A_407 = arith.constant 0 : i32
      %dma_start3A_408 = tpu.memref_slice %arg5[%sub3A_395, %dma_start3A_407] : memref<64x128xi32, #tpu.memory_space<hbm>> -> memref<16x128xi32, #tpu.memory_space<hbm>>
      tpu.enqueue_dma source(%dma_start3A_408 : memref<16x128xi32, #tpu.memory_space<hbm>>) target(%dma_start3A_406 : memref<16x128xi32, #tpu.memory_space<vmem>>) target_semaphore(%arg14 : memref<!tpu.dma_semaphore, #tpu.memory_space<semaphore_mem>>)
    } else {
    }
    %dma_wait3A = arith.constant 0 : i32
    %dma_wait3A_48 = arith.constant 0 : i32
    %dma_wait3A_49 = arith.constant 0 : i32
    %dma_wait3A_50 = tpu.memref_slice %arg8[%dma_wait3A, %dma_wait3A_48, %dma_wait3A_49] : memref<2x16x128xi32, #tpu.memory_space<vmem>> -> memref<1x16x128xi32, #tpu.memory_space<vmem>>
    %dma_wait3A_51 = tpu.memref_squeeze %dma_wait3A_50 : memref<1x16x128xi32, #tpu.memory_space<vmem>> -> memref<16x128xi32, #tpu.memory_space<vmem>>
    %dma_wait3A_52 = arith.constant 0 : i32
    %dma_wait3A_53 = arith.constant 0 : i32
    %dma_wait3A_54 = tpu.memref_slice %arg2[%dma_wait3A_52, %dma_wait3A_53] : memref<2500x128xi32, #tpu.memory_space<hbm>> -> memref<16x128xi32, #tpu.memory_space<hbm>>
    %dma_wait3A_55 = arith.constant 0 : i32
    %dma_wait3A_56 = arith.constant 0 : i32
    %dma_wait3A_57 = tpu.memref_slice %arg8[%dma_wait3A, %dma_wait3A_55, %dma_wait3A_56] : memref<2x16x128xi32, #tpu.memory_space<vmem>> -> memref<1x16x128xi32, #tpu.memory_space<vmem>>
    %dma_wait3A_58 = tpu.memref_squeeze %dma_wait3A_57 : memref<1x16x128xi32, #tpu.memory_space<vmem>> -> memref<16x128xi32, #tpu.memory_space<vmem>>
    %dma_wait3A_59 = arith.constant 0 : i32
    %dma_wait3A_60 = arith.constant 0 : i32
    %dma_wait3A_61 = tpu.memref_slice %arg2[%dma_wait3A_59, %dma_wait3A_60] : memref<2500x128xi32, #tpu.memory_space<hbm>> -> memref<16x128xi32, #tpu.memory_space<hbm>>
    tpu.wait_dma2 semaphore(%arg14 : memref<!tpu.dma_semaphore, #tpu.memory_space<semaphore_mem>>) src(%dma_wait3A_61 : memref<16x128xi32, #tpu.memory_space<hbm>>) dst(%dma_wait3A_58 : memref<16x128xi32, #tpu.memory_space<vmem>>)
    %dma_wait3A_62 = arith.constant 0 : i32
    %dma_wait3A_63 = arith.constant 0 : i32
    %dma_wait3A_64 = arith.constant 0 : i32
    %dma_wait3A_65 = tpu.memref_slice %arg9[%dma_wait3A_62, %dma_wait3A_63, %dma_wait3A_64] : memref<2x16x128xi32, #tpu.memory_space<vmem>> -> memref<1x16x128xi32, #tpu.memory_space<vmem>>
    %dma_wait3A_66 = tpu.memref_squeeze %dma_wait3A_65 : memref<1x16x128xi32, #tpu.memory_space<vmem>> -> memref<16x128xi32, #tpu.memory_space<vmem>>
    %dma_wait3A_67 = arith.constant 0 : i32
    %dma_wait3A_68 = arith.constant 0 : i32
    %dma_wait3A_69 = tpu.memref_slice %arg3[%dma_wait3A_67, %dma_wait3A_68] : memref<2500x128xi32, #tpu.memory_space<hbm>> -> memref<16x128xi32, #tpu.memory_space<hbm>>
    %dma_wait3A_70 = arith.constant 0 : i32
    %dma_wait3A_71 = arith.constant 0 : i32
    %dma_wait3A_72 = tpu.memref_slice %arg9[%dma_wait3A_62, %dma_wait3A_70, %dma_wait3A_71] : memref<2x16x128xi32, #tpu.memory_space<vmem>> -> memref<1x16x128xi32, #tpu.memory_space<vmem>>
    %dma_wait3A_73 = tpu.memref_squeeze %dma_wait3A_72 : memref<1x16x128xi32, #tpu.memory_space<vmem>> -> memref<16x128xi32, #tpu.memory_space<vmem>>
    %dma_wait3A_74 = arith.constant 0 : i32
    %dma_wait3A_75 = arith.constant 0 : i32
    %dma_wait3A_76 = tpu.memref_slice %arg3[%dma_wait3A_74, %dma_wait3A_75] : memref<2500x128xi32, #tpu.memory_space<hbm>> -> memref<16x128xi32, #tpu.memory_space<hbm>>
    tpu.wait_dma2 semaphore(%arg14 : memref<!tpu.dma_semaphore, #tpu.memory_space<semaphore_mem>>) src(%dma_wait3A_76 : memref<16x128xi32, #tpu.memory_space<hbm>>) dst(%dma_wait3A_73 : memref<16x128xi32, #tpu.memory_space<vmem>>)
    %add3A_77 = arith.constant 16 : i32
    %add3A_78 = arith.addi %mul3A_39, %add3A_77 : i32
    %lt3A_79 = arith.constant 2496 : i32
    %lt3A_80 = arith.cmpi slt, %add3A_78, %lt3A_79 : i32
    %convert_element_type3A_81 = arith.extui %lt3A_80 : i1 to i32
    %cond3A_82 = arith.constant 0 : i32
    %cond3A_83 = arith.cmpi ne, %convert_element_type3A_81, %cond3A_82 : i32
    scf.if %cond3A_83 {
      %dma_start3A_380 = arith.constant 1 : i32
      %dma_start3A_381 = arith.constant 0 : i32
      %dma_start3A_382 = arith.constant 0 : i32
      %dma_start3A_383 = tpu.memref_slice %arg8[%dma_start3A_380, %dma_start3A_381, %dma_start3A_382] : memref<2x16x128xi32, #tpu.memory_space<vmem>> -> memref<1x16x128xi32, #tpu.memory_space<vmem>>
      %dma_start3A_384 = tpu.memref_squeeze %dma_start3A_383 : memref<1x16x128xi32, #tpu.memory_space<vmem>> -> memref<16x128xi32, #tpu.memory_space<vmem>>
      %dma_start3A_385 = arith.constant 0 : i32
      %dma_start3A_386 = tpu.memref_slice %arg2[%add3A_78, %dma_start3A_385] : memref<2500x128xi32, #tpu.memory_space<hbm>> -> memref<16x128xi32, #tpu.memory_space<hbm>>
      %dma_start3A_387 = arith.constant 0 : i32
      %dma_start3A_388 = arith.constant 0 : i32
      %dma_start3A_389 = tpu.memref_slice %arg8[%dma_start3A_380, %dma_start3A_387, %dma_start3A_388] : memref<2x16x128xi32, #tpu.memory_space<vmem>> -> memref<1x16x128xi32, #tpu.memory_space<vmem>>
      %dma_start3A_390 = tpu.memref_squeeze %dma_start3A_389 : memref<1x16x128xi32, #tpu.memory_space<vmem>> -> memref<16x128xi32, #tpu.memory_space<vmem>>
      %dma_start3A_391 = arith.constant 0 : i32
      %dma_start3A_392 = tpu.memref_slice %arg2[%add3A_78, %dma_start3A_391] : memref<2500x128xi32, #tpu.memory_space<hbm>> -> memref<16x128xi32, #tpu.memory_space<hbm>>
      tpu.enqueue_dma source(%dma_start3A_392 : memref<16x128xi32, #tpu.memory_space<hbm>>) target(%dma_start3A_390 : memref<16x128xi32, #tpu.memory_space<vmem>>) target_semaphore(%arg14 : memref<!tpu.dma_semaphore, #tpu.memory_space<semaphore_mem>>)
      %dma_start3A_393 = arith.constant 1 : i32
      %dma_start3A_394 = arith.constant 0 : i32
      %dma_start3A_395 = arith.constant 0 : i32
      %dma_start3A_396 = tpu.memref_slice %arg9[%dma_start3A_393, %dma_start3A_394, %dma_start3A_395] : memref<2x16x128xi32, #tpu.memory_space<vmem>> -> memref<1x16x128xi32, #tpu.memory_space<vmem>>
      %dma_start3A_397 = tpu.memref_squeeze %dma_start3A_396 : memref<1x16x128xi32, #tpu.memory_space<vmem>> -> memref<16x128xi32, #tpu.memory_space<vmem>>
      %dma_start3A_398 = arith.constant 0 : i32
      %dma_start3A_399 = tpu.memref_slice %arg3[%add3A_78, %dma_start3A_398] : memref<2500x128xi32, #tpu.memory_space<hbm>> -> memref<16x128xi32, #tpu.memory_space<hbm>>
      %dma_start3A_400 = arith.constant 0 : i32
      %dma_start3A_401 = arith.constant 0 : i32
      %dma_start3A_402 = tpu.memref_slice %arg9[%dma_start3A_393, %dma_start3A_400, %dma_start3A_401] : memref<2x16x128xi32, #tpu.memory_space<vmem>> -> memref<1x16x128xi32, #tpu.memory_space<vmem>>
      %dma_start3A_403 = tpu.memref_squeeze %dma_start3A_402 : memref<1x16x128xi32, #tpu.memory_space<vmem>> -> memref<16x128xi32, #tpu.memory_space<vmem>>
      %dma_start3A_404 = arith.constant 0 : i32
      %dma_start3A_405 = tpu.memref_slice %arg3[%add3A_78, %dma_start3A_404] : memref<2500x128xi32, #tpu.memory_space<hbm>> -> memref<16x128xi32, #tpu.memory_space<hbm>>
      tpu.enqueue_dma source(%dma_start3A_405 : memref<16x128xi32, #tpu.memory_space<hbm>>) target(%dma_start3A_403 : memref<16x128xi32, #tpu.memory_space<vmem>>) target_semaphore(%arg14 : memref<!tpu.dma_semaphore, #tpu.memory_space<semaphore_mem>>)
    } else {
    }
    %ge3A_84 = arith.constant 2496 : i32
    %ge3A_85 = arith.cmpi sge, %add3A_78, %ge3A_84 : i32
    %convert_element_type3A_86 = arith.extui %ge3A_85 : i1 to i32
    %cond3A_87 = arith.constant 0 : i32
    %cond3A_88 = arith.cmpi ne, %convert_element_type3A_86, %cond3A_87 : i32
    scf.if %cond3A_88 {
      %sub3A = arith.constant 2496 : i32
      %sub3A_380 = arith.subi %add3A_78, %sub3A : i32
      %dma_start3A_381 = arith.constant 1 : i32
      %dma_start3A_382 = arith.constant 0 : i32
      %dma_start3A_383 = arith.constant 0 : i32
      %dma_start3A_384 = tpu.memref_slice %arg8[%dma_start3A_381, %dma_start3A_382, %dma_start3A_383] : memref<2x16x128xi32, #tpu.memory_space<vmem>> -> memref<1x16x128xi32, #tpu.memory_space<vmem>>
      %dma_start3A_385 = tpu.memref_squeeze %dma_start3A_384 : memref<1x16x128xi32, #tpu.memory_space<vmem>> -> memref<16x128xi32, #tpu.memory_space<vmem>>
      %dma_start3A_386 = arith.constant 0 : i32
      %dma_start3A_387 = tpu.memref_slice %arg4[%sub3A_380, %dma_start3A_386] : memref<64x128xi32, #tpu.memory_space<hbm>> -> memref<16x128xi32, #tpu.memory_space<hbm>>
      %dma_start3A_388 = arith.constant 0 : i32
      %dma_start3A_389 = arith.constant 0 : i32
      %dma_start3A_390 = tpu.memref_slice %arg8[%dma_start3A_381, %dma_start3A_388, %dma_start3A_389] : memref<2x16x128xi32, #tpu.memory_space<vmem>> -> memref<1x16x128xi32, #tpu.memory_space<vmem>>
      %dma_start3A_391 = tpu.memref_squeeze %dma_start3A_390 : memref<1x16x128xi32, #tpu.memory_space<vmem>> -> memref<16x128xi32, #tpu.memory_space<vmem>>
      %dma_start3A_392 = arith.constant 0 : i32
      %dma_start3A_393 = tpu.memref_slice %arg4[%sub3A_380, %dma_start3A_392] : memref<64x128xi32, #tpu.memory_space<hbm>> -> memref<16x128xi32, #tpu.memory_space<hbm>>
      tpu.enqueue_dma source(%dma_start3A_393 : memref<16x128xi32, #tpu.memory_space<hbm>>) target(%dma_start3A_391 : memref<16x128xi32, #tpu.memory_space<vmem>>) target_semaphore(%arg14 : memref<!tpu.dma_semaphore, #tpu.memory_space<semaphore_mem>>)
      %sub3A_394 = arith.constant 2496 : i32
      %sub3A_395 = arith.subi %add3A_78, %sub3A_394 : i32
      %dma_start3A_396 = arith.constant 1 : i32
      %dma_start3A_397 = arith.constant 0 : i32
      %dma_start3A_398 = arith.constant 0 : i32
      %dma_start3A_399 = tpu.memref_slice %arg9[%dma_start3A_396, %dma_start3A_397, %dma_start3A_398] : memref<2x16x128xi32, #tpu.memory_space<vmem>> -> memref<1x16x128xi32, #tpu.memory_space<vmem>>
      %dma_start3A_400 = tpu.memref_squeeze %dma_start3A_399 : memref<1x16x128xi32, #tpu.memory_space<vmem>> -> memref<16x128xi32, #tpu.memory_space<vmem>>
      %dma_start3A_401 = arith.constant 0 : i32
      %dma_start3A_402 = tpu.memref_slice %arg5[%sub3A_395, %dma_start3A_401] : memref<64x128xi32, #tpu.memory_space<hbm>> -> memref<16x128xi32, #tpu.memory_space<hbm>>
      %dma_start3A_403 = arith.constant 0 : i32
      %dma_start3A_404 = arith.constant 0 : i32
      %dma_start3A_405 = tpu.memref_slice %arg9[%dma_start3A_396, %dma_start3A_403, %dma_start3A_404] : memref<2x16x128xi32, #tpu.memory_space<vmem>> -> memref<1x16x128xi32, #tpu.memory_space<vmem>>
      %dma_start3A_406 = tpu.memref_squeeze %dma_start3A_405 : memref<1x16x128xi32, #tpu.memory_space<vmem>> -> memref<16x128xi32, #tpu.memory_space<vmem>>
      %dma_start3A_407 = arith.constant 0 : i32
      %dma_start3A_408 = tpu.memref_slice %arg5[%sub3A_395, %dma_start3A_407] : memref<64x128xi32, #tpu.memory_space<hbm>> -> memref<16x128xi32, #tpu.memory_space<hbm>>
      tpu.enqueue_dma source(%dma_start3A_408 : memref<16x128xi32, #tpu.memory_space<hbm>>) target(%dma_start3A_406 : memref<16x128xi32, #tpu.memory_space<vmem>>) target_semaphore(%arg14 : memref<!tpu.dma_semaphore, #tpu.memory_space<semaphore_mem>>)
    } else {
    }
    %dma_start3A = arith.constant 0 : i32
    %dma_start3A_89 = arith.constant 0 : i32
    %dma_start3A_90 = arith.constant 0 : i32
    %dma_start3A_91 = arith.constant 0 : i32
    %dma_start3A_92 = tpu.memref_slice %arg8[%dma_start3A, %dma_start3A_90, %dma_start3A_91] : memref<2x16x128xi32, #tpu.memory_space<vmem>> -> memref<1x16x128xi32, #tpu.memory_space<vmem>>
    %dma_start3A_93 = tpu.memref_squeeze %dma_start3A_92 : memref<1x16x128xi32, #tpu.memory_space<vmem>> -> memref<16x128xi32, #tpu.memory_space<vmem>>
    %dma_start3A_94 = arith.constant 0 : i32
    %dma_start3A_95 = tpu.memref_slice %dma_start3A_93[%dma_start3A_89, %dma_start3A_94] : memref<16x128xi32, #tpu.memory_space<vmem>> -> memref<1x128xi32, #tpu.memory_space<vmem>>
    %dma_start3A_96 = tpu.memref_squeeze %dma_start3A_95 : memref<1x128xi32, #tpu.memory_space<vmem>> -> memref<128xi32, #tpu.memory_space<vmem>>
    %dma_start3A_97 = arith.constant 0 : i32
    %dma_start3A_98 = arith.constant 0 : i32
    %dma_start3A_99 = tpu.memref_slice %arg6[%dma_start3A_97, %dma_start3A_98] : memref<10000x128xf32, #tpu.memory_space<hbm>> -> memref<10000x128xf32, #tpu.memory_space<hbm>>
    tpu.enqueue_indirect_dma source(%dma_start3A_99 : memref<10000x128xf32, #tpu.memory_space<hbm>>) target(%arg10 : memref<128x128xf32, #tpu.memory_space<vmem>>) offsets(%dma_start3A_96 : memref<128xi32, #tpu.memory_space<vmem>>) semaphore(%arg12 : memref<!tpu.dma_semaphore, #tpu.memory_space<semaphore_mem>>)
    %scan3A_100 = arith.constant 0 : i32
    %scan3A_101 = arith.constant 0 : i32
    %scan3A_102 = arith.constant 0 : i32
    %scan3A_103 = arith.constant 0 : i32
    %scan3A_104 = arith.constant 8 : i32
    %scan3A_105 = arith.addi %scan3A_103, %scan3A_104 : i32
    %scan3A_106 = arith.constant 1 : i32
    %scan3A_107 = scf.for %scan3A_380 = %scan3A_103 to %scan3A_105 step %scan3A_106 iter_args(%scan3A_381 = %scan3A_102) -> (i32)  : i32 {
      %mul3A_382 = arith.constant 2 : i32
      %mul3A_383 = arith.muli %scan3A_380, %mul3A_382 : i32
      %dma_wait3A_384 = arith.constant 0 : i32
      %dma_wait3A_385 = arith.constant 0 : i32
      %dma_wait3A_386 = tpu.memref_slice %arg8[%scan3A_100, %dma_wait3A_384, %dma_wait3A_385] : memref<2x16x128xi32, #tpu.memory_space<vmem>> -> memref<1x16x128xi32, #tpu.memory_space<vmem>>
      %dma_wait3A_387 = tpu.memref_squeeze %dma_wait3A_386 : memref<1x16x128xi32, #tpu.memory_space<vmem>> -> memref<16x128xi32, #tpu.memory_space<vmem>>
      %dma_wait3A_388 = arith.constant 0 : i32
      %dma_wait3A_389 = tpu.memref_slice %dma_wait3A_387[%mul3A_383, %dma_wait3A_388] : memref<16x128xi32, #tpu.memory_space<vmem>> -> memref<1x128xi32, #tpu.memory_space<vmem>>
      %dma_wait3A_390 = tpu.memref_squeeze %dma_wait3A_389 : memref<1x128xi32, #tpu.memory_space<vmem>> -> memref<128xi32, #tpu.memory_space<vmem>>
      %dma_wait3A_391 = arith.constant 0 : i32
      %dma_wait3A_392 = arith.constant 0 : i32
      %dma_wait3A_393 = tpu.memref_slice %arg6[%dma_wait3A_391, %dma_wait3A_392] : memref<10000x128xf32, #tpu.memory_space<hbm>> -> memref<10000x128xf32, #tpu.memory_space<hbm>>
      tpu.wait_indirect_dma semaphore(%arg12 : memref<!tpu.dma_semaphore, #tpu.memory_space<semaphore_mem>>) src(%dma_wait3A_393 : memref<10000x128xf32, #tpu.memory_space<hbm>>) dst(%arg10 : memref<128x128xf32, #tpu.memory_space<vmem>>)
      %add3A_394 = arith.constant 1 : i32
      %add3A_395 = arith.addi %mul3A_383, %add3A_394 : i32
      %dma_start3A_396 = arith.constant 0 : i32
      %dma_start3A_397 = arith.constant 0 : i32
      %dma_start3A_398 = tpu.memref_slice %arg8[%scan3A_100, %dma_start3A_396, %dma_start3A_397] : memref<2x16x128xi32, #tpu.memory_space<vmem>> -> memref<1x16x128xi32, #tpu.memory_space<vmem>>
      %dma_start3A_399 = tpu.memref_squeeze %dma_start3A_398 : memref<1x16x128xi32, #tpu.memory_space<vmem>> -> memref<16x128xi32, #tpu.memory_space<vmem>>
      %dma_start3A_400 = arith.constant 0 : i32
      %dma_start3A_401 = tpu.memref_slice %dma_start3A_399[%add3A_395, %dma_start3A_400] : memref<16x128xi32, #tpu.memory_space<vmem>> -> memref<1x128xi32, #tpu.memory_space<vmem>>
      %dma_start3A_402 = tpu.memref_squeeze %dma_start3A_401 : memref<1x128xi32, #tpu.memory_space<vmem>> -> memref<128xi32, #tpu.memory_space<vmem>>
      %dma_start3A_403 = arith.constant 0 : i32
      %dma_start3A_404 = arith.constant 0 : i32
      %dma_start3A_405 = tpu.memref_slice %arg6[%dma_start3A_403, %dma_start3A_404] : memref<10000x128xf32, #tpu.memory_space<hbm>> -> memref<10000x128xf32, #tpu.memory_space<hbm>>
      tpu.enqueue_indirect_dma source(%dma_start3A_405 : memref<10000x128xf32, #tpu.memory_space<hbm>>) target(%arg11 : memref<128x128xf32, #tpu.memory_space<vmem>>) offsets(%dma_start3A_402 : memref<128xi32, #tpu.memory_space<vmem>>) semaphore(%arg13 : memref<!tpu.dma_semaphore, #tpu.memory_space<semaphore_mem>>)
      "tpu.region"() ({
        %run_scoped3A = tpu.sem_alloc : memref<!tpu.dma_semaphore, #tpu.memory_space<semaphore_mem>>
        %dma_start3A_426 = arith.constant 0 : i32
        %dma_start3A_427 = arith.constant 0 : i32
        %dma_start3A_428 = tpu.memref_slice %arg9[%scan3A_101, %dma_start3A_426, %dma_start3A_427] : memref<2x16x128xi32, #tpu.memory_space<vmem>> -> memref<1x16x128xi32, #tpu.memory_space<vmem>>
        %dma_start3A_429 = tpu.memref_squeeze %dma_start3A_428 : memref<1x16x128xi32, #tpu.memory_space<vmem>> -> memref<16x128xi32, #tpu.memory_space<vmem>>
        %dma_start3A_430 = arith.constant 0 : i32
        %dma_start3A_431 = tpu.memref_slice %dma_start3A_429[%mul3A_383, %dma_start3A_430] : memref<16x128xi32, #tpu.memory_space<vmem>> -> memref<1x128xi32, #tpu.memory_space<vmem>>
        %dma_start3A_432 = tpu.memref_squeeze %dma_start3A_431 : memref<1x128xi32, #tpu.memory_space<vmem>> -> memref<128xi32, #tpu.memory_space<vmem>>
        %dma_start3A_433 = arith.constant 0 : i32
        %dma_start3A_434 = arith.constant 0 : i32
        %dma_start3A_435 = tpu.memref_slice %arg17[%dma_start3A_433, %dma_start3A_434] : memref<10240x128xf32, #tpu.memory_space<vmem_shared>> -> memref<10240x128xf32, #tpu.memory_space<vmem_shared>>
        tpu.enqueue_indirect_dma source(%arg10 : memref<128x128xf32, #tpu.memory_space<vmem>>) target(%dma_start3A_435 : memref<10240x128xf32, #tpu.memory_space<vmem_shared>>) offsets(%dma_start3A_432 : memref<128xi32, #tpu.memory_space<vmem>>) semaphore(%run_scoped3A : memref<!tpu.dma_semaphore, #tpu.memory_space<semaphore_mem>>) {add = true}
        %dma_wait3A_436 = arith.constant 0 : i32
        %dma_wait3A_437 = arith.constant 0 : i32
        %dma_wait3A_438 = tpu.memref_slice %arg9[%scan3A_101, %dma_wait3A_436, %dma_wait3A_437] : memref<2x16x128xi32, #tpu.memory_space<vmem>> -> memref<1x16x128xi32, #tpu.memory_space<vmem>>
        %dma_wait3A_439 = tpu.memref_squeeze %dma_wait3A_438 : memref<1x16x128xi32, #tpu.memory_space<vmem>> -> memref<16x128xi32, #tpu.memory_space<vmem>>
        %dma_wait3A_440 = arith.constant 0 : i32
        %dma_wait3A_441 = tpu.memref_slice %dma_wait3A_439[%mul3A_383, %dma_wait3A_440] : memref<16x128xi32, #tpu.memory_space<vmem>> -> memref<1x128xi32, #tpu.memory_space<vmem>>
        %dma_wait3A_442 = tpu.memref_squeeze %dma_wait3A_441 : memref<1x128xi32, #tpu.memory_space<vmem>> -> memref<128xi32, #tpu.memory_space<vmem>>
        %dma_wait3A_443 = arith.constant 0 : i32
        %dma_wait3A_444 = arith.constant 0 : i32
        %dma_wait3A_445 = tpu.memref_slice %arg17[%dma_wait3A_443, %dma_wait3A_444] : memref<10240x128xf32, #tpu.memory_space<vmem_shared>> -> memref<10240x128xf32, #tpu.memory_space<vmem_shared>>
        tpu.wait_indirect_dma semaphore(%run_scoped3A : memref<!tpu.dma_semaphore, #tpu.memory_space<semaphore_mem>>) src(%arg10 : memref<128x128xf32, #tpu.memory_space<vmem>>) dst(%dma_wait3A_445 : memref<10240x128xf32, #tpu.memory_space<vmem_shared>>)
        tpu.yield
      }) : () -> ()
      %add3A_406 = arith.constant 1 : i32
      %add3A_407 = arith.addi %scan3A_380, %add3A_406 : i32
      %lt3A_408 = arith.constant 8 : i32
      %lt3A_409 = arith.cmpi slt, %add3A_407, %lt3A_408 : i32
      %convert_element_type3A_410 = arith.extui %lt3A_409 : i1 to i32
      %cond3A_411 = arith.constant 0 : i32
      %cond3A_412 = arith.cmpi ne, %convert_element_type3A_410, %cond3A_411 : i32
      scf.if %cond3A_412 {
        %add3A_426 = arith.constant 2 : i32
        %add3A_427 = arith.addi %mul3A_383, %add3A_426 : i32
        %dma_start3A_428 = arith.constant 0 : i32
        %dma_start3A_429 = arith.constant 0 : i32
        %dma_start3A_430 = tpu.memref_slice %arg8[%scan3A_100, %dma_start3A_428, %dma_start3A_429] : memref<2x16x128xi32, #tpu.memory_space<vmem>> -> memref<1x16x128xi32, #tpu.memory_space<vmem>>
        %dma_start3A_431 = tpu.memref_squeeze %dma_start3A_430 : memref<1x16x128xi32, #tpu.memory_space<vmem>> -> memref<16x128xi32, #tpu.memory_space<vmem>>
        %dma_start3A_432 = arith.constant 0 : i32
        %dma_start3A_433 = tpu.memref_slice %dma_start3A_431[%add3A_427, %dma_start3A_432] : memref<16x128xi32, #tpu.memory_space<vmem>> -> memref<1x128xi32, #tpu.memory_space<vmem>>
        %dma_start3A_434 = tpu.memref_squeeze %dma_start3A_433 : memref<1x128xi32, #tpu.memory_space<vmem>> -> memref<128xi32, #tpu.memory_space<vmem>>
        %dma_start3A_435 = arith.constant 0 : i32
        %dma_start3A_436 = arith.constant 0 : i32
        %dma_start3A_437 = tpu.memref_slice %arg6[%dma_start3A_435, %dma_start3A_436] : memref<10000x128xf32, #tpu.memory_space<hbm>> -> memref<10000x128xf32, #tpu.memory_space<hbm>>
        tpu.enqueue_indirect_dma source(%dma_start3A_437 : memref<10000x128xf32, #tpu.memory_space<hbm>>) target(%arg10 : memref<128x128xf32, #tpu.memory_space<vmem>>) offsets(%dma_start3A_434 : memref<128xi32, #tpu.memory_space<vmem>>) semaphore(%arg12 : memref<!tpu.dma_semaphore, #tpu.memory_space<semaphore_mem>>)
      } else {
      }
      %dma_wait3A_413 = arith.constant 0 : i32
      %dma_wait3A_414 = arith.constant 0 : i32
      %dma_wait3A_415 = tpu.memref_slice %arg8[%scan3A_100, %dma_wait3A_413, %dma_wait3A_414] : memref<2x16x128xi32, #tpu.memory_space<vmem>> -> memref<1x16x128xi32, #tpu.memory_space<vmem>>
      %dma_wait3A_416 = tpu.memref_squeeze %dma_wait3A_415 : memref<1x16x128xi32, #tpu.memory_space<vmem>> -> memref<16x128xi32, #tpu.memory_space<vmem>>
      %dma_wait3A_417 = arith.constant 0 : i32
      %dma_wait3A_418 = tpu.memref_slice %dma_wait3A_416[%add3A_395, %dma_wait3A_417] : memref<16x128xi32, #tpu.memory_space<vmem>> -> memref<1x128xi32, #tpu.memory_space<vmem>>
      %dma_wait3A_419 = tpu.memref_squeeze %dma_wait3A_418 : memref<1x128xi32, #tpu.memory_space<vmem>> -> memref<128xi32, #tpu.memory_space<vmem>>
      %dma_wait3A_420 = arith.constant 0 : i32
      %dma_wait3A_421 = arith.constant 0 : i32
      %dma_wait3A_422 = tpu.memref_slice %arg6[%dma_wait3A_420, %dma_wait3A_421] : memref<10000x128xf32, #tpu.memory_space<hbm>> -> memref<10000x128xf32, #tpu.memory_space<hbm>>
      tpu.wait_indirect_dma semaphore(%arg13 : memref<!tpu.dma_semaphore, #tpu.memory_space<semaphore_mem>>) src(%dma_wait3A_422 : memref<10000x128xf32, #tpu.memory_space<hbm>>) dst(%arg11 : memref<128x128xf32, #tpu.memory_space<vmem>>)
      %add3A_423 = arith.constant 1 : i32
      %add3A_424 = arith.addi %mul3A_383, %add3A_423 : i32
      "tpu.region"() ({
        %run_scoped3A = tpu.sem_alloc : memref<!tpu.dma_semaphore, #tpu.memory_space<semaphore_mem>>
        %dma_start3A_426 = arith.constant 0 : i32
        %dma_start3A_427 = arith.constant 0 : i32
        %dma_start3A_428 = tpu.memref_slice %arg9[%scan3A_101, %dma_start3A_426, %dma_start3A_427] : memref<2x16x128xi32, #tpu.memory_space<vmem>> -> memref<1x16x128xi32, #tpu.memory_space<vmem>>
        %dma_start3A_429 = tpu.memref_squeeze %dma_start3A_428 : memref<1x16x128xi32, #tpu.memory_space<vmem>> -> memref<16x128xi32, #tpu.memory_space<vmem>>
        %dma_start3A_430 = arith.constant 0 : i32
        %dma_start3A_431 = tpu.memref_slice %dma_start3A_429[%add3A_424, %dma_start3A_430] : memref<16x128xi32, #tpu.memory_space<vmem>> -> memref<1x128xi32, #tpu.memory_space<vmem>>
        %dma_start3A_432 = tpu.memref_squeeze %dma_start3A_431 : memref<1x128xi32, #tpu.memory_space<vmem>> -> memref<128xi32, #tpu.memory_space<vmem>>
        %dma_start3A_433 = arith.constant 0 : i32
        %dma_start3A_434 = arith.constant 0 : i32
        %dma_start3A_435 = tpu.memref_slice %arg17[%dma_start3A_433, %dma_start3A_434] : memref<10240x128xf32, #tpu.memory_space<vmem_shared>> -> memref<10240x128xf32, #tpu.memory_space<vmem_shared>>
        tpu.enqueue_indirect_dma source(%arg11 : memref<128x128xf32, #tpu.memory_space<vmem>>) target(%dma_start3A_435 : memref<10240x128xf32, #tpu.memory_space<vmem_shared>>) offsets(%dma_start3A_432 : memref<128xi32, #tpu.memory_space<vmem>>) semaphore(%run_scoped3A : memref<!tpu.dma_semaphore, #tpu.memory_space<semaphore_mem>>) {add = true}
        %dma_wait3A_436 = arith.constant 0 : i32
        %dma_wait3A_437 = arith.constant 0 : i32
        %dma_wait3A_438 = tpu.memref_slice %arg9[%scan3A_101, %dma_wait3A_436, %dma_wait3A_437] : memref<2x16x128xi32, #tpu.memory_space<vmem>> -> memref<1x16x128xi32, #tpu.memory_space<vmem>>
        %dma_wait3A_439 = tpu.memref_squeeze %dma_wait3A_438 : memref<1x16x128xi32, #tpu.memory_space<vmem>> -> memref<16x128xi32, #tpu.memory_space<vmem>>
        %dma_wait3A_440 = arith.constant 0 : i32
        %dma_wait3A_441 = tpu.memref_slice %dma_wait3A_439[%add3A_424, %dma_wait3A_440] : memref<16x128xi32, #tpu.memory_space<vmem>> -> memref<1x128xi32, #tpu.memory_space<vmem>>
        %dma_wait3A_442 = tpu.memref_squeeze %dma_wait3A_441 : memref<1x128xi32, #tpu.memory_space<vmem>> -> memref<128xi32, #tpu.memory_space<vmem>>
        %dma_wait3A_443 = arith.constant 0 : i32
        %dma_wait3A_444 = arith.constant 0 : i32
        %dma_wait3A_445 = tpu.memref_slice %arg17[%dma_wait3A_443, %dma_wait3A_444] : memref<10240x128xf32, #tpu.memory_space<vmem_shared>> -> memref<10240x128xf32, #tpu.memory_space<vmem_shared>>
        tpu.wait_indirect_dma semaphore(%run_scoped3A : memref<!tpu.dma_semaphore, #tpu.memory_space<semaphore_mem>>) src(%arg11 : memref<128x128xf32, #tpu.memory_space<vmem>>) dst(%dma_wait3A_445 : memref<10240x128xf32, #tpu.memory_space<vmem_shared>>)
        tpu.yield
      }) : () -> ()
      %scan3A_425 = arith.constant 0 : i32
      scf.yield %scan3A_425 : i32
    }
    %scan3A_108 = arith.constant 8 : i32
    %dma_wait3A_109 = arith.constant 1 : i32
    %dma_wait3A_110 = arith.constant 0 : i32
    %dma_wait3A_111 = arith.constant 0 : i32
    %dma_wait3A_112 = tpu.memref_slice %arg8[%dma_wait3A_109, %dma_wait3A_110, %dma_wait3A_111] : memref<2x16x128xi32, #tpu.memory_space<vmem>> -> memref<1x16x128xi32, #tpu.memory_space<vmem>>
    %dma_wait3A_113 = tpu.memref_squeeze %dma_wait3A_112 : memref<1x16x128xi32, #tpu.memory_space<vmem>> -> memref<16x128xi32, #tpu.memory_space<vmem>>
    %dma_wait3A_114 = arith.constant 0 : i32
    %dma_wait3A_115 = arith.constant 0 : i32
    %dma_wait3A_116 = tpu.memref_slice %arg2[%dma_wait3A_114, %dma_wait3A_115] : memref<2500x128xi32, #tpu.memory_space<hbm>> -> memref<16x128xi32, #tpu.memory_space<hbm>>
    %dma_wait3A_117 = arith.constant 0 : i32
    %dma_wait3A_118 = arith.constant 0 : i32
    %dma_wait3A_119 = tpu.memref_slice %arg8[%dma_wait3A_109, %dma_wait3A_117, %dma_wait3A_118] : memref<2x16x128xi32, #tpu.memory_space<vmem>> -> memref<1x16x128xi32, #tpu.memory_space<vmem>>
    %dma_wait3A_120 = tpu.memref_squeeze %dma_wait3A_119 : memref<1x16x128xi32, #tpu.memory_space<vmem>> -> memref<16x128xi32, #tpu.memory_space<vmem>>
    %dma_wait3A_121 = arith.constant 0 : i32
    %dma_wait3A_122 = arith.constant 0 : i32
    %dma_wait3A_123 = tpu.memref_slice %arg2[%dma_wait3A_121, %dma_wait3A_122] : memref<2500x128xi32, #tpu.memory_space<hbm>> -> memref<16x128xi32, #tpu.memory_space<hbm>>
    tpu.wait_dma2 semaphore(%arg14 : memref<!tpu.dma_semaphore, #tpu.memory_space<semaphore_mem>>) src(%dma_wait3A_123 : memref<16x128xi32, #tpu.memory_space<hbm>>) dst(%dma_wait3A_120 : memref<16x128xi32, #tpu.memory_space<vmem>>)
    %dma_wait3A_124 = arith.constant 1 : i32
    %dma_wait3A_125 = arith.constant 0 : i32
    %dma_wait3A_126 = arith.constant 0 : i32
    %dma_wait3A_127 = tpu.memref_slice %arg9[%dma_wait3A_124, %dma_wait3A_125, %dma_wait3A_126] : memref<2x16x128xi32, #tpu.memory_space<vmem>> -> memref<1x16x128xi32, #tpu.memory_space<vmem>>
    %dma_wait3A_128 = tpu.memref_squeeze %dma_wait3A_127 : memref<1x16x128xi32, #tpu.memory_space<vmem>> -> memref<16x128xi32, #tpu.memory_space<vmem>>
    %dma_wait3A_129 = arith.constant 0 : i32
    %dma_wait3A_130 = arith.constant 0 : i32
    %dma_wait3A_131 = tpu.memref_slice %arg3[%dma_wait3A_129, %dma_wait3A_130] : memref<2500x128xi32, #tpu.memory_space<hbm>> -> memref<16x128xi32, #tpu.memory_space<hbm>>
    %dma_wait3A_132 = arith.constant 0 : i32
    %dma_wait3A_133 = arith.constant 0 : i32
    %dma_wait3A_134 = tpu.memref_slice %arg9[%dma_wait3A_124, %dma_wait3A_132, %dma_wait3A_133] : memref<2x16x128xi32, #tpu.memory_space<vmem>> -> memref<1x16x128xi32, #tpu.memory_space<vmem>>
    %dma_wait3A_135 = tpu.memref_squeeze %dma_wait3A_134 : memref<1x16x128xi32, #tpu.memory_space<vmem>> -> memref<16x128xi32, #tpu.memory_space<vmem>>
    %dma_wait3A_136 = arith.constant 0 : i32
    %dma_wait3A_137 = arith.constant 0 : i32
    %dma_wait3A_138 = tpu.memref_slice %arg3[%dma_wait3A_136, %dma_wait3A_137] : memref<2500x128xi32, #tpu.memory_space<hbm>> -> memref<16x128xi32, #tpu.memory_space<hbm>>
    tpu.wait_dma2 semaphore(%arg14 : memref<!tpu.dma_semaphore, #tpu.memory_space<semaphore_mem>>) src(%dma_wait3A_138 : memref<16x128xi32, #tpu.memory_space<hbm>>) dst(%dma_wait3A_135 : memref<16x128xi32, #tpu.memory_space<vmem>>)
    %add3A_139 = arith.constant 32 : i32
    %add3A_140 = arith.addi %mul3A_39, %add3A_139 : i32
    %lt3A_141 = arith.constant 2496 : i32
    %lt3A_142 = arith.cmpi slt, %add3A_140, %lt3A_141 : i32
    %convert_element_type3A_143 = arith.extui %lt3A_142 : i1 to i32
    %cond3A_144 = arith.constant 0 : i32
    %cond3A_145 = arith.cmpi ne, %convert_element_type3A_143, %cond3A_144 : i32
    scf.if %cond3A_145 {
      %dma_start3A_380 = arith.constant 0 : i32
      %dma_start3A_381 = arith.constant 0 : i32
      %dma_start3A_382 = arith.constant 0 : i32
      %dma_start3A_383 = tpu.memref_slice %arg8[%dma_start3A_380, %dma_start3A_381, %dma_start3A_382] : memref<2x16x128xi32, #tpu.memory_space<vmem>> -> memref<1x16x128xi32, #tpu.memory_space<vmem>>
      %dma_start3A_384 = tpu.memref_squeeze %dma_start3A_383 : memref<1x16x128xi32, #tpu.memory_space<vmem>> -> memref<16x128xi32, #tpu.memory_space<vmem>>
      %dma_start3A_385 = arith.constant 0 : i32
      %dma_start3A_386 = tpu.memref_slice %arg2[%add3A_140, %dma_start3A_385] : memref<2500x128xi32, #tpu.memory_space<hbm>> -> memref<16x128xi32, #tpu.memory_space<hbm>>
      %dma_start3A_387 = arith.constant 0 : i32
      %dma_start3A_388 = arith.constant 0 : i32
      %dma_start3A_389 = tpu.memref_slice %arg8[%dma_start3A_380, %dma_start3A_387, %dma_start3A_388] : memref<2x16x128xi32, #tpu.memory_space<vmem>> -> memref<1x16x128xi32, #tpu.memory_space<vmem>>
      %dma_start3A_390 = tpu.memref_squeeze %dma_start3A_389 : memref<1x16x128xi32, #tpu.memory_space<vmem>> -> memref<16x128xi32, #tpu.memory_space<vmem>>
      %dma_start3A_391 = arith.constant 0 : i32
      %dma_start3A_392 = tpu.memref_slice %arg2[%add3A_140, %dma_start3A_391] : memref<2500x128xi32, #tpu.memory_space<hbm>> -> memref<16x128xi32, #tpu.memory_space<hbm>>
      tpu.enqueue_dma source(%dma_start3A_392 : memref<16x128xi32, #tpu.memory_space<hbm>>) target(%dma_start3A_390 : memref<16x128xi32, #tpu.memory_space<vmem>>) target_semaphore(%arg14 : memref<!tpu.dma_semaphore, #tpu.memory_space<semaphore_mem>>)
      %dma_start3A_393 = arith.constant 0 : i32
      %dma_start3A_394 = arith.constant 0 : i32
      %dma_start3A_395 = arith.constant 0 : i32
      %dma_start3A_396 = tpu.memref_slice %arg9[%dma_start3A_393, %dma_start3A_394, %dma_start3A_395] : memref<2x16x128xi32, #tpu.memory_space<vmem>> -> memref<1x16x128xi32, #tpu.memory_space<vmem>>
      %dma_start3A_397 = tpu.memref_squeeze %dma_start3A_396 : memref<1x16x128xi32, #tpu.memory_space<vmem>> -> memref<16x128xi32, #tpu.memory_space<vmem>>
      %dma_start3A_398 = arith.constant 0 : i32
      %dma_start3A_399 = tpu.memref_slice %arg3[%add3A_140, %dma_start3A_398] : memref<2500x128xi32, #tpu.memory_space<hbm>> -> memref<16x128xi32, #tpu.memory_space<hbm>>
      %dma_start3A_400 = arith.constant 0 : i32
      %dma_start3A_401 = arith.constant 0 : i32
      %dma_start3A_402 = tpu.memref_slice %arg9[%dma_start3A_393, %dma_start3A_400, %dma_start3A_401] : memref<2x16x128xi32, #tpu.memory_space<vmem>> -> memref<1x16x128xi32, #tpu.memory_space<vmem>>
      %dma_start3A_403 = tpu.memref_squeeze %dma_start3A_402 : memref<1x16x128xi32, #tpu.memory_space<vmem>> -> memref<16x128xi32, #tpu.memory_space<vmem>>
      %dma_start3A_404 = arith.constant 0 : i32
      %dma_start3A_405 = tpu.memref_slice %arg3[%add3A_140, %dma_start3A_404] : memref<2500x128xi32, #tpu.memory_space<hbm>> -> memref<16x128xi32, #tpu.memory_space<hbm>>
      tpu.enqueue_dma source(%dma_start3A_405 : memref<16x128xi32, #tpu.memory_space<hbm>>) target(%dma_start3A_403 : memref<16x128xi32, #tpu.memory_space<vmem>>) target_semaphore(%arg14 : memref<!tpu.dma_semaphore, #tpu.memory_space<semaphore_mem>>)
    } else {
    }
    %ge3A_146 = arith.constant 2496 : i32
    %ge3A_147 = arith.cmpi sge, %add3A_140, %ge3A_146 : i32
    %convert_element_type3A_148 = arith.extui %ge3A_147 : i1 to i32
    %cond3A_149 = arith.constant 0 : i32
    %cond3A_150 = arith.cmpi ne, %convert_element_type3A_148, %cond3A_149 : i32
    scf.if %cond3A_150 {
      %sub3A = arith.constant 2496 : i32
      %sub3A_380 = arith.subi %add3A_140, %sub3A : i32
      %dma_start3A_381 = arith.constant 0 : i32
      %dma_start3A_382 = arith.constant 0 : i32
      %dma_start3A_383 = arith.constant 0 : i32
      %dma_start3A_384 = tpu.memref_slice %arg8[%dma_start3A_381, %dma_start3A_382, %dma_start3A_383] : memref<2x16x128xi32, #tpu.memory_space<vmem>> -> memref<1x16x128xi32, #tpu.memory_space<vmem>>
      %dma_start3A_385 = tpu.memref_squeeze %dma_start3A_384 : memref<1x16x128xi32, #tpu.memory_space<vmem>> -> memref<16x128xi32, #tpu.memory_space<vmem>>
      %dma_start3A_386 = arith.constant 0 : i32
      %dma_start3A_387 = tpu.memref_slice %arg4[%sub3A_380, %dma_start3A_386] : memref<64x128xi32, #tpu.memory_space<hbm>> -> memref<16x128xi32, #tpu.memory_space<hbm>>
      %dma_start3A_388 = arith.constant 0 : i32
      %dma_start3A_389 = arith.constant 0 : i32
      %dma_start3A_390 = tpu.memref_slice %arg8[%dma_start3A_381, %dma_start3A_388, %dma_start3A_389] : memref<2x16x128xi32, #tpu.memory_space<vmem>> -> memref<1x16x128xi32, #tpu.memory_space<vmem>>
      %dma_start3A_391 = tpu.memref_squeeze %dma_start3A_390 : memref<1x16x128xi32, #tpu.memory_space<vmem>> -> memref<16x128xi32, #tpu.memory_space<vmem>>
      %dma_start3A_392 = arith.constant 0 : i32
      %dma_start3A_393 = tpu.memref_slice %arg4[%sub3A_380, %dma_start3A_392] : memref<64x128xi32, #tpu.memory_space<hbm>> -> memref<16x128xi32, #tpu.memory_space<hbm>>
      tpu.enqueue_dma source(%dma_start3A_393 : memref<16x128xi32, #tpu.memory_space<hbm>>) target(%dma_start3A_391 : memref<16x128xi32, #tpu.memory_space<vmem>>) target_semaphore(%arg14 : memref<!tpu.dma_semaphore, #tpu.memory_space<semaphore_mem>>)
      %sub3A_394 = arith.constant 2496 : i32
      %sub3A_395 = arith.subi %add3A_140, %sub3A_394 : i32
      %dma_start3A_396 = arith.constant 0 : i32
      %dma_start3A_397 = arith.constant 0 : i32
      %dma_start3A_398 = arith.constant 0 : i32
      %dma_start3A_399 = tpu.memref_slice %arg9[%dma_start3A_396, %dma_start3A_397, %dma_start3A_398] : memref<2x16x128xi32, #tpu.memory_space<vmem>> -> memref<1x16x128xi32, #tpu.memory_space<vmem>>
      %dma_start3A_400 = tpu.memref_squeeze %dma_start3A_399 : memref<1x16x128xi32, #tpu.memory_space<vmem>> -> memref<16x128xi32, #tpu.memory_space<vmem>>
      %dma_start3A_401 = arith.constant 0 : i32
      %dma_start3A_402 = tpu.memref_slice %arg5[%sub3A_395, %dma_start3A_401] : memref<64x128xi32, #tpu.memory_space<hbm>> -> memref<16x128xi32, #tpu.memory_space<hbm>>
      %dma_start3A_403 = arith.constant 0 : i32
      %dma_start3A_404 = arith.constant 0 : i32
      %dma_start3A_405 = tpu.memref_slice %arg9[%dma_start3A_396, %dma_start3A_403, %dma_start3A_404] : memref<2x16x128xi32, #tpu.memory_space<vmem>> -> memref<1x16x128xi32, #tpu.memory_space<vmem>>
      %dma_start3A_406 = tpu.memref_squeeze %dma_start3A_405 : memref<1x16x128xi32, #tpu.memory_space<vmem>> -> memref<16x128xi32, #tpu.memory_space<vmem>>
      %dma_start3A_407 = arith.constant 0 : i32
      %dma_start3A_408 = tpu.memref_slice %arg5[%sub3A_395, %dma_start3A_407] : memref<64x128xi32, #tpu.memory_space<hbm>> -> memref<16x128xi32, #tpu.memory_space<hbm>>
      tpu.enqueue_dma source(%dma_start3A_408 : memref<16x128xi32, #tpu.memory_space<hbm>>) target(%dma_start3A_406 : memref<16x128xi32, #tpu.memory_space<vmem>>) target_semaphore(%arg14 : memref<!tpu.dma_semaphore, #tpu.memory_space<semaphore_mem>>)
    } else {
    }
    %dma_start3A_151 = arith.constant 1 : i32
    %dma_start3A_152 = arith.constant 0 : i32
    %dma_start3A_153 = arith.constant 0 : i32
    %dma_start3A_154 = arith.constant 0 : i32
    %dma_start3A_155 = tpu.memref_slice %arg8[%dma_start3A_151, %dma_start3A_153, %dma_start3A_154] : memref<2x16x128xi32, #tpu.memory_space<vmem>> -> memref<1x16x128xi32, #tpu.memory_space<vmem>>
    %dma_start3A_156 = tpu.memref_squeeze %dma_start3A_155 : memref<1x16x128xi32, #tpu.memory_space<vmem>> -> memref<16x128xi32, #tpu.memory_space<vmem>>
    %dma_start3A_157 = arith.constant 0 : i32
    %dma_start3A_158 = tpu.memref_slice %dma_start3A_156[%dma_start3A_152, %dma_start3A_157] : memref<16x128xi32, #tpu.memory_space<vmem>> -> memref<1x128xi32, #tpu.memory_space<vmem>>
    %dma_start3A_159 = tpu.memref_squeeze %dma_start3A_158 : memref<1x128xi32, #tpu.memory_space<vmem>> -> memref<128xi32, #tpu.memory_space<vmem>>
    %dma_start3A_160 = arith.constant 0 : i32
    %dma_start3A_161 = arith.constant 0 : i32
    %dma_start3A_162 = tpu.memref_slice %arg6[%dma_start3A_160, %dma_start3A_161] : memref<10000x128xf32, #tpu.memory_space<hbm>> -> memref<10000x128xf32, #tpu.memory_space<hbm>>
    tpu.enqueue_indirect_dma source(%dma_start3A_162 : memref<10000x128xf32, #tpu.memory_space<hbm>>) target(%arg10 : memref<128x128xf32, #tpu.memory_space<vmem>>) offsets(%dma_start3A_159 : memref<128xi32, #tpu.memory_space<vmem>>) semaphore(%arg12 : memref<!tpu.dma_semaphore, #tpu.memory_space<semaphore_mem>>)
    %scan3A_163 = arith.constant 1 : i32
    %scan3A_164 = arith.constant 1 : i32
    %scan3A_165 = arith.constant 0 : i32
    %scan3A_166 = arith.constant 0 : i32
    %scan3A_167 = arith.constant 8 : i32
    %scan3A_168 = arith.addi %scan3A_166, %scan3A_167 : i32
    %scan3A_169 = arith.constant 1 : i32
    %scan3A_170 = scf.for %scan3A_380 = %scan3A_166 to %scan3A_168 step %scan3A_169 iter_args(%scan3A_381 = %scan3A_165) -> (i32)  : i32 {
      %mul3A_382 = arith.constant 2 : i32
      %mul3A_383 = arith.muli %scan3A_380, %mul3A_382 : i32
      %dma_wait3A_384 = arith.constant 0 : i32
      %dma_wait3A_385 = arith.constant 0 : i32
      %dma_wait3A_386 = tpu.memref_slice %arg8[%scan3A_163, %dma_wait3A_384, %dma_wait3A_385] : memref<2x16x128xi32, #tpu.memory_space<vmem>> -> memref<1x16x128xi32, #tpu.memory_space<vmem>>
      %dma_wait3A_387 = tpu.memref_squeeze %dma_wait3A_386 : memref<1x16x128xi32, #tpu.memory_space<vmem>> -> memref<16x128xi32, #tpu.memory_space<vmem>>
      %dma_wait3A_388 = arith.constant 0 : i32
      %dma_wait3A_389 = tpu.memref_slice %dma_wait3A_387[%mul3A_383, %dma_wait3A_388] : memref<16x128xi32, #tpu.memory_space<vmem>> -> memref<1x128xi32, #tpu.memory_space<vmem>>
      %dma_wait3A_390 = tpu.memref_squeeze %dma_wait3A_389 : memref<1x128xi32, #tpu.memory_space<vmem>> -> memref<128xi32, #tpu.memory_space<vmem>>
      %dma_wait3A_391 = arith.constant 0 : i32
      %dma_wait3A_392 = arith.constant 0 : i32
      %dma_wait3A_393 = tpu.memref_slice %arg6[%dma_wait3A_391, %dma_wait3A_392] : memref<10000x128xf32, #tpu.memory_space<hbm>> -> memref<10000x128xf32, #tpu.memory_space<hbm>>
      tpu.wait_indirect_dma semaphore(%arg12 : memref<!tpu.dma_semaphore, #tpu.memory_space<semaphore_mem>>) src(%dma_wait3A_393 : memref<10000x128xf32, #tpu.memory_space<hbm>>) dst(%arg10 : memref<128x128xf32, #tpu.memory_space<vmem>>)
      %add3A_394 = arith.constant 1 : i32
      %add3A_395 = arith.addi %mul3A_383, %add3A_394 : i32
      %dma_start3A_396 = arith.constant 0 : i32
      %dma_start3A_397 = arith.constant 0 : i32
      %dma_start3A_398 = tpu.memref_slice %arg8[%scan3A_163, %dma_start3A_396, %dma_start3A_397] : memref<2x16x128xi32, #tpu.memory_space<vmem>> -> memref<1x16x128xi32, #tpu.memory_space<vmem>>
      %dma_start3A_399 = tpu.memref_squeeze %dma_start3A_398 : memref<1x16x128xi32, #tpu.memory_space<vmem>> -> memref<16x128xi32, #tpu.memory_space<vmem>>
      %dma_start3A_400 = arith.constant 0 : i32
      %dma_start3A_401 = tpu.memref_slice %dma_start3A_399[%add3A_395, %dma_start3A_400] : memref<16x128xi32, #tpu.memory_space<vmem>> -> memref<1x128xi32, #tpu.memory_space<vmem>>
      %dma_start3A_402 = tpu.memref_squeeze %dma_start3A_401 : memref<1x128xi32, #tpu.memory_space<vmem>> -> memref<128xi32, #tpu.memory_space<vmem>>
      %dma_start3A_403 = arith.constant 0 : i32
      %dma_start3A_404 = arith.constant 0 : i32
      %dma_start3A_405 = tpu.memref_slice %arg6[%dma_start3A_403, %dma_start3A_404] : memref<10000x128xf32, #tpu.memory_space<hbm>> -> memref<10000x128xf32, #tpu.memory_space<hbm>>
      tpu.enqueue_indirect_dma source(%dma_start3A_405 : memref<10000x128xf32, #tpu.memory_space<hbm>>) target(%arg11 : memref<128x128xf32, #tpu.memory_space<vmem>>) offsets(%dma_start3A_402 : memref<128xi32, #tpu.memory_space<vmem>>) semaphore(%arg13 : memref<!tpu.dma_semaphore, #tpu.memory_space<semaphore_mem>>)
      "tpu.region"() ({
        %run_scoped3A = tpu.sem_alloc : memref<!tpu.dma_semaphore, #tpu.memory_space<semaphore_mem>>
        %dma_start3A_426 = arith.constant 0 : i32
        %dma_start3A_427 = arith.constant 0 : i32
        %dma_start3A_428 = tpu.memref_slice %arg9[%scan3A_164, %dma_start3A_426, %dma_start3A_427] : memref<2x16x128xi32, #tpu.memory_space<vmem>> -> memref<1x16x128xi32, #tpu.memory_space<vmem>>
        %dma_start3A_429 = tpu.memref_squeeze %dma_start3A_428 : memref<1x16x128xi32, #tpu.memory_space<vmem>> -> memref<16x128xi32, #tpu.memory_space<vmem>>
        %dma_start3A_430 = arith.constant 0 : i32
        %dma_start3A_431 = tpu.memref_slice %dma_start3A_429[%mul3A_383, %dma_start3A_430] : memref<16x128xi32, #tpu.memory_space<vmem>> -> memref<1x128xi32, #tpu.memory_space<vmem>>
        %dma_start3A_432 = tpu.memref_squeeze %dma_start3A_431 : memref<1x128xi32, #tpu.memory_space<vmem>> -> memref<128xi32, #tpu.memory_space<vmem>>
        %dma_start3A_433 = arith.constant 0 : i32
        %dma_start3A_434 = arith.constant 0 : i32
        %dma_start3A_435 = tpu.memref_slice %arg17[%dma_start3A_433, %dma_start3A_434] : memref<10240x128xf32, #tpu.memory_space<vmem_shared>> -> memref<10240x128xf32, #tpu.memory_space<vmem_shared>>
        tpu.enqueue_indirect_dma source(%arg10 : memref<128x128xf32, #tpu.memory_space<vmem>>) target(%dma_start3A_435 : memref<10240x128xf32, #tpu.memory_space<vmem_shared>>) offsets(%dma_start3A_432 : memref<128xi32, #tpu.memory_space<vmem>>) semaphore(%run_scoped3A : memref<!tpu.dma_semaphore, #tpu.memory_space<semaphore_mem>>) {add = true}
        %dma_wait3A_436 = arith.constant 0 : i32
        %dma_wait3A_437 = arith.constant 0 : i32
        %dma_wait3A_438 = tpu.memref_slice %arg9[%scan3A_164, %dma_wait3A_436, %dma_wait3A_437] : memref<2x16x128xi32, #tpu.memory_space<vmem>> -> memref<1x16x128xi32, #tpu.memory_space<vmem>>
        %dma_wait3A_439 = tpu.memref_squeeze %dma_wait3A_438 : memref<1x16x128xi32, #tpu.memory_space<vmem>> -> memref<16x128xi32, #tpu.memory_space<vmem>>
        %dma_wait3A_440 = arith.constant 0 : i32
        %dma_wait3A_441 = tpu.memref_slice %dma_wait3A_439[%mul3A_383, %dma_wait3A_440] : memref<16x128xi32, #tpu.memory_space<vmem>> -> memref<1x128xi32, #tpu.memory_space<vmem>>
        %dma_wait3A_442 = tpu.memref_squeeze %dma_wait3A_441 : memref<1x128xi32, #tpu.memory_space<vmem>> -> memref<128xi32, #tpu.memory_space<vmem>>
        %dma_wait3A_443 = arith.constant 0 : i32
        %dma_wait3A_444 = arith.constant 0 : i32
        %dma_wait3A_445 = tpu.memref_slice %arg17[%dma_wait3A_443, %dma_wait3A_444] : memref<10240x128xf32, #tpu.memory_space<vmem_shared>> -> memref<10240x128xf32, #tpu.memory_space<vmem_shared>>
        tpu.wait_indirect_dma semaphore(%run_scoped3A : memref<!tpu.dma_semaphore, #tpu.memory_space<semaphore_mem>>) src(%arg10 : memref<128x128xf32, #tpu.memory_space<vmem>>) dst(%dma_wait3A_445 : memref<10240x128xf32, #tpu.memory_space<vmem_shared>>)
        tpu.yield
      }) : () -> ()
      %add3A_406 = arith.constant 1 : i32
      %add3A_407 = arith.addi %scan3A_380, %add3A_406 : i32
      %lt3A_408 = arith.constant 8 : i32
      %lt3A_409 = arith.cmpi slt, %add3A_407, %lt3A_408 : i32
      %convert_element_type3A_410 = arith.extui %lt3A_409 : i1 to i32
      %cond3A_411 = arith.constant 0 : i32
      %cond3A_412 = arith.cmpi ne, %convert_element_type3A_410, %cond3A_411 : i32
      scf.if %cond3A_412 {
        %add3A_426 = arith.constant 2 : i32
        %add3A_427 = arith.addi %mul3A_383, %add3A_426 : i32
        %dma_start3A_428 = arith.constant 0 : i32
        %dma_start3A_429 = arith.constant 0 : i32
        %dma_start3A_430 = tpu.memref_slice %arg8[%scan3A_163, %dma_start3A_428, %dma_start3A_429] : memref<2x16x128xi32, #tpu.memory_space<vmem>> -> memref<1x16x128xi32, #tpu.memory_space<vmem>>
        %dma_start3A_431 = tpu.memref_squeeze %dma_start3A_430 : memref<1x16x128xi32, #tpu.memory_space<vmem>> -> memref<16x128xi32, #tpu.memory_space<vmem>>
        %dma_start3A_432 = arith.constant 0 : i32
        %dma_start3A_433 = tpu.memref_slice %dma_start3A_431[%add3A_427, %dma_start3A_432] : memref<16x128xi32, #tpu.memory_space<vmem>> -> memref<1x128xi32, #tpu.memory_space<vmem>>
        %dma_start3A_434 = tpu.memref_squeeze %dma_start3A_433 : memref<1x128xi32, #tpu.memory_space<vmem>> -> memref<128xi32, #tpu.memory_space<vmem>>
        %dma_start3A_435 = arith.constant 0 : i32
        %dma_start3A_436 = arith.constant 0 : i32
        %dma_start3A_437 = tpu.memref_slice %arg6[%dma_start3A_435, %dma_start3A_436] : memref<10000x128xf32, #tpu.memory_space<hbm>> -> memref<10000x128xf32, #tpu.memory_space<hbm>>
        tpu.enqueue_indirect_dma source(%dma_start3A_437 : memref<10000x128xf32, #tpu.memory_space<hbm>>) target(%arg10 : memref<128x128xf32, #tpu.memory_space<vmem>>) offsets(%dma_start3A_434 : memref<128xi32, #tpu.memory_space<vmem>>) semaphore(%arg12 : memref<!tpu.dma_semaphore, #tpu.memory_space<semaphore_mem>>)
      } else {
      }
      %dma_wait3A_413 = arith.constant 0 : i32
      %dma_wait3A_414 = arith.constant 0 : i32
      %dma_wait3A_415 = tpu.memref_slice %arg8[%scan3A_163, %dma_wait3A_413, %dma_wait3A_414] : memref<2x16x128xi32, #tpu.memory_space<vmem>> -> memref<1x16x128xi32, #tpu.memory_space<vmem>>
      %dma_wait3A_416 = tpu.memref_squeeze %dma_wait3A_415 : memref<1x16x128xi32, #tpu.memory_space<vmem>> -> memref<16x128xi32, #tpu.memory_space<vmem>>
      %dma_wait3A_417 = arith.constant 0 : i32
      %dma_wait3A_418 = tpu.memref_slice %dma_wait3A_416[%add3A_395, %dma_wait3A_417] : memref<16x128xi32, #tpu.memory_space<vmem>> -> memref<1x128xi32, #tpu.memory_space<vmem>>
      %dma_wait3A_419 = tpu.memref_squeeze %dma_wait3A_418 : memref<1x128xi32, #tpu.memory_space<vmem>> -> memref<128xi32, #tpu.memory_space<vmem>>
      %dma_wait3A_420 = arith.constant 0 : i32
      %dma_wait3A_421 = arith.constant 0 : i32
      %dma_wait3A_422 = tpu.memref_slice %arg6[%dma_wait3A_420, %dma_wait3A_421] : memref<10000x128xf32, #tpu.memory_space<hbm>> -> memref<10000x128xf32, #tpu.memory_space<hbm>>
      tpu.wait_indirect_dma semaphore(%arg13 : memref<!tpu.dma_semaphore, #tpu.memory_space<semaphore_mem>>) src(%dma_wait3A_422 : memref<10000x128xf32, #tpu.memory_space<hbm>>) dst(%arg11 : memref<128x128xf32, #tpu.memory_space<vmem>>)
      %add3A_423 = arith.constant 1 : i32
      %add3A_424 = arith.addi %mul3A_383, %add3A_423 : i32
      "tpu.region"() ({
        %run_scoped3A = tpu.sem_alloc : memref<!tpu.dma_semaphore, #tpu.memory_space<semaphore_mem>>
        %dma_start3A_426 = arith.constant 0 : i32
        %dma_start3A_427 = arith.constant 0 : i32
        %dma_start3A_428 = tpu.memref_slice %arg9[%scan3A_164, %dma_start3A_426, %dma_start3A_427] : memref<2x16x128xi32, #tpu.memory_space<vmem>> -> memref<1x16x128xi32, #tpu.memory_space<vmem>>
        %dma_start3A_429 = tpu.memref_squeeze %dma_start3A_428 : memref<1x16x128xi32, #tpu.memory_space<vmem>> -> memref<16x128xi32, #tpu.memory_space<vmem>>
        %dma_start3A_430 = arith.constant 0 : i32
        %dma_start3A_431 = tpu.memref_slice %dma_start3A_429[%add3A_424, %dma_start3A_430] : memref<16x128xi32, #tpu.memory_space<vmem>> -> memref<1x128xi32, #tpu.memory_space<vmem>>
        %dma_start3A_432 = tpu.memref_squeeze %dma_start3A_431 : memref<1x128xi32, #tpu.memory_space<vmem>> -> memref<128xi32, #tpu.memory_space<vmem>>
        %dma_start3A_433 = arith.constant 0 : i32
        %dma_start3A_434 = arith.constant 0 : i32
        %dma_start3A_435 = tpu.memref_slice %arg17[%dma_start3A_433, %dma_start3A_434] : memref<10240x128xf32, #tpu.memory_space<vmem_shared>> -> memref<10240x128xf32, #tpu.memory_space<vmem_shared>>
        tpu.enqueue_indirect_dma source(%arg11 : memref<128x128xf32, #tpu.memory_space<vmem>>) target(%dma_start3A_435 : memref<10240x128xf32, #tpu.memory_space<vmem_shared>>) offsets(%dma_start3A_432 : memref<128xi32, #tpu.memory_space<vmem>>) semaphore(%run_scoped3A : memref<!tpu.dma_semaphore, #tpu.memory_space<semaphore_mem>>) {add = true}
        %dma_wait3A_436 = arith.constant 0 : i32
        %dma_wait3A_437 = arith.constant 0 : i32
        %dma_wait3A_438 = tpu.memref_slice %arg9[%scan3A_164, %dma_wait3A_436, %dma_wait3A_437] : memref<2x16x128xi32, #tpu.memory_space<vmem>> -> memref<1x16x128xi32, #tpu.memory_space<vmem>>
        %dma_wait3A_439 = tpu.memref_squeeze %dma_wait3A_438 : memref<1x16x128xi32, #tpu.memory_space<vmem>> -> memref<16x128xi32, #tpu.memory_space<vmem>>
        %dma_wait3A_440 = arith.constant 0 : i32
        %dma_wait3A_441 = tpu.memref_slice %dma_wait3A_439[%add3A_424, %dma_wait3A_440] : memref<16x128xi32, #tpu.memory_space<vmem>> -> memref<1x128xi32, #tpu.memory_space<vmem>>
        %dma_wait3A_442 = tpu.memref_squeeze %dma_wait3A_441 : memref<1x128xi32, #tpu.memory_space<vmem>> -> memref<128xi32, #tpu.memory_space<vmem>>
        %dma_wait3A_443 = arith.constant 0 : i32
        %dma_wait3A_444 = arith.constant 0 : i32
        %dma_wait3A_445 = tpu.memref_slice %arg17[%dma_wait3A_443, %dma_wait3A_444] : memref<10240x128xf32, #tpu.memory_space<vmem_shared>> -> memref<10240x128xf32, #tpu.memory_space<vmem_shared>>
        tpu.wait_indirect_dma semaphore(%run_scoped3A : memref<!tpu.dma_semaphore, #tpu.memory_space<semaphore_mem>>) src(%arg11 : memref<128x128xf32, #tpu.memory_space<vmem>>) dst(%dma_wait3A_445 : memref<10240x128xf32, #tpu.memory_space<vmem_shared>>)
        tpu.yield
      }) : () -> ()
      %scan3A_425 = arith.constant 0 : i32
      scf.yield %scan3A_425 : i32
    }
    %scan3A_171 = arith.constant 8 : i32
    %dma_wait3A_172 = arith.constant 0 : i32
    %dma_wait3A_173 = arith.constant 0 : i32
    %dma_wait3A_174 = arith.constant 0 : i32
    %dma_wait3A_175 = tpu.memref_slice %arg8[%dma_wait3A_172, %dma_wait3A_173, %dma_wait3A_174] : memref<2x16x128xi32, #tpu.memory_space<vmem>> -> memref<1x16x128xi32, #tpu.memory_space<vmem>>
    %dma_wait3A_176 = tpu.memref_squeeze %dma_wait3A_175 : memref<1x16x128xi32, #tpu.memory_space<vmem>> -> memref<16x128xi32, #tpu.memory_space<vmem>>
    %dma_wait3A_177 = arith.constant 0 : i32
    %dma_wait3A_178 = arith.constant 0 : i32
    %dma_wait3A_179 = tpu.memref_slice %arg2[%dma_wait3A_177, %dma_wait3A_178] : memref<2500x128xi32, #tpu.memory_space<hbm>> -> memref<16x128xi32, #tpu.memory_space<hbm>>
    %dma_wait3A_180 = arith.constant 0 : i32
    %dma_wait3A_181 = arith.constant 0 : i32
    %dma_wait3A_182 = tpu.memref_slice %arg8[%dma_wait3A_172, %dma_wait3A_180, %dma_wait3A_181] : memref<2x16x128xi32, #tpu.memory_space<vmem>> -> memref<1x16x128xi32, #tpu.memory_space<vmem>>
    %dma_wait3A_183 = tpu.memref_squeeze %dma_wait3A_182 : memref<1x16x128xi32, #tpu.memory_space<vmem>> -> memref<16x128xi32, #tpu.memory_space<vmem>>
    %dma_wait3A_184 = arith.constant 0 : i32
    %dma_wait3A_185 = arith.constant 0 : i32
    %dma_wait3A_186 = tpu.memref_slice %arg2[%dma_wait3A_184, %dma_wait3A_185] : memref<2500x128xi32, #tpu.memory_space<hbm>> -> memref<16x128xi32, #tpu.memory_space<hbm>>
    tpu.wait_dma2 semaphore(%arg14 : memref<!tpu.dma_semaphore, #tpu.memory_space<semaphore_mem>>) src(%dma_wait3A_186 : memref<16x128xi32, #tpu.memory_space<hbm>>) dst(%dma_wait3A_183 : memref<16x128xi32, #tpu.memory_space<vmem>>)
    %dma_wait3A_187 = arith.constant 0 : i32
    %dma_wait3A_188 = arith.constant 0 : i32
    %dma_wait3A_189 = arith.constant 0 : i32
    %dma_wait3A_190 = tpu.memref_slice %arg9[%dma_wait3A_187, %dma_wait3A_188, %dma_wait3A_189] : memref<2x16x128xi32, #tpu.memory_space<vmem>> -> memref<1x16x128xi32, #tpu.memory_space<vmem>>
    %dma_wait3A_191 = tpu.memref_squeeze %dma_wait3A_190 : memref<1x16x128xi32, #tpu.memory_space<vmem>> -> memref<16x128xi32, #tpu.memory_space<vmem>>
    %dma_wait3A_192 = arith.constant 0 : i32
    %dma_wait3A_193 = arith.constant 0 : i32
    %dma_wait3A_194 = tpu.memref_slice %arg3[%dma_wait3A_192, %dma_wait3A_193] : memref<2500x128xi32, #tpu.memory_space<hbm>> -> memref<16x128xi32, #tpu.memory_space<hbm>>
    %dma_wait3A_195 = arith.constant 0 : i32
    %dma_wait3A_196 = arith.constant 0 : i32
    %dma_wait3A_197 = tpu.memref_slice %arg9[%dma_wait3A_187, %dma_wait3A_195, %dma_wait3A_196] : memref<2x16x128xi32, #tpu.memory_space<vmem>> -> memref<1x16x128xi32, #tpu.memory_space<vmem>>
    %dma_wait3A_198 = tpu.memref_squeeze %dma_wait3A_197 : memref<1x16x128xi32, #tpu.memory_space<vmem>> -> memref<16x128xi32, #tpu.memory_space<vmem>>
    %dma_wait3A_199 = arith.constant 0 : i32
    %dma_wait3A_200 = arith.constant 0 : i32
    %dma_wait3A_201 = tpu.memref_slice %arg3[%dma_wait3A_199, %dma_wait3A_200] : memref<2500x128xi32, #tpu.memory_space<hbm>> -> memref<16x128xi32, #tpu.memory_space<hbm>>
    tpu.wait_dma2 semaphore(%arg14 : memref<!tpu.dma_semaphore, #tpu.memory_space<semaphore_mem>>) src(%dma_wait3A_201 : memref<16x128xi32, #tpu.memory_space<hbm>>) dst(%dma_wait3A_198 : memref<16x128xi32, #tpu.memory_space<vmem>>)
    %add3A_202 = arith.constant 48 : i32
    %add3A_203 = arith.addi %mul3A_39, %add3A_202 : i32
    %lt3A_204 = arith.constant 2496 : i32
    %lt3A_205 = arith.cmpi slt, %add3A_203, %lt3A_204 : i32
    %convert_element_type3A_206 = arith.extui %lt3A_205 : i1 to i32
    %cond3A_207 = arith.constant 0 : i32
    %cond3A_208 = arith.cmpi ne, %convert_element_type3A_206, %cond3A_207 : i32
    scf.if %cond3A_208 {
      %dma_start3A_380 = arith.constant 1 : i32
      %dma_start3A_381 = arith.constant 0 : i32
      %dma_start3A_382 = arith.constant 0 : i32
      %dma_start3A_383 = tpu.memref_slice %arg8[%dma_start3A_380, %dma_start3A_381, %dma_start3A_382] : memref<2x16x128xi32, #tpu.memory_space<vmem>> -> memref<1x16x128xi32, #tpu.memory_space<vmem>>
      %dma_start3A_384 = tpu.memref_squeeze %dma_start3A_383 : memref<1x16x128xi32, #tpu.memory_space<vmem>> -> memref<16x128xi32, #tpu.memory_space<vmem>>
      %dma_start3A_385 = arith.constant 0 : i32
      %dma_start3A_386 = tpu.memref_slice %arg2[%add3A_203, %dma_start3A_385] : memref<2500x128xi32, #tpu.memory_space<hbm>> -> memref<16x128xi32, #tpu.memory_space<hbm>>
      %dma_start3A_387 = arith.constant 0 : i32
      %dma_start3A_388 = arith.constant 0 : i32
      %dma_start3A_389 = tpu.memref_slice %arg8[%dma_start3A_380, %dma_start3A_387, %dma_start3A_388] : memref<2x16x128xi32, #tpu.memory_space<vmem>> -> memref<1x16x128xi32, #tpu.memory_space<vmem>>
      %dma_start3A_390 = tpu.memref_squeeze %dma_start3A_389 : memref<1x16x128xi32, #tpu.memory_space<vmem>> -> memref<16x128xi32, #tpu.memory_space<vmem>>
      %dma_start3A_391 = arith.constant 0 : i32
      %dma_start3A_392 = tpu.memref_slice %arg2[%add3A_203, %dma_start3A_391] : memref<2500x128xi32, #tpu.memory_space<hbm>> -> memref<16x128xi32, #tpu.memory_space<hbm>>
      tpu.enqueue_dma source(%dma_start3A_392 : memref<16x128xi32, #tpu.memory_space<hbm>>) target(%dma_start3A_390 : memref<16x128xi32, #tpu.memory_space<vmem>>) target_semaphore(%arg14 : memref<!tpu.dma_semaphore, #tpu.memory_space<semaphore_mem>>)
      %dma_start3A_393 = arith.constant 1 : i32
      %dma_start3A_394 = arith.constant 0 : i32
      %dma_start3A_395 = arith.constant 0 : i32
      %dma_start3A_396 = tpu.memref_slice %arg9[%dma_start3A_393, %dma_start3A_394, %dma_start3A_395] : memref<2x16x128xi32, #tpu.memory_space<vmem>> -> memref<1x16x128xi32, #tpu.memory_space<vmem>>
      %dma_start3A_397 = tpu.memref_squeeze %dma_start3A_396 : memref<1x16x128xi32, #tpu.memory_space<vmem>> -> memref<16x128xi32, #tpu.memory_space<vmem>>
      %dma_start3A_398 = arith.constant 0 : i32
      %dma_start3A_399 = tpu.memref_slice %arg3[%add3A_203, %dma_start3A_398] : memref<2500x128xi32, #tpu.memory_space<hbm>> -> memref<16x128xi32, #tpu.memory_space<hbm>>
      %dma_start3A_400 = arith.constant 0 : i32
      %dma_start3A_401 = arith.constant 0 : i32
      %dma_start3A_402 = tpu.memref_slice %arg9[%dma_start3A_393, %dma_start3A_400, %dma_start3A_401] : memref<2x16x128xi32, #tpu.memory_space<vmem>> -> memref<1x16x128xi32, #tpu.memory_space<vmem>>
      %dma_start3A_403 = tpu.memref_squeeze %dma_start3A_402 : memref<1x16x128xi32, #tpu.memory_space<vmem>> -> memref<16x128xi32, #tpu.memory_space<vmem>>
      %dma_start3A_404 = arith.constant 0 : i32
      %dma_start3A_405 = tpu.memref_slice %arg3[%add3A_203, %dma_start3A_404] : memref<2500x128xi32, #tpu.memory_space<hbm>> -> memref<16x128xi32, #tpu.memory_space<hbm>>
      tpu.enqueue_dma source(%dma_start3A_405 : memref<16x128xi32, #tpu.memory_space<hbm>>) target(%dma_start3A_403 : memref<16x128xi32, #tpu.memory_space<vmem>>) target_semaphore(%arg14 : memref<!tpu.dma_semaphore, #tpu.memory_space<semaphore_mem>>)
    } else {
    }
    %ge3A_209 = arith.constant 2496 : i32
    %ge3A_210 = arith.cmpi sge, %add3A_203, %ge3A_209 : i32
    %convert_element_type3A_211 = arith.extui %ge3A_210 : i1 to i32
    %cond3A_212 = arith.constant 0 : i32
    %cond3A_213 = arith.cmpi ne, %convert_element_type3A_211, %cond3A_212 : i32
    scf.if %cond3A_213 {
      %sub3A = arith.constant 2496 : i32
      %sub3A_380 = arith.subi %add3A_203, %sub3A : i32
      %dma_start3A_381 = arith.constant 1 : i32
      %dma_start3A_382 = arith.constant 0 : i32
      %dma_start3A_383 = arith.constant 0 : i32
      %dma_start3A_384 = tpu.memref_slice %arg8[%dma_start3A_381, %dma_start3A_382, %dma_start3A_383] : memref<2x16x128xi32, #tpu.memory_space<vmem>> -> memref<1x16x128xi32, #tpu.memory_space<vmem>>
      %dma_start3A_385 = tpu.memref_squeeze %dma_start3A_384 : memref<1x16x128xi32, #tpu.memory_space<vmem>> -> memref<16x128xi32, #tpu.memory_space<vmem>>
      %dma_start3A_386 = arith.constant 0 : i32
      %dma_start3A_387 = tpu.memref_slice %arg4[%sub3A_380, %dma_start3A_386] : memref<64x128xi32, #tpu.memory_space<hbm>> -> memref<16x128xi32, #tpu.memory_space<hbm>>
      %dma_start3A_388 = arith.constant 0 : i32
      %dma_start3A_389 = arith.constant 0 : i32
      %dma_start3A_390 = tpu.memref_slice %arg8[%dma_start3A_381, %dma_start3A_388, %dma_start3A_389] : memref<2x16x128xi32, #tpu.memory_space<vmem>> -> memref<1x16x128xi32, #tpu.memory_space<vmem>>
      %dma_start3A_391 = tpu.memref_squeeze %dma_start3A_390 : memref<1x16x128xi32, #tpu.memory_space<vmem>> -> memref<16x128xi32, #tpu.memory_space<vmem>>
      %dma_start3A_392 = arith.constant 0 : i32
      %dma_start3A_393 = tpu.memref_slice %arg4[%sub3A_380, %dma_start3A_392] : memref<64x128xi32, #tpu.memory_space<hbm>> -> memref<16x128xi32, #tpu.memory_space<hbm>>
      tpu.enqueue_dma source(%dma_start3A_393 : memref<16x128xi32, #tpu.memory_space<hbm>>) target(%dma_start3A_391 : memref<16x128xi32, #tpu.memory_space<vmem>>) target_semaphore(%arg14 : memref<!tpu.dma_semaphore, #tpu.memory_space<semaphore_mem>>)
      %sub3A_394 = arith.constant 2496 : i32
      %sub3A_395 = arith.subi %add3A_203, %sub3A_394 : i32
      %dma_start3A_396 = arith.constant 1 : i32
      %dma_start3A_397 = arith.constant 0 : i32
      %dma_start3A_398 = arith.constant 0 : i32
      %dma_start3A_399 = tpu.memref_slice %arg9[%dma_start3A_396, %dma_start3A_397, %dma_start3A_398] : memref<2x16x128xi32, #tpu.memory_space<vmem>> -> memref<1x16x128xi32, #tpu.memory_space<vmem>>
      %dma_start3A_400 = tpu.memref_squeeze %dma_start3A_399 : memref<1x16x128xi32, #tpu.memory_space<vmem>> -> memref<16x128xi32, #tpu.memory_space<vmem>>
      %dma_start3A_401 = arith.constant 0 : i32
      %dma_start3A_402 = tpu.memref_slice %arg5[%sub3A_395, %dma_start3A_401] : memref<64x128xi32, #tpu.memory_space<hbm>> -> memref<16x128xi32, #tpu.memory_space<hbm>>
      %dma_start3A_403 = arith.constant 0 : i32
      %dma_start3A_404 = arith.constant 0 : i32
      %dma_start3A_405 = tpu.memref_slice %arg9[%dma_start3A_396, %dma_start3A_403, %dma_start3A_404] : memref<2x16x128xi32, #tpu.memory_space<vmem>> -> memref<1x16x128xi32, #tpu.memory_space<vmem>>
      %dma_start3A_406 = tpu.memref_squeeze %dma_start3A_405 : memref<1x16x128xi32, #tpu.memory_space<vmem>> -> memref<16x128xi32, #tpu.memory_space<vmem>>
      %dma_start3A_407 = arith.constant 0 : i32
      %dma_start3A_408 = tpu.memref_slice %arg5[%sub3A_395, %dma_start3A_407] : memref<64x128xi32, #tpu.memory_space<hbm>> -> memref<16x128xi32, #tpu.memory_space<hbm>>
      tpu.enqueue_dma source(%dma_start3A_408 : memref<16x128xi32, #tpu.memory_space<hbm>>) target(%dma_start3A_406 : memref<16x128xi32, #tpu.memory_space<vmem>>) target_semaphore(%arg14 : memref<!tpu.dma_semaphore, #tpu.memory_space<semaphore_mem>>)
    } else {
    }
    %dma_start3A_214 = arith.constant 0 : i32
    %dma_start3A_215 = arith.constant 0 : i32
    %dma_start3A_216 = arith.constant 0 : i32
    %dma_start3A_217 = arith.constant 0 : i32
    %dma_start3A_218 = tpu.memref_slice %arg8[%dma_start3A_214, %dma_start3A_216, %dma_start3A_217] : memref<2x16x128xi32, #tpu.memory_space<vmem>> -> memref<1x16x128xi32, #tpu.memory_space<vmem>>
    %dma_start3A_219 = tpu.memref_squeeze %dma_start3A_218 : memref<1x16x128xi32, #tpu.memory_space<vmem>> -> memref<16x128xi32, #tpu.memory_space<vmem>>
    %dma_start3A_220 = arith.constant 0 : i32
    %dma_start3A_221 = tpu.memref_slice %dma_start3A_219[%dma_start3A_215, %dma_start3A_220] : memref<16x128xi32, #tpu.memory_space<vmem>> -> memref<1x128xi32, #tpu.memory_space<vmem>>
    %dma_start3A_222 = tpu.memref_squeeze %dma_start3A_221 : memref<1x128xi32, #tpu.memory_space<vmem>> -> memref<128xi32, #tpu.memory_space<vmem>>
    %dma_start3A_223 = arith.constant 0 : i32
    %dma_start3A_224 = arith.constant 0 : i32
    %dma_start3A_225 = tpu.memref_slice %arg6[%dma_start3A_223, %dma_start3A_224] : memref<10000x128xf32, #tpu.memory_space<hbm>> -> memref<10000x128xf32, #tpu.memory_space<hbm>>
    tpu.enqueue_indirect_dma source(%dma_start3A_225 : memref<10000x128xf32, #tpu.memory_space<hbm>>) target(%arg10 : memref<128x128xf32, #tpu.memory_space<vmem>>) offsets(%dma_start3A_222 : memref<128xi32, #tpu.memory_space<vmem>>) semaphore(%arg12 : memref<!tpu.dma_semaphore, #tpu.memory_space<semaphore_mem>>)
    %scan3A_226 = arith.constant 0 : i32
    %scan3A_227 = arith.constant 0 : i32
    %scan3A_228 = arith.constant 0 : i32
    %scan3A_229 = arith.constant 0 : i32
    %scan3A_230 = arith.constant 8 : i32
    %scan3A_231 = arith.addi %scan3A_229, %scan3A_230 : i32
    %scan3A_232 = arith.constant 1 : i32
    %scan3A_233 = scf.for %scan3A_380 = %scan3A_229 to %scan3A_231 step %scan3A_232 iter_args(%scan3A_381 = %scan3A_228) -> (i32)  : i32 {
      %mul3A_382 = arith.constant 2 : i32
      %mul3A_383 = arith.muli %scan3A_380, %mul3A_382 : i32
      %dma_wait3A_384 = arith.constant 0 : i32
      %dma_wait3A_385 = arith.constant 0 : i32
      %dma_wait3A_386 = tpu.memref_slice %arg8[%scan3A_226, %dma_wait3A_384, %dma_wait3A_385] : memref<2x16x128xi32, #tpu.memory_space<vmem>> -> memref<1x16x128xi32, #tpu.memory_space<vmem>>
      %dma_wait3A_387 = tpu.memref_squeeze %dma_wait3A_386 : memref<1x16x128xi32, #tpu.memory_space<vmem>> -> memref<16x128xi32, #tpu.memory_space<vmem>>
      %dma_wait3A_388 = arith.constant 0 : i32
      %dma_wait3A_389 = tpu.memref_slice %dma_wait3A_387[%mul3A_383, %dma_wait3A_388] : memref<16x128xi32, #tpu.memory_space<vmem>> -> memref<1x128xi32, #tpu.memory_space<vmem>>
      %dma_wait3A_390 = tpu.memref_squeeze %dma_wait3A_389 : memref<1x128xi32, #tpu.memory_space<vmem>> -> memref<128xi32, #tpu.memory_space<vmem>>
      %dma_wait3A_391 = arith.constant 0 : i32
      %dma_wait3A_392 = arith.constant 0 : i32
      %dma_wait3A_393 = tpu.memref_slice %arg6[%dma_wait3A_391, %dma_wait3A_392] : memref<10000x128xf32, #tpu.memory_space<hbm>> -> memref<10000x128xf32, #tpu.memory_space<hbm>>
      tpu.wait_indirect_dma semaphore(%arg12 : memref<!tpu.dma_semaphore, #tpu.memory_space<semaphore_mem>>) src(%dma_wait3A_393 : memref<10000x128xf32, #tpu.memory_space<hbm>>) dst(%arg10 : memref<128x128xf32, #tpu.memory_space<vmem>>)
      %add3A_394 = arith.constant 1 : i32
      %add3A_395 = arith.addi %mul3A_383, %add3A_394 : i32
      %dma_start3A_396 = arith.constant 0 : i32
      %dma_start3A_397 = arith.constant 0 : i32
      %dma_start3A_398 = tpu.memref_slice %arg8[%scan3A_226, %dma_start3A_396, %dma_start3A_397] : memref<2x16x128xi32, #tpu.memory_space<vmem>> -> memref<1x16x128xi32, #tpu.memory_space<vmem>>
      %dma_start3A_399 = tpu.memref_squeeze %dma_start3A_398 : memref<1x16x128xi32, #tpu.memory_space<vmem>> -> memref<16x128xi32, #tpu.memory_space<vmem>>
      %dma_start3A_400 = arith.constant 0 : i32
      %dma_start3A_401 = tpu.memref_slice %dma_start3A_399[%add3A_395, %dma_start3A_400] : memref<16x128xi32, #tpu.memory_space<vmem>> -> memref<1x128xi32, #tpu.memory_space<vmem>>
      %dma_start3A_402 = tpu.memref_squeeze %dma_start3A_401 : memref<1x128xi32, #tpu.memory_space<vmem>> -> memref<128xi32, #tpu.memory_space<vmem>>
      %dma_start3A_403 = arith.constant 0 : i32
      %dma_start3A_404 = arith.constant 0 : i32
      %dma_start3A_405 = tpu.memref_slice %arg6[%dma_start3A_403, %dma_start3A_404] : memref<10000x128xf32, #tpu.memory_space<hbm>> -> memref<10000x128xf32, #tpu.memory_space<hbm>>
      tpu.enqueue_indirect_dma source(%dma_start3A_405 : memref<10000x128xf32, #tpu.memory_space<hbm>>) target(%arg11 : memref<128x128xf32, #tpu.memory_space<vmem>>) offsets(%dma_start3A_402 : memref<128xi32, #tpu.memory_space<vmem>>) semaphore(%arg13 : memref<!tpu.dma_semaphore, #tpu.memory_space<semaphore_mem>>)
      "tpu.region"() ({
        %run_scoped3A = tpu.sem_alloc : memref<!tpu.dma_semaphore, #tpu.memory_space<semaphore_mem>>
        %dma_start3A_426 = arith.constant 0 : i32
        %dma_start3A_427 = arith.constant 0 : i32
        %dma_start3A_428 = tpu.memref_slice %arg9[%scan3A_227, %dma_start3A_426, %dma_start3A_427] : memref<2x16x128xi32, #tpu.memory_space<vmem>> -> memref<1x16x128xi32, #tpu.memory_space<vmem>>
        %dma_start3A_429 = tpu.memref_squeeze %dma_start3A_428 : memref<1x16x128xi32, #tpu.memory_space<vmem>> -> memref<16x128xi32, #tpu.memory_space<vmem>>
        %dma_start3A_430 = arith.constant 0 : i32
        %dma_start3A_431 = tpu.memref_slice %dma_start3A_429[%mul3A_383, %dma_start3A_430] : memref<16x128xi32, #tpu.memory_space<vmem>> -> memref<1x128xi32, #tpu.memory_space<vmem>>
        %dma_start3A_432 = tpu.memref_squeeze %dma_start3A_431 : memref<1x128xi32, #tpu.memory_space<vmem>> -> memref<128xi32, #tpu.memory_space<vmem>>
        %dma_start3A_433 = arith.constant 0 : i32
        %dma_start3A_434 = arith.constant 0 : i32
        %dma_start3A_435 = tpu.memref_slice %arg17[%dma_start3A_433, %dma_start3A_434] : memref<10240x128xf32, #tpu.memory_space<vmem_shared>> -> memref<10240x128xf32, #tpu.memory_space<vmem_shared>>
        tpu.enqueue_indirect_dma source(%arg10 : memref<128x128xf32, #tpu.memory_space<vmem>>) target(%dma_start3A_435 : memref<10240x128xf32, #tpu.memory_space<vmem_shared>>) offsets(%dma_start3A_432 : memref<128xi32, #tpu.memory_space<vmem>>) semaphore(%run_scoped3A : memref<!tpu.dma_semaphore, #tpu.memory_space<semaphore_mem>>) {add = true}
        %dma_wait3A_436 = arith.constant 0 : i32
        %dma_wait3A_437 = arith.constant 0 : i32
        %dma_wait3A_438 = tpu.memref_slice %arg9[%scan3A_227, %dma_wait3A_436, %dma_wait3A_437] : memref<2x16x128xi32, #tpu.memory_space<vmem>> -> memref<1x16x128xi32, #tpu.memory_space<vmem>>
        %dma_wait3A_439 = tpu.memref_squeeze %dma_wait3A_438 : memref<1x16x128xi32, #tpu.memory_space<vmem>> -> memref<16x128xi32, #tpu.memory_space<vmem>>
        %dma_wait3A_440 = arith.constant 0 : i32
        %dma_wait3A_441 = tpu.memref_slice %dma_wait3A_439[%mul3A_383, %dma_wait3A_440] : memref<16x128xi32, #tpu.memory_space<vmem>> -> memref<1x128xi32, #tpu.memory_space<vmem>>
        %dma_wait3A_442 = tpu.memref_squeeze %dma_wait3A_441 : memref<1x128xi32, #tpu.memory_space<vmem>> -> memref<128xi32, #tpu.memory_space<vmem>>
        %dma_wait3A_443 = arith.constant 0 : i32
        %dma_wait3A_444 = arith.constant 0 : i32
        %dma_wait3A_445 = tpu.memref_slice %arg17[%dma_wait3A_443, %dma_wait3A_444] : memref<10240x128xf32, #tpu.memory_space<vmem_shared>> -> memref<10240x128xf32, #tpu.memory_space<vmem_shared>>
        tpu.wait_indirect_dma semaphore(%run_scoped3A : memref<!tpu.dma_semaphore, #tpu.memory_space<semaphore_mem>>) src(%arg10 : memref<128x128xf32, #tpu.memory_space<vmem>>) dst(%dma_wait3A_445 : memref<10240x128xf32, #tpu.memory_space<vmem_shared>>)
        tpu.yield
      }) : () -> ()
      %add3A_406 = arith.constant 1 : i32
      %add3A_407 = arith.addi %scan3A_380, %add3A_406 : i32
      %lt3A_408 = arith.constant 8 : i32
      %lt3A_409 = arith.cmpi slt, %add3A_407, %lt3A_408 : i32
      %convert_element_type3A_410 = arith.extui %lt3A_409 : i1 to i32
      %cond3A_411 = arith.constant 0 : i32
      %cond3A_412 = arith.cmpi ne, %convert_element_type3A_410, %cond3A_411 : i32
      scf.if %cond3A_412 {
        %add3A_426 = arith.constant 2 : i32
        %add3A_427 = arith.addi %mul3A_383, %add3A_426 : i32
        %dma_start3A_428 = arith.constant 0 : i32
        %dma_start3A_429 = arith.constant 0 : i32
        %dma_start3A_430 = tpu.memref_slice %arg8[%scan3A_226, %dma_start3A_428, %dma_start3A_429] : memref<2x16x128xi32, #tpu.memory_space<vmem>> -> memref<1x16x128xi32, #tpu.memory_space<vmem>>
        %dma_start3A_431 = tpu.memref_squeeze %dma_start3A_430 : memref<1x16x128xi32, #tpu.memory_space<vmem>> -> memref<16x128xi32, #tpu.memory_space<vmem>>
        %dma_start3A_432 = arith.constant 0 : i32
        %dma_start3A_433 = tpu.memref_slice %dma_start3A_431[%add3A_427, %dma_start3A_432] : memref<16x128xi32, #tpu.memory_space<vmem>> -> memref<1x128xi32, #tpu.memory_space<vmem>>
        %dma_start3A_434 = tpu.memref_squeeze %dma_start3A_433 : memref<1x128xi32, #tpu.memory_space<vmem>> -> memref<128xi32, #tpu.memory_space<vmem>>
        %dma_start3A_435 = arith.constant 0 : i32
        %dma_start3A_436 = arith.constant 0 : i32
        %dma_start3A_437 = tpu.memref_slice %arg6[%dma_start3A_435, %dma_start3A_436] : memref<10000x128xf32, #tpu.memory_space<hbm>> -> memref<10000x128xf32, #tpu.memory_space<hbm>>
        tpu.enqueue_indirect_dma source(%dma_start3A_437 : memref<10000x128xf32, #tpu.memory_space<hbm>>) target(%arg10 : memref<128x128xf32, #tpu.memory_space<vmem>>) offsets(%dma_start3A_434 : memref<128xi32, #tpu.memory_space<vmem>>) semaphore(%arg12 : memref<!tpu.dma_semaphore, #tpu.memory_space<semaphore_mem>>)
      } else {
      }
      %dma_wait3A_413 = arith.constant 0 : i32
      %dma_wait3A_414 = arith.constant 0 : i32
      %dma_wait3A_415 = tpu.memref_slice %arg8[%scan3A_226, %dma_wait3A_413, %dma_wait3A_414] : memref<2x16x128xi32, #tpu.memory_space<vmem>> -> memref<1x16x128xi32, #tpu.memory_space<vmem>>
      %dma_wait3A_416 = tpu.memref_squeeze %dma_wait3A_415 : memref<1x16x128xi32, #tpu.memory_space<vmem>> -> memref<16x128xi32, #tpu.memory_space<vmem>>
      %dma_wait3A_417 = arith.constant 0 : i32
      %dma_wait3A_418 = tpu.memref_slice %dma_wait3A_416[%add3A_395, %dma_wait3A_417] : memref<16x128xi32, #tpu.memory_space<vmem>> -> memref<1x128xi32, #tpu.memory_space<vmem>>
      %dma_wait3A_419 = tpu.memref_squeeze %dma_wait3A_418 : memref<1x128xi32, #tpu.memory_space<vmem>> -> memref<128xi32, #tpu.memory_space<vmem>>
      %dma_wait3A_420 = arith.constant 0 : i32
      %dma_wait3A_421 = arith.constant 0 : i32
      %dma_wait3A_422 = tpu.memref_slice %arg6[%dma_wait3A_420, %dma_wait3A_421] : memref<10000x128xf32, #tpu.memory_space<hbm>> -> memref<10000x128xf32, #tpu.memory_space<hbm>>
      tpu.wait_indirect_dma semaphore(%arg13 : memref<!tpu.dma_semaphore, #tpu.memory_space<semaphore_mem>>) src(%dma_wait3A_422 : memref<10000x128xf32, #tpu.memory_space<hbm>>) dst(%arg11 : memref<128x128xf32, #tpu.memory_space<vmem>>)
      %add3A_423 = arith.constant 1 : i32
      %add3A_424 = arith.addi %mul3A_383, %add3A_423 : i32
      "tpu.region"() ({
        %run_scoped3A = tpu.sem_alloc : memref<!tpu.dma_semaphore, #tpu.memory_space<semaphore_mem>>
        %dma_start3A_426 = arith.constant 0 : i32
        %dma_start3A_427 = arith.constant 0 : i32
        %dma_start3A_428 = tpu.memref_slice %arg9[%scan3A_227, %dma_start3A_426, %dma_start3A_427] : memref<2x16x128xi32, #tpu.memory_space<vmem>> -> memref<1x16x128xi32, #tpu.memory_space<vmem>>
        %dma_start3A_429 = tpu.memref_squeeze %dma_start3A_428 : memref<1x16x128xi32, #tpu.memory_space<vmem>> -> memref<16x128xi32, #tpu.memory_space<vmem>>
        %dma_start3A_430 = arith.constant 0 : i32
        %dma_start3A_431 = tpu.memref_slice %dma_start3A_429[%add3A_424, %dma_start3A_430] : memref<16x128xi32, #tpu.memory_space<vmem>> -> memref<1x128xi32, #tpu.memory_space<vmem>>
        %dma_start3A_432 = tpu.memref_squeeze %dma_start3A_431 : memref<1x128xi32, #tpu.memory_space<vmem>> -> memref<128xi32, #tpu.memory_space<vmem>>
        %dma_start3A_433 = arith.constant 0 : i32
        %dma_start3A_434 = arith.constant 0 : i32
        %dma_start3A_435 = tpu.memref_slice %arg17[%dma_start3A_433, %dma_start3A_434] : memref<10240x128xf32, #tpu.memory_space<vmem_shared>> -> memref<10240x128xf32, #tpu.memory_space<vmem_shared>>
        tpu.enqueue_indirect_dma source(%arg11 : memref<128x128xf32, #tpu.memory_space<vmem>>) target(%dma_start3A_435 : memref<10240x128xf32, #tpu.memory_space<vmem_shared>>) offsets(%dma_start3A_432 : memref<128xi32, #tpu.memory_space<vmem>>) semaphore(%run_scoped3A : memref<!tpu.dma_semaphore, #tpu.memory_space<semaphore_mem>>) {add = true}
        %dma_wait3A_436 = arith.constant 0 : i32
        %dma_wait3A_437 = arith.constant 0 : i32
        %dma_wait3A_438 = tpu.memref_slice %arg9[%scan3A_227, %dma_wait3A_436, %dma_wait3A_437] : memref<2x16x128xi32, #tpu.memory_space<vmem>> -> memref<1x16x128xi32, #tpu.memory_space<vmem>>
        %dma_wait3A_439 = tpu.memref_squeeze %dma_wait3A_438 : memref<1x16x128xi32, #tpu.memory_space<vmem>> -> memref<16x128xi32, #tpu.memory_space<vmem>>
        %dma_wait3A_440 = arith.constant 0 : i32
        %dma_wait3A_441 = tpu.memref_slice %dma_wait3A_439[%add3A_424, %dma_wait3A_440] : memref<16x128xi32, #tpu.memory_space<vmem>> -> memref<1x128xi32, #tpu.memory_space<vmem>>
        %dma_wait3A_442 = tpu.memref_squeeze %dma_wait3A_441 : memref<1x128xi32, #tpu.memory_space<vmem>> -> memref<128xi32, #tpu.memory_space<vmem>>
        %dma_wait3A_443 = arith.constant 0 : i32
        %dma_wait3A_444 = arith.constant 0 : i32
        %dma_wait3A_445 = tpu.memref_slice %arg17[%dma_wait3A_443, %dma_wait3A_444] : memref<10240x128xf32, #tpu.memory_space<vmem_shared>> -> memref<10240x128xf32, #tpu.memory_space<vmem_shared>>
        tpu.wait_indirect_dma semaphore(%run_scoped3A : memref<!tpu.dma_semaphore, #tpu.memory_space<semaphore_mem>>) src(%arg11 : memref<128x128xf32, #tpu.memory_space<vmem>>) dst(%dma_wait3A_445 : memref<10240x128xf32, #tpu.memory_space<vmem_shared>>)
        tpu.yield
      }) : () -> ()
      %scan3A_425 = arith.constant 0 : i32
      scf.yield %scan3A_425 : i32
    }
    %scan3A_234 = arith.constant 8 : i32
    %dma_wait3A_235 = arith.constant 1 : i32
    %dma_wait3A_236 = arith.constant 0 : i32
    %dma_wait3A_237 = arith.constant 0 : i32
    %dma_wait3A_238 = tpu.memref_slice %arg8[%dma_wait3A_235, %dma_wait3A_236, %dma_wait3A_237] : memref<2x16x128xi32, #tpu.memory_space<vmem>> -> memref<1x16x128xi32, #tpu.memory_space<vmem>>
    %dma_wait3A_239 = tpu.memref_squeeze %dma_wait3A_238 : memref<1x16x128xi32, #tpu.memory_space<vmem>> -> memref<16x128xi32, #tpu.memory_space<vmem>>
    %dma_wait3A_240 = arith.constant 0 : i32
    %dma_wait3A_241 = arith.constant 0 : i32
    %dma_wait3A_242 = tpu.memref_slice %arg2[%dma_wait3A_240, %dma_wait3A_241] : memref<2500x128xi32, #tpu.memory_space<hbm>> -> memref<16x128xi32, #tpu.memory_space<hbm>>
    %dma_wait3A_243 = arith.constant 0 : i32
    %dma_wait3A_244 = arith.constant 0 : i32
    %dma_wait3A_245 = tpu.memref_slice %arg8[%dma_wait3A_235, %dma_wait3A_243, %dma_wait3A_244] : memref<2x16x128xi32, #tpu.memory_space<vmem>> -> memref<1x16x128xi32, #tpu.memory_space<vmem>>
    %dma_wait3A_246 = tpu.memref_squeeze %dma_wait3A_245 : memref<1x16x128xi32, #tpu.memory_space<vmem>> -> memref<16x128xi32, #tpu.memory_space<vmem>>
    %dma_wait3A_247 = arith.constant 0 : i32
    %dma_wait3A_248 = arith.constant 0 : i32
    %dma_wait3A_249 = tpu.memref_slice %arg2[%dma_wait3A_247, %dma_wait3A_248] : memref<2500x128xi32, #tpu.memory_space<hbm>> -> memref<16x128xi32, #tpu.memory_space<hbm>>
    tpu.wait_dma2 semaphore(%arg14 : memref<!tpu.dma_semaphore, #tpu.memory_space<semaphore_mem>>) src(%dma_wait3A_249 : memref<16x128xi32, #tpu.memory_space<hbm>>) dst(%dma_wait3A_246 : memref<16x128xi32, #tpu.memory_space<vmem>>)
    %dma_wait3A_250 = arith.constant 1 : i32
    %dma_wait3A_251 = arith.constant 0 : i32
    %dma_wait3A_252 = arith.constant 0 : i32
    %dma_wait3A_253 = tpu.memref_slice %arg9[%dma_wait3A_250, %dma_wait3A_251, %dma_wait3A_252] : memref<2x16x128xi32, #tpu.memory_space<vmem>> -> memref<1x16x128xi32, #tpu.memory_space<vmem>>
    %dma_wait3A_254 = tpu.memref_squeeze %dma_wait3A_253 : memref<1x16x128xi32, #tpu.memory_space<vmem>> -> memref<16x128xi32, #tpu.memory_space<vmem>>
    %dma_wait3A_255 = arith.constant 0 : i32
    %dma_wait3A_256 = arith.constant 0 : i32
    %dma_wait3A_257 = tpu.memref_slice %arg3[%dma_wait3A_255, %dma_wait3A_256] : memref<2500x128xi32, #tpu.memory_space<hbm>> -> memref<16x128xi32, #tpu.memory_space<hbm>>
    %dma_wait3A_258 = arith.constant 0 : i32
    %dma_wait3A_259 = arith.constant 0 : i32
    %dma_wait3A_260 = tpu.memref_slice %arg9[%dma_wait3A_250, %dma_wait3A_258, %dma_wait3A_259] : memref<2x16x128xi32, #tpu.memory_space<vmem>> -> memref<1x16x128xi32, #tpu.memory_space<vmem>>
    %dma_wait3A_261 = tpu.memref_squeeze %dma_wait3A_260 : memref<1x16x128xi32, #tpu.memory_space<vmem>> -> memref<16x128xi32, #tpu.memory_space<vmem>>
    %dma_wait3A_262 = arith.constant 0 : i32
    %dma_wait3A_263 = arith.constant 0 : i32
    %dma_wait3A_264 = tpu.memref_slice %arg3[%dma_wait3A_262, %dma_wait3A_263] : memref<2500x128xi32, #tpu.memory_space<hbm>> -> memref<16x128xi32, #tpu.memory_space<hbm>>
    tpu.wait_dma2 semaphore(%arg14 : memref<!tpu.dma_semaphore, #tpu.memory_space<semaphore_mem>>) src(%dma_wait3A_264 : memref<16x128xi32, #tpu.memory_space<hbm>>) dst(%dma_wait3A_261 : memref<16x128xi32, #tpu.memory_space<vmem>>)
    %add3A_265 = arith.constant 64 : i32
    %add3A_266 = arith.addi %mul3A_39, %add3A_265 : i32
    %lt3A_267 = arith.constant 2496 : i32
    %lt3A_268 = arith.cmpi slt, %add3A_266, %lt3A_267 : i32
    %convert_element_type3A_269 = arith.extui %lt3A_268 : i1 to i32
    %cond3A_270 = arith.constant 0 : i32
    %cond3A_271 = arith.cmpi ne, %convert_element_type3A_269, %cond3A_270 : i32
    scf.if %cond3A_271 {
      %dma_start3A_380 = arith.constant 0 : i32
      %dma_start3A_381 = arith.constant 0 : i32
      %dma_start3A_382 = arith.constant 0 : i32
      %dma_start3A_383 = tpu.memref_slice %arg8[%dma_start3A_380, %dma_start3A_381, %dma_start3A_382] : memref<2x16x128xi32, #tpu.memory_space<vmem>> -> memref<1x16x128xi32, #tpu.memory_space<vmem>>
      %dma_start3A_384 = tpu.memref_squeeze %dma_start3A_383 : memref<1x16x128xi32, #tpu.memory_space<vmem>> -> memref<16x128xi32, #tpu.memory_space<vmem>>
      %dma_start3A_385 = arith.constant 0 : i32
      %dma_start3A_386 = tpu.memref_slice %arg2[%add3A_266, %dma_start3A_385] : memref<2500x128xi32, #tpu.memory_space<hbm>> -> memref<16x128xi32, #tpu.memory_space<hbm>>
      %dma_start3A_387 = arith.constant 0 : i32
      %dma_start3A_388 = arith.constant 0 : i32
      %dma_start3A_389 = tpu.memref_slice %arg8[%dma_start3A_380, %dma_start3A_387, %dma_start3A_388] : memref<2x16x128xi32, #tpu.memory_space<vmem>> -> memref<1x16x128xi32, #tpu.memory_space<vmem>>
      %dma_start3A_390 = tpu.memref_squeeze %dma_start3A_389 : memref<1x16x128xi32, #tpu.memory_space<vmem>> -> memref<16x128xi32, #tpu.memory_space<vmem>>
      %dma_start3A_391 = arith.constant 0 : i32
      %dma_start3A_392 = tpu.memref_slice %arg2[%add3A_266, %dma_start3A_391] : memref<2500x128xi32, #tpu.memory_space<hbm>> -> memref<16x128xi32, #tpu.memory_space<hbm>>
      tpu.enqueue_dma source(%dma_start3A_392 : memref<16x128xi32, #tpu.memory_space<hbm>>) target(%dma_start3A_390 : memref<16x128xi32, #tpu.memory_space<vmem>>) target_semaphore(%arg14 : memref<!tpu.dma_semaphore, #tpu.memory_space<semaphore_mem>>)
      %dma_start3A_393 = arith.constant 0 : i32
      %dma_start3A_394 = arith.constant 0 : i32
      %dma_start3A_395 = arith.constant 0 : i32
      %dma_start3A_396 = tpu.memref_slice %arg9[%dma_start3A_393, %dma_start3A_394, %dma_start3A_395] : memref<2x16x128xi32, #tpu.memory_space<vmem>> -> memref<1x16x128xi32, #tpu.memory_space<vmem>>
      %dma_start3A_397 = tpu.memref_squeeze %dma_start3A_396 : memref<1x16x128xi32, #tpu.memory_space<vmem>> -> memref<16x128xi32, #tpu.memory_space<vmem>>
      %dma_start3A_398 = arith.constant 0 : i32
      %dma_start3A_399 = tpu.memref_slice %arg3[%add3A_266, %dma_start3A_398] : memref<2500x128xi32, #tpu.memory_space<hbm>> -> memref<16x128xi32, #tpu.memory_space<hbm>>
      %dma_start3A_400 = arith.constant 0 : i32
      %dma_start3A_401 = arith.constant 0 : i32
      %dma_start3A_402 = tpu.memref_slice %arg9[%dma_start3A_393, %dma_start3A_400, %dma_start3A_401] : memref<2x16x128xi32, #tpu.memory_space<vmem>> -> memref<1x16x128xi32, #tpu.memory_space<vmem>>
      %dma_start3A_403 = tpu.memref_squeeze %dma_start3A_402 : memref<1x16x128xi32, #tpu.memory_space<vmem>> -> memref<16x128xi32, #tpu.memory_space<vmem>>
      %dma_start3A_404 = arith.constant 0 : i32
      %dma_start3A_405 = tpu.memref_slice %arg3[%add3A_266, %dma_start3A_404] : memref<2500x128xi32, #tpu.memory_space<hbm>> -> memref<16x128xi32, #tpu.memory_space<hbm>>
      tpu.enqueue_dma source(%dma_start3A_405 : memref<16x128xi32, #tpu.memory_space<hbm>>) target(%dma_start3A_403 : memref<16x128xi32, #tpu.memory_space<vmem>>) target_semaphore(%arg14 : memref<!tpu.dma_semaphore, #tpu.memory_space<semaphore_mem>>)
    } else {
    }
    %ge3A_272 = arith.constant 2496 : i32
    %ge3A_273 = arith.cmpi sge, %add3A_266, %ge3A_272 : i32
    %convert_element_type3A_274 = arith.extui %ge3A_273 : i1 to i32
    %cond3A_275 = arith.constant 0 : i32
    %cond3A_276 = arith.cmpi ne, %convert_element_type3A_274, %cond3A_275 : i32
    scf.if %cond3A_276 {
      %sub3A = arith.constant 2496 : i32
      %sub3A_380 = arith.subi %add3A_266, %sub3A : i32
      %dma_start3A_381 = arith.constant 0 : i32
      %dma_start3A_382 = arith.constant 0 : i32
      %dma_start3A_383 = arith.constant 0 : i32
      %dma_start3A_384 = tpu.memref_slice %arg8[%dma_start3A_381, %dma_start3A_382, %dma_start3A_383] : memref<2x16x128xi32, #tpu.memory_space<vmem>> -> memref<1x16x128xi32, #tpu.memory_space<vmem>>
      %dma_start3A_385 = tpu.memref_squeeze %dma_start3A_384 : memref<1x16x128xi32, #tpu.memory_space<vmem>> -> memref<16x128xi32, #tpu.memory_space<vmem>>
      %dma_start3A_386 = arith.constant 0 : i32
      %dma_start3A_387 = tpu.memref_slice %arg4[%sub3A_380, %dma_start3A_386] : memref<64x128xi32, #tpu.memory_space<hbm>> -> memref<16x128xi32, #tpu.memory_space<hbm>>
      %dma_start3A_388 = arith.constant 0 : i32
      %dma_start3A_389 = arith.constant 0 : i32
      %dma_start3A_390 = tpu.memref_slice %arg8[%dma_start3A_381, %dma_start3A_388, %dma_start3A_389] : memref<2x16x128xi32, #tpu.memory_space<vmem>> -> memref<1x16x128xi32, #tpu.memory_space<vmem>>
      %dma_start3A_391 = tpu.memref_squeeze %dma_start3A_390 : memref<1x16x128xi32, #tpu.memory_space<vmem>> -> memref<16x128xi32, #tpu.memory_space<vmem>>
      %dma_start3A_392 = arith.constant 0 : i32
      %dma_start3A_393 = tpu.memref_slice %arg4[%sub3A_380, %dma_start3A_392] : memref<64x128xi32, #tpu.memory_space<hbm>> -> memref<16x128xi32, #tpu.memory_space<hbm>>
      tpu.enqueue_dma source(%dma_start3A_393 : memref<16x128xi32, #tpu.memory_space<hbm>>) target(%dma_start3A_391 : memref<16x128xi32, #tpu.memory_space<vmem>>) target_semaphore(%arg14 : memref<!tpu.dma_semaphore, #tpu.memory_space<semaphore_mem>>)
      %sub3A_394 = arith.constant 2496 : i32
      %sub3A_395 = arith.subi %add3A_266, %sub3A_394 : i32
      %dma_start3A_396 = arith.constant 0 : i32
      %dma_start3A_397 = arith.constant 0 : i32
      %dma_start3A_398 = arith.constant 0 : i32
      %dma_start3A_399 = tpu.memref_slice %arg9[%dma_start3A_396, %dma_start3A_397, %dma_start3A_398] : memref<2x16x128xi32, #tpu.memory_space<vmem>> -> memref<1x16x128xi32, #tpu.memory_space<vmem>>
      %dma_start3A_400 = tpu.memref_squeeze %dma_start3A_399 : memref<1x16x128xi32, #tpu.memory_space<vmem>> -> memref<16x128xi32, #tpu.memory_space<vmem>>
      %dma_start3A_401 = arith.constant 0 : i32
      %dma_start3A_402 = tpu.memref_slice %arg5[%sub3A_395, %dma_start3A_401] : memref<64x128xi32, #tpu.memory_space<hbm>> -> memref<16x128xi32, #tpu.memory_space<hbm>>
      %dma_start3A_403 = arith.constant 0 : i32
      %dma_start3A_404 = arith.constant 0 : i32
      %dma_start3A_405 = tpu.memref_slice %arg9[%dma_start3A_396, %dma_start3A_403, %dma_start3A_404] : memref<2x16x128xi32, #tpu.memory_space<vmem>> -> memref<1x16x128xi32, #tpu.memory_space<vmem>>
      %dma_start3A_406 = tpu.memref_squeeze %dma_start3A_405 : memref<1x16x128xi32, #tpu.memory_space<vmem>> -> memref<16x128xi32, #tpu.memory_space<vmem>>
      %dma_start3A_407 = arith.constant 0 : i32
      %dma_start3A_408 = tpu.memref_slice %arg5[%sub3A_395, %dma_start3A_407] : memref<64x128xi32, #tpu.memory_space<hbm>> -> memref<16x128xi32, #tpu.memory_space<hbm>>
      tpu.enqueue_dma source(%dma_start3A_408 : memref<16x128xi32, #tpu.memory_space<hbm>>) target(%dma_start3A_406 : memref<16x128xi32, #tpu.memory_space<vmem>>) target_semaphore(%arg14 : memref<!tpu.dma_semaphore, #tpu.memory_space<semaphore_mem>>)
    } else {
    }
    %dma_start3A_277 = arith.constant 1 : i32
    %dma_start3A_278 = arith.constant 0 : i32
    %dma_start3A_279 = arith.constant 0 : i32
    %dma_start3A_280 = arith.constant 0 : i32
    %dma_start3A_281 = tpu.memref_slice %arg8[%dma_start3A_277, %dma_start3A_279, %dma_start3A_280] : memref<2x16x128xi32, #tpu.memory_space<vmem>> -> memref<1x16x128xi32, #tpu.memory_space<vmem>>
    %dma_start3A_282 = tpu.memref_squeeze %dma_start3A_281 : memref<1x16x128xi32, #tpu.memory_space<vmem>> -> memref<16x128xi32, #tpu.memory_space<vmem>>
    %dma_start3A_283 = arith.constant 0 : i32
    %dma_start3A_284 = tpu.memref_slice %dma_start3A_282[%dma_start3A_278, %dma_start3A_283] : memref<16x128xi32, #tpu.memory_space<vmem>> -> memref<1x128xi32, #tpu.memory_space<vmem>>
    %dma_start3A_285 = tpu.memref_squeeze %dma_start3A_284 : memref<1x128xi32, #tpu.memory_space<vmem>> -> memref<128xi32, #tpu.memory_space<vmem>>
    %dma_start3A_286 = arith.constant 0 : i32
    %dma_start3A_287 = arith.constant 0 : i32
    %dma_start3A_288 = tpu.memref_slice %arg6[%dma_start3A_286, %dma_start3A_287] : memref<10000x128xf32, #tpu.memory_space<hbm>> -> memref<10000x128xf32, #tpu.memory_space<hbm>>
    tpu.enqueue_indirect_dma source(%dma_start3A_288 : memref<10000x128xf32, #tpu.memory_space<hbm>>) target(%arg10 : memref<128x128xf32, #tpu.memory_space<vmem>>) offsets(%dma_start3A_285 : memref<128xi32, #tpu.memory_space<vmem>>) semaphore(%arg12 : memref<!tpu.dma_semaphore, #tpu.memory_space<semaphore_mem>>)
    %scan3A_289 = arith.constant 1 : i32
    %scan3A_290 = arith.constant 1 : i32
    %scan3A_291 = arith.constant 0 : i32
    %scan3A_292 = arith.constant 0 : i32
    %scan3A_293 = arith.constant 8 : i32
    %scan3A_294 = arith.addi %scan3A_292, %scan3A_293 : i32
    %scan3A_295 = arith.constant 1 : i32
    %scan3A_296 = scf.for %scan3A_380 = %scan3A_292 to %scan3A_294 step %scan3A_295 iter_args(%scan3A_381 = %scan3A_291) -> (i32)  : i32 {
      %mul3A_382 = arith.constant 2 : i32
      %mul3A_383 = arith.muli %scan3A_380, %mul3A_382 : i32
      %dma_wait3A_384 = arith.constant 0 : i32
      %dma_wait3A_385 = arith.constant 0 : i32
      %dma_wait3A_386 = tpu.memref_slice %arg8[%scan3A_289, %dma_wait3A_384, %dma_wait3A_385] : memref<2x16x128xi32, #tpu.memory_space<vmem>> -> memref<1x16x128xi32, #tpu.memory_space<vmem>>
      %dma_wait3A_387 = tpu.memref_squeeze %dma_wait3A_386 : memref<1x16x128xi32, #tpu.memory_space<vmem>> -> memref<16x128xi32, #tpu.memory_space<vmem>>
      %dma_wait3A_388 = arith.constant 0 : i32
      %dma_wait3A_389 = tpu.memref_slice %dma_wait3A_387[%mul3A_383, %dma_wait3A_388] : memref<16x128xi32, #tpu.memory_space<vmem>> -> memref<1x128xi32, #tpu.memory_space<vmem>>
      %dma_wait3A_390 = tpu.memref_squeeze %dma_wait3A_389 : memref<1x128xi32, #tpu.memory_space<vmem>> -> memref<128xi32, #tpu.memory_space<vmem>>
      %dma_wait3A_391 = arith.constant 0 : i32
      %dma_wait3A_392 = arith.constant 0 : i32
      %dma_wait3A_393 = tpu.memref_slice %arg6[%dma_wait3A_391, %dma_wait3A_392] : memref<10000x128xf32, #tpu.memory_space<hbm>> -> memref<10000x128xf32, #tpu.memory_space<hbm>>
      tpu.wait_indirect_dma semaphore(%arg12 : memref<!tpu.dma_semaphore, #tpu.memory_space<semaphore_mem>>) src(%dma_wait3A_393 : memref<10000x128xf32, #tpu.memory_space<hbm>>) dst(%arg10 : memref<128x128xf32, #tpu.memory_space<vmem>>)
      %add3A_394 = arith.constant 1 : i32
      %add3A_395 = arith.addi %mul3A_383, %add3A_394 : i32
      %dma_start3A_396 = arith.constant 0 : i32
      %dma_start3A_397 = arith.constant 0 : i32
      %dma_start3A_398 = tpu.memref_slice %arg8[%scan3A_289, %dma_start3A_396, %dma_start3A_397] : memref<2x16x128xi32, #tpu.memory_space<vmem>> -> memref<1x16x128xi32, #tpu.memory_space<vmem>>
      %dma_start3A_399 = tpu.memref_squeeze %dma_start3A_398 : memref<1x16x128xi32, #tpu.memory_space<vmem>> -> memref<16x128xi32, #tpu.memory_space<vmem>>
      %dma_start3A_400 = arith.constant 0 : i32
      %dma_start3A_401 = tpu.memref_slice %dma_start3A_399[%add3A_395, %dma_start3A_400] : memref<16x128xi32, #tpu.memory_space<vmem>> -> memref<1x128xi32, #tpu.memory_space<vmem>>
      %dma_start3A_402 = tpu.memref_squeeze %dma_start3A_401 : memref<1x128xi32, #tpu.memory_space<vmem>> -> memref<128xi32, #tpu.memory_space<vmem>>
      %dma_start3A_403 = arith.constant 0 : i32
      %dma_start3A_404 = arith.constant 0 : i32
      %dma_start3A_405 = tpu.memref_slice %arg6[%dma_start3A_403, %dma_start3A_404] : memref<10000x128xf32, #tpu.memory_space<hbm>> -> memref<10000x128xf32, #tpu.memory_space<hbm>>
      tpu.enqueue_indirect_dma source(%dma_start3A_405 : memref<10000x128xf32, #tpu.memory_space<hbm>>) target(%arg11 : memref<128x128xf32, #tpu.memory_space<vmem>>) offsets(%dma_start3A_402 : memref<128xi32, #tpu.memory_space<vmem>>) semaphore(%arg13 : memref<!tpu.dma_semaphore, #tpu.memory_space<semaphore_mem>>)
      "tpu.region"() ({
        %run_scoped3A = tpu.sem_alloc : memref<!tpu.dma_semaphore, #tpu.memory_space<semaphore_mem>>
        %dma_start3A_426 = arith.constant 0 : i32
        %dma_start3A_427 = arith.constant 0 : i32
        %dma_start3A_428 = tpu.memref_slice %arg9[%scan3A_290, %dma_start3A_426, %dma_start3A_427] : memref<2x16x128xi32, #tpu.memory_space<vmem>> -> memref<1x16x128xi32, #tpu.memory_space<vmem>>
        %dma_start3A_429 = tpu.memref_squeeze %dma_start3A_428 : memref<1x16x128xi32, #tpu.memory_space<vmem>> -> memref<16x128xi32, #tpu.memory_space<vmem>>
        %dma_start3A_430 = arith.constant 0 : i32
        %dma_start3A_431 = tpu.memref_slice %dma_start3A_429[%mul3A_383, %dma_start3A_430] : memref<16x128xi32, #tpu.memory_space<vmem>> -> memref<1x128xi32, #tpu.memory_space<vmem>>
        %dma_start3A_432 = tpu.memref_squeeze %dma_start3A_431 : memref<1x128xi32, #tpu.memory_space<vmem>> -> memref<128xi32, #tpu.memory_space<vmem>>
        %dma_start3A_433 = arith.constant 0 : i32
        %dma_start3A_434 = arith.constant 0 : i32
        %dma_start3A_435 = tpu.memref_slice %arg17[%dma_start3A_433, %dma_start3A_434] : memref<10240x128xf32, #tpu.memory_space<vmem_shared>> -> memref<10240x128xf32, #tpu.memory_space<vmem_shared>>
        tpu.enqueue_indirect_dma source(%arg10 : memref<128x128xf32, #tpu.memory_space<vmem>>) target(%dma_start3A_435 : memref<10240x128xf32, #tpu.memory_space<vmem_shared>>) offsets(%dma_start3A_432 : memref<128xi32, #tpu.memory_space<vmem>>) semaphore(%run_scoped3A : memref<!tpu.dma_semaphore, #tpu.memory_space<semaphore_mem>>) {add = true}
        %dma_wait3A_436 = arith.constant 0 : i32
        %dma_wait3A_437 = arith.constant 0 : i32
        %dma_wait3A_438 = tpu.memref_slice %arg9[%scan3A_290, %dma_wait3A_436, %dma_wait3A_437] : memref<2x16x128xi32, #tpu.memory_space<vmem>> -> memref<1x16x128xi32, #tpu.memory_space<vmem>>
        %dma_wait3A_439 = tpu.memref_squeeze %dma_wait3A_438 : memref<1x16x128xi32, #tpu.memory_space<vmem>> -> memref<16x128xi32, #tpu.memory_space<vmem>>
        %dma_wait3A_440 = arith.constant 0 : i32
        %dma_wait3A_441 = tpu.memref_slice %dma_wait3A_439[%mul3A_383, %dma_wait3A_440] : memref<16x128xi32, #tpu.memory_space<vmem>> -> memref<1x128xi32, #tpu.memory_space<vmem>>
        %dma_wait3A_442 = tpu.memref_squeeze %dma_wait3A_441 : memref<1x128xi32, #tpu.memory_space<vmem>> -> memref<128xi32, #tpu.memory_space<vmem>>
        %dma_wait3A_443 = arith.constant 0 : i32
        %dma_wait3A_444 = arith.constant 0 : i32
        %dma_wait3A_445 = tpu.memref_slice %arg17[%dma_wait3A_443, %dma_wait3A_444] : memref<10240x128xf32, #tpu.memory_space<vmem_shared>> -> memref<10240x128xf32, #tpu.memory_space<vmem_shared>>
        tpu.wait_indirect_dma semaphore(%run_scoped3A : memref<!tpu.dma_semaphore, #tpu.memory_space<semaphore_mem>>) src(%arg10 : memref<128x128xf32, #tpu.memory_space<vmem>>) dst(%dma_wait3A_445 : memref<10240x128xf32, #tpu.memory_space<vmem_shared>>)
        tpu.yield
      }) : () -> ()
      %add3A_406 = arith.constant 1 : i32
      %add3A_407 = arith.addi %scan3A_380, %add3A_406 : i32
      %lt3A_408 = arith.constant 8 : i32
      %lt3A_409 = arith.cmpi slt, %add3A_407, %lt3A_408 : i32
      %convert_element_type3A_410 = arith.extui %lt3A_409 : i1 to i32
      %cond3A_411 = arith.constant 0 : i32
      %cond3A_412 = arith.cmpi ne, %convert_element_type3A_410, %cond3A_411 : i32
      scf.if %cond3A_412 {
        %add3A_426 = arith.constant 2 : i32
        %add3A_427 = arith.addi %mul3A_383, %add3A_426 : i32
        %dma_start3A_428 = arith.constant 0 : i32
        %dma_start3A_429 = arith.constant 0 : i32
        %dma_start3A_430 = tpu.memref_slice %arg8[%scan3A_289, %dma_start3A_428, %dma_start3A_429] : memref<2x16x128xi32, #tpu.memory_space<vmem>> -> memref<1x16x128xi32, #tpu.memory_space<vmem>>
        %dma_start3A_431 = tpu.memref_squeeze %dma_start3A_430 : memref<1x16x128xi32, #tpu.memory_space<vmem>> -> memref<16x128xi32, #tpu.memory_space<vmem>>
        %dma_start3A_432 = arith.constant 0 : i32
        %dma_start3A_433 = tpu.memref_slice %dma_start3A_431[%add3A_427, %dma_start3A_432] : memref<16x128xi32, #tpu.memory_space<vmem>> -> memref<1x128xi32, #tpu.memory_space<vmem>>
        %dma_start3A_434 = tpu.memref_squeeze %dma_start3A_433 : memref<1x128xi32, #tpu.memory_space<vmem>> -> memref<128xi32, #tpu.memory_space<vmem>>
        %dma_start3A_435 = arith.constant 0 : i32
        %dma_start3A_436 = arith.constant 0 : i32
        %dma_start3A_437 = tpu.memref_slice %arg6[%dma_start3A_435, %dma_start3A_436] : memref<10000x128xf32, #tpu.memory_space<hbm>> -> memref<10000x128xf32, #tpu.memory_space<hbm>>
        tpu.enqueue_indirect_dma source(%dma_start3A_437 : memref<10000x128xf32, #tpu.memory_space<hbm>>) target(%arg10 : memref<128x128xf32, #tpu.memory_space<vmem>>) offsets(%dma_start3A_434 : memref<128xi32, #tpu.memory_space<vmem>>) semaphore(%arg12 : memref<!tpu.dma_semaphore, #tpu.memory_space<semaphore_mem>>)
      } else {
      }
      %dma_wait3A_413 = arith.constant 0 : i32
      %dma_wait3A_414 = arith.constant 0 : i32
      %dma_wait3A_415 = tpu.memref_slice %arg8[%scan3A_289, %dma_wait3A_413, %dma_wait3A_414] : memref<2x16x128xi32, #tpu.memory_space<vmem>> -> memref<1x16x128xi32, #tpu.memory_space<vmem>>
      %dma_wait3A_416 = tpu.memref_squeeze %dma_wait3A_415 : memref<1x16x128xi32, #tpu.memory_space<vmem>> -> memref<16x128xi32, #tpu.memory_space<vmem>>
      %dma_wait3A_417 = arith.constant 0 : i32
      %dma_wait3A_418 = tpu.memref_slice %dma_wait3A_416[%add3A_395, %dma_wait3A_417] : memref<16x128xi32, #tpu.memory_space<vmem>> -> memref<1x128xi32, #tpu.memory_space<vmem>>
      %dma_wait3A_419 = tpu.memref_squeeze %dma_wait3A_418 : memref<1x128xi32, #tpu.memory_space<vmem>> -> memref<128xi32, #tpu.memory_space<vmem>>
      %dma_wait3A_420 = arith.constant 0 : i32
      %dma_wait3A_421 = arith.constant 0 : i32
      %dma_wait3A_422 = tpu.memref_slice %arg6[%dma_wait3A_420, %dma_wait3A_421] : memref<10000x128xf32, #tpu.memory_space<hbm>> -> memref<10000x128xf32, #tpu.memory_space<hbm>>
      tpu.wait_indirect_dma semaphore(%arg13 : memref<!tpu.dma_semaphore, #tpu.memory_space<semaphore_mem>>) src(%dma_wait3A_422 : memref<10000x128xf32, #tpu.memory_space<hbm>>) dst(%arg11 : memref<128x128xf32, #tpu.memory_space<vmem>>)
      %add3A_423 = arith.constant 1 : i32
      %add3A_424 = arith.addi %mul3A_383, %add3A_423 : i32
      "tpu.region"() ({
        %run_scoped3A = tpu.sem_alloc : memref<!tpu.dma_semaphore, #tpu.memory_space<semaphore_mem>>
        %dma_start3A_426 = arith.constant 0 : i32
        %dma_start3A_427 = arith.constant 0 : i32
        %dma_start3A_428 = tpu.memref_slice %arg9[%scan3A_290, %dma_start3A_426, %dma_start3A_427] : memref<2x16x128xi32, #tpu.memory_space<vmem>> -> memref<1x16x128xi32, #tpu.memory_space<vmem>>
        %dma_start3A_429 = tpu.memref_squeeze %dma_start3A_428 : memref<1x16x128xi32, #tpu.memory_space<vmem>> -> memref<16x128xi32, #tpu.memory_space<vmem>>
        %dma_start3A_430 = arith.constant 0 : i32
        %dma_start3A_431 = tpu.memref_slice %dma_start3A_429[%add3A_424, %dma_start3A_430] : memref<16x128xi32, #tpu.memory_space<vmem>> -> memref<1x128xi32, #tpu.memory_space<vmem>>
        %dma_start3A_432 = tpu.memref_squeeze %dma_start3A_431 : memref<1x128xi32, #tpu.memory_space<vmem>> -> memref<128xi32, #tpu.memory_space<vmem>>
        %dma_start3A_433 = arith.constant 0 : i32
        %dma_start3A_434 = arith.constant 0 : i32
        %dma_start3A_435 = tpu.memref_slice %arg17[%dma_start3A_433, %dma_start3A_434] : memref<10240x128xf32, #tpu.memory_space<vmem_shared>> -> memref<10240x128xf32, #tpu.memory_space<vmem_shared>>
        tpu.enqueue_indirect_dma source(%arg11 : memref<128x128xf32, #tpu.memory_space<vmem>>) target(%dma_start3A_435 : memref<10240x128xf32, #tpu.memory_space<vmem_shared>>) offsets(%dma_start3A_432 : memref<128xi32, #tpu.memory_space<vmem>>) semaphore(%run_scoped3A : memref<!tpu.dma_semaphore, #tpu.memory_space<semaphore_mem>>) {add = true}
        %dma_wait3A_436 = arith.constant 0 : i32
        %dma_wait3A_437 = arith.constant 0 : i32
        %dma_wait3A_438 = tpu.memref_slice %arg9[%scan3A_290, %dma_wait3A_436, %dma_wait3A_437] : memref<2x16x128xi32, #tpu.memory_space<vmem>> -> memref<1x16x128xi32, #tpu.memory_space<vmem>>
        %dma_wait3A_439 = tpu.memref_squeeze %dma_wait3A_438 : memref<1x16x128xi32, #tpu.memory_space<vmem>> -> memref<16x128xi32, #tpu.memory_space<vmem>>
        %dma_wait3A_440 = arith.constant 0 : i32
        %dma_wait3A_441 = tpu.memref_slice %dma_wait3A_439[%add3A_424, %dma_wait3A_440] : memref<16x128xi32, #tpu.memory_space<vmem>> -> memref<1x128xi32, #tpu.memory_space<vmem>>
        %dma_wait3A_442 = tpu.memref_squeeze %dma_wait3A_441 : memref<1x128xi32, #tpu.memory_space<vmem>> -> memref<128xi32, #tpu.memory_space<vmem>>
        %dma_wait3A_443 = arith.constant 0 : i32
        %dma_wait3A_444 = arith.constant 0 : i32
        %dma_wait3A_445 = tpu.memref_slice %arg17[%dma_wait3A_443, %dma_wait3A_444] : memref<10240x128xf32, #tpu.memory_space<vmem_shared>> -> memref<10240x128xf32, #tpu.memory_space<vmem_shared>>
        tpu.wait_indirect_dma semaphore(%run_scoped3A : memref<!tpu.dma_semaphore, #tpu.memory_space<semaphore_mem>>) src(%arg11 : memref<128x128xf32, #tpu.memory_space<vmem>>) dst(%dma_wait3A_445 : memref<10240x128xf32, #tpu.memory_space<vmem_shared>>)
        tpu.yield
      }) : () -> ()
      %scan3A_425 = arith.constant 0 : i32
      scf.yield %scan3A_425 : i32
    }
    %scan3A_297 = arith.constant 8 : i32
    %dma_wait3A_298 = arith.constant 0 : i32
    %dma_wait3A_299 = arith.constant 0 : i32
    %dma_wait3A_300 = arith.constant 0 : i32
    %dma_wait3A_301 = tpu.memref_slice %arg8[%dma_wait3A_298, %dma_wait3A_299, %dma_wait3A_300] : memref<2x16x128xi32, #tpu.memory_space<vmem>> -> memref<1x16x128xi32, #tpu.memory_space<vmem>>
    %dma_wait3A_302 = tpu.memref_squeeze %dma_wait3A_301 : memref<1x16x128xi32, #tpu.memory_space<vmem>> -> memref<16x128xi32, #tpu.memory_space<vmem>>
    %dma_wait3A_303 = arith.constant 0 : i32
    %dma_wait3A_304 = arith.constant 0 : i32
    %dma_wait3A_305 = tpu.memref_slice %arg2[%dma_wait3A_303, %dma_wait3A_304] : memref<2500x128xi32, #tpu.memory_space<hbm>> -> memref<16x128xi32, #tpu.memory_space<hbm>>
    %dma_wait3A_306 = arith.constant 0 : i32
    %dma_wait3A_307 = arith.constant 0 : i32
    %dma_wait3A_308 = tpu.memref_slice %arg8[%dma_wait3A_298, %dma_wait3A_306, %dma_wait3A_307] : memref<2x16x128xi32, #tpu.memory_space<vmem>> -> memref<1x16x128xi32, #tpu.memory_space<vmem>>
    %dma_wait3A_309 = tpu.memref_squeeze %dma_wait3A_308 : memref<1x16x128xi32, #tpu.memory_space<vmem>> -> memref<16x128xi32, #tpu.memory_space<vmem>>
    %dma_wait3A_310 = arith.constant 0 : i32
    %dma_wait3A_311 = arith.constant 0 : i32
    %dma_wait3A_312 = tpu.memref_slice %arg2[%dma_wait3A_310, %dma_wait3A_311] : memref<2500x128xi32, #tpu.memory_space<hbm>> -> memref<16x128xi32, #tpu.memory_space<hbm>>
    tpu.wait_dma2 semaphore(%arg14 : memref<!tpu.dma_semaphore, #tpu.memory_space<semaphore_mem>>) src(%dma_wait3A_312 : memref<16x128xi32, #tpu.memory_space<hbm>>) dst(%dma_wait3A_309 : memref<16x128xi32, #tpu.memory_space<vmem>>)
    %dma_wait3A_313 = arith.constant 0 : i32
    %dma_wait3A_314 = arith.constant 0 : i32
    %dma_wait3A_315 = arith.constant 0 : i32
    %dma_wait3A_316 = tpu.memref_slice %arg9[%dma_wait3A_313, %dma_wait3A_314, %dma_wait3A_315] : memref<2x16x128xi32, #tpu.memory_space<vmem>> -> memref<1x16x128xi32, #tpu.memory_space<vmem>>
    %dma_wait3A_317 = tpu.memref_squeeze %dma_wait3A_316 : memref<1x16x128xi32, #tpu.memory_space<vmem>> -> memref<16x128xi32, #tpu.memory_space<vmem>>
    %dma_wait3A_318 = arith.constant 0 : i32
    %dma_wait3A_319 = arith.constant 0 : i32
    %dma_wait3A_320 = tpu.memref_slice %arg3[%dma_wait3A_318, %dma_wait3A_319] : memref<2500x128xi32, #tpu.memory_space<hbm>> -> memref<16x128xi32, #tpu.memory_space<hbm>>
    %dma_wait3A_321 = arith.constant 0 : i32
    %dma_wait3A_322 = arith.constant 0 : i32
    %dma_wait3A_323 = tpu.memref_slice %arg9[%dma_wait3A_313, %dma_wait3A_321, %dma_wait3A_322] : memref<2x16x128xi32, #tpu.memory_space<vmem>> -> memref<1x16x128xi32, #tpu.memory_space<vmem>>
    %dma_wait3A_324 = tpu.memref_squeeze %dma_wait3A_323 : memref<1x16x128xi32, #tpu.memory_space<vmem>> -> memref<16x128xi32, #tpu.memory_space<vmem>>
    %dma_wait3A_325 = arith.constant 0 : i32
    %dma_wait3A_326 = arith.constant 0 : i32
    %dma_wait3A_327 = tpu.memref_slice %arg3[%dma_wait3A_325, %dma_wait3A_326] : memref<2500x128xi32, #tpu.memory_space<hbm>> -> memref<16x128xi32, #tpu.memory_space<hbm>>
    tpu.wait_dma2 semaphore(%arg14 : memref<!tpu.dma_semaphore, #tpu.memory_space<semaphore_mem>>) src(%dma_wait3A_327 : memref<16x128xi32, #tpu.memory_space<hbm>>) dst(%dma_wait3A_324 : memref<16x128xi32, #tpu.memory_space<vmem>>)
    %dma_start3A_328 = arith.constant 0 : i32
    %dma_start3A_329 = arith.constant 0 : i32
    %dma_start3A_330 = arith.constant 0 : i32
    %dma_start3A_331 = arith.constant 0 : i32
    %dma_start3A_332 = tpu.memref_slice %arg8[%dma_start3A_328, %dma_start3A_330, %dma_start3A_331] : memref<2x16x128xi32, #tpu.memory_space<vmem>> -> memref<1x16x128xi32, #tpu.memory_space<vmem>>
    %dma_start3A_333 = tpu.memref_squeeze %dma_start3A_332 : memref<1x16x128xi32, #tpu.memory_space<vmem>> -> memref<16x128xi32, #tpu.memory_space<vmem>>
    %dma_start3A_334 = arith.constant 0 : i32
    %dma_start3A_335 = tpu.memref_slice %dma_start3A_333[%dma_start3A_329, %dma_start3A_334] : memref<16x128xi32, #tpu.memory_space<vmem>> -> memref<1x128xi32, #tpu.memory_space<vmem>>
    %dma_start3A_336 = tpu.memref_squeeze %dma_start3A_335 : memref<1x128xi32, #tpu.memory_space<vmem>> -> memref<128xi32, #tpu.memory_space<vmem>>
    %dma_start3A_337 = arith.constant 0 : i32
    %dma_start3A_338 = arith.constant 0 : i32
    %dma_start3A_339 = tpu.memref_slice %arg6[%dma_start3A_337, %dma_start3A_338] : memref<10000x128xf32, #tpu.memory_space<hbm>> -> memref<10000x128xf32, #tpu.memory_space<hbm>>
    tpu.enqueue_indirect_dma source(%dma_start3A_339 : memref<10000x128xf32, #tpu.memory_space<hbm>>) target(%arg10 : memref<128x128xf32, #tpu.memory_space<vmem>>) offsets(%dma_start3A_336 : memref<128xi32, #tpu.memory_space<vmem>>) semaphore(%arg12 : memref<!tpu.dma_semaphore, #tpu.memory_space<semaphore_mem>>)
    %scan3A_340 = arith.constant 0 : i32
    %scan3A_341 = arith.constant 0 : i32
    %scan3A_342 = arith.constant 0 : i32
    %scan3A_343 = arith.constant 0 : i32
    %scan3A_344 = arith.constant 8 : i32
    %scan3A_345 = arith.addi %scan3A_343, %scan3A_344 : i32
    %scan3A_346 = arith.constant 1 : i32
    %scan3A_347 = scf.for %scan3A_380 = %scan3A_343 to %scan3A_345 step %scan3A_346 iter_args(%scan3A_381 = %scan3A_342) -> (i32)  : i32 {
      %mul3A_382 = arith.constant 2 : i32
      %mul3A_383 = arith.muli %scan3A_380, %mul3A_382 : i32
      %dma_wait3A_384 = arith.constant 0 : i32
      %dma_wait3A_385 = arith.constant 0 : i32
      %dma_wait3A_386 = tpu.memref_slice %arg8[%scan3A_340, %dma_wait3A_384, %dma_wait3A_385] : memref<2x16x128xi32, #tpu.memory_space<vmem>> -> memref<1x16x128xi32, #tpu.memory_space<vmem>>
      %dma_wait3A_387 = tpu.memref_squeeze %dma_wait3A_386 : memref<1x16x128xi32, #tpu.memory_space<vmem>> -> memref<16x128xi32, #tpu.memory_space<vmem>>
      %dma_wait3A_388 = arith.constant 0 : i32
      %dma_wait3A_389 = tpu.memref_slice %dma_wait3A_387[%mul3A_383, %dma_wait3A_388] : memref<16x128xi32, #tpu.memory_space<vmem>> -> memref<1x128xi32, #tpu.memory_space<vmem>>
      %dma_wait3A_390 = tpu.memref_squeeze %dma_wait3A_389 : memref<1x128xi32, #tpu.memory_space<vmem>> -> memref<128xi32, #tpu.memory_space<vmem>>
      %dma_wait3A_391 = arith.constant 0 : i32
      %dma_wait3A_392 = arith.constant 0 : i32
      %dma_wait3A_393 = tpu.memref_slice %arg6[%dma_wait3A_391, %dma_wait3A_392] : memref<10000x128xf32, #tpu.memory_space<hbm>> -> memref<10000x128xf32, #tpu.memory_space<hbm>>
      tpu.wait_indirect_dma semaphore(%arg12 : memref<!tpu.dma_semaphore, #tpu.memory_space<semaphore_mem>>) src(%dma_wait3A_393 : memref<10000x128xf32, #tpu.memory_space<hbm>>) dst(%arg10 : memref<128x128xf32, #tpu.memory_space<vmem>>)
      %add3A_394 = arith.constant 1 : i32
      %add3A_395 = arith.addi %mul3A_383, %add3A_394 : i32
      %dma_start3A_396 = arith.constant 0 : i32
      %dma_start3A_397 = arith.constant 0 : i32
      %dma_start3A_398 = tpu.memref_slice %arg8[%scan3A_340, %dma_start3A_396, %dma_start3A_397] : memref<2x16x128xi32, #tpu.memory_space<vmem>> -> memref<1x16x128xi32, #tpu.memory_space<vmem>>
      %dma_start3A_399 = tpu.memref_squeeze %dma_start3A_398 : memref<1x16x128xi32, #tpu.memory_space<vmem>> -> memref<16x128xi32, #tpu.memory_space<vmem>>
      %dma_start3A_400 = arith.constant 0 : i32
      %dma_start3A_401 = tpu.memref_slice %dma_start3A_399[%add3A_395, %dma_start3A_400] : memref<16x128xi32, #tpu.memory_space<vmem>> -> memref<1x128xi32, #tpu.memory_space<vmem>>
      %dma_start3A_402 = tpu.memref_squeeze %dma_start3A_401 : memref<1x128xi32, #tpu.memory_space<vmem>> -> memref<128xi32, #tpu.memory_space<vmem>>
      %dma_start3A_403 = arith.constant 0 : i32
      %dma_start3A_404 = arith.constant 0 : i32
      %dma_start3A_405 = tpu.memref_slice %arg6[%dma_start3A_403, %dma_start3A_404] : memref<10000x128xf32, #tpu.memory_space<hbm>> -> memref<10000x128xf32, #tpu.memory_space<hbm>>
      tpu.enqueue_indirect_dma source(%dma_start3A_405 : memref<10000x128xf32, #tpu.memory_space<hbm>>) target(%arg11 : memref<128x128xf32, #tpu.memory_space<vmem>>) offsets(%dma_start3A_402 : memref<128xi32, #tpu.memory_space<vmem>>) semaphore(%arg13 : memref<!tpu.dma_semaphore, #tpu.memory_space<semaphore_mem>>)
      "tpu.region"() ({
        %run_scoped3A = tpu.sem_alloc : memref<!tpu.dma_semaphore, #tpu.memory_space<semaphore_mem>>
        %dma_start3A_426 = arith.constant 0 : i32
        %dma_start3A_427 = arith.constant 0 : i32
        %dma_start3A_428 = tpu.memref_slice %arg9[%scan3A_341, %dma_start3A_426, %dma_start3A_427] : memref<2x16x128xi32, #tpu.memory_space<vmem>> -> memref<1x16x128xi32, #tpu.memory_space<vmem>>
        %dma_start3A_429 = tpu.memref_squeeze %dma_start3A_428 : memref<1x16x128xi32, #tpu.memory_space<vmem>> -> memref<16x128xi32, #tpu.memory_space<vmem>>
        %dma_start3A_430 = arith.constant 0 : i32
        %dma_start3A_431 = tpu.memref_slice %dma_start3A_429[%mul3A_383, %dma_start3A_430] : memref<16x128xi32, #tpu.memory_space<vmem>> -> memref<1x128xi32, #tpu.memory_space<vmem>>
        %dma_start3A_432 = tpu.memref_squeeze %dma_start3A_431 : memref<1x128xi32, #tpu.memory_space<vmem>> -> memref<128xi32, #tpu.memory_space<vmem>>
        %dma_start3A_433 = arith.constant 0 : i32
        %dma_start3A_434 = arith.constant 0 : i32
        %dma_start3A_435 = tpu.memref_slice %arg17[%dma_start3A_433, %dma_start3A_434] : memref<10240x128xf32, #tpu.memory_space<vmem_shared>> -> memref<10240x128xf32, #tpu.memory_space<vmem_shared>>
        tpu.enqueue_indirect_dma source(%arg10 : memref<128x128xf32, #tpu.memory_space<vmem>>) target(%dma_start3A_435 : memref<10240x128xf32, #tpu.memory_space<vmem_shared>>) offsets(%dma_start3A_432 : memref<128xi32, #tpu.memory_space<vmem>>) semaphore(%run_scoped3A : memref<!tpu.dma_semaphore, #tpu.memory_space<semaphore_mem>>) {add = true}
        %dma_wait3A_436 = arith.constant 0 : i32
        %dma_wait3A_437 = arith.constant 0 : i32
        %dma_wait3A_438 = tpu.memref_slice %arg9[%scan3A_341, %dma_wait3A_436, %dma_wait3A_437] : memref<2x16x128xi32, #tpu.memory_space<vmem>> -> memref<1x16x128xi32, #tpu.memory_space<vmem>>
        %dma_wait3A_439 = tpu.memref_squeeze %dma_wait3A_438 : memref<1x16x128xi32, #tpu.memory_space<vmem>> -> memref<16x128xi32, #tpu.memory_space<vmem>>
        %dma_wait3A_440 = arith.constant 0 : i32
        %dma_wait3A_441 = tpu.memref_slice %dma_wait3A_439[%mul3A_383, %dma_wait3A_440] : memref<16x128xi32, #tpu.memory_space<vmem>> -> memref<1x128xi32, #tpu.memory_space<vmem>>
        %dma_wait3A_442 = tpu.memref_squeeze %dma_wait3A_441 : memref<1x128xi32, #tpu.memory_space<vmem>> -> memref<128xi32, #tpu.memory_space<vmem>>
        %dma_wait3A_443 = arith.constant 0 : i32
        %dma_wait3A_444 = arith.constant 0 : i32
        %dma_wait3A_445 = tpu.memref_slice %arg17[%dma_wait3A_443, %dma_wait3A_444] : memref<10240x128xf32, #tpu.memory_space<vmem_shared>> -> memref<10240x128xf32, #tpu.memory_space<vmem_shared>>
        tpu.wait_indirect_dma semaphore(%run_scoped3A : memref<!tpu.dma_semaphore, #tpu.memory_space<semaphore_mem>>) src(%arg10 : memref<128x128xf32, #tpu.memory_space<vmem>>) dst(%dma_wait3A_445 : memref<10240x128xf32, #tpu.memory_space<vmem_shared>>)
        tpu.yield
      }) : () -> ()
      %add3A_406 = arith.constant 1 : i32
      %add3A_407 = arith.addi %scan3A_380, %add3A_406 : i32
      %lt3A_408 = arith.constant 8 : i32
      %lt3A_409 = arith.cmpi slt, %add3A_407, %lt3A_408 : i32
      %convert_element_type3A_410 = arith.extui %lt3A_409 : i1 to i32
      %cond3A_411 = arith.constant 0 : i32
      %cond3A_412 = arith.cmpi ne, %convert_element_type3A_410, %cond3A_411 : i32
      scf.if %cond3A_412 {
        %add3A_426 = arith.constant 2 : i32
        %add3A_427 = arith.addi %mul3A_383, %add3A_426 : i32
        %dma_start3A_428 = arith.constant 0 : i32
        %dma_start3A_429 = arith.constant 0 : i32
        %dma_start3A_430 = tpu.memref_slice %arg8[%scan3A_340, %dma_start3A_428, %dma_start3A_429] : memref<2x16x128xi32, #tpu.memory_space<vmem>> -> memref<1x16x128xi32, #tpu.memory_space<vmem>>
        %dma_start3A_431 = tpu.memref_squeeze %dma_start3A_430 : memref<1x16x128xi32, #tpu.memory_space<vmem>> -> memref<16x128xi32, #tpu.memory_space<vmem>>
        %dma_start3A_432 = arith.constant 0 : i32
        %dma_start3A_433 = tpu.memref_slice %dma_start3A_431[%add3A_427, %dma_start3A_432] : memref<16x128xi32, #tpu.memory_space<vmem>> -> memref<1x128xi32, #tpu.memory_space<vmem>>
        %dma_start3A_434 = tpu.memref_squeeze %dma_start3A_433 : memref<1x128xi32, #tpu.memory_space<vmem>> -> memref<128xi32, #tpu.memory_space<vmem>>
        %dma_start3A_435 = arith.constant 0 : i32
        %dma_start3A_436 = arith.constant 0 : i32
        %dma_start3A_437 = tpu.memref_slice %arg6[%dma_start3A_435, %dma_start3A_436] : memref<10000x128xf32, #tpu.memory_space<hbm>> -> memref<10000x128xf32, #tpu.memory_space<hbm>>
        tpu.enqueue_indirect_dma source(%dma_start3A_437 : memref<10000x128xf32, #tpu.memory_space<hbm>>) target(%arg10 : memref<128x128xf32, #tpu.memory_space<vmem>>) offsets(%dma_start3A_434 : memref<128xi32, #tpu.memory_space<vmem>>) semaphore(%arg12 : memref<!tpu.dma_semaphore, #tpu.memory_space<semaphore_mem>>)
      } else {
      }
      %dma_wait3A_413 = arith.constant 0 : i32
      %dma_wait3A_414 = arith.constant 0 : i32
      %dma_wait3A_415 = tpu.memref_slice %arg8[%scan3A_340, %dma_wait3A_413, %dma_wait3A_414] : memref<2x16x128xi32, #tpu.memory_space<vmem>> -> memref<1x16x128xi32, #tpu.memory_space<vmem>>
      %dma_wait3A_416 = tpu.memref_squeeze %dma_wait3A_415 : memref<1x16x128xi32, #tpu.memory_space<vmem>> -> memref<16x128xi32, #tpu.memory_space<vmem>>
      %dma_wait3A_417 = arith.constant 0 : i32
      %dma_wait3A_418 = tpu.memref_slice %dma_wait3A_416[%add3A_395, %dma_wait3A_417] : memref<16x128xi32, #tpu.memory_space<vmem>> -> memref<1x128xi32, #tpu.memory_space<vmem>>
      %dma_wait3A_419 = tpu.memref_squeeze %dma_wait3A_418 : memref<1x128xi32, #tpu.memory_space<vmem>> -> memref<128xi32, #tpu.memory_space<vmem>>
      %dma_wait3A_420 = arith.constant 0 : i32
      %dma_wait3A_421 = arith.constant 0 : i32
      %dma_wait3A_422 = tpu.memref_slice %arg6[%dma_wait3A_420, %dma_wait3A_421] : memref<10000x128xf32, #tpu.memory_space<hbm>> -> memref<10000x128xf32, #tpu.memory_space<hbm>>
      tpu.wait_indirect_dma semaphore(%arg13 : memref<!tpu.dma_semaphore, #tpu.memory_space<semaphore_mem>>) src(%dma_wait3A_422 : memref<10000x128xf32, #tpu.memory_space<hbm>>) dst(%arg11 : memref<128x128xf32, #tpu.memory_space<vmem>>)
      %add3A_423 = arith.constant 1 : i32
      %add3A_424 = arith.addi %mul3A_383, %add3A_423 : i32
      "tpu.region"() ({
        %run_scoped3A = tpu.sem_alloc : memref<!tpu.dma_semaphore, #tpu.memory_space<semaphore_mem>>
        %dma_start3A_426 = arith.constant 0 : i32
        %dma_start3A_427 = arith.constant 0 : i32
        %dma_start3A_428 = tpu.memref_slice %arg9[%scan3A_341, %dma_start3A_426, %dma_start3A_427] : memref<2x16x128xi32, #tpu.memory_space<vmem>> -> memref<1x16x128xi32, #tpu.memory_space<vmem>>
        %dma_start3A_429 = tpu.memref_squeeze %dma_start3A_428 : memref<1x16x128xi32, #tpu.memory_space<vmem>> -> memref<16x128xi32, #tpu.memory_space<vmem>>
        %dma_start3A_430 = arith.constant 0 : i32
        %dma_start3A_431 = tpu.memref_slice %dma_start3A_429[%add3A_424, %dma_start3A_430] : memref<16x128xi32, #tpu.memory_space<vmem>> -> memref<1x128xi32, #tpu.memory_space<vmem>>
        %dma_start3A_432 = tpu.memref_squeeze %dma_start3A_431 : memref<1x128xi32, #tpu.memory_space<vmem>> -> memref<128xi32, #tpu.memory_space<vmem>>
        %dma_start3A_433 = arith.constant 0 : i32
        %dma_start3A_434 = arith.constant 0 : i32
        %dma_start3A_435 = tpu.memref_slice %arg17[%dma_start3A_433, %dma_start3A_434] : memref<10240x128xf32, #tpu.memory_space<vmem_shared>> -> memref<10240x128xf32, #tpu.memory_space<vmem_shared>>
        tpu.enqueue_indirect_dma source(%arg11 : memref<128x128xf32, #tpu.memory_space<vmem>>) target(%dma_start3A_435 : memref<10240x128xf32, #tpu.memory_space<vmem_shared>>) offsets(%dma_start3A_432 : memref<128xi32, #tpu.memory_space<vmem>>) semaphore(%run_scoped3A : memref<!tpu.dma_semaphore, #tpu.memory_space<semaphore_mem>>) {add = true}
        %dma_wait3A_436 = arith.constant 0 : i32
        %dma_wait3A_437 = arith.constant 0 : i32
        %dma_wait3A_438 = tpu.memref_slice %arg9[%scan3A_341, %dma_wait3A_436, %dma_wait3A_437] : memref<2x16x128xi32, #tpu.memory_space<vmem>> -> memref<1x16x128xi32, #tpu.memory_space<vmem>>
        %dma_wait3A_439 = tpu.memref_squeeze %dma_wait3A_438 : memref<1x16x128xi32, #tpu.memory_space<vmem>> -> memref<16x128xi32, #tpu.memory_space<vmem>>
        %dma_wait3A_440 = arith.constant 0 : i32
        %dma_wait3A_441 = tpu.memref_slice %dma_wait3A_439[%add3A_424, %dma_wait3A_440] : memref<16x128xi32, #tpu.memory_space<vmem>> -> memref<1x128xi32, #tpu.memory_space<vmem>>
        %dma_wait3A_442 = tpu.memref_squeeze %dma_wait3A_441 : memref<1x128xi32, #tpu.memory_space<vmem>> -> memref<128xi32, #tpu.memory_space<vmem>>
        %dma_wait3A_443 = arith.constant 0 : i32
        %dma_wait3A_444 = arith.constant 0 : i32
        %dma_wait3A_445 = tpu.memref_slice %arg17[%dma_wait3A_443, %dma_wait3A_444] : memref<10240x128xf32, #tpu.memory_space<vmem_shared>> -> memref<10240x128xf32, #tpu.memory_space<vmem_shared>>
        tpu.wait_indirect_dma semaphore(%run_scoped3A : memref<!tpu.dma_semaphore, #tpu.memory_space<semaphore_mem>>) src(%arg11 : memref<128x128xf32, #tpu.memory_space<vmem>>) dst(%dma_wait3A_445 : memref<10240x128xf32, #tpu.memory_space<vmem_shared>>)
        tpu.yield
      }) : () -> ()
      %scan3A_425 = arith.constant 0 : i32
      scf.yield %scan3A_425 : i32
    }
    %scan3A_348 = arith.constant 8 : i32
    %barrier3A_349 = arith.constant 0 : index
    tpu.barrier barrier_id(%barrier3A_349)
    %mul3A_350 = arith.constant 5 : i32
    %mul3A_351 = arith.muli %arg1, %mul3A_350 : i32
    %add3A_352 = arith.constant 0 : i32
    %add3A_353 = arith.addi %mul3A_351, %add3A_352 : i32
    %mul3A_354 = arith.constant 128 : i32
    %mul3A_355 = arith.muli %add3A_353, %mul3A_354 : i32
    "tpu.region"() ({
      %run_scoped3A = tpu.sem_alloc : memref<!tpu.dma_semaphore, #tpu.memory_space<semaphore_mem>>
      %dma_start3A_380 = arith.constant 0 : i32
      %dma_start3A_381 = tpu.memref_slice %arg17[%mul3A_355, %dma_start3A_380] : memref<10240x128xf32, #tpu.memory_space<vmem_shared>> -> memref<128x128xf32, #tpu.memory_space<vmem_shared>>
      %dma_start3A_382 = arith.constant 0 : i32
      %dma_start3A_383 = tpu.memref_slice %arg17[%mul3A_355, %dma_start3A_382] : memref<10240x128xf32, #tpu.memory_space<vmem_shared>> -> memref<128x128xf32, #tpu.memory_space<vmem_shared>>
      tpu.enqueue_dma source(%dma_start3A_383 : memref<128x128xf32, #tpu.memory_space<vmem_shared>>) target(%arg10 : memref<128x128xf32, #tpu.memory_space<vmem>>) target_semaphore(%run_scoped3A : memref<!tpu.dma_semaphore, #tpu.memory_space<semaphore_mem>>)
      %dma_wait3A_384 = arith.constant 0 : i32
      %dma_wait3A_385 = tpu.memref_slice %arg17[%mul3A_355, %dma_wait3A_384] : memref<10240x128xf32, #tpu.memory_space<vmem_shared>> -> memref<128x128xf32, #tpu.memory_space<vmem_shared>>
      %dma_wait3A_386 = arith.constant 0 : i32
      %dma_wait3A_387 = tpu.memref_slice %arg17[%mul3A_355, %dma_wait3A_386] : memref<10240x128xf32, #tpu.memory_space<vmem_shared>> -> memref<128x128xf32, #tpu.memory_space<vmem_shared>>
      tpu.wait_dma2 semaphore(%run_scoped3A : memref<!tpu.dma_semaphore, #tpu.memory_space<semaphore_mem>>) src(%dma_wait3A_387 : memref<128x128xf32, #tpu.memory_space<vmem_shared>>) dst(%arg10 : memref<128x128xf32, #tpu.memory_space<vmem>>)
      tpu.yield
    }) : () -> ()
    "tpu.region"() ({
      %run_scoped3A = tpu.sem_alloc : memref<!tpu.dma_semaphore, #tpu.memory_space<semaphore_mem>>
      %dma_start3A_380 = arith.constant 0 : i32
      %dma_start3A_381 = tpu.memref_slice %arg7[%arg0, %mul3A_355, %dma_start3A_380] : memref<2x10240x128xf32, #tpu.memory_space<hbm>> -> memref<1x128x128xf32, #tpu.memory_space<hbm>>
      %dma_start3A_382 = tpu.memref_squeeze %dma_start3A_381 : memref<1x128x128xf32, #tpu.memory_space<hbm>> -> memref<128x128xf32, #tpu.memory_space<hbm>>
      %dma_start3A_383 = arith.constant 0 : i32
      %dma_start3A_384 = tpu.memref_slice %arg7[%arg0, %mul3A_355, %dma_start3A_383] : memref<2x10240x128xf32, #tpu.memory_space<hbm>> -> memref<1x128x128xf32, #tpu.memory_space<hbm>>
      %dma_start3A_385 = tpu.memref_squeeze %dma_start3A_384 : memref<1x128x128xf32, #tpu.memory_space<hbm>> -> memref<128x128xf32, #tpu.memory_space<hbm>>
      tpu.enqueue_dma source(%arg10 : memref<128x128xf32, #tpu.memory_space<vmem>>) target(%dma_start3A_385 : memref<128x128xf32, #tpu.memory_space<hbm>>) target_semaphore(%run_scoped3A : memref<!tpu.dma_semaphore, #tpu.memory_space<semaphore_mem>>)
      %dma_wait3A_386 = arith.constant 0 : i32
      %dma_wait3A_387 = tpu.memref_slice %arg7[%arg0, %mul3A_355, %dma_wait3A_386] : memref<2x10240x128xf32, #tpu.memory_space<hbm>> -> memref<1x128x128xf32, #tpu.memory_space<hbm>>
      %dma_wait3A_388 = tpu.memref_squeeze %dma_wait3A_387 : memref<1x128x128xf32, #tpu.memory_space<hbm>> -> memref<128x128xf32, #tpu.memory_space<hbm>>
      %dma_wait3A_389 = arith.constant 0 : i32
      %dma_wait3A_390 = tpu.memref_slice %arg7[%arg0, %mul3A_355, %dma_wait3A_389] : memref<2x10240x128xf32, #tpu.memory_space<hbm>> -> memref<1x128x128xf32, #tpu.memory_space<hbm>>
      %dma_wait3A_391 = tpu.memref_squeeze %dma_wait3A_390 : memref<1x128x128xf32, #tpu.memory_space<hbm>> -> memref<128x128xf32, #tpu.memory_space<hbm>>
      tpu.wait_dma2 semaphore(%run_scoped3A : memref<!tpu.dma_semaphore, #tpu.memory_space<semaphore_mem>>) src(%arg10 : memref<128x128xf32, #tpu.memory_space<vmem>>) dst(%dma_wait3A_391 : memref<128x128xf32, #tpu.memory_space<hbm>>)
      tpu.yield
    }) : () -> ()
    %mul3A_356 = arith.constant 5 : i32
    %mul3A_357 = arith.muli %arg1, %mul3A_356 : i32
    %add3A_358 = arith.constant 1 : i32
    %add3A_359 = arith.addi %mul3A_357, %add3A_358 : i32
    %mul3A_360 = arith.constant 128 : i32
    %mul3A_361 = arith.muli %add3A_359, %mul3A_360 : i32
    "tpu.region"() ({
      %run_scoped3A = tpu.sem_alloc : memref<!tpu.dma_semaphore, #tpu.memory_space<semaphore_mem>>
      %dma_start3A_380 = arith.constant 0 : i32
      %dma_start3A_381 = tpu.memref_slice %arg17[%mul3A_361, %dma_start3A_380] : memref<10240x128xf32, #tpu.memory_space<vmem_shared>> -> memref<128x128xf32, #tpu.memory_space<vmem_shared>>
      %dma_start3A_382 = arith.constant 0 : i32
      %dma_start3A_383 = tpu.memref_slice %arg17[%mul3A_361, %dma_start3A_382] : memref<10240x128xf32, #tpu.memory_space<vmem_shared>> -> memref<128x128xf32, #tpu.memory_space<vmem_shared>>
      tpu.enqueue_dma source(%dma_start3A_383 : memref<128x128xf32, #tpu.memory_space<vmem_shared>>) target(%arg10 : memref<128x128xf32, #tpu.memory_space<vmem>>) target_semaphore(%run_scoped3A : memref<!tpu.dma_semaphore, #tpu.memory_space<semaphore_mem>>)
      %dma_wait3A_384 = arith.constant 0 : i32
      %dma_wait3A_385 = tpu.memref_slice %arg17[%mul3A_361, %dma_wait3A_384] : memref<10240x128xf32, #tpu.memory_space<vmem_shared>> -> memref<128x128xf32, #tpu.memory_space<vmem_shared>>
      %dma_wait3A_386 = arith.constant 0 : i32
      %dma_wait3A_387 = tpu.memref_slice %arg17[%mul3A_361, %dma_wait3A_386] : memref<10240x128xf32, #tpu.memory_space<vmem_shared>> -> memref<128x128xf32, #tpu.memory_space<vmem_shared>>
      tpu.wait_dma2 semaphore(%run_scoped3A : memref<!tpu.dma_semaphore, #tpu.memory_space<semaphore_mem>>) src(%dma_wait3A_387 : memref<128x128xf32, #tpu.memory_space<vmem_shared>>) dst(%arg10 : memref<128x128xf32, #tpu.memory_space<vmem>>)
      tpu.yield
    }) : () -> ()
    "tpu.region"() ({
      %run_scoped3A = tpu.sem_alloc : memref<!tpu.dma_semaphore, #tpu.memory_space<semaphore_mem>>
      %dma_start3A_380 = arith.constant 0 : i32
      %dma_start3A_381 = tpu.memref_slice %arg7[%arg0, %mul3A_361, %dma_start3A_380] : memref<2x10240x128xf32, #tpu.memory_space<hbm>> -> memref<1x128x128xf32, #tpu.memory_space<hbm>>
      %dma_start3A_382 = tpu.memref_squeeze %dma_start3A_381 : memref<1x128x128xf32, #tpu.memory_space<hbm>> -> memref<128x128xf32, #tpu.memory_space<hbm>>
      %dma_start3A_383 = arith.constant 0 : i32
      %dma_start3A_384 = tpu.memref_slice %arg7[%arg0, %mul3A_361, %dma_start3A_383] : memref<2x10240x128xf32, #tpu.memory_space<hbm>> -> memref<1x128x128xf32, #tpu.memory_space<hbm>>
      %dma_start3A_385 = tpu.memref_squeeze %dma_start3A_384 : memref<1x128x128xf32, #tpu.memory_space<hbm>> -> memref<128x128xf32, #tpu.memory_space<hbm>>
      tpu.enqueue_dma source(%arg10 : memref<128x128xf32, #tpu.memory_space<vmem>>) target(%dma_start3A_385 : memref<128x128xf32, #tpu.memory_space<hbm>>) target_semaphore(%run_scoped3A : memref<!tpu.dma_semaphore, #tpu.memory_space<semaphore_mem>>)
      %dma_wait3A_386 = arith.constant 0 : i32
      %dma_wait3A_387 = tpu.memref_slice %arg7[%arg0, %mul3A_361, %dma_wait3A_386] : memref<2x10240x128xf32, #tpu.memory_space<hbm>> -> memref<1x128x128xf32, #tpu.memory_space<hbm>>
      %dma_wait3A_388 = tpu.memref_squeeze %dma_wait3A_387 : memref<1x128x128xf32, #tpu.memory_space<hbm>> -> memref<128x128xf32, #tpu.memory_space<hbm>>
      %dma_wait3A_389 = arith.constant 0 : i32
      %dma_wait3A_390 = tpu.memref_slice %arg7[%arg0, %mul3A_361, %dma_wait3A_389] : memref<2x10240x128xf32, #tpu.memory_space<hbm>> -> memref<1x128x128xf32, #tpu.memory_space<hbm>>
      %dma_wait3A_391 = tpu.memref_squeeze %dma_wait3A_390 : memref<1x128x128xf32, #tpu.memory_space<hbm>> -> memref<128x128xf32, #tpu.memory_space<hbm>>
      tpu.wait_dma2 semaphore(%run_scoped3A : memref<!tpu.dma_semaphore, #tpu.memory_space<semaphore_mem>>) src(%arg10 : memref<128x128xf32, #tpu.memory_space<vmem>>) dst(%dma_wait3A_391 : memref<128x128xf32, #tpu.memory_space<hbm>>)
      tpu.yield
    }) : () -> ()
    %mul3A_362 = arith.constant 5 : i32
    %mul3A_363 = arith.muli %arg1, %mul3A_362 : i32
    %add3A_364 = arith.constant 2 : i32
    %add3A_365 = arith.addi %mul3A_363, %add3A_364 : i32
    %mul3A_366 = arith.constant 128 : i32
    %mul3A_367 = arith.muli %add3A_365, %mul3A_366 : i32
    "tpu.region"() ({
      %run_scoped3A = tpu.sem_alloc : memref<!tpu.dma_semaphore, #tpu.memory_space<semaphore_mem>>
      %dma_start3A_380 = arith.constant 0 : i32
      %dma_start3A_381 = tpu.memref_slice %arg17[%mul3A_367, %dma_start3A_380] : memref<10240x128xf32, #tpu.memory_space<vmem_shared>> -> memref<128x128xf32, #tpu.memory_space<vmem_shared>>
      %dma_start3A_382 = arith.constant 0 : i32
      %dma_start3A_383 = tpu.memref_slice %arg17[%mul3A_367, %dma_start3A_382] : memref<10240x128xf32, #tpu.memory_space<vmem_shared>> -> memref<128x128xf32, #tpu.memory_space<vmem_shared>>
      tpu.enqueue_dma source(%dma_start3A_383 : memref<128x128xf32, #tpu.memory_space<vmem_shared>>) target(%arg10 : memref<128x128xf32, #tpu.memory_space<vmem>>) target_semaphore(%run_scoped3A : memref<!tpu.dma_semaphore, #tpu.memory_space<semaphore_mem>>)
      %dma_wait3A_384 = arith.constant 0 : i32
      %dma_wait3A_385 = tpu.memref_slice %arg17[%mul3A_367, %dma_wait3A_384] : memref<10240x128xf32, #tpu.memory_space<vmem_shared>> -> memref<128x128xf32, #tpu.memory_space<vmem_shared>>
      %dma_wait3A_386 = arith.constant 0 : i32
      %dma_wait3A_387 = tpu.memref_slice %arg17[%mul3A_367, %dma_wait3A_386] : memref<10240x128xf32, #tpu.memory_space<vmem_shared>> -> memref<128x128xf32, #tpu.memory_space<vmem_shared>>
      tpu.wait_dma2 semaphore(%run_scoped3A : memref<!tpu.dma_semaphore, #tpu.memory_space<semaphore_mem>>) src(%dma_wait3A_387 : memref<128x128xf32, #tpu.memory_space<vmem_shared>>) dst(%arg10 : memref<128x128xf32, #tpu.memory_space<vmem>>)
      tpu.yield
    }) : () -> ()
    "tpu.region"() ({
      %run_scoped3A = tpu.sem_alloc : memref<!tpu.dma_semaphore, #tpu.memory_space<semaphore_mem>>
      %dma_start3A_380 = arith.constant 0 : i32
      %dma_start3A_381 = tpu.memref_slice %arg7[%arg0, %mul3A_367, %dma_start3A_380] : memref<2x10240x128xf32, #tpu.memory_space<hbm>> -> memref<1x128x128xf32, #tpu.memory_space<hbm>>
      %dma_start3A_382 = tpu.memref_squeeze %dma_start3A_381 : memref<1x128x128xf32, #tpu.memory_space<hbm>> -> memref<128x128xf32, #tpu.memory_space<hbm>>
      %dma_start3A_383 = arith.constant 0 : i32
      %dma_start3A_384 = tpu.memref_slice %arg7[%arg0, %mul3A_367, %dma_start3A_383] : memref<2x10240x128xf32, #tpu.memory_space<hbm>> -> memref<1x128x128xf32, #tpu.memory_space<hbm>>
      %dma_start3A_385 = tpu.memref_squeeze %dma_start3A_384 : memref<1x128x128xf32, #tpu.memory_space<hbm>> -> memref<128x128xf32, #tpu.memory_space<hbm>>
      tpu.enqueue_dma source(%arg10 : memref<128x128xf32, #tpu.memory_space<vmem>>) target(%dma_start3A_385 : memref<128x128xf32, #tpu.memory_space<hbm>>) target_semaphore(%run_scoped3A : memref<!tpu.dma_semaphore, #tpu.memory_space<semaphore_mem>>)
      %dma_wait3A_386 = arith.constant 0 : i32
      %dma_wait3A_387 = tpu.memref_slice %arg7[%arg0, %mul3A_367, %dma_wait3A_386] : memref<2x10240x128xf32, #tpu.memory_space<hbm>> -> memref<1x128x128xf32, #tpu.memory_space<hbm>>
      %dma_wait3A_388 = tpu.memref_squeeze %dma_wait3A_387 : memref<1x128x128xf32, #tpu.memory_space<hbm>> -> memref<128x128xf32, #tpu.memory_space<hbm>>
      %dma_wait3A_389 = arith.constant 0 : i32
      %dma_wait3A_390 = tpu.memref_slice %arg7[%arg0, %mul3A_367, %dma_wait3A_389] : memref<2x10240x128xf32, #tpu.memory_space<hbm>> -> memref<1x128x128xf32, #tpu.memory_space<hbm>>
      %dma_wait3A_391 = tpu.memref_squeeze %dma_wait3A_390 : memref<1x128x128xf32, #tpu.memory_space<hbm>> -> memref<128x128xf32, #tpu.memory_space<hbm>>
      tpu.wait_dma2 semaphore(%run_scoped3A : memref<!tpu.dma_semaphore, #tpu.memory_space<semaphore_mem>>) src(%arg10 : memref<128x128xf32, #tpu.memory_space<vmem>>) dst(%dma_wait3A_391 : memref<128x128xf32, #tpu.memory_space<hbm>>)
      tpu.yield
    }) : () -> ()
    %mul3A_368 = arith.constant 5 : i32
    %mul3A_369 = arith.muli %arg1, %mul3A_368 : i32
    %add3A_370 = arith.constant 3 : i32
    %add3A_371 = arith.addi %mul3A_369, %add3A_370 : i32
    %mul3A_372 = arith.constant 128 : i32
    %mul3A_373 = arith.muli %add3A_371, %mul3A_372 : i32
    "tpu.region"() ({
      %run_scoped3A = tpu.sem_alloc : memref<!tpu.dma_semaphore, #tpu.memory_space<semaphore_mem>>
      %dma_start3A_380 = arith.constant 0 : i32
      %dma_start3A_381 = tpu.memref_slice %arg17[%mul3A_373, %dma_start3A_380] : memref<10240x128xf32, #tpu.memory_space<vmem_shared>> -> memref<128x128xf32, #tpu.memory_space<vmem_shared>>
      %dma_start3A_382 = arith.constant 0 : i32
      %dma_start3A_383 = tpu.memref_slice %arg17[%mul3A_373, %dma_start3A_382] : memref<10240x128xf32, #tpu.memory_space<vmem_shared>> -> memref<128x128xf32, #tpu.memory_space<vmem_shared>>
      tpu.enqueue_dma source(%dma_start3A_383 : memref<128x128xf32, #tpu.memory_space<vmem_shared>>) target(%arg10 : memref<128x128xf32, #tpu.memory_space<vmem>>) target_semaphore(%run_scoped3A : memref<!tpu.dma_semaphore, #tpu.memory_space<semaphore_mem>>)
      %dma_wait3A_384 = arith.constant 0 : i32
      %dma_wait3A_385 = tpu.memref_slice %arg17[%mul3A_373, %dma_wait3A_384] : memref<10240x128xf32, #tpu.memory_space<vmem_shared>> -> memref<128x128xf32, #tpu.memory_space<vmem_shared>>
      %dma_wait3A_386 = arith.constant 0 : i32
      %dma_wait3A_387 = tpu.memref_slice %arg17[%mul3A_373, %dma_wait3A_386] : memref<10240x128xf32, #tpu.memory_space<vmem_shared>> -> memref<128x128xf32, #tpu.memory_space<vmem_shared>>
      tpu.wait_dma2 semaphore(%run_scoped3A : memref<!tpu.dma_semaphore, #tpu.memory_space<semaphore_mem>>) src(%dma_wait3A_387 : memref<128x128xf32, #tpu.memory_space<vmem_shared>>) dst(%arg10 : memref<128x128xf32, #tpu.memory_space<vmem>>)
      tpu.yield
    }) : () -> ()
    "tpu.region"() ({
      %run_scoped3A = tpu.sem_alloc : memref<!tpu.dma_semaphore, #tpu.memory_space<semaphore_mem>>
      %dma_start3A_380 = arith.constant 0 : i32
      %dma_start3A_381 = tpu.memref_slice %arg7[%arg0, %mul3A_373, %dma_start3A_380] : memref<2x10240x128xf32, #tpu.memory_space<hbm>> -> memref<1x128x128xf32, #tpu.memory_space<hbm>>
      %dma_start3A_382 = tpu.memref_squeeze %dma_start3A_381 : memref<1x128x128xf32, #tpu.memory_space<hbm>> -> memref<128x128xf32, #tpu.memory_space<hbm>>
      %dma_start3A_383 = arith.constant 0 : i32
      %dma_start3A_384 = tpu.memref_slice %arg7[%arg0, %mul3A_373, %dma_start3A_383] : memref<2x10240x128xf32, #tpu.memory_space<hbm>> -> memref<1x128x128xf32, #tpu.memory_space<hbm>>
      %dma_start3A_385 = tpu.memref_squeeze %dma_start3A_384 : memref<1x128x128xf32, #tpu.memory_space<hbm>> -> memref<128x128xf32, #tpu.memory_space<hbm>>
      tpu.enqueue_dma source(%arg10 : memref<128x128xf32, #tpu.memory_space<vmem>>) target(%dma_start3A_385 : memref<128x128xf32, #tpu.memory_space<hbm>>) target_semaphore(%run_scoped3A : memref<!tpu.dma_semaphore, #tpu.memory_space<semaphore_mem>>)
      %dma_wait3A_386 = arith.constant 0 : i32
      %dma_wait3A_387 = tpu.memref_slice %arg7[%arg0, %mul3A_373, %dma_wait3A_386] : memref<2x10240x128xf32, #tpu.memory_space<hbm>> -> memref<1x128x128xf32, #tpu.memory_space<hbm>>
      %dma_wait3A_388 = tpu.memref_squeeze %dma_wait3A_387 : memref<1x128x128xf32, #tpu.memory_space<hbm>> -> memref<128x128xf32, #tpu.memory_space<hbm>>
      %dma_wait3A_389 = arith.constant 0 : i32
      %dma_wait3A_390 = tpu.memref_slice %arg7[%arg0, %mul3A_373, %dma_wait3A_389] : memref<2x10240x128xf32, #tpu.memory_space<hbm>> -> memref<1x128x128xf32, #tpu.memory_space<hbm>>
      %dma_wait3A_391 = tpu.memref_squeeze %dma_wait3A_390 : memref<1x128x128xf32, #tpu.memory_space<hbm>> -> memref<128x128xf32, #tpu.memory_space<hbm>>
      tpu.wait_dma2 semaphore(%run_scoped3A : memref<!tpu.dma_semaphore, #tpu.memory_space<semaphore_mem>>) src(%arg10 : memref<128x128xf32, #tpu.memory_space<vmem>>) dst(%dma_wait3A_391 : memref<128x128xf32, #tpu.memory_space<hbm>>)
      tpu.yield
    }) : () -> ()
    %mul3A_374 = arith.constant 5 : i32
    %mul3A_375 = arith.muli %arg1, %mul3A_374 : i32
    %add3A_376 = arith.constant 4 : i32
    %add3A_377 = arith.addi %mul3A_375, %add3A_376 : i32
    %mul3A_378 = arith.constant 128 : i32
    %mul3A_379 = arith.muli %add3A_377, %mul3A_378 : i32
    "tpu.region"() ({
      %run_scoped3A = tpu.sem_alloc : memref<!tpu.dma_semaphore, #tpu.memory_space<semaphore_mem>>
      %dma_start3A_380 = arith.constant 0 : i32
      %dma_start3A_381 = tpu.memref_slice %arg17[%mul3A_379, %dma_start3A_380] : memref<10240x128xf32, #tpu.memory_space<vmem_shared>> -> memref<128x128xf32, #tpu.memory_space<vmem_shared>>
      %dma_start3A_382 = arith.constant 0 : i32
      %dma_start3A_383 = tpu.memref_slice %arg17[%mul3A_379, %dma_start3A_382] : memref<10240x128xf32, #tpu.memory_space<vmem_shared>> -> memref<128x128xf32, #tpu.memory_space<vmem_shared>>
      tpu.enqueue_dma source(%dma_start3A_383 : memref<128x128xf32, #tpu.memory_space<vmem_shared>>) target(%arg10 : memref<128x128xf32, #tpu.memory_space<vmem>>) target_semaphore(%run_scoped3A : memref<!tpu.dma_semaphore, #tpu.memory_space<semaphore_mem>>)
      %dma_wait3A_384 = arith.constant 0 : i32
      %dma_wait3A_385 = tpu.memref_slice %arg17[%mul3A_379, %dma_wait3A_384] : memref<10240x128xf32, #tpu.memory_space<vmem_shared>> -> memref<128x128xf32, #tpu.memory_space<vmem_shared>>
      %dma_wait3A_386 = arith.constant 0 : i32
      %dma_wait3A_387 = tpu.memref_slice %arg17[%mul3A_379, %dma_wait3A_386] : memref<10240x128xf32, #tpu.memory_space<vmem_shared>> -> memref<128x128xf32, #tpu.memory_space<vmem_shared>>
      tpu.wait_dma2 semaphore(%run_scoped3A : memref<!tpu.dma_semaphore, #tpu.memory_space<semaphore_mem>>) src(%dma_wait3A_387 : memref<128x128xf32, #tpu.memory_space<vmem_shared>>) dst(%arg10 : memref<128x128xf32, #tpu.memory_space<vmem>>)
      tpu.yield
    }) : () -> ()
    "tpu.region"() ({
      %run_scoped3A = tpu.sem_alloc : memref<!tpu.dma_semaphore, #tpu.memory_space<semaphore_mem>>
      %dma_start3A_380 = arith.constant 0 : i32
      %dma_start3A_381 = tpu.memref_slice %arg7[%arg0, %mul3A_379, %dma_start3A_380] : memref<2x10240x128xf32, #tpu.memory_space<hbm>> -> memref<1x128x128xf32, #tpu.memory_space<hbm>>
      %dma_start3A_382 = tpu.memref_squeeze %dma_start3A_381 : memref<1x128x128xf32, #tpu.memory_space<hbm>> -> memref<128x128xf32, #tpu.memory_space<hbm>>
      %dma_start3A_383 = arith.constant 0 : i32
      %dma_start3A_384 = tpu.memref_slice %arg7[%arg0, %mul3A_379, %dma_start3A_383] : memref<2x10240x128xf32, #tpu.memory_space<hbm>> -> memref<1x128x128xf32, #tpu.memory_space<hbm>>
      %dma_start3A_385 = tpu.memref_squeeze %dma_start3A_384 : memref<1x128x128xf32, #tpu.memory_space<hbm>> -> memref<128x128xf32, #tpu.memory_space<hbm>>
      tpu.enqueue_dma source(%arg10 : memref<128x128xf32, #tpu.memory_space<vmem>>) target(%dma_start3A_385 : memref<128x128xf32, #tpu.memory_space<hbm>>) target_semaphore(%run_scoped3A : memref<!tpu.dma_semaphore, #tpu.memory_space<semaphore_mem>>)
      %dma_wait3A_386 = arith.constant 0 : i32
      %dma_wait3A_387 = tpu.memref_slice %arg7[%arg0, %mul3A_379, %dma_wait3A_386] : memref<2x10240x128xf32, #tpu.memory_space<hbm>> -> memref<1x128x128xf32, #tpu.memory_space<hbm>>
      %dma_wait3A_388 = tpu.memref_squeeze %dma_wait3A_387 : memref<1x128x128xf32, #tpu.memory_space<hbm>> -> memref<128x128xf32, #tpu.memory_space<hbm>>
      %dma_wait3A_389 = arith.constant 0 : i32
      %dma_wait3A_390 = tpu.memref_slice %arg7[%arg0, %mul3A_379, %dma_wait3A_389] : memref<2x10240x128xf32, #tpu.memory_space<hbm>> -> memref<1x128x128xf32, #tpu.memory_space<hbm>>
      %dma_wait3A_391 = tpu.memref_squeeze %dma_wait3A_390 : memref<1x128x128xf32, #tpu.memory_space<hbm>> -> memref<128x128xf32, #tpu.memory_space<hbm>>
      tpu.wait_dma2 semaphore(%run_scoped3A : memref<!tpu.dma_semaphore, #tpu.memory_space<semaphore_mem>>) src(%arg10 : memref<128x128xf32, #tpu.memory_space<vmem>>) dst(%dma_wait3A_391 : memref<128x128xf32, #tpu.memory_space<hbm>>)
      tpu.yield
    }) : () -> ()
    return
  }
}

module attributes {stable_mosaic.version = 14 : i64} {
  func.func @body(%arg0: i32, %arg1: memref<2000x128xf32, #tpu.memory_space<vmem>>, %arg2: memref<1x2000x128xf32, #tpu.memory_space<vmem>>, %arg3: memref<1x2000x128xf32, #tpu.memory_space<vmem>>, %arg4: memref<2000x1xf32, #tpu.memory_space<vmem>>, %arg5: memref<1x2000x1xf32, #tpu.memory_space<vmem>>, %arg6: memref<1x2000x1xf32, #tpu.memory_space<vmem>>, %arg7: memref<1x128xf32, #tpu.memory_space<vmem>>, %arg8: memref<128x128xf32, #tpu.memory_space<vmem>>, %arg9: memref<128x128xf32, #tpu.memory_space<vmem>>, %arg10: memref<128x128xf32, #tpu.memory_space<vmem>>, %arg11: memref<128x128xf32, #tpu.memory_space<vmem>>, %arg12: memref<1x128xf32, #tpu.memory_space<vmem>>, %arg13: memref<128x64xf32, #tpu.memory_space<vmem>>, %arg14: memref<1x64xf32, #tpu.memory_space<vmem>>, %arg15: memref<1x64xf32, #tpu.memory_space<vmem>>, %arg16: memref<8x128xf32, #tpu.memory_space<vmem>>, %arg17: memref<8x128xf32, #tpu.memory_space<vmem>>) attributes {dimension_semantics = [#tpu.dimension_semantics<arbitrary>], iteration_bounds = array<i64: 5>, scalar_prefetch = 0 : i64, scratch_operands = 2 : i64, tpu.core_type = #tpu.core_type<tc>, window_params = [{transform_indices = @transform_0, window_bounds = array<i64: 2000, 128>}, {transform_indices = @transform_1, window_bounds = array<i64: 1, 2000, 128>}, {transform_indices = @transform_2, window_bounds = array<i64: 1, 2000, 128>}, {transform_indices = @transform_3, window_bounds = array<i64: 2000, 1>}, {transform_indices = @transform_4, window_bounds = array<i64: 1, 2000, 1>}, {transform_indices = @transform_5, window_bounds = array<i64: 1, 2000, 1>}, {pipeline_mode = #tpu.pipeline_mode<synchronous>, transform_indices = @transform_6, window_bounds = array<i64: 1, 128>}, {pipeline_mode = #tpu.pipeline_mode<synchronous>, transform_indices = @transform_7, window_bounds = array<i64: 128, 128>}, {pipeline_mode = #tpu.pipeline_mode<synchronous>, transform_indices = @transform_8, window_bounds = array<i64: 128, 128>}, {pipeline_mode = #tpu.pipeline_mode<synchronous>, transform_indices = @transform_9, window_bounds = array<i64: 128, 128>}, {pipeline_mode = #tpu.pipeline_mode<synchronous>, transform_indices = @transform_10, window_bounds = array<i64: 128, 128>}, {pipeline_mode = #tpu.pipeline_mode<synchronous>, transform_indices = @transform_11, window_bounds = array<i64: 1, 128>}, {pipeline_mode = #tpu.pipeline_mode<synchronous>, transform_indices = @transform_12, window_bounds = array<i64: 128, 64>}, {pipeline_mode = #tpu.pipeline_mode<synchronous>, transform_indices = @transform_13, window_bounds = array<i64: 1, 64>}, {pipeline_mode = #tpu.pipeline_mode<synchronous>, transform_indices = @transform_14, window_bounds = array<i64: 1, 64>}]} {
    %eq3A = arith.constant 0 : i32
    %eq3A_0 = arith.cmpi eq, %arg0, %eq3A : i32
    %convert_element_type3A = arith.extui %eq3A_0 : i1 to i32
    %cond3A = arith.constant 0 : i32
    %cond3A_1 = arith.cmpi ne, %convert_element_type3A, %cond3A : i32
    scf.if %cond3A_1 {
      %broadcast_in_dim3A_70 = arith.constant 0.000000e+00 : f32
      %broadcast_in_dim3A_71 = vector.broadcast %broadcast_in_dim3A_70 : f32 to vector<8x128xf32>
      %swap3A_72 = arith.constant 0 : index
      %swap3A_73 = arith.constant 0 : index
      %swap3A_74 = vector.load %arg16[%swap3A_72, %swap3A_73] : memref<8x128xf32, #tpu.memory_space<vmem>>, vector<8x128xf32>
      tpu.vector_store %arg16[%swap3A_72, %swap3A_73], %broadcast_in_dim3A_71 {strides = array<i32>} : memref<8x128xf32, #tpu.memory_space<vmem>>, vector<8x128xf32>,
      %broadcast_in_dim3A_75 = arith.constant 0.000000e+00 : f32
      %broadcast_in_dim3A_76 = vector.broadcast %broadcast_in_dim3A_75 : f32 to vector<8x128xf32>
      %swap3A_77 = arith.constant 0 : index
      %swap3A_78 = arith.constant 0 : index
      %swap3A_79 = vector.load %arg17[%swap3A_77, %swap3A_78] : memref<8x128xf32, #tpu.memory_space<vmem>>, vector<8x128xf32>
      tpu.vector_store %arg17[%swap3A_77, %swap3A_78], %broadcast_in_dim3A_76 {strides = array<i32>} : memref<8x128xf32, #tpu.memory_space<vmem>>, vector<8x128xf32>,
    } else {
    }
    %get3A = arith.constant 0 : index
    %get3A_2 = arith.constant 0 : index
    %get3A_3 = arith.constant 0 : index
    %get3A_4 = vector.load %arg2[%get3A, %get3A_2, %get3A_3] : memref<1x2000x128xf32, #tpu.memory_space<vmem>>, vector<1x2000x128xf32>
    %get3A_5 = vector.shape_cast %get3A_4 : vector<1x2000x128xf32> to vector<2000x128xf32>
    %get3A_6 = arith.constant 0 : index
    %get3A_7 = arith.constant 0 : index
    %get3A_8 = arith.constant 0 : index
    %get3A_9 = vector.load %arg3[%get3A_6, %get3A_7, %get3A_8] : memref<1x2000x128xf32, #tpu.memory_space<vmem>>, vector<1x2000x128xf32>
    %get3A_10 = vector.shape_cast %get3A_9 : vector<1x2000x128xf32> to vector<2000x128xf32>
    %add3A = arith.addf %get3A_5, %get3A_10 : vector<2000x128xf32>
    %get3A_11 = arith.constant 0 : index
    %get3A_12 = arith.constant 0 : index
    %get3A_13 = vector.load %arg4[%get3A_11, %get3A_12] : memref<2000x1xf32, #tpu.memory_space<vmem>>, vector<2000x1xf32>
    %mul3A = vector.broadcast %get3A_13 : vector<2000x1xf32> to vector<2000x128xf32>
    %mul3A_14 = arith.mulf %add3A, %mul3A : vector<2000x128xf32>
    %get3A_15 = arith.constant 0 : index
    %get3A_16 = arith.constant 0 : index
    %get3A_17 = vector.load %arg1[%get3A_15, %get3A_16] : memref<2000x128xf32, #tpu.memory_space<vmem>>, vector<2000x128xf32>
    %get3A_18 = arith.constant 0 : index
    %get3A_19 = arith.constant 0 : index
    %get3A_20 = vector.load %arg8[%get3A_18, %get3A_19] : memref<128x128xf32, #tpu.memory_space<vmem>>, vector<128x128xf32>
    %dot_general3A = arith.constant dense<0.000000e+00> : vector<2000x128xf32>
    %dot_general3A_21 = tpu.matmul %get3A_17, %get3A_20, %dot_general3A {dimension_numbers = #tpu.dot_dimension_numbers<[1], [0], [0], [1], [0, 0, 1, 1], [], []>, transpose_lhs_hint = false} : vector<2000x128xf32>, vector<128x128xf32>, vector<2000x128xf32> -> vector<2000x128xf32>
    %get3A_22 = arith.constant 0 : index
    %get3A_23 = arith.constant 0 : index
    %get3A_24 = vector.load %arg9[%get3A_22, %get3A_23] : memref<128x128xf32, #tpu.memory_space<vmem>>, vector<128x128xf32>
    %dot_general3A_25 = arith.constant dense<0.000000e+00> : vector<2000x128xf32>
    %dot_general3A_26 = tpu.matmul %mul3A_14, %get3A_24, %dot_general3A_25 {dimension_numbers = #tpu.dot_dimension_numbers<[1], [0], [0], [1], [0, 0, 1, 1], [], []>, transpose_lhs_hint = false} : vector<2000x128xf32>, vector<128x128xf32>, vector<2000x128xf32> -> vector<2000x128xf32>
    %add3A_27 = arith.addf %dot_general3A_21, %dot_general3A_26 : vector<2000x128xf32>
    %get3A_28 = arith.constant 0 : index
    %get3A_29 = arith.constant 0 : index
    %get3A_30 = vector.load %arg7[%get3A_28, %get3A_29] : memref<1x128xf32, #tpu.memory_space<vmem>>, vector<1x128xf32>
    %add3A_31 = vector.broadcast %get3A_30 : vector<1x128xf32> to vector<2000x128xf32>
    %add3A_32 = arith.addf %add3A_27, %add3A_31 : vector<2000x128xf32>
    %max3A = arith.constant 0.000000e+00 : f32
    %max3A_33 = vector.broadcast %max3A : f32 to vector<2000x128xf32>
    %max3A_34 = arith.maximumf %add3A_32, %max3A_33 : vector<2000x128xf32>
    %get3A_35 = arith.constant 0 : index
    %get3A_36 = arith.constant 0 : index
    %get3A_37 = arith.constant 0 : index
    %get3A_38 = vector.load %arg5[%get3A_35, %get3A_36, %get3A_37] : memref<1x2000x1xf32, #tpu.memory_space<vmem>>, vector<1x2000x1xf32>
    %get3A_39 = vector.shape_cast %get3A_38 : vector<1x2000x1xf32> to vector<2000x1xf32>
    %get3A_40 = arith.constant 0 : index
    %get3A_41 = arith.constant 0 : index
    %get3A_42 = arith.constant 0 : index
    %get3A_43 = vector.load %arg6[%get3A_40, %get3A_41, %get3A_42] : memref<1x2000x1xf32, #tpu.memory_space<vmem>>, vector<1x2000x1xf32>
    %get3A_44 = vector.shape_cast %get3A_43 : vector<1x2000x1xf32> to vector<2000x1xf32>
    %add3A_45 = arith.addf %get3A_39, %get3A_44 : vector<2000x1xf32>
    %get3A_46 = arith.constant 0 : index
    %get3A_47 = arith.constant 0 : index
    %get3A_48 = vector.load %arg16[%get3A_46, %get3A_47] : memref<8x128xf32, #tpu.memory_space<vmem>>, vector<1x128xf32>
    %reduce_sum3A = arith.constant dense<0.000000e+00> : vector<128xf32>
    %reduce_sum3A_49 = vector.multi_reduction <add>, %max3A_34, %reduce_sum3A [0] : vector<2000x128xf32> to vector<128xf32>
    %broadcast_in_dim3A = vector.shape_cast %reduce_sum3A_49 : vector<128xf32> to vector<1x128xf32>
    %add3A_50 = arith.addf %get3A_48, %broadcast_in_dim3A : vector<1x128xf32>
    %swap3A = arith.constant 0 : index
    %swap3A_51 = arith.constant 0 : index
    %swap3A_52 = vector.load %arg16[%swap3A, %swap3A_51] : memref<8x128xf32, #tpu.memory_space<vmem>>, vector<1x128xf32>
    tpu.vector_store %arg16[%swap3A, %swap3A_51], %add3A_50 {strides = array<i32>} : memref<8x128xf32, #tpu.memory_space<vmem>>, vector<1x128xf32>,
    %get3A_53 = arith.constant 0 : index
    %get3A_54 = arith.constant 0 : index
    %get3A_55 = vector.load %arg17[%get3A_53, %get3A_54] : memref<8x128xf32, #tpu.memory_space<vmem>>, vector<1x128xf32>
    %mul3A_56 = vector.broadcast %add3A_45 : vector<2000x1xf32> to vector<2000x128xf32>
    %mul3A_57 = arith.mulf %max3A_34, %mul3A_56 : vector<2000x128xf32>
    %reduce_sum3A_58 = arith.constant dense<0.000000e+00> : vector<128xf32>
    %reduce_sum3A_59 = vector.multi_reduction <add>, %mul3A_57, %reduce_sum3A_58 [0] : vector<2000x128xf32> to vector<128xf32>
    %broadcast_in_dim3A_60 = vector.shape_cast %reduce_sum3A_59 : vector<128xf32> to vector<1x128xf32>
    %add3A_61 = arith.addf %get3A_55, %broadcast_in_dim3A_60 : vector<1x128xf32>
    %swap3A_62 = arith.constant 0 : index
    %swap3A_63 = arith.constant 0 : index
    %swap3A_64 = vector.load %arg17[%swap3A_62, %swap3A_63] : memref<8x128xf32, #tpu.memory_space<vmem>>, vector<1x128xf32>
    tpu.vector_store %arg17[%swap3A_62, %swap3A_63], %add3A_61 {strides = array<i32>} : memref<8x128xf32, #tpu.memory_space<vmem>>, vector<1x128xf32>,
    %eq3A_65 = arith.constant 4 : i32
    %eq3A_66 = arith.cmpi eq, %arg0, %eq3A_65 : i32
    %convert_element_type3A_67 = arith.extui %eq3A_66 : i1 to i32
    %cond3A_68 = arith.constant 0 : i32
    %cond3A_69 = arith.cmpi ne, %convert_element_type3A_67, %cond3A_68 : i32
    scf.if %cond3A_69 {
      %get3A_70 = arith.constant 0 : index
      %get3A_71 = arith.constant 0 : index
      %get3A_72 = vector.load %arg16[%get3A_70, %get3A_71] : memref<8x128xf32, #tpu.memory_space<vmem>>, vector<1x128xf32>
      %get3A_73 = arith.constant 0 : index
      %get3A_74 = arith.constant 0 : index
      %get3A_75 = vector.load %arg17[%get3A_73, %get3A_74] : memref<8x128xf32, #tpu.memory_space<vmem>>, vector<1x128xf32>
      %get3A_76 = arith.constant 0 : index
      %get3A_77 = arith.constant 0 : index
      %get3A_78 = vector.load %arg10[%get3A_76, %get3A_77] : memref<128x128xf32, #tpu.memory_space<vmem>>, vector<128x128xf32>
      %dot_general3A_79 = arith.constant dense<0.000000e+00> : vector<1x128xf32>
      %dot_general3A_80 = tpu.matmul %get3A_72, %get3A_78, %dot_general3A_79 {dimension_numbers = #tpu.dot_dimension_numbers<[1], [0], [0], [1], [0, 0, 1, 1], [], []>, transpose_lhs_hint = false} : vector<1x128xf32>, vector<128x128xf32>, vector<1x128xf32> -> vector<1x128xf32>
      %get3A_81 = arith.constant 0 : index
      %get3A_82 = arith.constant 0 : index
      %get3A_83 = vector.load %arg11[%get3A_81, %get3A_82] : memref<128x128xf32, #tpu.memory_space<vmem>>, vector<128x128xf32>
      %dot_general3A_84 = arith.constant dense<0.000000e+00> : vector<1x128xf32>
      %dot_general3A_85 = tpu.matmul %get3A_75, %get3A_83, %dot_general3A_84 {dimension_numbers = #tpu.dot_dimension_numbers<[1], [0], [0], [1], [0, 0, 1, 1], [], []>, transpose_lhs_hint = false} : vector<1x128xf32>, vector<128x128xf32>, vector<1x128xf32> -> vector<1x128xf32>
      %add3A_86 = arith.addf %dot_general3A_80, %dot_general3A_85 : vector<1x128xf32>
      %mul3A_87 = arith.constant 9.99999974E-5 : f32
      %mul3A_88 = vector.broadcast %mul3A_87 : f32 to vector<1x128xf32>
      %mul3A_89 = arith.mulf %add3A_86, %mul3A_88 : vector<1x128xf32>
      %get3A_90 = arith.constant 0 : index
      %get3A_91 = arith.constant 0 : index
      %get3A_92 = vector.load %arg12[%get3A_90, %get3A_91] : memref<1x128xf32, #tpu.memory_space<vmem>>, vector<1x128xf32>
      %add3A_93 = arith.addf %mul3A_89, %get3A_92 : vector<1x128xf32>
      %get3A_94 = arith.constant 0 : index
      %get3A_95 = arith.constant 0 : index
      %get3A_96 = vector.load %arg13[%get3A_94, %get3A_95] : memref<128x64xf32, #tpu.memory_space<vmem>>, vector<128x64xf32>
      %dot_general3A_97 = arith.constant dense<0.000000e+00> : vector<1x64xf32>
      %dot_general3A_98 = tpu.matmul %add3A_93, %get3A_96, %dot_general3A_97 {dimension_numbers = #tpu.dot_dimension_numbers<[1], [0], [0], [1], [0, 0, 1, 1], [], []>, transpose_lhs_hint = false} : vector<1x128xf32>, vector<128x64xf32>, vector<1x64xf32> -> vector<1x64xf32>
      %get3A_99 = arith.constant 0 : index
      %get3A_100 = arith.constant 0 : index
      %get3A_101 = vector.load %arg14[%get3A_99, %get3A_100] : memref<1x64xf32, #tpu.memory_space<vmem>>, vector<1x64xf32>
      %add3A_102 = arith.addf %dot_general3A_98, %get3A_101 : vector<1x64xf32>
      %swap3A_103 = arith.constant 0 : index
      %swap3A_104 = arith.constant 0 : index
      %swap3A_105 = vector.load %arg15[%swap3A_103, %swap3A_104] : memref<1x64xf32, #tpu.memory_space<vmem>>, vector<1x64xf32>
      tpu.vector_store %arg15[%swap3A_103, %swap3A_104], %add3A_102 {strides = array<i32>} : memref<1x64xf32, #tpu.memory_space<vmem>>, vector<1x64xf32>,
    } else {
    }
    return
  }
  func.func @transform_0(%arg0: i32) -> (i32, i32) {
    %c0_i32 = arith.constant 0 : i32
    %c0_i32_0 = arith.constant 0 : i32
    return %arg0, %c0_i32 : i32, i32
  }
  func.func @transform_1(%arg0: i32) -> (i32, i32, i32) {
    %c0_i32 = arith.constant 0 : i32
    %c0_i32_0 = arith.constant 0 : i32
    %c0_i32_1 = arith.constant 0 : i32
    return %c0_i32, %arg0, %c0_i32_0 : i32, i32, i32
  }
  func.func @transform_2(%arg0: i32) -> (i32, i32, i32) {
    %c1_i32 = arith.constant 1 : i32
    %c0_i32 = arith.constant 0 : i32
    %c0_i32_0 = arith.constant 0 : i32
    return %c1_i32, %arg0, %c0_i32 : i32, i32, i32
  }
  func.func @transform_3(%arg0: i32) -> (i32, i32) {
    %c0_i32 = arith.constant 0 : i32
    %c0_i32_0 = arith.constant 0 : i32
    return %arg0, %c0_i32 : i32, i32
  }
  func.func @transform_4(%arg0: i32) -> (i32, i32, i32) {
    %c0_i32 = arith.constant 0 : i32
    %c0_i32_0 = arith.constant 0 : i32
    %c0_i32_1 = arith.constant 0 : i32
    return %c0_i32, %arg0, %c0_i32_0 : i32, i32, i32
  }
  func.func @transform_5(%arg0: i32) -> (i32, i32, i32) {
    %c1_i32 = arith.constant 1 : i32
    %c0_i32 = arith.constant 0 : i32
    %c0_i32_0 = arith.constant 0 : i32
    return %c1_i32, %arg0, %c0_i32 : i32, i32, i32
  }
  func.func @transform_6(%arg0: i32) -> (i32, i32) {
    %c0_i32 = arith.constant 0 : i32
    %c0_i32_0 = arith.constant 0 : i32
    %c0_i32_1 = arith.constant 0 : i32
    return %c0_i32, %c0_i32_0 : i32, i32
  }
  func.func @transform_7(%arg0: i32) -> (i32, i32) {
    %c0_i32 = arith.constant 0 : i32
    %c0_i32_0 = arith.constant 0 : i32
    %c0_i32_1 = arith.constant 0 : i32
    return %c0_i32, %c0_i32_0 : i32, i32
  }
  func.func @transform_8(%arg0: i32) -> (i32, i32) {
    %c0_i32 = arith.constant 0 : i32
    %c0_i32_0 = arith.constant 0 : i32
    %c0_i32_1 = arith.constant 0 : i32
    return %c0_i32, %c0_i32_0 : i32, i32
  }
  func.func @transform_9(%arg0: i32) -> (i32, i32) {
    %c0_i32 = arith.constant 0 : i32
    %c0_i32_0 = arith.constant 0 : i32
    %c0_i32_1 = arith.constant 0 : i32
    return %c0_i32, %c0_i32_0 : i32, i32
  }
  func.func @transform_10(%arg0: i32) -> (i32, i32) {
    %c0_i32 = arith.constant 0 : i32
    %c0_i32_0 = arith.constant 0 : i32
    %c0_i32_1 = arith.constant 0 : i32
    return %c0_i32, %c0_i32_0 : i32, i32
  }
  func.func @transform_11(%arg0: i32) -> (i32, i32) {
    %c0_i32 = arith.constant 0 : i32
    %c0_i32_0 = arith.constant 0 : i32
    %c0_i32_1 = arith.constant 0 : i32
    return %c0_i32, %c0_i32_0 : i32, i32
  }
  func.func @transform_12(%arg0: i32) -> (i32, i32) {
    %c0_i32 = arith.constant 0 : i32
    %c0_i32_0 = arith.constant 0 : i32
    %c0_i32_1 = arith.constant 0 : i32
    return %c0_i32, %c0_i32_0 : i32, i32
  }
  func.func @transform_13(%arg0: i32) -> (i32, i32) {
    %c0_i32 = arith.constant 0 : i32
    %c0_i32_0 = arith.constant 0 : i32
    %c0_i32_1 = arith.constant 0 : i32
    return %c0_i32, %c0_i32_0 : i32, i32
  }
  func.func @transform_14(%arg0: i32) -> (i32, i32) {
    %c0_i32 = arith.constant 0 : i32
    %c0_i32_0 = arith.constant 0 : i32
    %c0_i32_1 = arith.constant 0 : i32
    return %c0_i32, %c0_i32_0 : i32, i32
  }
}

</mosaic_0001>

<sc_bundles>
// kernel: kernel.5.cloned.1.call-start
scs
__scs_entry_jumppad:
0x0: {  	(pc) =	sbr.rel $0x88, $3  }
0x1: {  	(tag) =	ssettag $0x0;
	lr =	simm.s32 $0x1  }
0x2: {  	[smem:$0x3F97] =	sst lr;
	_ =	strace $0xD0000000  }
0x3: {  	_ = 	snop  }
0x4: {  	_ = 	snop  }
0x5: {  	_ = 	snop  }
0x6: {  	_ = 	snop  }
0x7: {  	_ = 	snop  }
__scs_overlays_trampoline_lowered:
0x8: {  	[smem:$0x3FA6] =	sst s0  }
0x9: {  	[smem:$0x3FA7] =	sst s1  }
0xa: {  	[smem:$0x3FA8] =	sst s2  }
0xb: {  	[smem:$0x3FA9] =	sst s3  }
0xc: {  	[smem:$0x3FAA] =	sst s4  }
0xd: {  	[smem:$0x3FAB] =	sst s5  }
0xe: {  	[smem:$0x3FAC] =	sst s6  }
0xf: {  	[smem:$0x3FAD] =	sst s7  }
0x10: {  	[smem:$0x3FAE] =	sst s8  }
0x11: {  	[smem:$0x3FAF] =	sst s9;
	s0 =	simm.s32 @!p0 $0x0  }
0x12: {  	s1 =	sld [smem:$0x3F95];
	s0 =	simm.s32 @p0 $0x1  }
0x13: {  	[smem:$0x3FB0] =	sst s0;
	s0 =	simm.s32 @!p1 $0x0  }
0x14: {  	s2 =	sld [smem:$0x3F94];
	s0 =	simm.s32 @p1 $0x1  }
0x15: {  	[smem:$0x3FB1] =	sst s0;
	s0 =	simm.s32 @!p2 $0x0  }
0x16: {  	s3 =	sld [smem:$0x3FDB];
	s0 =	simm.s32 @p2 $0x1  }
0x17: {  	s4 =	simm.s32 $0x1BF5;
	[smem:$0x3FB3] =	sst s0  }
0x18: {  	s0 =	sld [smem:$0x3F96];
	_ =	swait.ge [sflag:s4], $0x0  }
0x19: {  	s7 =	sld [smem:$0x3F97]  }
0x1a: {  	s8 =	sadd.s32 $0xFFFFE003, lr  }
0x1b: {  	s9 =	sadd.s32 $0xFFFFFEF7, lr;
	s5 =	simm.s32 $0xFFFFFFFF;
	p2 =	slt.u32 s8, $0xFFFFF086  }
0x1c: {  	p1 =	slt.u32 s9, $0xF7A;
	s5 =	simm.s32 @!p2 $0x0  }
0x1d: {  	s5 =	simm.s32 @p1 $0x1;
	p0 =	seq.s32 s7, s2  }
0x1e: {  	s7 =	smul.u32 @!p0 $0xF7A, s2;
	p2 =	seq.s32 @!p0 s5, $0x0  }
0x1f: {  	s9 =	smul.u32 $0xF7A, s1;
	s8 =	simm.s32 @!p0 $0x1BF5;
	p2 =	por !p2, p0  }
0x20: {  	[sflag:s8] =	ssyncset.s32 @!p0 $0xFFFFF086;
	s6 =	sadd.s32 @!p0 s3, s7;
	s7 =	simm.s32 @!p0 $0x108  }
0x21: {  	s3 =	sadd.s32 s3, s9;
	s6 =	sadd.s32 @!p0 $0x88, s6;
	s7 =	simm.s32 @p2 $0x1082  }
0x22: {  	[simem:s7], [sflag:s8] =	dma.local @!p0 [hbm:s6], $0xF7A  }
0x23: {  	s9 =	sor.u32 $0xD0000000, s2;
	s6 =	simm.s32 $0x108;
	_ =	swait.ge @!p0 [sflag:s8], $0x0  }
0x24: {  	s3 =	sadd.s32 $0x88, s3;
	s6 =	simm.s32 @!p1 $0x1082;
	[sflag:s4] =	ssyncset.s32 $0xFFFFF086  }
0x25: {  	[simem:s6], [sflag:s4] =	dma.local [hbm:s3], $0xF7A  }
0x26: {  	[smem:$0x3F97] =	sst s1;
	(tag) =	ssettag s2;
	_ =	strace s9  }
0x27: {  	s1 =	sld [smem:$0x3FA7]  }
0x28: {  	s2 =	sld [smem:$0x3FA8]  }
0x29: {  	s4 =	sld [smem:$0x3FAA]  }
0x2a: {  	p0 =	seq.s32 s5, $0x0;
	s5 =	sld [smem:$0x3FAB]  }
0x2b: {  	s6 =	sld [smem:$0x3FAC]  }
0x2c: {  	s7 =	sld [smem:$0x3FAD]  }
0x2d: {  	s3 =	simm.s32 $0x108;
	s8 =	sld [smem:$0x3FAE]  }
0x2e: {  	s3 =	simm.s32 @!p0 $0x1082;
	s9 =	sld [smem:$0x3FAF]  }
0x2f: {  	lr =	sadd.s32 s0, s3;
	s0 =	sld [smem:$0x3FA6]  }
0x30: {  	s3 =	sld [smem:$0x3FA9]  }
0x31: {  	[smem:$0x3FB2] =	sst s10  }
0x32: {  	s10 =	sld [smem:$0x3FB0];
	_ =	sdelay $0x3  }
0x33: {  	p0 =	seq.s32 s10, $0x1;
	s10 =	sld [smem:$0x3FB2];
	_ =	sdelay $0x3  }
0x34: {  	[smem:$0x3FB2] =	sst s10  }
0x35: {  	s10 =	sld [smem:$0x3FB1];
	_ =	sdelay $0x3  }
0x36: {  	p1 =	seq.s32 s10, $0x1;
	s10 =	sld [smem:$0x3FB2];
	_ =	sdelay $0x3  }
0x37: {  	[smem:$0x3FB2] =	sst s10  }
0x38: {  	s10 =	sld [smem:$0x3FB3]  }
0x39: {  	_ = 	snop;
	(pc) =	sbr.ind lr, $3  }
0x3a: {  	_ = 	snop  }
0x3b: {  	_ = 	snop  }
0x3c: {  	p2 =	seq.s32 s10, $0x1;
	s10 =	sld [smem:$0x3FB2]  }
0x3d: {  	_ =	shalt  }
0x3e: {  	_ =	shalt  }
0x3f: {  	_ =	shalt  }
0x40: {  	_ =	shalt  }
0x41: {  	_ =	shalt  }
0x42: {  	_ =	shalt  }
0x43: {  	_ =	shalt  }
0x44: {  	_ =	shalt  }
0x45: {  	_ =	shalt  }
0x46: {  	_ =	shalt  }
0x47: {  	_ =	shalt  }
0x48: {  	_ =	shalt  }
0x49: {  	_ =	shalt  }
0x4a: {  	_ =	shalt  }
0x4b: {  	_ =	shalt  }
0x4c: {  	_ =	shalt  }
0x4d: {  	_ =	shalt  }
0x4e: {  	_ =	shalt  }
0x4f: {  	_ =	shalt  }
0x50: {  	_ =	shalt  }
0x51: {  	_ =	shalt  }
0x52: {  	_ =	shalt  }
0x53: {  	_ =	shalt  }
0x54: {  	_ =	shalt  }
0x55: {  	_ =	shalt  }
0x56: {  	_ =	shalt  }
0x57: {  	_ =	shalt  }
0x58: {  	_ =	shalt  }
0x59: {  	_ =	shalt  }
0x5a: {  	_ =	shalt  }
0x5b: {  	_ =	shalt  }
0x5c: {  	_ =	shalt  }
0x5d: {  	_ =	shalt  }
0x5e: {  	_ =	shalt  }
0x5f: {  	_ =	shalt  }
0x60: {  	_ =	shalt  }
0x61: {  	_ =	shalt  }
0x62: {  	_ =	shalt  }
0x63: {  	_ =	shalt  }
0x64: {  	_ =	shalt  }
0x65: {  	_ =	shalt  }
0x66: {  	_ =	shalt  }
0x67: {  	_ =	shalt  }
0x68: {  	_ =	shalt  }
0x69: {  	_ =	shalt  }
0x6a: {  	_ =	shalt  }
0x6b: {  	_ =	shalt  }
0x6c: {  	_ =	shalt  }
0x6d: {  	_ =	shalt  }
0x6e: {  	_ =	shalt  }
0x6f: {  	_ =	shalt  }
0x70: {  	_ =	shalt  }
0x71: {  	_ =	shalt  }
0x72: {  	_ =	shalt  }
0x73: {  	_ =	shalt  }
0x74: {  	_ =	shalt  }
0x75: {  	_ =	shalt  }
0x76: {  	_ =	shalt  }
0x77: {  	_ =	shalt  }
0x78: {  	_ =	shalt  }
0x79: {  	_ =	shalt  }
0x7a: {  	_ =	shalt  }
0x7b: {  	_ =	shalt  }
0x7c: {  	_ =	shalt  }
0x7d: {  	_ =	shalt  }
0x7e: {  	_ =	shalt  }
0x7f: {  	_ =	shalt  }
0x80: {  	_ =	shalt  }
0x81: {  	_ =	shalt  }
0x82: {  	_ =	shalt  }
0x83: {  	_ =	shalt  }
0x84: {  	_ =	shalt  }
0x85: {  	_ =	shalt  }
0x86: {  	_ =	shalt  }
0x87: {  	_ =	shalt  }
.Lfunc_end0:
.L_simem_size_0:
called_computation_lowered:
.L_overlay_start_0:
0x88: {  	s2 =	sld [smem:$0x3FD9]  }
0x89: {  	s3 =	sld [smem:$0x3FFE];
	_ =	sdelay $0x1  }
0x8a: {  	s1 =	srdreg.scid  }
0x8b: {  	s0 =	sand.u32 $0x1, s1  }
0x8c: {  	s16 =	sshll.u32 s0, $0xA;
	s2 =	sadd.s32 s3, s2  }
0x8d: {  	s2 =	sadd.s32 s2, s16  }
0x8e: {  	[smem:$0x3FBE] =	sst s2  }
0x8f: {  	_ = 	snop  }
0x90: {  	(tm) =	ssettm $0x1  }
0x91: {  	s17 =	sld [smem:$0x3FFB];
	_ =	sdelay $0x3  }
0x92: {  	_ =	strace s17  }
0x93: {  	s2 =	sld [smem:$0x3FFC];
	_ =	sdelay $0x3  }
0x94: {  	_ =	strace s2  }
0x95: {  	s2 =	sld [smem:$0x3FFD];
	_ =	sdelay $0x3  }
0x96: {  	_ =	strace s2  }
0x97: {  	_ =	strace $0x8FFFFFFF  }
0x98: {  	s18 =	sld [smem:$0x3FDB];
	_ =	sdelay $0x1  }
0x99: {  	s19 =	simm.s32 $_scs_section_size  }
0x9a: {  	s4 =	simm.s32 $_size__tile_overlayer_lowered;
	s5 =	simm.s32 $_tile_overlayer_lowered  }
0x9b: {  	s22 =	simm.s32 $0x1BFF;
	s21 =	sshll.u32 s5, $0x1;
	s2 =	sadd.s32 s19, s18  }
0x9c: {  	s6 =	simm.s32 $0x0;
	s20 =	sshll.u32 s4, $0x1;
	s4 =	sadd.s32 s21, s2  }
0x9d: {  	[timem:s6], [sflag:s22] =	dma.local [hbm:s4], s20  }
0x9e: {  	_ =	swait.ge [sflag:s22], s20  }
0x9f: {  	s3 =	ssub.s32 $0x0, s20;
	[sflag:s22] =	ssyncset.done $0x0  }
0xa0: {  	[sflag:s22] =	ssyncadd.s32 s3;
	_ =	sdelay $0x1  }
0xa1: {  	s23 =	simm.s32 $0x1B8B  }
0xa2: {  	_ =	swait.ge [sflag:s23], $0x1  }
0xa3: {  	[sflag:s23] =	ssyncset.done $0x0  }
0xa4: {  	s25 =	simm.s32 $0x1B8E;
	s24 =	sld [smem:$0x3FFE];
	[sflag:s23] =	ssyncadd.s32 $0xFFFFFFFF  }
0xa5: {  	s26 =	simm.s32 $execute0_lowered;
	[smem:$0x3FD2] =	sst s25  }
0xa6: {  	s4 =	sshll.u32 s26, $0x1;
	_ =	strace $0x80000046;
	[dreg:$0x1] =	wrdreg $0xFFFFFFFF  }
0xa7: {  	s28 =	simm.s32 $_size_execute0_lowered;
	s2 =	sadd.s32 s2, s4;
	[dreg:$0x0] =	wrdreg $0x0  }
0xa8: {  	s4 =	sshll.u32 s28, $0x1;
	[dreg:$0x2] =	wrdreg s2  }
0xa9: {  	[dreg:$0x3] =	wrdreg s4  }
0xaa: {  	[dreg:$0x4] =	wrdreg $0xC0  }
0xab: {  	_ =	task [dreg:s6], $0x5FFFF  }
0xac: {  	[dreg:$0x1] =	wrdreg $0xFFFFFFFF  }
0xad: {  	[dreg:$0x0] =	wrdreg $0x60  }
0xae: {  	[dreg:$0x2] =	wrdreg s24  }
0xaf: {  	[dreg:$0x3] =	wrdreg $0xED800  }
0xb0: {  	[dreg:$0x4] =	wrdreg $0xF0000  }
0xb1: {  	[dreg:$0x5] =	wrdreg $0x9  }
0xb2: {  	_ =	task.clear_ibuf [dreg:s6], $0x6FFFF;
	_ =	strace $0x90000046  }
0xb3: {  	s29 =	simm.s32 $0x9;
	_ =	strace $0x80000048  }
0xb4: {  	_ =	swait.ge [sflag:s29], $0x1  }
0xb5: {  	[sflag:s29] =	ssyncadd.s32 $0xFFFFFFFF  }
0xb6: {  	_ =	strace $0x90000048  }
0xb7: {  	_ =	sfence  }
0xb8: {  	s30 =	sld [smem:$0x0];
	_ =	sdelay $0x2  }
0xb9: {  	s31 =	sshll.u32 s1, $0xD;
	s1 =	sshrl.u32 s1, $0x2  }
0xba: {  	s3 =	sand.u32 $0x4000, s31;
	s1 =	sadd.s32 s1, s30  }
0xbb: {  	s0 =	sor.u32 s3, s0;
	s1 =	sshll.u32 s1, $0x11  }
0xbc: {  	s0 =	sor.u32 s1, s0  }
0xbd: {  	s0 =	sadd.s32 $0x8F2B, s0  }
0xbe: {  	[sflag:s0] =	ssyncadd.remote.s32 $0x1  }
0xbf: {  	_ =	sfence.sel $0xFFFF  }
0xc0: {  	[dreg:$0x0] =	wrdreg $0xFFFFFFFF;
	(pc) =	sbr.abs _section_cstart, $3  }
0xc1: {  	[dreg:$0x1] =	wrdreg $0xFFFFFFFF  }
0xc2: {  	_ =	task.clear_ibuf [dreg:s6], $0x2FFFF;
	_ =	strace $0x9FFFFFFF  }
0xc3: {  	(tm) =	ssettm $0x7FFFFFFF  }
tec
execute0_lowered:
.L_overlay_start_1:
0x0: {  	(tag) =	ssettag $0x1  }
0x1: {  	s4 =	rddreg [dreg:$0x0]  }
0x2: {  	s1 =	rddreg [dreg:$0x1]  }
0x3: {  	s2 =	rddreg [dreg:$0x2]  }
0x4: {  	s0 =	rddreg [dreg:$0x3];
	s3 =	simm.s32 $0x0  }
0x5: {  	s5 =	srdreg.scid;
	s16 =	stileid.u32;
	s14 =	simm.s32 $0x4E80  }
0x6: {  	s15 =	simm.s32 $0x9D00;
	s17 =	simm.s32 $0xED00;
	s19 =	simm.s32 $0x0  }
0x7: {  	[smem:$0x7FF] =	sst s3;
	s18 =	sand.u32 $0x1, s5;
	s6 =	sadd.s32 $0x2400, s4  }
0x8: {  	s10 =	sshll.u32 s16, $0xA;
	s8 =	sshll.u32 s16, $0x7;
	s9 =	smul.u32 $0x2710, s16  }
0x9: {  	s28 =	smul.u32 $0x4E20, s16;
	p0 =	sne.s32 s16, $0x0;
	p1 =	sgt.u32 s16, $0x9  }
0xa: {  	s16 =	simm.s32 $0x50;
	_ =	strace $0x80000047;
	s5 =	smul.u32 $0x2800, s18  }
0xb: {  	s7 =	smul.u32 $0x27100, s18;
	s11 =	sadd.s32 s8, s4;
	s29 =	ssub.s32 $0x2, s18  }
0xc: {  	p2 =	sne.s32 @!p1 s18, $0x0;
	s18 =	simm.s32 $0xC500;
	s31 =	sshrl.u32 s29, $0x1  }
0xd: {  	s8 =	sshrl.u32 s28, $0x3;
	s11 =	sadd.s32 $0x16800, s11;
	s5 =	sadd.s32 s10, s5  }
0xe: {  	p2 =	por p2, p1;
	s30 =	sadd.s32 s9, s7;
	s5 =	sshrl.u32 s5, $0x3  }
0xf: {  	s13 =	ssub.s32 s29, s31;
	s12 =	sadd.s32 s5, s4;
	s5 =	sshrl.u32 s30, $0x3  }
0x10: {  	v0 =	vlaneseq.u32;
	s4 =	sadd.s32 s6, s8;
	s8 =	sadd.s32 s10, s2;
	s10 =	sadd.s32 $0xC500, s10  }
0x11: {  	v5 =	vimm.f32 $0.0e+00;
	v6 =	vimm.f32 $1.000000000e+00;
	v1 =	vor.u32 $0x10, v0;
	s5 =	sadd.s32 s6, s5;
	s6 =	sadd.s32 $0x9C40, s4;
	s9 =	sadd.s32 $0x15E00, s12  }
0x12: {  	v2 =	vor.u32 $0x20, v0;
	v3 =	vor.u32 $0x30, v0;
	v4 =	vor.u32 $0x40, v0;
	s12 =	smax.u32 s13, $0x1;
	s13 =	simm.s32 $0x1;
	s7 =	sadd.s32 $0x9C40, s5  }
.LBB2_1:
0x13: {  	[tilespmem:$0xED00] =	vst v0  }
0x14: {  	[tilespmem:$0xED10] =	vst v1  }
0x15: {  	[tilespmem:$0xED20] =	vst v2  }
0x16: {  	[tilespmem:$0xED30] =	vst v3  }
0x17: {  	[tilespmem:$0xED40] =	vst v4;
	s20 =	simm.s32 $0x10;
	s21 =	sand.u32 $0x3FF0, s3  }
.LBB2_2:
0x18: {  	p3 =	sne.s32 s20, $0x27F0;
	[tilespmem:s21+$0x9D00] =	vst v5;
	s21 =	smov.u32 s20;
	s20 =	sadd.s32 $0x10, s20  }
.Ltmp0:
0x19: {  	(pc) =	sbr.rel @p3 .LBB2_2-.Ltmp0, $2  }
0x1a: {  	_ =	sdelay $0x2  }
0x1b: {  	s21 =	sand.u32 $0x3FF0, s21  }
0x1c: {  	[tilespmem:s21+$0x9D00] =	vst v5;
	s20 =	simm.s32 @!p0 $0x9D00;
	s21 =	simm.s32 @!p0 $0x1  }
0x1d: {  	[spmem:s1] =	stream.linear.scatter @!p0 [tilespmem:s20], [sflag:$0x1], $0x2800, $0x38;
	[tilespmem:$0xF280] =	vst v63  }
0x1e: {  	_ =	swait.ge @!p0 [sflag:s21], $0x2800  }
0x1f: {  	[sflag:s21] =	ssyncset.done @!p0 $0x0  }
0x20: {  	[sflag:s21] =	ssyncadd.s32 @!p0 $0xFFFFD800  }
0x21: {  	[spmem:s2] =	stream.linear.scatter @!p0 [tilespmem:s20], [sflag:$0x1], $0x2800, $0x38;
	[tilespmem:$0xF280] =	vst v63  }
0x22: {  	_ =	swait.ge @!p0 [sflag:s21], $0x2800  }
0x23: {  	[sflag:s21] =	ssyncset.done @!p0 $0x0  }
0x24: {  	[sflag:s21] =	ssyncadd.s32 @!p0 $0xFFFFD800  }
0x25: {  	s31 =	simm.s32 $0x0;
	[bflag:$0x0] =	sbarrier.arrive $0xFFFF  }
0x26: {  	[tilespmem:s31], [sflag:$0x1] =	stream.linear.gather [hbm4b:s6+s31], $0x4E20, $0x38;
	[tilespmem:$0xF280] =	vst v63  }
0x27: {  	_ =	swait.ge [sflag:s13], $0x4E20  }
0x28: {  	[sflag:s13] =	ssyncset.done $0x0  }
0x29: {  	[sflag:s13] =	ssyncadd.s32 $0xFFFFB1E0  }
0x2a: {  	[tilespmem:s14], [sflag:$0x1] =	stream.linear.gather [hbm4b:s4+s31], $0x4E20, $0x38;
	[tilespmem:$0xF280] =	vst v63  }
0x2b: {  	_ =	swait.ge [sflag:s13], $0x4E20  }
0x2c: {  	[sflag:s13] =	ssyncset.done $0x0  }
0x2d: {  	s20 =	simm.s32 $0x80;
	s21 =	simm.s32 $0x0;
	[sflag:s13] =	ssyncadd.s32 $0xFFFFB1E0  }
.LBB2_4:
0x2e: {  	p3 =	sne.s32 s20, $0x13800;
	v7 =	vld [tilespmem:s21+$0x0];
	_ =	sdelay $0x7  }
0x2f: {  	[tilespmem:v7+s15+$0x0] =	vst.idx.add.f32.msk $0xffff, v6  }
0x30: {  	v7 =	vld [tilespmem:s21+$0x10];
	_ =	sdelay $0x3  }
.Ltmp1:
0x31: {  	(pc) =	sbr.rel @p3 .LBB2_4-.Ltmp1, $2  }
0x32: {  	_ =	sdelay $0x2  }
0x33: {  	s21 =	sshra.s32 s20, $0x2;
	s20 =	sadd.s32 $0x80, s20;
	[tilespmem:v7+s15+$0x0] =	vst.idx.add.f32.msk $0xffff, v6  }
0x34: {  	v7 =	vld [tilespmem:s21+$0x0];
	_ =	sdelay $0x7  }
0x35: {  	[tilespmem:v7+s15+$0x0] =	vst.idx.add.f32.msk $0xffff, v6  }
0x36: {  	v7 =	vld [tilespmem:s21+$0x10];
	_ =	sdelay $0x7  }
0x37: {  	[tilespmem:v7+s15+$0x0] =	vst.idx.add.f32.msk $0xffff, v6  }
0x38: {  	[spmem:s1] =	stream.indirect.scatter.add.f32 [tilespmem:s15], [sflag:$0x1], $0x80, s17, s16, $0xb8;
	[tilespmem:$0xF280] =	vst v63  }
0x39: {  	_ =	swait.ge [sflag:s13], $0x2800  }
0x3a: {  	[sflag:s13] =	ssyncset.done $0x0  }
0x3b: {  	[sflag:s13] =	ssyncadd.s32 $0xFFFFD800  }
0x3c: {  	[bflag:$0x0] =	sbarrier.arrive $0xFFFF  }
0x3d: {  	[tilespmem:s18], [sflag:$0x1] =	stream.linear.gather [spmem:s1], $0x2800, $0x38;
	[tilespmem:$0xF280] =	vst v63  }
0x3e: {  	_ =	swait.ge [sflag:s13], $0x2800  }
0x3f: {  	s20 =	simm.s32 $0x0;
	[sflag:s13] =	ssyncset.done $0x0  }
0x40: {  	s22 =	simm.s32 $0x10;
	s21 =	sand.u32 $0x3FF0, s20;
	[sflag:s13] =	ssyncadd.s32 $0xFFFFD800  }
.LBB2_6:
0x41: {  	p3 =	sne.s32 s22, $0x27F0;
	v7 =	vld [tilespmem:s21+$0xC500];
	_ =	sdelay $0x4  }
0x42: {  	v7 =	vmax.f32 v7, $1.000000000e+00  }
0x43: {  	(erf) = vrcp.f32 v7;
	_ =	sdelay $0x5  }
.Ltmp2:
0x44: {  	(pc) =	sbr.rel @p3 .LBB2_6-.Ltmp2, $3  }
0x45: {  	_ =	sdelay $0x1  }
0x46: {  	v7 =	vpop (erf)  }
0x47: {  	[tilespmem:s21+$0xC500] =	vst v7;
	s21 =	sand.u32 $0x3FF0, s22;
	s22 =	sadd.s32 $0x10, s22  }
0x48: {  	v7 =	vld [tilespmem:s21+$0xC500];
	_ =	sdelay $0x4  }
0x49: {  	v7 =	vmax.f32 v7, $1.000000000e+00  }
0x4a: {  	(erf) = vrcp.f32 v7;
	_ =	sdelay $0x8  }
0x4b: {  	v7 =	vpop (erf)  }
0x4c: {  	s20 =	sand.u32 $0x3FF0, s20;
	[tilespmem:s21+$0xC500] =	vst v7;
	s21 =	simm.s32 $0x10  }
.LBB2_8:
0x4d: {  	p3 =	sne.s32 s21, $0x27F0;
	[tilespmem:s20+$0x9D00] =	vst v5;
	s20 =	smov.u32 s21;
	s21 =	sadd.s32 $0x10, s21  }
.Ltmp3:
0x4e: {  	(pc) =	sbr.rel @p3 .LBB2_8-.Ltmp3, $2  }
0x4f: {  	_ =	sdelay $0x2  }
0x50: {  	s20 =	sand.u32 $0x3FF0, s20  }
0x51: {  	[tilespmem:s20+$0x9D00] =	vst v5;
	s20 =	simm.s32 $0x0  }
0x52: {  	[tilespmem:s20], [sflag:$0x1] =	stream.linear.gather [hbm4b:s7+s20], $0x2710, $0x38;
	[tilespmem:$0xF280] =	vst v63  }
0x53: {  	_ =	swait.ge [sflag:s13], $0x2710  }
0x54: {  	[sflag:s13] =	ssyncset.done $0x0  }
0x55: {  	[sflag:s13] =	ssyncadd.s32 $0xFFFFD8F0  }
0x56: {  	[tilespmem:s14], [sflag:$0x1] =	stream.linear.gather [hbm4b:s5+s20], $0x2710, $0x38;
	[tilespmem:$0xF280] =	vst v63  }
0x57: {  	_ =	swait.ge [sflag:s13], $0x2710  }
0x58: {  	[sflag:s13] =	ssyncset.done $0x0  }
0x59: {  	[sflag:s13] =	ssyncadd.s32 $0xFFFFD8F0  }
.LBB2_10:
0x5a: {  	s21 =	sshra.s32 s20, $0x2  }
0x5b: {  	v7 =	vld [tilespmem:s21+$0x0];
	_ =	sdelay $0x4  }
0x5c: {  	v8 =	vld [tilespmem:s21+$0x4E80];
	_ =	sdelay $0x2  }
0x5d: {  	v7 =	vld.idx.msk [tilespmem:v7+s18+$0x0], $0xffff;
	_ =	sdelay $0x4  }
0x5e: {  	[tilespmem:v8+s15+$0x0] =	vst.idx.add.f32.msk $0xffff, v7  }
0x5f: {  	v7 =	vld [tilespmem:s21+$0x10];
	_ =	sdelay $0x4  }
0x60: {  	v8 =	vld [tilespmem:s21+$0x4E90];
	_ =	sdelay $0x2  }
0x61: {  	v7 =	vld.idx.msk [tilespmem:v7+s18+$0x0], $0xffff;
	_ =	sdelay $0x4  }
0x62: {  	[tilespmem:v8+s15+$0x0] =	vst.idx.add.f32.msk $0xffff, v7  }
0x63: {  	v7 =	vld [tilespmem:s21+$0x20];
	_ =	sdelay $0x4  }
0x64: {  	v8 =	vld [tilespmem:s21+$0x4EA0];
	_ =	sdelay $0x2  }
0x65: {  	v7 =	vld.idx.msk [tilespmem:v7+s18+$0x0], $0xffff;
	_ =	sdelay $0x4  }
0x66: {  	[tilespmem:v8+s15+$0x0] =	vst.idx.add.f32.msk $0xffff, v7  }
0x67: {  	v7 =	vld [tilespmem:s21+$0x30];
	_ =	sdelay $0x4  }
0x68: {  	v8 =	vld [tilespmem:s21+$0x4EB0];
	_ =	sdelay $0x2  }
0x69: {  	v7 =	vld.idx.msk [tilespmem:v7+s18+$0x0], $0xffff;
	_ =	sdelay $0x4  }
0x6a: {  	[tilespmem:v8+s15+$0x0] =	vst.idx.add.f32.msk $0xffff, v7  }
0x6b: {  	v7 =	vld [tilespmem:s21+$0x40];
	_ =	sdelay $0x4  }
0x6c: {  	v8 =	vld [tilespmem:s21+$0x4EC0];
	_ =	sdelay $0x2  }
0x6d: {  	p3 =	sne.s32 s20, $0x9B00;
	v7 =	vld.idx.msk [tilespmem:v7+s18+$0x0], $0xffff  }
.Ltmp4:
0x6e: {  	_ = 	snop;
	(pc) =	sbr.rel @p3 .LBB2_10-.Ltmp4, $2  }
0x6f: {  	_ =	sdelay $0x2  }
0x70: {  	s20 =	sadd.s32 $0x140, s20;
	[tilespmem:v8+s15+$0x0] =	vst.idx.add.f32.msk $0xffff, v7  }
0x71: {  	[spmem:s2] =	stream.indirect.scatter.add.f32 [tilespmem:s15], [sflag:$0x1], $0x80, s17, s16, $0xb8;
	[tilespmem:$0xF280] =	vst v63  }
0x72: {  	_ =	swait.ge [sflag:s13], $0x2800  }
0x73: {  	[sflag:s13] =	ssyncset.done $0x0  }
0x74: {  	[sflag:s13] =	ssyncadd.s32 $0xFFFFD800  }
0x75: {  	s20 =	simm.s32 @!p1 $0x9D00;
	s21 =	simm.s32 @!p1 $0x1;
	[bflag:$0x0] =	sbarrier.arrive $0xFFFF  }
0x76: {  	[tilespmem:s20], [sflag:$0x1] =	stream.linear.gather @!p1 [spmem:s8], $0x400, $0x38;
	[tilespmem:$0xF280] =	vst v63  }
0x77: {  	_ =	swait.ge @!p1 [sflag:s21], $0x400  }
0x78: {  	[sflag:s21] =	ssyncset.done @!p1 $0x0  }
0x79: {  	s22 =	simm.s32 @!p1 $0x0;
	[sflag:s21] =	ssyncadd.s32 @!p1 $0xFFFFFC00  }
0x7a: {  	[hbm4b:s9+s22] =	stream.linear.scatter @!p1 [tilespmem:s20], [sflag:$0x1], $0x400, $0x38;
	[tilespmem:$0xF280] =	vst v63  }
0x7b: {  	_ =	swait.ge @!p1 [sflag:s21], $0x400  }
0x7c: {  	s19 =	sadd.s32 $0x1, s19;
	[sflag:s21] =	ssyncset.done @!p1 $0x0  }
0x7d: {  	p3 =	sne.s32 s19, s12;
	s20 =	simm.s32 @!p2 $0x0;
	[sflag:s21] =	ssyncadd.s32 @!p1 $0xFFFFFC00  }
0x7e: {  	[hbm4b:s11+s20] =	stream.linear.scatter @!p2 [tilespmem:s10], [sflag:$0x1], $0x400, $0x38;
	[tilespmem:$0xF280] =	vst v63  }
.Ltmp5:
0x7f: {  	_ = 	snop;
	(pc) =	sbr.rel @p3 .LBB2_1-.Ltmp5, $4  }
0x80: {  	s20 =	simm.s32 @!p2 $0x1  }
0x81: {  	_ =	swait.ge @!p2 [sflag:s20], $0x400  }
0x82: {  	[sflag:s20] =	ssyncset.done @!p2 $0x0  }
0x83: {  	[sflag:s20] =	ssyncadd.s32 @!p2 $0xFFFFFC00  }
0x84: {  	_ =	sfence.sel $0x180000  }
0x85: {  	[bflag:$0x0] =	sbarrier.arrive $0xFFFF  }
0x86: {  	_ =	strace $0x90000047  }
0x87: {  	s0 =	sadd.s32 @!p0 $0x100000, s0;
	[bflag:$0x2] =	sbarrier.arrive $0xFFFF  }
0x88: {  	[sflag:s0] =	ssyncadd.tile.s32 @!p0 $0x1;
	_ =	shalt  }
.Lfunc_end2:
_tile_overlayer_lowered:
.L_overlay_start_2:
0x89: {  	(tag) =	ssettag $0x2  }
0x8a: {  	s0 =	rddreg [dreg:$0x0];
	s2 =	stileid.u32  }
0x8b: {  	s1 =	rddreg [dreg:$0x1];
	p0 =	sne.s32 s2, $0x0  }
0x8c: {  	s3 =	rddreg [dreg:$0x2];
	[bflag:$0x3] =	sbarrier.arrive $0xFFFF;
	s2 =	simm.s32 @!p0 $0x1C01  }
0x8d: {  	[timem:s3], [sflag:s2] =	dma.local @!p0 [hbm:s0], s1  }
0x8e: {  	s0 =	simm.s32 @!p0 $0x1  }
0x8f: {  	_ =	swait.ge @!p0 [sflag:s0], s1  }
0x90: {  	s1 =	ssub.s32 @!p0 $0x0, s1;
	[sflag:s0] =	ssyncset.done @!p0 $0x0  }
0x91: {  	[sflag:s0] =	ssyncadd.s32 @!p0 s1  }
0x92: {  	[bflag:$0x3] =	sbarrier.arrive $0xFFFF  }
0x93: {  	_ =	shalt  }

// kernel: kernel.8.cloned.1.call-start
scs
__scs_entry_jumppad:
0x0: {  	(pc) =	sbr.rel $0x88, $3  }
0x1: {  	(tag) =	ssettag $0x0;
	lr =	simm.s32 $0x1  }
0x2: {  	[smem:$0x3F97] =	sst lr;
	_ =	strace $0xD0000000  }
0x3: {  	_ = 	snop  }
0x4: {  	_ = 	snop  }
0x5: {  	_ = 	snop  }
0x6: {  	_ = 	snop  }
0x7: {  	_ = 	snop  }
__scs_overlays_trampoline_lowered:
0x8: {  	[smem:$0x3FA6] =	sst s0  }
0x9: {  	[smem:$0x3FA7] =	sst s1  }
0xa: {  	[smem:$0x3FA8] =	sst s2  }
0xb: {  	[smem:$0x3FA9] =	sst s3  }
0xc: {  	[smem:$0x3FAA] =	sst s4  }
0xd: {  	[smem:$0x3FAB] =	sst s5  }
0xe: {  	[smem:$0x3FAC] =	sst s6  }
0xf: {  	[smem:$0x3FAD] =	sst s7  }
0x10: {  	[smem:$0x3FAE] =	sst s8  }
0x11: {  	[smem:$0x3FAF] =	sst s9;
	s0 =	simm.s32 @!p0 $0x0  }
0x12: {  	s1 =	sld [smem:$0x3F95];
	s0 =	simm.s32 @p0 $0x1  }
0x13: {  	[smem:$0x3FB0] =	sst s0;
	s0 =	simm.s32 @!p1 $0x0  }
0x14: {  	s2 =	sld [smem:$0x3F94];
	s0 =	simm.s32 @p1 $0x1  }
0x15: {  	[smem:$0x3FB1] =	sst s0;
	s0 =	simm.s32 @!p2 $0x0  }
0x16: {  	s3 =	sld [smem:$0x3FDB];
	s0 =	simm.s32 @p2 $0x1  }
0x17: {  	s4 =	simm.s32 $0x1BF5;
	[smem:$0x3FB3] =	sst s0  }
0x18: {  	s0 =	sld [smem:$0x3F96];
	_ =	swait.ge [sflag:s4], $0x0  }
0x19: {  	s7 =	sld [smem:$0x3F97]  }
0x1a: {  	s8 =	sadd.s32 $0xFFFFE003, lr  }
0x1b: {  	s9 =	sadd.s32 $0xFFFFFEF7, lr;
	s5 =	simm.s32 $0xFFFFFFFF;
	p2 =	slt.u32 s8, $0xFFFFF086  }
0x1c: {  	p1 =	slt.u32 s9, $0xF7A;
	s5 =	simm.s32 @!p2 $0x0  }
0x1d: {  	s5 =	simm.s32 @p1 $0x1;
	p0 =	seq.s32 s7, s2  }
0x1e: {  	s7 =	smul.u32 @!p0 $0xF7A, s2;
	p2 =	seq.s32 @!p0 s5, $0x0  }
0x1f: {  	s9 =	smul.u32 $0xF7A, s1;
	s8 =	simm.s32 @!p0 $0x1BF5;
	p2 =	por !p2, p0  }
0x20: {  	[sflag:s8] =	ssyncset.s32 @!p0 $0xFFFFF086;
	s6 =	sadd.s32 @!p0 s3, s7;
	s7 =	simm.s32 @!p0 $0x108  }
0x21: {  	s3 =	sadd.s32 s3, s9;
	s6 =	sadd.s32 @!p0 $0x88, s6;
	s7 =	simm.s32 @p2 $0x1082  }
0x22: {  	[simem:s7], [sflag:s8] =	dma.local @!p0 [hbm:s6], $0xF7A  }
0x23: {  	s9 =	sor.u32 $0xD0000000, s2;
	s6 =	simm.s32 $0x108;
	_ =	swait.ge @!p0 [sflag:s8], $0x0  }
0x24: {  	s3 =	sadd.s32 $0x88, s3;
	s6 =	simm.s32 @!p1 $0x1082;
	[sflag:s4] =	ssyncset.s32 $0xFFFFF086  }
0x25: {  	[simem:s6], [sflag:s4] =	dma.local [hbm:s3], $0xF7A  }
0x26: {  	[smem:$0x3F97] =	sst s1;
	(tag) =	ssettag s2;
	_ =	strace s9  }
0x27: {  	s1 =	sld [smem:$0x3FA7]  }
0x28: {  	s2 =	sld [smem:$0x3FA8]  }
0x29: {  	s4 =	sld [smem:$0x3FAA]  }
0x2a: {  	p0 =	seq.s32 s5, $0x0;
	s5 =	sld [smem:$0x3FAB]  }
0x2b: {  	s6 =	sld [smem:$0x3FAC]  }
0x2c: {  	s7 =	sld [smem:$0x3FAD]  }
0x2d: {  	s3 =	simm.s32 $0x108;
	s8 =	sld [smem:$0x3FAE]  }
0x2e: {  	s3 =	simm.s32 @!p0 $0x1082;
	s9 =	sld [smem:$0x3FAF]  }
0x2f: {  	lr =	sadd.s32 s0, s3;
	s0 =	sld [smem:$0x3FA6]  }
0x30: {  	s3 =	sld [smem:$0x3FA9]  }
0x31: {  	[smem:$0x3FB2] =	sst s10  }
0x32: {  	s10 =	sld [smem:$0x3FB0];
	_ =	sdelay $0x3  }
0x33: {  	p0 =	seq.s32 s10, $0x1;
	s10 =	sld [smem:$0x3FB2];
	_ =	sdelay $0x3  }
0x34: {  	[smem:$0x3FB2] =	sst s10  }
0x35: {  	s10 =	sld [smem:$0x3FB1];
	_ =	sdelay $0x3  }
0x36: {  	p1 =	seq.s32 s10, $0x1;
	s10 =	sld [smem:$0x3FB2];
	_ =	sdelay $0x3  }
0x37: {  	[smem:$0x3FB2] =	sst s10  }
0x38: {  	s10 =	sld [smem:$0x3FB3]  }
0x39: {  	_ = 	snop;
	(pc) =	sbr.ind lr, $3  }
0x3a: {  	_ = 	snop  }
0x3b: {  	_ = 	snop  }
0x3c: {  	p2 =	seq.s32 s10, $0x1;
	s10 =	sld [smem:$0x3FB2]  }
0x3d: {  	_ =	shalt  }
0x3e: {  	_ =	shalt  }
0x3f: {  	_ =	shalt  }
0x40: {  	_ =	shalt  }
0x41: {  	_ =	shalt  }
0x42: {  	_ =	shalt  }
0x43: {  	_ =	shalt  }
0x44: {  	_ =	shalt  }
0x45: {  	_ =	shalt  }
0x46: {  	_ =	shalt  }
0x47: {  	_ =	shalt  }
0x48: {  	_ =	shalt  }
0x49: {  	_ =	shalt  }
0x4a: {  	_ =	shalt  }
0x4b: {  	_ =	shalt  }
0x4c: {  	_ =	shalt  }
0x4d: {  	_ =	shalt  }
0x4e: {  	_ =	shalt  }
0x4f: {  	_ =	shalt  }
0x50: {  	_ =	shalt  }
0x51: {  	_ =	shalt  }
0x52: {  	_ =	shalt  }
0x53: {  	_ =	shalt  }
0x54: {  	_ =	shalt  }
0x55: {  	_ =	shalt  }
0x56: {  	_ =	shalt  }
0x57: {  	_ =	shalt  }
0x58: {  	_ =	shalt  }
0x59: {  	_ =	shalt  }
0x5a: {  	_ =	shalt  }
0x5b: {  	_ =	shalt  }
0x5c: {  	_ =	shalt  }
0x5d: {  	_ =	shalt  }
0x5e: {  	_ =	shalt  }
0x5f: {  	_ =	shalt  }
0x60: {  	_ =	shalt  }
0x61: {  	_ =	shalt  }
0x62: {  	_ =	shalt  }
0x63: {  	_ =	shalt  }
0x64: {  	_ =	shalt  }
0x65: {  	_ =	shalt  }
0x66: {  	_ =	shalt  }
0x67: {  	_ =	shalt  }
0x68: {  	_ =	shalt  }
0x69: {  	_ =	shalt  }
0x6a: {  	_ =	shalt  }
0x6b: {  	_ =	shalt  }
0x6c: {  	_ =	shalt  }
0x6d: {  	_ =	shalt  }
0x6e: {  	_ =	shalt  }
0x6f: {  	_ =	shalt  }
0x70: {  	_ =	shalt  }
0x71: {  	_ =	shalt  }
0x72: {  	_ =	shalt  }
0x73: {  	_ =	shalt  }
0x74: {  	_ =	shalt  }
0x75: {  	_ =	shalt  }
0x76: {  	_ =	shalt  }
0x77: {  	_ =	shalt  }
0x78: {  	_ =	shalt  }
0x79: {  	_ =	shalt  }
0x7a: {  	_ =	shalt  }
0x7b: {  	_ =	shalt  }
0x7c: {  	_ =	shalt  }
0x7d: {  	_ =	shalt  }
0x7e: {  	_ =	shalt  }
0x7f: {  	_ =	shalt  }
0x80: {  	_ =	shalt  }
0x81: {  	_ =	shalt  }
0x82: {  	_ =	shalt  }
0x83: {  	_ =	shalt  }
0x84: {  	_ =	shalt  }
0x85: {  	_ =	shalt  }
0x86: {  	_ =	shalt  }
0x87: {  	_ =	shalt  }
.Lfunc_end0:
.L_simem_size_0:
called_computation.1_lowered:
.L_overlay_start_0:
0x88: {  	s2 =	sld [smem:$0x3FD9]  }
0x89: {  	s3 =	sld [smem:$0x3FFE];
	_ =	sdelay $0x1  }
0x8a: {  	s1 =	srdreg.scid  }
0x8b: {  	s0 =	sand.u32 $0x1, s1  }
0x8c: {  	s17 =	sshll.u32 s0, $0xA;
	s2 =	sadd.s32 s3, s2  }
0x8d: {  	s2 =	sadd.s32 s2, s17  }
0x8e: {  	[smem:$0x3FBE] =	sst s2  }
0x8f: {  	_ = 	snop  }
0x90: {  	s18 =	sld [smem:$0x3FC9];
	(tm) =	ssettm $0x1  }
0x91: {  	s19 =	sld [smem:$0x3FFB];
	_ =	sdelay $0x3  }
0x92: {  	_ =	strace s19  }
0x93: {  	s2 =	sld [smem:$0x3FFC];
	_ =	sdelay $0x3  }
0x94: {  	_ =	strace s2  }
0x95: {  	s2 =	sld [smem:$0x3FFD];
	_ =	sdelay $0x3  }
0x96: {  	_ =	strace s2  }
0x97: {  	_ =	strace $0x8FFFFFFF  }
0x98: {  	s20 =	sld [smem:$0x3FDB];
	_ =	sdelay $0x1  }
0x99: {  	s4 =	simm.s32 $_scs_section_size  }
0x9a: {  	s5 =	simm.s32 $_size__tile_overlayer_lowered;
	s6 =	simm.s32 $_tile_overlayer_lowered  }
0x9b: {  	s7 =	simm.s32 $0x1BFF;
	s21 =	sshll.u32 s6, $0x1;
	s4 =	sadd.s32 s4, s20  }
0x9c: {  	s22 =	simm.s32 $0x0;
	s5 =	sshll.u32 s5, $0x1;
	s6 =	sadd.s32 s21, s4  }
0x9d: {  	[timem:s22], [sflag:s7] =	dma.local [hbm:s6], s5  }
0x9e: {  	_ =	swait.ge [sflag:s7], s5  }
0x9f: {  	s5 =	ssub.s32 $0x0, s5;
	[sflag:s7] =	ssyncset.done $0x0  }
0xa0: {  	[sflag:s7] =	ssyncadd.s32 s5;
	_ =	sdelay $0x1  }
0xa1: {  	s23 =	simm.s32 $0x1B8B  }
0xa2: {  	_ =	swait.ge [sflag:s23], $0x1  }
0xa3: {  	[sflag:s23] =	ssyncset.done $0x0  }
0xa4: {  	[sflag:s23] =	ssyncadd.s32 $0xFFFFFFFF  }
0xa5: {  	s5 =	sld [smem:$0x0]  }
0xa6: {  	s6 =	sand.u32 $0xFFFFFFFE, s1  }
0xa7: {  	p0 =	sne.s32 s1, s6  }
0xa8: {  	s6 =	sshll.u32 @p0 s6, $0xE  }
0xa9: {  	s6 =	sadd.s32 @p0 $0x11B8D, s6;
	s7 =	sshll.u32 @p0 s5, $0x11  }
0xaa: {  	s6 =	sor.u32 @p0 s7, s6  }
0xab: {  	[sflag:s6] =	ssyncadd.remote.s32 @p0 $0x1;
	_ =	sdelay $0x1  }
0xac: {  	s6 =	simm.s32 @p0 $0x1B8D  }
0xad: {  	_ =	swait.eq @p0 [sflag:s6], $0x1  }
0xae: {  	[sflag:s6] =	ssyncadd.s32 @p0 $0xFFFFFFFF  }
0xaf: {  	s7 =	sshll.u32 @!p0 s1, $0xE  }
0xb0: {  	s7 =	sor.u32 @!p0 $0x4000, s7;
	s6 =	simm.s32 @!p0 $0x1B8D  }
0xb1: {  	s5 =	sshll.u32 @!p0 s5, $0x11;
	s7 =	sadd.s32 @!p0 $0x11B8D, s7;
	_ =	swait.eq @!p0 [sflag:s6], $0x1  }
0xb2: {  	s5 =	sor.u32 @!p0 s5, s7;
	[sflag:s6] =	ssyncadd.s32 @!p0 $0xFFFFFFFF  }
0xb3: {  	s25 =	simm.s32 $0x1B8E;
	s24 =	sld [smem:$0x3FFE];
	[sflag:s5] =	ssyncadd.remote.s32 @!p0 $0x1  }
0xb4: {  	s26 =	simm.s32 $execute0_lowered;
	[smem:$0x3FD2] =	sst s25  }
0xb5: {  	s6 =	sshll.u32 s26, $0x1;
	_ =	strace $0x80000049;
	[dreg:$0x1] =	wrdreg $0xFFFFFFFF  }
0xb6: {  	s28 =	simm.s32 $_size_execute0_lowered;
	s4 =	sadd.s32 s4, s6;
	[dreg:$0x0] =	wrdreg $0x0  }
0xb7: {  	s6 =	sshll.u32 s28, $0x1;
	[dreg:$0x2] =	wrdreg s4  }
0xb8: {  	[dreg:$0x3] =	wrdreg s6  }
0xb9: {  	[dreg:$0x4] =	wrdreg $0xC0  }
0xba: {  	_ =	task [dreg:s22], $0x5FFFF  }
0xbb: {  	[dreg:$0x1] =	wrdreg $0xFFFFFFFF  }
0xbc: {  	[dreg:$0x0] =	wrdreg $0x60  }
0xbd: {  	[dreg:$0x2] =	wrdreg s24  }
0xbe: {  	[dreg:$0x3] =	wrdreg s18  }
0xbf: {  	[dreg:$0x4] =	wrdreg $0xA0000  }
0xc0: {  	[dreg:$0x5] =	wrdreg $0xA  }
0xc1: {  	_ =	task.clear_ibuf [dreg:s22], $0x6FFFF;
	_ =	strace $0x90000049  }
0xc2: {  	s29 =	simm.s32 $0xA;
	_ =	strace $0x8000004B  }
0xc3: {  	_ =	swait.ge [sflag:s29], $0x1  }
0xc4: {  	[sflag:s29] =	ssyncadd.s32 $0xFFFFFFFF  }
0xc5: {  	_ =	strace $0x9000004B  }
0xc6: {  	_ =	sfence  }
0xc7: {  	s30 =	sld [smem:$0x0];
	_ =	sdelay $0x2  }
0xc8: {  	s31 =	sshll.u32 s1, $0xD;
	s1 =	sshrl.u32 s1, $0x2  }
0xc9: {  	s4 =	sand.u32 $0x4000, s31;
	s1 =	sadd.s32 s1, s30  }
0xca: {  	s0 =	sor.u32 s4, s0;
	s1 =	sshll.u32 s1, $0x11  }
0xcb: {  	s0 =	sor.u32 s1, s0  }
0xcc: {  	s0 =	sadd.s32 $0x8F2B, s0  }
0xcd: {  	[sflag:s0] =	ssyncadd.remote.s32 $0x1  }
0xce: {  	_ =	sfence.sel $0xFFFF  }
0xcf: {  	[dreg:$0x0] =	wrdreg $0xFFFFFFFF;
	(pc) =	sbr.abs _section_cstart, $3  }
0xd0: {  	[dreg:$0x1] =	wrdreg $0xFFFFFFFF  }
0xd1: {  	_ =	task.clear_ibuf [dreg:s22], $0x2FFFF;
	_ =	strace $0x9FFFFFFF  }
0xd2: {  	(tm) =	ssettm $0x7FFFFFFF  }
0xd3: {  	_ =	shalt  }
tec
execute0_lowered:
.L_overlay_start_1:
0x0: {  	(tag) =	ssettag $0x1  }
0x1: {  	s0 =	rddreg [dreg:$0x0]  }
0x2: {  	s1 =	rddreg [dreg:$0x1]  }
0x3: {  	s2 =	rddreg [dreg:$0x2]  }
0x4: {  	s3 =	srdreg.scid;
	s17 =	stileid.u32;
	s28 =	simm.s32 $0x2000  }
0x5: {  	s29 =	simm.s32 $0x4;
	s31 =	simm.s32 $0x3;
	s30 =	simm.s32 $0xC80  }
0x6: {  	s4 =	sadd.s32 $0x21400, s0;
	s5 =	sand.u32 $0x1, s3;
	s9 =	smul.u32 $0x14000, s17  }
0x7: {  	s6 =	sadd.s32 $0x17600, s0;
	s7 =	sshll.u32 s17, $0x1;
	s17 =	smul.u32 $0x50000, s17  }
0x8: {  	s3 =	ssub.s32 $0x2, s5;
	s7 =	sor.u32 s5, s7;
	s5 =	smul.u32 $0x140000, s5  }
0x9: {  	s10 =	sadd.s32 $0x2B200, s0;
	s8 =	sshrl.u32 s3, $0x1;
	s24 =	smul.u32 $0x500, s7  }
0xa: {  	s11 =	sadd.s32 $0x4000, s9;
	s12 =	sadd.s32 $0x8000, s9;
	s13 =	sadd.s32 $0xC000, s9  }
0xb: {  	s14 =	sadd.s32 $0x10000, s9;
	p0 =	seq.s32 s7, $0x1F;
	s7 =	simm.s32 $0x880  }
0xc: {  	s3 =	ssub.s32 s3, s8;
	s9 =	sadd.s32 s9, s5;
	s23 =	sadd.s32 s5, s11  }
0xd: {  	s15 =	sadd.s32 s4, s24;
	s25 =	sadd.s32 $0x100, s24;
	s16 =	sadd.s32 s6, s24  }
0xe: {  	s18 =	sadd.s32 $0x300, s24;
	s8 =	sadd.s32 $0x400, s24;
	[dreg:$0x4] =	wrdreg s15  }
0xf: {  	s22 =	sshrl.u32 s9, $0x3;
	[dreg:$0x5] =	wrdreg s16;
	s26 =	sadd.s32 s4, s25  }
0x10: {  	s19 =	sadd.s32 s6, s25;
	s16 =	sadd.s32 $0x200, s24;
	s21 =	sadd.s32 s4, s18  }
0x11: {  	s24 =	sshrl.u32 s23, $0x3;
	s25 =	sadd.s32 s5, s12;
	s23 =	sadd.s32 s12, s2  }
0x12: {  	s12 =	simm.s32 $0xA00;
	[dreg:$0x6] =	wrdreg s26;
	s20 =	sadd.s32 s4, s16  }
0x13: {  	s15 =	sadd.s32 s6, s16;
	s16 =	sadd.s32 s6, s18;
	s18 =	sadd.s32 s4, s8  }
0x14: {  	s8 =	sadd.s32 s6, s8;
	s4 =	sadd.s32 s10, s22;
	s26 =	sadd.s32 s5, s13  }
0x15: {  	s5 =	sadd.s32 s5, s14;
	s22 =	sadd.s32 s11, s2;
	[dreg:$0xe] =	wrdreg s4  }
0x16: {  	s4 =	sadd.s32 s10, s24;
	s6 =	sshrl.u32 s26, $0x3;
	s9 =	sshrl.u32 s5, $0x3  }
0x17: {  	s5 =	sadd.s32 $0x17400, s0;
	[dreg:$0xf] =	wrdreg s4;
	s6 =	sadd.s32 s10, s6  }
0x18: {  	s4 =	sshrl.u32 s25, $0x3;
	s16 =	smov.u32 @p0 s5;
	[dreg:$0x11] =	wrdreg s6  }
0x19: {  	s5 =	sadd.s32 $0x16F00, s0;
	s4 =	sadd.s32 s10, s4;
	[dreg:$0xb] =	wrdreg s16  }
0x1a: {  	s11 =	simm.s32 $0x1900;
	s20 =	smov.u32 @p0 s5;
	[dreg:$0x10] =	wrdreg s4  }
0x1b: {  	s5 =	sadd.s32 $0x17200, s0;
	s4 =	sadd.s32 s10, s9;
	[dreg:$0x8] =	wrdreg s20  }
0x1c: {  	s19 =	smov.u32 @p0 s5;
	[dreg:$0x12] =	wrdreg s4;
	s4 =	sadd.s32 $0x17500, s0  }
0x1d: {  	[dreg:$0x7] =	wrdreg s19;
	s8 =	smov.u32 @p0 s4;
	s4 =	sadd.s32 $0x17100, s0  }
0x1e: {  	[dreg:$0xd] =	wrdreg s8;
	s18 =	smov.u32 @p0 s4;
	s4 =	sadd.s32 $0x17000, s0  }
0x1f: {  	s24 =	sadd.s32 s13, s2;
	[dreg:$0xc] =	wrdreg s18;
	s21 =	smov.u32 @p0 s4  }
0x20: {  	s18 =	simm.s32 $0x0;
	s4 =	sadd.s32 $0x17300, s0;
	[dreg:$0xa] =	wrdreg s21  }
0x21: {  	s26 =	smax.u32 s3, $0x1;
	s15 =	smov.u32 @p0 s4;
	[smem:$0x7FF] =	sst s18  }
0x22: {  	s0 =	sadd.s32 $0x16E00, s0;
	s4 =	sshrl.u32 s17, $0x2;
	[dreg:$0x9] =	wrdreg s15  }
0x23: {  	s21 =	sadd.s32 s4, s2;
	_ =	strace $0x8000004A;
	[dreg:$0x13] =	wrdreg s0  }
0x24: {  	s3 =	simm.s32 $0x1;
	s13 =	simm.s32 $0x2;
	[dreg:$0x15] =	wrdreg s21  }
0x25: {  	s25 =	sadd.s32 s14, s2;
	s14 =	simm.s32 $0x1980;
	[dreg:$0x16] =	wrdreg s22  }
0x26: {  	s6 =	simm.s32 $0x1000;
	s9 =	simm.s32 $0x1880;
	[dreg:$0x17] =	wrdreg s23  }
0x27: {  	s10 =	simm.s32 $0x980;
	s19 =	simm.s32 $0x1A00;
	[dreg:$0x18] =	wrdreg s24  }
0x28: {  	s8 =	simm.s32 $0x900;
	s4 =	simm.s32 $0x6000;
	[dreg:$0x19] =	wrdreg s25  }
0x29: {  	s15 =	simm.s32 $0x0;
	[dreg:$0x14] =	wrdreg s26;
	s0 =	simm.s32 $0x80  }
0x2a: {  	s25 =	simm.s32 $0x1800;
	s21 =	simm.s32 $0x1A80;
	s22 =	simm.s32 $0xB80  }
0x2b: {  	v0 =	vimm.f32 $0.0e+00;
	s23 =	simm.s32 $0x1B00;
	s24 =	simm.s32 $0xC00;
	s26 =	simm.s32 $0x1B80  }
.LBB2_1:
0x2c: {  	s16 =	simm.s32 $0x10;
	s17 =	sand.u32 $0x3FF0, s18  }
.LBB2_2:
0x2d: {  	p1 =	sne.s32 s16, $0x3FF0;
	[tilespmem:s17+$0x2000] =	vst v0;
	s17 =	smov.u32 s16;
	s16 =	sadd.s32 $0x10, s16  }
.Ltmp0:
0x2e: {  	(pc) =	sbr.rel @p1 .LBB2_2-.Ltmp0, $2  }
0x2f: {  	_ =	sdelay $0x2  }
0x30: {  	s17 =	sand.u32 $0x3FF0, s17  }
0x31: {  	[tilespmem:s17+$0x2000] =	vst v0;
	s5 =	rddreg [dreg:$0x15]  }
0x32: {  	[spmem:s5] =	stream.linear.scatter [tilespmem:s28], [sflag:$0x4], $0x4000, $0x38;
	[tilespmem:$0x1E000] =	vst v63  }
0x33: {  	_ =	swait.ge [sflag:s29], $0x4000  }
0x34: {  	[sflag:s29] =	ssyncset.done $0x0  }
0x35: {  	s17 =	rddreg [dreg:$0x16];
	[sflag:s29] =	ssyncadd.s32 $0xFFFFC000  }
0x36: {  	[spmem:s17] =	stream.linear.scatter [tilespmem:s28], [sflag:$0x4], $0x4000, $0x38;
	[tilespmem:$0x1E000] =	vst v63  }
0x37: {  	_ =	swait.ge [sflag:s29], $0x4000  }
0x38: {  	[sflag:s29] =	ssyncset.done $0x0  }
0x39: {  	s20 =	rddreg [dreg:$0x17];
	[sflag:s29] =	ssyncadd.s32 $0xFFFFC000  }
0x3a: {  	[spmem:s20] =	stream.linear.scatter [tilespmem:s28], [sflag:$0x4], $0x4000, $0x38;
	[tilespmem:$0x1E000] =	vst v63  }
0x3b: {  	_ =	swait.ge [sflag:s29], $0x4000  }
0x3c: {  	[sflag:s29] =	ssyncset.done $0x0  }
0x3d: {  	s16 =	rddreg [dreg:$0x18];
	[sflag:s29] =	ssyncadd.s32 $0xFFFFC000  }
0x3e: {  	[spmem:s16] =	stream.linear.scatter [tilespmem:s28], [sflag:$0x4], $0x4000, $0x38;
	[tilespmem:$0x1E000] =	vst v63  }
0x3f: {  	_ =	swait.ge [sflag:s29], $0x4000  }
0x40: {  	[sflag:s29] =	ssyncset.done $0x0  }
0x41: {  	s17 =	rddreg [dreg:$0x19];
	[sflag:s29] =	ssyncadd.s32 $0xFFFFC000  }
0x42: {  	[spmem:s17] =	stream.linear.scatter [tilespmem:s28], [sflag:$0x4], $0x4000, $0x38;
	[tilespmem:$0x1E000] =	vst v63  }
0x43: {  	_ =	swait.ge [sflag:s29], $0x4000  }
0x44: {  	[sflag:s29] =	ssyncset.done $0x0  }
0x45: {  	[sflag:s29] =	ssyncadd.s32 $0xFFFFC000  }
0x46: {  	[bflag:$0x0] =	sbarrier.arrive $0xFFFF  }
0x47: {  	s16 =	rddreg [dreg:$0x4]  }
0x48: {  	[tilespmem:s18], [sflag:$0x3] =	stream.linear.gather [hbm4b:s16+s18], $0x800, $0x38;
	[tilespmem:$0x1E000] =	vst v63  }
0x49: {  	s20 =	rddreg [dreg:$0x5]  }
0x4a: {  	[tilespmem:s6], [sflag:$0x3] =	stream.linear.gather [hbm4b:s20+s18], $0x800, $0x38;
	[tilespmem:$0x1E000] =	vst v63  }
0x4b: {  	_ =	swait.ge [sflag:s31], $0x800  }
0x4c: {  	[sflag:s31] =	ssyncset.done $0x0  }
0x4d: {  	[sflag:s31] =	ssyncadd.s32 $0xFFFFF800  }
0x4e: {  	_ =	swait.ge [sflag:s31], $0x800  }
0x4f: {  	s17 =	simm.s32 @p0 $0x800;
	[sflag:s31] =	ssyncset.done $0x0  }
0x50: {  	s16 =	simm.s32 @p0 $0x0;
	s20 =	rddreg [dreg:$0x13];
	[sflag:s31] =	ssyncadd.s32 $0xFFFFF800  }
0x51: {  	[tilespmem:s17], [sflag:$0x3] =	stream.linear.gather @p0 [hbm4b:s20+s16], $0x800, $0x38;
	[tilespmem:$0x1E000] =	vst v63  }
0x52: {  	s16 =	simm.s32 @!p0 $0x0;
	s17 =	simm.s32 @!p0 $0x800;
	s20 =	rddreg [dreg:$0x6]  }
0x53: {  	[tilespmem:s17], [sflag:$0x3] =	stream.linear.gather @!p0 [hbm4b:s20+s16], $0x800, $0x38;
	[tilespmem:$0x1E000] =	vst v63  }
0x54: {  	s5 =	rddreg [dreg:$0x7]  }
0x55: {  	[tilespmem:s25], [sflag:$0x3] =	stream.linear.gather [hbm4b:s5+s18], $0x800, $0x38;
	[tilespmem:$0x1E000] =	vst v63  }
0x56: {  	_ = 	snop  }
0x57: {  	[tilespmem:s28], [sflag:$0x1] =	stream.indirect.gather [hbm4b:s1+s0], $0x80, s18, s0, $0xb8;
	[tilespmem:$0x1E000] =	vst v63  }
0x58: {  	_ =	swait.ge [sflag:s3], $0x4000  }
0x59: {  	[sflag:s3] =	ssyncset.done $0x0  }
0x5a: {  	[sflag:s3] =	ssyncadd.s32 $0xFFFFC000  }
0x5b: {  	[tilespmem:s4], [sflag:$0x2] =	stream.indirect.gather [hbm4b:s1+s0], $0x80, s0, s0, $0xb8;
	[tilespmem:$0x1E000] =	vst v63  }
0x5c: {  	_ = 	snop  }
0x5d: {  	[spmem:s2] =	stream.indirect.scatter.add.f32 [tilespmem:s28], [sflag:$0x4], $0x80, s6, s0, $0xb8;
	[tilespmem:$0x1E000] =	vst v63  }
0x5e: {  	_ =	swait.ge [sflag:s29], $0x4000  }
0x5f: {  	[sflag:s29] =	ssyncset.done $0x0  }
0x60: {  	s17 =	simm.s32 $0x100;
	[sflag:s29] =	ssyncadd.s32 $0xFFFFC000  }
0x61: {  	[tilespmem:s28], [sflag:$0x1] =	stream.indirect.gather [hbm4b:s1+s0], $0x80, s17, s0, $0xb8;
	[tilespmem:$0x1E000] =	vst v63  }
0x62: {  	_ =	swait.ge [sflag:s13], $0x4000  }
0x63: {  	[sflag:s13] =	ssyncset.done $0x0  }
0x64: {  	s20 =	simm.s32 $0x1080;
	[sflag:s13] =	ssyncadd.s32 $0xFFFFC000  }
0x65: {  	[spmem:s2] =	stream.indirect.scatter.add.f32 [tilespmem:s4], [sflag:$0x4], $0x80, s20, s0, $0xb8;
	[tilespmem:$0x1E000] =	vst v63  }
0x66: {  	_ =	swait.ge [sflag:s29], $0x4000  }
0x67: {  	[sflag:s29] =	ssyncset.done $0x0  }
0x68: {  	[sflag:s29] =	ssyncadd.s32 $0xFFFFC000  }
0x69: {  	_ =	swait.ge [sflag:s3], $0x4000  }
0x6a: {  	[sflag:s3] =	ssyncset.done $0x0  }
0x6b: {  	s16 =	simm.s32 $0x180;
	[sflag:s3] =	ssyncadd.s32 $0xFFFFC000  }
0x6c: {  	[tilespmem:s4], [sflag:$0x2] =	stream.indirect.gather [hbm4b:s1+s0], $0x80, s16, s0, $0xb8;
	[tilespmem:$0x1E000] =	vst v63  }
0x6d: {  	s17 =	simm.s32 $0x1100  }
0x6e: {  	[spmem:s2] =	stream.indirect.scatter.add.f32 [tilespmem:s28], [sflag:$0x4], $0x80, s17, s0, $0xb8;
	[tilespmem:$0x1E000] =	vst v63  }
0x6f: {  	_ =	swait.ge [sflag:s29], $0x4000  }
0x70: {  	[sflag:s29] =	ssyncset.done $0x0  }
0x71: {  	s20 =	simm.s32 $0x200;
	[sflag:s29] =	ssyncadd.s32 $0xFFFFC000  }
0x72: {  	[tilespmem:s28], [sflag:$0x1] =	stream.indirect.gather [hbm4b:s1+s0], $0x80, s20, s0, $0xb8;
	[tilespmem:$0x1E000] =	vst v63  }
0x73: {  	_ =	swait.ge [sflag:s13], $0x4000  }
0x74: {  	[sflag:s13] =	ssyncset.done $0x0  }
0x75: {  	s16 =	simm.s32 $0x1180;
	[sflag:s13] =	ssyncadd.s32 $0xFFFFC000  }
0x76: {  	[spmem:s2] =	stream.indirect.scatter.add.f32 [tilespmem:s4], [sflag:$0x4], $0x80, s16, s0, $0xb8;
	[tilespmem:$0x1E000] =	vst v63  }
0x77: {  	_ =	swait.ge [sflag:s29], $0x4000  }
0x78: {  	[sflag:s29] =	ssyncset.done $0x0  }
0x79: {  	[sflag:s29] =	ssyncadd.s32 $0xFFFFC000  }
0x7a: {  	_ =	swait.ge [sflag:s3], $0x4000  }
0x7b: {  	[sflag:s3] =	ssyncset.done $0x0  }
0x7c: {  	s17 =	simm.s32 $0x280;
	[sflag:s3] =	ssyncadd.s32 $0xFFFFC000  }
0x7d: {  	[tilespmem:s4], [sflag:$0x2] =	stream.indirect.gather [hbm4b:s1+s0], $0x80, s17, s0, $0xb8;
	[tilespmem:$0x1E000] =	vst v63  }
0x7e: {  	s20 =	simm.s32 $0x1200  }
0x7f: {  	[spmem:s2] =	stream.indirect.scatter.add.f32 [tilespmem:s28], [sflag:$0x4], $0x80, s20, s0, $0xb8;
	[tilespmem:$0x1E000] =	vst v63  }
0x80: {  	_ =	swait.ge [sflag:s29], $0x4000  }
0x81: {  	[sflag:s29] =	ssyncset.done $0x0  }
0x82: {  	s16 =	simm.s32 $0x300;
	[sflag:s29] =	ssyncadd.s32 $0xFFFFC000  }
0x83: {  	[tilespmem:s28], [sflag:$0x1] =	stream.indirect.gather [hbm4b:s1+s0], $0x80, s16, s0, $0xb8;
	[tilespmem:$0x1E000] =	vst v63  }
0x84: {  	_ =	swait.ge [sflag:s13], $0x4000  }
0x85: {  	[sflag:s13] =	ssyncset.done $0x0  }
0x86: {  	s17 =	simm.s32 $0x1280;
	[sflag:s13] =	ssyncadd.s32 $0xFFFFC000  }
0x87: {  	[spmem:s2] =	stream.indirect.scatter.add.f32 [tilespmem:s4], [sflag:$0x4], $0x80, s17, s0, $0xb8;
	[tilespmem:$0x1E000] =	vst v63  }
0x88: {  	_ =	swait.ge [sflag:s29], $0x4000  }
0x89: {  	[sflag:s29] =	ssyncset.done $0x0  }
0x8a: {  	[sflag:s29] =	ssyncadd.s32 $0xFFFFC000  }
0x8b: {  	_ =	swait.ge [sflag:s3], $0x4000  }
0x8c: {  	[sflag:s3] =	ssyncset.done $0x0  }
0x8d: {  	s20 =	simm.s32 $0x380;
	[sflag:s3] =	ssyncadd.s32 $0xFFFFC000  }
0x8e: {  	[tilespmem:s4], [sflag:$0x2] =	stream.indirect.gather [hbm4b:s1+s0], $0x80, s20, s0, $0xb8;
	[tilespmem:$0x1E000] =	vst v63  }
0x8f: {  	s16 =	simm.s32 $0x1300  }
0x90: {  	[spmem:s2] =	stream.indirect.scatter.add.f32 [tilespmem:s28], [sflag:$0x4], $0x80, s16, s0, $0xb8;
	[tilespmem:$0x1E000] =	vst v63  }
0x91: {  	_ =	swait.ge [sflag:s29], $0x4000  }
0x92: {  	[sflag:s29] =	ssyncset.done $0x0  }
0x93: {  	s17 =	simm.s32 $0x400;
	[sflag:s29] =	ssyncadd.s32 $0xFFFFC000  }
0x94: {  	[tilespmem:s28], [sflag:$0x1] =	stream.indirect.gather [hbm4b:s1+s0], $0x80, s17, s0, $0xb8;
	[tilespmem:$0x1E000] =	vst v63  }
0x95: {  	_ =	swait.ge [sflag:s13], $0x4000  }
0x96: {  	[sflag:s13] =	ssyncset.done $0x0  }
0x97: {  	s20 =	simm.s32 $0x1380;
	[sflag:s13] =	ssyncadd.s32 $0xFFFFC000  }
0x98: {  	[spmem:s2] =	stream.indirect.scatter.add.f32 [tilespmem:s4], [sflag:$0x4], $0x80, s20, s0, $0xb8;
	[tilespmem:$0x1E000] =	vst v63  }
0x99: {  	_ =	swait.ge [sflag:s29], $0x4000  }
0x9a: {  	[sflag:s29] =	ssyncset.done $0x0  }
0x9b: {  	[sflag:s29] =	ssyncadd.s32 $0xFFFFC000  }
0x9c: {  	_ =	swait.ge [sflag:s3], $0x4000  }
0x9d: {  	[sflag:s3] =	ssyncset.done $0x0  }
0x9e: {  	s16 =	simm.s32 $0x480;
	[sflag:s3] =	ssyncadd.s32 $0xFFFFC000  }
0x9f: {  	[tilespmem:s4], [sflag:$0x2] =	stream.indirect.gather [hbm4b:s1+s0], $0x80, s16, s0, $0xb8;
	[tilespmem:$0x1E000] =	vst v63  }
0xa0: {  	s17 =	simm.s32 $0x1400  }
0xa1: {  	[spmem:s2] =	stream.indirect.scatter.add.f32 [tilespmem:s28], [sflag:$0x4], $0x80, s17, s0, $0xb8;
	[tilespmem:$0x1E000] =	vst v63  }
0xa2: {  	_ =	swait.ge [sflag:s29], $0x4000  }
0xa3: {  	[sflag:s29] =	ssyncset.done $0x0  }
0xa4: {  	s20 =	simm.s32 $0x500;
	[sflag:s29] =	ssyncadd.s32 $0xFFFFC000  }
0xa5: {  	[tilespmem:s28], [sflag:$0x1] =	stream.indirect.gather [hbm4b:s1+s0], $0x80, s20, s0, $0xb8;
	[tilespmem:$0x1E000] =	vst v63  }
0xa6: {  	_ =	swait.ge [sflag:s13], $0x4000  }
0xa7: {  	[sflag:s13] =	ssyncset.done $0x0  }
0xa8: {  	s16 =	simm.s32 $0x1480;
	[sflag:s13] =	ssyncadd.s32 $0xFFFFC000  }
0xa9: {  	[spmem:s2] =	stream.indirect.scatter.add.f32 [tilespmem:s4], [sflag:$0x4], $0x80, s16, s0, $0xb8;
	[tilespmem:$0x1E000] =	vst v63  }
0xaa: {  	_ =	swait.ge [sflag:s29], $0x4000  }
0xab: {  	[sflag:s29] =	ssyncset.done $0x0  }
0xac: {  	[sflag:s29] =	ssyncadd.s32 $0xFFFFC000  }
0xad: {  	_ =	swait.ge [sflag:s3], $0x4000  }
0xae: {  	[sflag:s3] =	ssyncset.done $0x0  }
0xaf: {  	s17 =	simm.s32 $0x580;
	[sflag:s3] =	ssyncadd.s32 $0xFFFFC000  }
0xb0: {  	[tilespmem:s4], [sflag:$0x2] =	stream.indirect.gather [hbm4b:s1+s0], $0x80, s17, s0, $0xb8;
	[tilespmem:$0x1E000] =	vst v63  }
0xb1: {  	s20 =	simm.s32 $0x1500  }
0xb2: {  	[spmem:s2] =	stream.indirect.scatter.add.f32 [tilespmem:s28], [sflag:$0x4], $0x80, s20, s0, $0xb8;
	[tilespmem:$0x1E000] =	vst v63  }
0xb3: {  	_ =	swait.ge [sflag:s29], $0x4000  }
0xb4: {  	[sflag:s29] =	ssyncset.done $0x0  }
0xb5: {  	s16 =	simm.s32 $0x600;
	[sflag:s29] =	ssyncadd.s32 $0xFFFFC000  }
0xb6: {  	[tilespmem:s28], [sflag:$0x1] =	stream.indirect.gather [hbm4b:s1+s0], $0x80, s16, s0, $0xb8;
	[tilespmem:$0x1E000] =	vst v63  }
0xb7: {  	_ =	swait.ge [sflag:s13], $0x4000  }
0xb8: {  	[sflag:s13] =	ssyncset.done $0x0  }
0xb9: {  	s17 =	simm.s32 $0x1580;
	[sflag:s13] =	ssyncadd.s32 $0xFFFFC000  }
0xba: {  	[spmem:s2] =	stream.indirect.scatter.add.f32 [tilespmem:s4], [sflag:$0x4], $0x80, s17, s0, $0xb8;
	[tilespmem:$0x1E000] =	vst v63  }
0xbb: {  	_ =	swait.ge [sflag:s29], $0x4000  }
0xbc: {  	[sflag:s29] =	ssyncset.done $0x0  }
0xbd: {  	[sflag:s29] =	ssyncadd.s32 $0xFFFFC000  }
0xbe: {  	_ =	swait.ge [sflag:s3], $0x4000  }
0xbf: {  	[sflag:s3] =	ssyncset.done $0x0  }
0xc0: {  	s20 =	simm.s32 $0x680;
	[sflag:s3] =	ssyncadd.s32 $0xFFFFC000  }
0xc1: {  	[tilespmem:s4], [sflag:$0x2] =	stream.indirect.gather [hbm4b:s1+s0], $0x80, s20, s0, $0xb8;
	[tilespmem:$0x1E000] =	vst v63  }
0xc2: {  	s16 =	simm.s32 $0x1600  }
0xc3: {  	[spmem:s2] =	stream.indirect.scatter.add.f32 [tilespmem:s28], [sflag:$0x4], $0x80, s16, s0, $0xb8;
	[tilespmem:$0x1E000] =	vst v63  }
0xc4: {  	_ =	swait.ge [sflag:s29], $0x4000  }
0xc5: {  	[sflag:s29] =	ssyncset.done $0x0  }
0xc6: {  	s17 =	simm.s32 $0x700;
	[sflag:s29] =	ssyncadd.s32 $0xFFFFC000  }
0xc7: {  	[tilespmem:s28], [sflag:$0x1] =	stream.indirect.gather [hbm4b:s1+s0], $0x80, s17, s0, $0xb8;
	[tilespmem:$0x1E000] =	vst v63  }
0xc8: {  	_ =	swait.ge [sflag:s13], $0x4000  }
0xc9: {  	[sflag:s13] =	ssyncset.done $0x0  }
0xca: {  	s20 =	simm.s32 $0x1680;
	[sflag:s13] =	ssyncadd.s32 $0xFFFFC000  }
0xcb: {  	[spmem:s2] =	stream.indirect.scatter.add.f32 [tilespmem:s4], [sflag:$0x4], $0x80, s20, s0, $0xb8;
	[tilespmem:$0x1E000] =	vst v63  }
0xcc: {  	_ =	swait.ge [sflag:s29], $0x4000  }
0xcd: {  	[sflag:s29] =	ssyncset.done $0x0  }
0xce: {  	[sflag:s29] =	ssyncadd.s32 $0xFFFFC000  }
0xcf: {  	_ =	swait.ge [sflag:s3], $0x4000  }
0xd0: {  	[sflag:s3] =	ssyncset.done $0x0  }
0xd1: {  	s16 =	simm.s32 $0x780;
	[sflag:s3] =	ssyncadd.s32 $0xFFFFC000  }
0xd2: {  	[tilespmem:s4], [sflag:$0x2] =	stream.indirect.gather [hbm4b:s1+s0], $0x80, s16, s0, $0xb8;
	[tilespmem:$0x1E000] =	vst v63  }
0xd3: {  	s17 =	simm.s32 $0x1700  }
0xd4: {  	[spmem:s2] =	stream.indirect.scatter.add.f32 [tilespmem:s28], [sflag:$0x4], $0x80, s17, s0, $0xb8;
	[tilespmem:$0x1E000] =	vst v63  }
0xd5: {  	_ =	swait.ge [sflag:s29], $0x4000  }
0xd6: {  	[sflag:s29] =	ssyncset.done $0x0  }
0xd7: {  	[sflag:s29] =	ssyncadd.s32 $0xFFFFC000  }
0xd8: {  	_ =	swait.ge [sflag:s13], $0x4000  }
0xd9: {  	[sflag:s13] =	ssyncset.done $0x0  }
0xda: {  	s20 =	simm.s32 $0x1780;
	[sflag:s13] =	ssyncadd.s32 $0xFFFFC000  }
0xdb: {  	[spmem:s2] =	stream.indirect.scatter.add.f32 [tilespmem:s4], [sflag:$0x4], $0x80, s20, s0, $0xb8;
	[tilespmem:$0x1E000] =	vst v63  }
0xdc: {  	_ =	swait.ge [sflag:s29], $0x4000  }
0xdd: {  	[sflag:s29] =	ssyncset.done $0x0  }
0xde: {  	[sflag:s29] =	ssyncadd.s32 $0xFFFFC000  }
0xdf: {  	_ =	swait.ge [sflag:s31], $0x800  }
0xe0: {  	[sflag:s31] =	ssyncset.done $0x0  }
0xe1: {  	[sflag:s31] =	ssyncadd.s32 $0xFFFFF800  }
0xe2: {  	_ =	swait.ge [sflag:s31], $0x800  }
0xe3: {  	[sflag:s31] =	ssyncset.done $0x0  }
0xe4: {  	s5 =	rddreg [dreg:$0x8];
	[sflag:s31] =	ssyncadd.s32 $0xFFFFF800  }
0xe5: {  	[tilespmem:s18], [sflag:$0x3] =	stream.linear.gather [hbm4b:s5+s18], $0x800, $0x38;
	[tilespmem:$0x1E000] =	vst v63  }
0xe6: {  	s17 =	rddreg [dreg:$0x9]  }
0xe7: {  	[tilespmem:s6], [sflag:$0x3] =	stream.linear.gather [hbm4b:s17+s18], $0x800, $0x38;
	[tilespmem:$0x1E000] =	vst v63  }
0xe8: {  	s5 =	simm.s32 $0x800  }
0xe9: {  	[tilespmem:s28], [sflag:$0x1] =	stream.indirect.gather [hbm4b:s1+s0], $0x80, s5, s0, $0xb8;
	[tilespmem:$0x1E000] =	vst v63  }
0xea: {  	_ =	swait.ge [sflag:s3], $0x4000  }
0xeb: {  	[sflag:s3] =	ssyncset.done $0x0  }
0xec: {  	[sflag:s3] =	ssyncadd.s32 $0xFFFFC000  }
0xed: {  	[tilespmem:s4], [sflag:$0x2] =	stream.indirect.gather [hbm4b:s1+s0], $0x80, s7, s0, $0xb8;
	[tilespmem:$0x1E000] =	vst v63  }
0xee: {  	_ = 	snop  }
0xef: {  	[spmem:s2] =	stream.indirect.scatter.add.f32 [tilespmem:s28], [sflag:$0x4], $0x80, s25, s0, $0xb8;
	[tilespmem:$0x1E000] =	vst v63  }
0xf0: {  	_ =	swait.ge [sflag:s29], $0x4000  }
0xf1: {  	[sflag:s29] =	ssyncset.done $0x0  }
0xf2: {  	[sflag:s29] =	ssyncadd.s32 $0xFFFFC000  }
0xf3: {  	[tilespmem:s28], [sflag:$0x1] =	stream.indirect.gather [hbm4b:s1+s0], $0x80, s8, s0, $0xb8;
	[tilespmem:$0x1E000] =	vst v63  }
0xf4: {  	_ =	swait.ge [sflag:s13], $0x4000  }
0xf5: {  	[sflag:s13] =	ssyncset.done $0x0  }
0xf6: {  	[sflag:s13] =	ssyncadd.s32 $0xFFFFC000  }
0xf7: {  	[spmem:s2] =	stream.indirect.scatter.add.f32 [tilespmem:s4], [sflag:$0x4], $0x80, s9, s0, $0xb8;
	[tilespmem:$0x1E000] =	vst v63  }
0xf8: {  	_ =	swait.ge [sflag:s29], $0x4000  }
0xf9: {  	[sflag:s29] =	ssyncset.done $0x0  }
0xfa: {  	[sflag:s29] =	ssyncadd.s32 $0xFFFFC000  }
0xfb: {  	_ =	swait.ge [sflag:s3], $0x4000  }
0xfc: {  	[sflag:s3] =	ssyncset.done $0x0  }
0xfd: {  	[sflag:s3] =	ssyncadd.s32 $0xFFFFC000  }
0xfe: {  	[tilespmem:s4], [sflag:$0x2] =	stream.indirect.gather [hbm4b:s1+s0], $0x80, s10, s0, $0xb8;
	[tilespmem:$0x1E000] =	vst v63  }
0xff: {  	_ = 	snop  }
0x100: {  	[spmem:s2] =	stream.indirect.scatter.add.f32 [tilespmem:s28], [sflag:$0x4], $0x80, s11, s0, $0xb8;
	[tilespmem:$0x1E000] =	vst v63  }
0x101: {  	_ =	swait.ge [sflag:s29], $0x4000  }
0x102: {  	[sflag:s29] =	ssyncset.done $0x0  }
0x103: {  	[sflag:s29] =	ssyncadd.s32 $0xFFFFC000  }
0x104: {  	[tilespmem:s28], [sflag:$0x1] =	stream.indirect.gather [hbm4b:s1+s0], $0x80, s12, s0, $0xb8;
	[tilespmem:$0x1E000] =	vst v63  }
0x105: {  	_ =	swait.ge [sflag:s13], $0x4000  }
0x106: {  	[sflag:s13] =	ssyncset.done $0x0  }
0x107: {  	[sflag:s13] =	ssyncadd.s32 $0xFFFFC000  }
0x108: {  	[spmem:s2] =	stream.indirect.scatter.add.f32 [tilespmem:s4], [sflag:$0x4], $0x80, s14, s0, $0xb8;
	[tilespmem:$0x1E000] =	vst v63  }
0x109: {  	_ =	swait.ge [sflag:s29], $0x4000  }
0x10a: {  	[sflag:s29] =	ssyncset.done $0x0  }
0x10b: {  	[sflag:s29] =	ssyncadd.s32 $0xFFFFC000  }
0x10c: {  	_ =	swait.ge [sflag:s3], $0x4000  }
0x10d: {  	[sflag:s3] =	ssyncset.done $0x0  }
0x10e: {  	s17 =	simm.s32 $0xA80;
	[sflag:s3] =	ssyncadd.s32 $0xFFFFC000  }
0x10f: {  	[tilespmem:s4], [sflag:$0x2] =	stream.indirect.gather [hbm4b:s1+s0], $0x80, s17, s0, $0xb8;
	[tilespmem:$0x1E000] =	vst v63  }
0x110: {  	_ = 	snop  }
0x111: {  	[spmem:s2] =	stream.indirect.scatter.add.f32 [tilespmem:s28], [sflag:$0x4], $0x80, s19, s0, $0xb8;
	[tilespmem:$0x1E000] =	vst v63  }
0x112: {  	_ =	swait.ge [sflag:s29], $0x4000  }
0x113: {  	[sflag:s29] =	ssyncset.done $0x0  }
0x114: {  	s20 =	simm.s32 $0xB00;
	[sflag:s29] =	ssyncadd.s32 $0xFFFFC000  }
0x115: {  	[tilespmem:s28], [sflag:$0x1] =	stream.indirect.gather [hbm4b:s1+s0], $0x80, s20, s0, $0xb8;
	[tilespmem:$0x1E000] =	vst v63  }
0x116: {  	_ =	swait.ge [sflag:s13], $0x4000  }
0x117: {  	[sflag:s13] =	ssyncset.done $0x0  }
0x118: {  	[sflag:s13] =	ssyncadd.s32 $0xFFFFC000  }
0x119: {  	[spmem:s2] =	stream.indirect.scatter.add.f32 [tilespmem:s4], [sflag:$0x4], $0x80, s21, s0, $0xb8;
	[tilespmem:$0x1E000] =	vst v63  }
0x11a: {  	_ =	swait.ge [sflag:s29], $0x4000  }
0x11b: {  	[sflag:s29] =	ssyncset.done $0x0  }
0x11c: {  	[sflag:s29] =	ssyncadd.s32 $0xFFFFC000  }
0x11d: {  	_ =	swait.ge [sflag:s3], $0x4000  }
0x11e: {  	[sflag:s3] =	ssyncset.done $0x0  }
0x11f: {  	[sflag:s3] =	ssyncadd.s32 $0xFFFFC000  }
0x120: {  	[tilespmem:s4], [sflag:$0x2] =	stream.indirect.gather [hbm4b:s1+s0], $0x80, s22, s0, $0xb8;
	[tilespmem:$0x1E000] =	vst v63  }
0x121: {  	_ = 	snop  }
0x122: {  	[spmem:s2] =	stream.indirect.scatter.add.f32 [tilespmem:s28], [sflag:$0x4], $0x80, s23, s0, $0xb8;
	[tilespmem:$0x1E000] =	vst v63  }
0x123: {  	_ =	swait.ge [sflag:s29], $0x4000  }
0x124: {  	[sflag:s29] =	ssyncset.done $0x0  }
0x125: {  	[sflag:s29] =	ssyncadd.s32 $0xFFFFC000  }
0x126: {  	[tilespmem:s28], [sflag:$0x1] =	stream.indirect.gather [hbm4b:s1+s0], $0x80, s24, s0, $0xb8;
	[tilespmem:$0x1E000] =	vst v63  }
0x127: {  	_ =	swait.ge [sflag:s13], $0x4000  }
0x128: {  	[sflag:s13] =	ssyncset.done $0x0  }
0x129: {  	[sflag:s13] =	ssyncadd.s32 $0xFFFFC000  }
0x12a: {  	[spmem:s2] =	stream.indirect.scatter.add.f32 [tilespmem:s4], [sflag:$0x4], $0x80, s26, s0, $0xb8;
	[tilespmem:$0x1E000] =	vst v63  }
0x12b: {  	_ =	swait.ge [sflag:s29], $0x4000  }
0x12c: {  	[sflag:s29] =	ssyncset.done $0x0  }
0x12d: {  	[sflag:s29] =	ssyncadd.s32 $0xFFFFC000  }
0x12e: {  	_ =	swait.ge [sflag:s3], $0x4000  }
0x12f: {  	[sflag:s3] =	ssyncset.done $0x0  }
0x130: {  	[sflag:s3] =	ssyncadd.s32 $0xFFFFC000  }
0x131: {  	[tilespmem:s4], [sflag:$0x2] =	stream.indirect.gather [hbm4b:s1+s0], $0x80, s30, s0, $0xb8;
	[tilespmem:$0x1E000] =	vst v63  }
0x132: {  	s16 =	simm.s32 $0x1C00  }
0x133: {  	[spmem:s2] =	stream.indirect.scatter.add.f32 [tilespmem:s28], [sflag:$0x4], $0x80, s16, s0, $0xb8;
	[tilespmem:$0x1E000] =	vst v63  }
0x134: {  	_ =	swait.ge [sflag:s29], $0x4000  }
0x135: {  	[sflag:s29] =	ssyncset.done $0x0  }
0x136: {  	s16 =	simm.s32 $0xD00;
	[sflag:s29] =	ssyncadd.s32 $0xFFFFC000  }
0x137: {  	[tilespmem:s28], [sflag:$0x1] =	stream.indirect.gather [hbm4b:s1+s0], $0x80, s16, s0, $0xb8;
	[tilespmem:$0x1E000] =	vst v63  }
0x138: {  	_ =	swait.ge [sflag:s13], $0x4000  }
0x139: {  	[sflag:s13] =	ssyncset.done $0x0  }
0x13a: {  	s16 =	simm.s32 $0x1C80;
	[sflag:s13] =	ssyncadd.s32 $0xFFFFC000  }
0x13b: {  	[spmem:s2] =	stream.indirect.scatter.add.f32 [tilespmem:s4], [sflag:$0x4], $0x80, s16, s0, $0xb8;
	[tilespmem:$0x1E000] =	vst v63  }
0x13c: {  	_ =	swait.ge [sflag:s29], $0x4000  }
0x13d: {  	[sflag:s29] =	ssyncset.done $0x0  }
0x13e: {  	[sflag:s29] =	ssyncadd.s32 $0xFFFFC000  }
0x13f: {  	_ =	swait.ge [sflag:s3], $0x4000  }
0x140: {  	[sflag:s3] =	ssyncset.done $0x0  }
0x141: {  	s16 =	simm.s32 $0xD80;
	[sflag:s3] =	ssyncadd.s32 $0xFFFFC000  }
0x142: {  	[tilespmem:s4], [sflag:$0x2] =	stream.indirect.gather [hbm4b:s1+s0], $0x80, s16, s0, $0xb8;
	[tilespmem:$0x1E000] =	vst v63  }
0x143: {  	s16 =	simm.s32 $0x1D00  }
0x144: {  	[spmem:s2] =	stream.indirect.scatter.add.f32 [tilespmem:s28], [sflag:$0x4], $0x80, s16, s0, $0xb8;
	[tilespmem:$0x1E000] =	vst v63  }
0x145: {  	_ =	swait.ge [sflag:s29], $0x4000  }
0x146: {  	[sflag:s29] =	ssyncset.done $0x0  }
0x147: {  	s16 =	simm.s32 $0xE00;
	[sflag:s29] =	ssyncadd.s32 $0xFFFFC000  }
0x148: {  	[tilespmem:s28], [sflag:$0x1] =	stream.indirect.gather [hbm4b:s1+s0], $0x80, s16, s0, $0xb8;
	[tilespmem:$0x1E000] =	vst v63  }
0x149: {  	_ =	swait.ge [sflag:s13], $0x4000  }
0x14a: {  	[sflag:s13] =	ssyncset.done $0x0  }
0x14b: {  	s16 =	simm.s32 $0x1D80;
	[sflag:s13] =	ssyncadd.s32 $0xFFFFC000  }
0x14c: {  	[spmem:s2] =	stream.indirect.scatter.add.f32 [tilespmem:s4], [sflag:$0x4], $0x80, s16, s0, $0xb8;
	[tilespmem:$0x1E000] =	vst v63  }
0x14d: {  	_ =	swait.ge [sflag:s29], $0x4000  }
0x14e: {  	[sflag:s29] =	ssyncset.done $0x0  }
0x14f: {  	[sflag:s29] =	ssyncadd.s32 $0xFFFFC000  }
0x150: {  	_ =	swait.ge [sflag:s3], $0x4000  }
0x151: {  	[sflag:s3] =	ssyncset.done $0x0  }
0x152: {  	s16 =	simm.s32 $0xE80;
	[sflag:s3] =	ssyncadd.s32 $0xFFFFC000  }
0x153: {  	[tilespmem:s4], [sflag:$0x2] =	stream.indirect.gather [hbm4b:s1+s0], $0x80, s16, s0, $0xb8;
	[tilespmem:$0x1E000] =	vst v63  }
0x154: {  	s16 =	simm.s32 $0x1E00  }
0x155: {  	[spmem:s2] =	stream.indirect.scatter.add.f32 [tilespmem:s28], [sflag:$0x4], $0x80, s16, s0, $0xb8;
	[tilespmem:$0x1E000] =	vst v63  }
0x156: {  	_ =	swait.ge [sflag:s29], $0x4000  }
0x157: {  	[sflag:s29] =	ssyncset.done $0x0  }
0x158: {  	s16 =	simm.s32 $0xF00;
	[sflag:s29] =	ssyncadd.s32 $0xFFFFC000  }
0x159: {  	[tilespmem:s28], [sflag:$0x1] =	stream.indirect.gather [hbm4b:s1+s0], $0x80, s16, s0, $0xb8;
	[tilespmem:$0x1E000] =	vst v63  }
0x15a: {  	_ =	swait.ge [sflag:s13], $0x4000  }
0x15b: {  	[sflag:s13] =	ssyncset.done $0x0  }
0x15c: {  	s16 =	simm.s32 $0x1E80;
	[sflag:s13] =	ssyncadd.s32 $0xFFFFC000  }
0x15d: {  	[spmem:s2] =	stream.indirect.scatter.add.f32 [tilespmem:s4], [sflag:$0x4], $0x80, s16, s0, $0xb8;
	[tilespmem:$0x1E000] =	vst v63  }
0x15e: {  	_ =	swait.ge [sflag:s29], $0x4000  }
0x15f: {  	[sflag:s29] =	ssyncset.done $0x0  }
0x160: {  	[sflag:s29] =	ssyncadd.s32 $0xFFFFC000  }
0x161: {  	_ =	swait.ge [sflag:s3], $0x4000  }
0x162: {  	[sflag:s3] =	ssyncset.done $0x0  }
0x163: {  	s16 =	simm.s32 $0xF80;
	[sflag:s3] =	ssyncadd.s32 $0xFFFFC000  }
0x164: {  	[tilespmem:s4], [sflag:$0x2] =	stream.indirect.gather [hbm4b:s1+s0], $0x80, s16, s0, $0xb8;
	[tilespmem:$0x1E000] =	vst v63  }
0x165: {  	s16 =	simm.s32 $0x1F00  }
0x166: {  	[spmem:s2] =	stream.indirect.scatter.add.f32 [tilespmem:s28], [sflag:$0x4], $0x80, s16, s0, $0xb8;
	[tilespmem:$0x1E000] =	vst v63  }
0x167: {  	_ =	swait.ge [sflag:s29], $0x4000  }
0x168: {  	[sflag:s29] =	ssyncset.done $0x0  }
0x169: {  	[sflag:s29] =	ssyncadd.s32 $0xFFFFC000  }
0x16a: {  	_ =	swait.ge [sflag:s13], $0x4000  }
0x16b: {  	[sflag:s13] =	ssyncset.done $0x0  }
0x16c: {  	s16 =	simm.s32 $0x1F80;
	[sflag:s13] =	ssyncadd.s32 $0xFFFFC000  }
0x16d: {  	[spmem:s2] =	stream.indirect.scatter.add.f32 [tilespmem:s4], [sflag:$0x4], $0x80, s16, s0, $0xb8;
	[tilespmem:$0x1E000] =	vst v63  }
0x16e: {  	_ =	swait.ge [sflag:s29], $0x4000  }
0x16f: {  	[sflag:s29] =	ssyncset.done $0x0  }
0x170: {  	[sflag:s29] =	ssyncadd.s32 $0xFFFFC000  }
0x171: {  	_ =	swait.ge [sflag:s31], $0x800  }
0x172: {  	[sflag:s31] =	ssyncset.done $0x0  }
0x173: {  	[sflag:s31] =	ssyncadd.s32 $0xFFFFF800  }
0x174: {  	_ =	swait.ge [sflag:s31], $0x800  }
0x175: {  	[sflag:s31] =	ssyncset.done $0x0  }
0x176: {  	s16 =	rddreg [dreg:$0xa];
	[sflag:s31] =	ssyncadd.s32 $0xFFFFF800  }
0x177: {  	[tilespmem:s5], [sflag:$0x3] =	stream.linear.gather [hbm4b:s16+s18], $0x800, $0x38;
	[tilespmem:$0x1E000] =	vst v63  }
0x178: {  	s16 =	rddreg [dreg:$0xb]  }
0x179: {  	[tilespmem:s25], [sflag:$0x3] =	stream.linear.gather [hbm4b:s16+s18], $0x800, $0x38;
	[tilespmem:$0x1E000] =	vst v63  }
0x17a: {  	_ = 	snop  }
0x17b: {  	[tilespmem:s28], [sflag:$0x1] =	stream.indirect.gather [hbm4b:s1+s0], $0x80, s18, s0, $0xb8;
	[tilespmem:$0x1E000] =	vst v63  }
0x17c: {  	_ =	swait.ge [sflag:s3], $0x4000  }
0x17d: {  	[sflag:s3] =	ssyncset.done $0x0  }
0x17e: {  	[sflag:s3] =	ssyncadd.s32 $0xFFFFC000  }
0x17f: {  	[tilespmem:s4], [sflag:$0x2] =	stream.indirect.gather [hbm4b:s1+s0], $0x80, s0, s0, $0xb8;
	[tilespmem:$0x1E000] =	vst v63  }
0x180: {  	_ = 	snop  }
0x181: {  	[spmem:s2] =	stream.indirect.scatter.add.f32 [tilespmem:s28], [sflag:$0x4], $0x80, s6, s0, $0xb8;
	[tilespmem:$0x1E000] =	vst v63  }
0x182: {  	_ =	swait.ge [sflag:s29], $0x4000  }
0x183: {  	[sflag:s29] =	ssyncset.done $0x0  }
0x184: {  	s16 =	simm.s32 $0x100;
	[sflag:s29] =	ssyncadd.s32 $0xFFFFC000  }
0x185: {  	[tilespmem:s28], [sflag:$0x1] =	stream.indirect.gather [hbm4b:s1+s0], $0x80, s16, s0, $0xb8;
	[tilespmem:$0x1E000] =	vst v63  }
0x186: {  	_ =	swait.ge [sflag:s13], $0x4000  }
0x187: {  	[sflag:s13] =	ssyncset.done $0x0  }
0x188: {  	s16 =	simm.s32 $0x1080;
	[sflag:s13] =	ssyncadd.s32 $0xFFFFC000  }
0x189: {  	[spmem:s2] =	stream.indirect.scatter.add.f32 [tilespmem:s4], [sflag:$0x4], $0x80, s16, s0, $0xb8;
	[tilespmem:$0x1E000] =	vst v63  }
0x18a: {  	_ =	swait.ge [sflag:s29], $0x4000  }
0x18b: {  	[sflag:s29] =	ssyncset.done $0x0  }
0x18c: {  	[sflag:s29] =	ssyncadd.s32 $0xFFFFC000  }
0x18d: {  	_ =	swait.ge [sflag:s3], $0x4000  }
0x18e: {  	[sflag:s3] =	ssyncset.done $0x0  }
0x18f: {  	s16 =	simm.s32 $0x180;
	[sflag:s3] =	ssyncadd.s32 $0xFFFFC000  }
0x190: {  	[tilespmem:s4], [sflag:$0x2] =	stream.indirect.gather [hbm4b:s1+s0], $0x80, s16, s0, $0xb8;
	[tilespmem:$0x1E000] =	vst v63  }
0x191: {  	s16 =	simm.s32 $0x1100  }
0x192: {  	[spmem:s2] =	stream.indirect.scatter.add.f32 [tilespmem:s28], [sflag:$0x4], $0x80, s16, s0, $0xb8;
	[tilespmem:$0x1E000] =	vst v63  }
0x193: {  	_ =	swait.ge [sflag:s29], $0x4000  }
0x194: {  	[sflag:s29] =	ssyncset.done $0x0  }
0x195: {  	s16 =	simm.s32 $0x200;
	[sflag:s29] =	ssyncadd.s32 $0xFFFFC000  }
0x196: {  	[tilespmem:s28], [sflag:$0x1] =	stream.indirect.gather [hbm4b:s1+s0], $0x80, s16, s0, $0xb8;
	[tilespmem:$0x1E000] =	vst v63  }
0x197: {  	_ =	swait.ge [sflag:s13], $0x4000  }
0x198: {  	[sflag:s13] =	ssyncset.done $0x0  }
0x199: {  	s16 =	simm.s32 $0x1180;
	[sflag:s13] =	ssyncadd.s32 $0xFFFFC000  }
0x19a: {  	[spmem:s2] =	stream.indirect.scatter.add.f32 [tilespmem:s4], [sflag:$0x4], $0x80, s16, s0, $0xb8;
	[tilespmem:$0x1E000] =	vst v63  }
0x19b: {  	_ =	swait.ge [sflag:s29], $0x4000  }
0x19c: {  	[sflag:s29] =	ssyncset.done $0x0  }
0x19d: {  	[sflag:s29] =	ssyncadd.s32 $0xFFFFC000  }
0x19e: {  	_ =	swait.ge [sflag:s3], $0x4000  }
0x19f: {  	[sflag:s3] =	ssyncset.done $0x0  }
0x1a0: {  	s16 =	simm.s32 $0x280;
	[sflag:s3] =	ssyncadd.s32 $0xFFFFC000  }
0x1a1: {  	[tilespmem:s4], [sflag:$0x2] =	stream.indirect.gather [hbm4b:s1+s0], $0x80, s16, s0, $0xb8;
	[tilespmem:$0x1E000] =	vst v63  }
0x1a2: {  	s16 =	simm.s32 $0x1200  }
0x1a3: {  	[spmem:s2] =	stream.indirect.scatter.add.f32 [tilespmem:s28], [sflag:$0x4], $0x80, s16, s0, $0xb8;
	[tilespmem:$0x1E000] =	vst v63  }
0x1a4: {  	_ =	swait.ge [sflag:s29], $0x4000  }
0x1a5: {  	[sflag:s29] =	ssyncset.done $0x0  }
0x1a6: {  	s16 =	simm.s32 $0x300;
	[sflag:s29] =	ssyncadd.s32 $0xFFFFC000  }
0x1a7: {  	[tilespmem:s28], [sflag:$0x1] =	stream.indirect.gather [hbm4b:s1+s0], $0x80, s16, s0, $0xb8;
	[tilespmem:$0x1E000] =	vst v63  }
0x1a8: {  	_ =	swait.ge [sflag:s13], $0x4000  }
0x1a9: {  	[sflag:s13] =	ssyncset.done $0x0  }
0x1aa: {  	s16 =	simm.s32 $0x1280;
	[sflag:s13] =	ssyncadd.s32 $0xFFFFC000  }
0x1ab: {  	[spmem:s2] =	stream.indirect.scatter.add.f32 [tilespmem:s4], [sflag:$0x4], $0x80, s16, s0, $0xb8;
	[tilespmem:$0x1E000] =	vst v63  }
0x1ac: {  	_ =	swait.ge [sflag:s29], $0x4000  }
0x1ad: {  	[sflag:s29] =	ssyncset.done $0x0  }
0x1ae: {  	[sflag:s29] =	ssyncadd.s32 $0xFFFFC000  }
0x1af: {  	_ =	swait.ge [sflag:s3], $0x4000  }
0x1b0: {  	[sflag:s3] =	ssyncset.done $0x0  }
0x1b1: {  	s16 =	simm.s32 $0x380;
	[sflag:s3] =	ssyncadd.s32 $0xFFFFC000  }
0x1b2: {  	[tilespmem:s4], [sflag:$0x2] =	stream.indirect.gather [hbm4b:s1+s0], $0x80, s16, s0, $0xb8;
	[tilespmem:$0x1E000] =	vst v63  }
0x1b3: {  	s16 =	simm.s32 $0x1300  }
0x1b4: {  	[spmem:s2] =	stream.indirect.scatter.add.f32 [tilespmem:s28], [sflag:$0x4], $0x80, s16, s0, $0xb8;
	[tilespmem:$0x1E000] =	vst v63  }
0x1b5: {  	_ =	swait.ge [sflag:s29], $0x4000  }
0x1b6: {  	[sflag:s29] =	ssyncset.done $0x0  }
0x1b7: {  	s16 =	simm.s32 $0x400;
	[sflag:s29] =	ssyncadd.s32 $0xFFFFC000  }
0x1b8: {  	[tilespmem:s28], [sflag:$0x1] =	stream.indirect.gather [hbm4b:s1+s0], $0x80, s16, s0, $0xb8;
	[tilespmem:$0x1E000] =	vst v63  }
0x1b9: {  	_ =	swait.ge [sflag:s13], $0x4000  }
0x1ba: {  	[sflag:s13] =	ssyncset.done $0x0  }
0x1bb: {  	s16 =	simm.s32 $0x1380;
	[sflag:s13] =	ssyncadd.s32 $0xFFFFC000  }
0x1bc: {  	[spmem:s2] =	stream.indirect.scatter.add.f32 [tilespmem:s4], [sflag:$0x4], $0x80, s16, s0, $0xb8;
	[tilespmem:$0x1E000] =	vst v63  }
0x1bd: {  	_ =	swait.ge [sflag:s29], $0x4000  }
0x1be: {  	[sflag:s29] =	ssyncset.done $0x0  }
0x1bf: {  	[sflag:s29] =	ssyncadd.s32 $0xFFFFC000  }
0x1c0: {  	_ =	swait.ge [sflag:s3], $0x4000  }
0x1c1: {  	[sflag:s3] =	ssyncset.done $0x0  }
0x1c2: {  	s16 =	simm.s32 $0x480;
	[sflag:s3] =	ssyncadd.s32 $0xFFFFC000  }
0x1c3: {  	[tilespmem:s4], [sflag:$0x2] =	stream.indirect.gather [hbm4b:s1+s0], $0x80, s16, s0, $0xb8;
	[tilespmem:$0x1E000] =	vst v63  }
0x1c4: {  	s16 =	simm.s32 $0x1400  }
0x1c5: {  	[spmem:s2] =	stream.indirect.scatter.add.f32 [tilespmem:s28], [sflag:$0x4], $0x80, s16, s0, $0xb8;
	[tilespmem:$0x1E000] =	vst v63  }
0x1c6: {  	_ =	swait.ge [sflag:s29], $0x4000  }
0x1c7: {  	[sflag:s29] =	ssyncset.done $0x0  }
0x1c8: {  	s16 =	simm.s32 $0x500;
	[sflag:s29] =	ssyncadd.s32 $0xFFFFC000  }
0x1c9: {  	[tilespmem:s28], [sflag:$0x1] =	stream.indirect.gather [hbm4b:s1+s0], $0x80, s16, s0, $0xb8;
	[tilespmem:$0x1E000] =	vst v63  }
0x1ca: {  	_ =	swait.ge [sflag:s13], $0x4000  }
0x1cb: {  	[sflag:s13] =	ssyncset.done $0x0  }
0x1cc: {  	s16 =	simm.s32 $0x1480;
	[sflag:s13] =	ssyncadd.s32 $0xFFFFC000  }
0x1cd: {  	[spmem:s2] =	stream.indirect.scatter.add.f32 [tilespmem:s4], [sflag:$0x4], $0x80, s16, s0, $0xb8;
	[tilespmem:$0x1E000] =	vst v63  }
0x1ce: {  	_ =	swait.ge [sflag:s29], $0x4000  }
0x1cf: {  	[sflag:s29] =	ssyncset.done $0x0  }
0x1d0: {  	[sflag:s29] =	ssyncadd.s32 $0xFFFFC000  }
0x1d1: {  	_ =	swait.ge [sflag:s3], $0x4000  }
0x1d2: {  	[sflag:s3] =	ssyncset.done $0x0  }
0x1d3: {  	s16 =	simm.s32 $0x580;
	[sflag:s3] =	ssyncadd.s32 $0xFFFFC000  }
0x1d4: {  	[tilespmem:s4], [sflag:$0x2] =	stream.indirect.gather [hbm4b:s1+s0], $0x80, s16, s0, $0xb8;
	[tilespmem:$0x1E000] =	vst v63  }
0x1d5: {  	s16 =	simm.s32 $0x1500  }
0x1d6: {  	[spmem:s2] =	stream.indirect.scatter.add.f32 [tilespmem:s28], [sflag:$0x4], $0x80, s16, s0, $0xb8;
	[tilespmem:$0x1E000] =	vst v63  }
0x1d7: {  	_ =	swait.ge [sflag:s29], $0x4000  }
0x1d8: {  	[sflag:s29] =	ssyncset.done $0x0  }
0x1d9: {  	s16 =	simm.s32 $0x600;
	[sflag:s29] =	ssyncadd.s32 $0xFFFFC000  }
0x1da: {  	[tilespmem:s28], [sflag:$0x1] =	stream.indirect.gather [hbm4b:s1+s0], $0x80, s16, s0, $0xb8;
	[tilespmem:$0x1E000] =	vst v63  }
0x1db: {  	_ =	swait.ge [sflag:s13], $0x4000  }
0x1dc: {  	[sflag:s13] =	ssyncset.done $0x0  }
0x1dd: {  	s16 =	simm.s32 $0x1580;
	[sflag:s13] =	ssyncadd.s32 $0xFFFFC000  }
0x1de: {  	[spmem:s2] =	stream.indirect.scatter.add.f32 [tilespmem:s4], [sflag:$0x4], $0x80, s16, s0, $0xb8;
	[tilespmem:$0x1E000] =	vst v63  }
0x1df: {  	_ =	swait.ge [sflag:s29], $0x4000  }
0x1e0: {  	[sflag:s29] =	ssyncset.done $0x0  }
0x1e1: {  	[sflag:s29] =	ssyncadd.s32 $0xFFFFC000  }
0x1e2: {  	_ =	swait.ge [sflag:s3], $0x4000  }
0x1e3: {  	[sflag:s3] =	ssyncset.done $0x0  }
0x1e4: {  	s16 =	simm.s32 $0x680;
	[sflag:s3] =	ssyncadd.s32 $0xFFFFC000  }
0x1e5: {  	[tilespmem:s4], [sflag:$0x2] =	stream.indirect.gather [hbm4b:s1+s0], $0x80, s16, s0, $0xb8;
	[tilespmem:$0x1E000] =	vst v63  }
0x1e6: {  	s16 =	simm.s32 $0x1600  }
0x1e7: {  	[spmem:s2] =	stream.indirect.scatter.add.f32 [tilespmem:s28], [sflag:$0x4], $0x80, s16, s0, $0xb8;
	[tilespmem:$0x1E000] =	vst v63  }
0x1e8: {  	_ =	swait.ge [sflag:s29], $0x4000  }
0x1e9: {  	[sflag:s29] =	ssyncset.done $0x0  }
0x1ea: {  	s16 =	simm.s32 $0x700;
	[sflag:s29] =	ssyncadd.s32 $0xFFFFC000  }
0x1eb: {  	[tilespmem:s28], [sflag:$0x1] =	stream.indirect.gather [hbm4b:s1+s0], $0x80, s16, s0, $0xb8;
	[tilespmem:$0x1E000] =	vst v63  }
0x1ec: {  	_ =	swait.ge [sflag:s13], $0x4000  }
0x1ed: {  	[sflag:s13] =	ssyncset.done $0x0  }
0x1ee: {  	s16 =	simm.s32 $0x1680;
	[sflag:s13] =	ssyncadd.s32 $0xFFFFC000  }
0x1ef: {  	[spmem:s2] =	stream.indirect.scatter.add.f32 [tilespmem:s4], [sflag:$0x4], $0x80, s16, s0, $0xb8;
	[tilespmem:$0x1E000] =	vst v63  }
0x1f0: {  	_ =	swait.ge [sflag:s29], $0x4000  }
0x1f1: {  	[sflag:s29] =	ssyncset.done $0x0  }
0x1f2: {  	[sflag:s29] =	ssyncadd.s32 $0xFFFFC000  }
0x1f3: {  	_ =	swait.ge [sflag:s3], $0x4000  }
0x1f4: {  	[sflag:s3] =	ssyncset.done $0x0  }
0x1f5: {  	s16 =	simm.s32 $0x780;
	[sflag:s3] =	ssyncadd.s32 $0xFFFFC000  }
0x1f6: {  	[tilespmem:s4], [sflag:$0x2] =	stream.indirect.gather [hbm4b:s1+s0], $0x80, s16, s0, $0xb8;
	[tilespmem:$0x1E000] =	vst v63  }
0x1f7: {  	s16 =	simm.s32 $0x1700  }
0x1f8: {  	[spmem:s2] =	stream.indirect.scatter.add.f32 [tilespmem:s28], [sflag:$0x4], $0x80, s16, s0, $0xb8;
	[tilespmem:$0x1E000] =	vst v63  }
0x1f9: {  	_ =	swait.ge [sflag:s29], $0x4000  }
0x1fa: {  	[sflag:s29] =	ssyncset.done $0x0  }
0x1fb: {  	[sflag:s29] =	ssyncadd.s32 $0xFFFFC000  }
0x1fc: {  	_ =	swait.ge [sflag:s13], $0x4000  }
0x1fd: {  	[sflag:s13] =	ssyncset.done $0x0  }
0x1fe: {  	s16 =	simm.s32 $0x1780;
	[sflag:s13] =	ssyncadd.s32 $0xFFFFC000  }
0x1ff: {  	[spmem:s2] =	stream.indirect.scatter.add.f32 [tilespmem:s4], [sflag:$0x4], $0x80, s16, s0, $0xb8;
	[tilespmem:$0x1E000] =	vst v63  }
0x200: {  	_ =	swait.ge [sflag:s29], $0x4000  }
0x201: {  	[sflag:s29] =	ssyncset.done $0x0  }
0x202: {  	[sflag:s29] =	ssyncadd.s32 $0xFFFFC000  }
0x203: {  	_ =	swait.ge [sflag:s31], $0x800  }
0x204: {  	[sflag:s31] =	ssyncset.done $0x0  }
0x205: {  	[sflag:s31] =	ssyncadd.s32 $0xFFFFF800  }
0x206: {  	_ =	swait.ge [sflag:s31], $0x800  }
0x207: {  	[sflag:s31] =	ssyncset.done $0x0  }
0x208: {  	s16 =	rddreg [dreg:$0xc];
	[sflag:s31] =	ssyncadd.s32 $0xFFFFF800  }
0x209: {  	[tilespmem:s18], [sflag:$0x3] =	stream.linear.gather [hbm4b:s16+s18], $0x800, $0x38;
	[tilespmem:$0x1E000] =	vst v63  }
0x20a: {  	s16 =	rddreg [dreg:$0xd]  }
0x20b: {  	[tilespmem:s6], [sflag:$0x3] =	stream.linear.gather [hbm4b:s16+s18], $0x800, $0x38;
	[tilespmem:$0x1E000] =	vst v63  }
0x20c: {  	_ = 	snop  }
0x20d: {  	[tilespmem:s28], [sflag:$0x1] =	stream.indirect.gather [hbm4b:s1+s0], $0x80, s5, s0, $0xb8;
	[tilespmem:$0x1E000] =	vst v63  }
0x20e: {  	_ =	swait.ge [sflag:s3], $0x4000  }
0x20f: {  	[sflag:s3] =	ssyncset.done $0x0  }
0x210: {  	[sflag:s3] =	ssyncadd.s32 $0xFFFFC000  }
0x211: {  	[tilespmem:s4], [sflag:$0x2] =	stream.indirect.gather [hbm4b:s1+s0], $0x80, s7, s0, $0xb8;
	[tilespmem:$0x1E000] =	vst v63  }
0x212: {  	_ = 	snop  }
0x213: {  	[spmem:s2] =	stream.indirect.scatter.add.f32 [tilespmem:s28], [sflag:$0x4], $0x80, s25, s0, $0xb8;
	[tilespmem:$0x1E000] =	vst v63  }
0x214: {  	_ =	swait.ge [sflag:s29], $0x4000  }
0x215: {  	[sflag:s29] =	ssyncset.done $0x0  }
0x216: {  	[sflag:s29] =	ssyncadd.s32 $0xFFFFC000  }
0x217: {  	[tilespmem:s28], [sflag:$0x1] =	stream.indirect.gather [hbm4b:s1+s0], $0x80, s8, s0, $0xb8;
	[tilespmem:$0x1E000] =	vst v63  }
0x218: {  	_ =	swait.ge [sflag:s13], $0x4000  }
0x219: {  	[sflag:s13] =	ssyncset.done $0x0  }
0x21a: {  	[sflag:s13] =	ssyncadd.s32 $0xFFFFC000  }
0x21b: {  	[spmem:s2] =	stream.indirect.scatter.add.f32 [tilespmem:s4], [sflag:$0x4], $0x80, s9, s0, $0xb8;
	[tilespmem:$0x1E000] =	vst v63  }
0x21c: {  	_ =	swait.ge [sflag:s29], $0x4000  }
0x21d: {  	[sflag:s29] =	ssyncset.done $0x0  }
0x21e: {  	[sflag:s29] =	ssyncadd.s32 $0xFFFFC000  }
0x21f: {  	_ =	swait.ge [sflag:s3], $0x4000  }
0x220: {  	[sflag:s3] =	ssyncset.done $0x0  }
0x221: {  	[sflag:s3] =	ssyncadd.s32 $0xFFFFC000  }
0x222: {  	[tilespmem:s4], [sflag:$0x2] =	stream.indirect.gather [hbm4b:s1+s0], $0x80, s10, s0, $0xb8;
	[tilespmem:$0x1E000] =	vst v63  }
0x223: {  	_ = 	snop  }
0x224: {  	[spmem:s2] =	stream.indirect.scatter.add.f32 [tilespmem:s28], [sflag:$0x4], $0x80, s11, s0, $0xb8;
	[tilespmem:$0x1E000] =	vst v63  }
0x225: {  	_ =	swait.ge [sflag:s29], $0x4000  }
0x226: {  	[sflag:s29] =	ssyncset.done $0x0  }
0x227: {  	[sflag:s29] =	ssyncadd.s32 $0xFFFFC000  }
0x228: {  	[tilespmem:s28], [sflag:$0x1] =	stream.indirect.gather [hbm4b:s1+s0], $0x80, s12, s0, $0xb8;
	[tilespmem:$0x1E000] =	vst v63  }
0x229: {  	_ =	swait.ge [sflag:s13], $0x4000  }
0x22a: {  	[sflag:s13] =	ssyncset.done $0x0  }
0x22b: {  	[sflag:s13] =	ssyncadd.s32 $0xFFFFC000  }
0x22c: {  	[spmem:s2] =	stream.indirect.scatter.add.f32 [tilespmem:s4], [sflag:$0x4], $0x80, s14, s0, $0xb8;
	[tilespmem:$0x1E000] =	vst v63  }
0x22d: {  	_ =	swait.ge [sflag:s29], $0x4000  }
0x22e: {  	[sflag:s29] =	ssyncset.done $0x0  }
0x22f: {  	[sflag:s29] =	ssyncadd.s32 $0xFFFFC000  }
0x230: {  	_ =	swait.ge [sflag:s3], $0x4000  }
0x231: {  	[sflag:s3] =	ssyncset.done $0x0  }
0x232: {  	[sflag:s3] =	ssyncadd.s32 $0xFFFFC000  }
0x233: {  	[tilespmem:s4], [sflag:$0x2] =	stream.indirect.gather [hbm4b:s1+s0], $0x80, s17, s0, $0xb8;
	[tilespmem:$0x1E000] =	vst v63  }
0x234: {  	_ = 	snop  }
0x235: {  	[spmem:s2] =	stream.indirect.scatter.add.f32 [tilespmem:s28], [sflag:$0x4], $0x80, s19, s0, $0xb8;
	[tilespmem:$0x1E000] =	vst v63  }
0x236: {  	_ =	swait.ge [sflag:s29], $0x4000  }
0x237: {  	[sflag:s29] =	ssyncset.done $0x0  }
0x238: {  	[sflag:s29] =	ssyncadd.s32 $0xFFFFC000  }
0x239: {  	[tilespmem:s28], [sflag:$0x1] =	stream.indirect.gather [hbm4b:s1+s0], $0x80, s20, s0, $0xb8;
	[tilespmem:$0x1E000] =	vst v63  }
0x23a: {  	_ =	swait.ge [sflag:s13], $0x4000  }
0x23b: {  	[sflag:s13] =	ssyncset.done $0x0  }
0x23c: {  	[sflag:s13] =	ssyncadd.s32 $0xFFFFC000  }
0x23d: {  	[spmem:s2] =	stream.indirect.scatter.add.f32 [tilespmem:s4], [sflag:$0x4], $0x80, s21, s0, $0xb8;
	[tilespmem:$0x1E000] =	vst v63  }
0x23e: {  	_ =	swait.ge [sflag:s29], $0x4000  }
0x23f: {  	[sflag:s29] =	ssyncset.done $0x0  }
0x240: {  	[sflag:s29] =	ssyncadd.s32 $0xFFFFC000  }
0x241: {  	_ =	swait.ge [sflag:s3], $0x4000  }
0x242: {  	[sflag:s3] =	ssyncset.done $0x0  }
0x243: {  	[sflag:s3] =	ssyncadd.s32 $0xFFFFC000  }
0x244: {  	[tilespmem:s4], [sflag:$0x2] =	stream.indirect.gather [hbm4b:s1+s0], $0x80, s22, s0, $0xb8;
	[tilespmem:$0x1E000] =	vst v63  }
0x245: {  	_ = 	snop  }
0x246: {  	[spmem:s2] =	stream.indirect.scatter.add.f32 [tilespmem:s28], [sflag:$0x4], $0x80, s23, s0, $0xb8;
	[tilespmem:$0x1E000] =	vst v63  }
0x247: {  	_ =	swait.ge [sflag:s29], $0x4000  }
0x248: {  	[sflag:s29] =	ssyncset.done $0x0  }
0x249: {  	[sflag:s29] =	ssyncadd.s32 $0xFFFFC000  }
0x24a: {  	[tilespmem:s28], [sflag:$0x1] =	stream.indirect.gather [hbm4b:s1+s0], $0x80, s24, s0, $0xb8;
	[tilespmem:$0x1E000] =	vst v63  }
0x24b: {  	_ =	swait.ge [sflag:s13], $0x4000  }
0x24c: {  	[sflag:s13] =	ssyncset.done $0x0  }
0x24d: {  	[sflag:s13] =	ssyncadd.s32 $0xFFFFC000  }
0x24e: {  	[spmem:s2] =	stream.indirect.scatter.add.f32 [tilespmem:s4], [sflag:$0x4], $0x80, s26, s0, $0xb8;
	[tilespmem:$0x1E000] =	vst v63  }
0x24f: {  	_ =	swait.ge [sflag:s29], $0x4000  }
0x250: {  	[sflag:s29] =	ssyncset.done $0x0  }
0x251: {  	[sflag:s29] =	ssyncadd.s32 $0xFFFFC000  }
0x252: {  	_ =	swait.ge [sflag:s3], $0x4000  }
0x253: {  	[sflag:s3] =	ssyncset.done $0x0  }
0x254: {  	[sflag:s3] =	ssyncadd.s32 $0xFFFFC000  }
0x255: {  	[tilespmem:s4], [sflag:$0x2] =	stream.indirect.gather [hbm4b:s1+s0], $0x80, s30, s0, $0xb8;
	[tilespmem:$0x1E000] =	vst v63  }
0x256: {  	s20 =	simm.s32 $0x1C00  }
0x257: {  	[spmem:s2] =	stream.indirect.scatter.add.f32 [tilespmem:s28], [sflag:$0x4], $0x80, s20, s0, $0xb8;
	[tilespmem:$0x1E000] =	vst v63  }
0x258: {  	_ =	swait.ge [sflag:s29], $0x4000  }
0x259: {  	[sflag:s29] =	ssyncset.done $0x0  }
0x25a: {  	s16 =	simm.s32 $0xD00;
	[sflag:s29] =	ssyncadd.s32 $0xFFFFC000  }
0x25b: {  	[tilespmem:s28], [sflag:$0x1] =	stream.indirect.gather [hbm4b:s1+s0], $0x80, s16, s0, $0xb8;
	[tilespmem:$0x1E000] =	vst v63  }
0x25c: {  	_ =	swait.ge [sflag:s13], $0x4000  }
0x25d: {  	[sflag:s13] =	ssyncset.done $0x0  }
0x25e: {  	s17 =	simm.s32 $0x1C80;
	[sflag:s13] =	ssyncadd.s32 $0xFFFFC000  }
0x25f: {  	[spmem:s2] =	stream.indirect.scatter.add.f32 [tilespmem:s4], [sflag:$0x4], $0x80, s17, s0, $0xb8;
	[tilespmem:$0x1E000] =	vst v63  }
0x260: {  	_ =	swait.ge [sflag:s29], $0x4000  }
0x261: {  	[sflag:s29] =	ssyncset.done $0x0  }
0x262: {  	[sflag:s29] =	ssyncadd.s32 $0xFFFFC000  }
0x263: {  	_ =	swait.ge [sflag:s3], $0x4000  }
0x264: {  	[sflag:s3] =	ssyncset.done $0x0  }
0x265: {  	s20 =	simm.s32 $0xD80;
	[sflag:s3] =	ssyncadd.s32 $0xFFFFC000  }
0x266: {  	[tilespmem:s4], [sflag:$0x2] =	stream.indirect.gather [hbm4b:s1+s0], $0x80, s20, s0, $0xb8;
	[tilespmem:$0x1E000] =	vst v63  }
0x267: {  	s16 =	simm.s32 $0x1D00  }
0x268: {  	[spmem:s2] =	stream.indirect.scatter.add.f32 [tilespmem:s28], [sflag:$0x4], $0x80, s16, s0, $0xb8;
	[tilespmem:$0x1E000] =	vst v63  }
0x269: {  	_ =	swait.ge [sflag:s29], $0x4000  }
0x26a: {  	[sflag:s29] =	ssyncset.done $0x0  }
0x26b: {  	s17 =	simm.s32 $0xE00;
	[sflag:s29] =	ssyncadd.s32 $0xFFFFC000  }
0x26c: {  	[tilespmem:s28], [sflag:$0x1] =	stream.indirect.gather [hbm4b:s1+s0], $0x80, s17, s0, $0xb8;
	[tilespmem:$0x1E000] =	vst v63  }
0x26d: {  	_ =	swait.ge [sflag:s13], $0x4000  }
0x26e: {  	[sflag:s13] =	ssyncset.done $0x0  }
0x26f: {  	s20 =	simm.s32 $0x1D80;
	[sflag:s13] =	ssyncadd.s32 $0xFFFFC000  }
0x270: {  	[spmem:s2] =	stream.indirect.scatter.add.f32 [tilespmem:s4], [sflag:$0x4], $0x80, s20, s0, $0xb8;
	[tilespmem:$0x1E000] =	vst v63  }
0x271: {  	_ =	swait.ge [sflag:s29], $0x4000  }
0x272: {  	[sflag:s29] =	ssyncset.done $0x0  }
0x273: {  	[sflag:s29] =	ssyncadd.s32 $0xFFFFC000  }
0x274: {  	_ =	swait.ge [sflag:s3], $0x4000  }
0x275: {  	[sflag:s3] =	ssyncset.done $0x0  }
0x276: {  	s16 =	simm.s32 $0xE80;
	[sflag:s3] =	ssyncadd.s32 $0xFFFFC000  }
0x277: {  	[tilespmem:s4], [sflag:$0x2] =	stream.indirect.gather [hbm4b:s1+s0], $0x80, s16, s0, $0xb8;
	[tilespmem:$0x1E000] =	vst v63  }
0x278: {  	s17 =	simm.s32 $0x1E00  }
0x279: {  	[spmem:s2] =	stream.indirect.scatter.add.f32 [tilespmem:s28], [sflag:$0x4], $0x80, s17, s0, $0xb8;
	[tilespmem:$0x1E000] =	vst v63  }
0x27a: {  	_ =	swait.ge [sflag:s29], $0x4000  }
0x27b: {  	[sflag:s29] =	ssyncset.done $0x0  }
0x27c: {  	s20 =	simm.s32 $0xF00;
	[sflag:s29] =	ssyncadd.s32 $0xFFFFC000  }
0x27d: {  	[tilespmem:s28], [sflag:$0x1] =	stream.indirect.gather [hbm4b:s1+s0], $0x80, s20, s0, $0xb8;
	[tilespmem:$0x1E000] =	vst v63  }
0x27e: {  	_ =	swait.ge [sflag:s13], $0x4000  }
0x27f: {  	[sflag:s13] =	ssyncset.done $0x0  }
0x280: {  	s16 =	simm.s32 $0x1E80;
	[sflag:s13] =	ssyncadd.s32 $0xFFFFC000  }
0x281: {  	[spmem:s2] =	stream.indirect.scatter.add.f32 [tilespmem:s4], [sflag:$0x4], $0x80, s16, s0, $0xb8;
	[tilespmem:$0x1E000] =	vst v63  }
0x282: {  	_ =	swait.ge [sflag:s29], $0x4000  }
0x283: {  	[sflag:s29] =	ssyncset.done $0x0  }
0x284: {  	[sflag:s29] =	ssyncadd.s32 $0xFFFFC000  }
0x285: {  	_ =	swait.ge [sflag:s3], $0x4000  }
0x286: {  	[sflag:s3] =	ssyncset.done $0x0  }
0x287: {  	s17 =	simm.s32 $0xF80;
	[sflag:s3] =	ssyncadd.s32 $0xFFFFC000  }
0x288: {  	[tilespmem:s4], [sflag:$0x2] =	stream.indirect.gather [hbm4b:s1+s0], $0x80, s17, s0, $0xb8;
	[tilespmem:$0x1E000] =	vst v63  }
0x289: {  	s20 =	simm.s32 $0x1F00  }
0x28a: {  	[spmem:s2] =	stream.indirect.scatter.add.f32 [tilespmem:s28], [sflag:$0x4], $0x80, s20, s0, $0xb8;
	[tilespmem:$0x1E000] =	vst v63  }
0x28b: {  	_ =	swait.ge [sflag:s29], $0x4000  }
0x28c: {  	[sflag:s29] =	ssyncset.done $0x0  }
0x28d: {  	[sflag:s29] =	ssyncadd.s32 $0xFFFFC000  }
0x28e: {  	_ =	swait.ge [sflag:s13], $0x4000  }
0x28f: {  	[sflag:s13] =	ssyncset.done $0x0  }
0x290: {  	s16 =	simm.s32 $0x1F80;
	[sflag:s13] =	ssyncadd.s32 $0xFFFFC000  }
0x291: {  	[spmem:s2] =	stream.indirect.scatter.add.f32 [tilespmem:s4], [sflag:$0x4], $0x80, s16, s0, $0xb8;
	[tilespmem:$0x1E000] =	vst v63  }
0x292: {  	_ =	swait.ge [sflag:s29], $0x4000  }
0x293: {  	[sflag:s29] =	ssyncset.done $0x0  }
0x294: {  	[sflag:s29] =	ssyncadd.s32 $0xFFFFC000  }
0x295: {  	_ =	swait.ge [sflag:s31], $0x800  }
0x296: {  	[sflag:s31] =	ssyncset.done $0x0  }
0x297: {  	[sflag:s31] =	ssyncadd.s32 $0xFFFFF800  }
0x298: {  	_ =	swait.ge [sflag:s31], $0x800  }
0x299: {  	[sflag:s31] =	ssyncset.done $0x0  }
0x29a: {  	[sflag:s31] =	ssyncadd.s32 $0xFFFFF800  }
0x29b: {  	[tilespmem:s28], [sflag:$0x1] =	stream.indirect.gather [hbm4b:s1+s0], $0x80, s18, s0, $0xb8;
	[tilespmem:$0x1E000] =	vst v63  }
0x29c: {  	_ =	swait.ge [sflag:s3], $0x4000  }
0x29d: {  	[sflag:s3] =	ssyncset.done $0x0  }
0x29e: {  	[sflag:s3] =	ssyncadd.s32 $0xFFFFC000  }
0x29f: {  	[tilespmem:s4], [sflag:$0x2] =	stream.indirect.gather [hbm4b:s1+s0], $0x80, s0, s0, $0xb8;
	[tilespmem:$0x1E000] =	vst v63  }
0x2a0: {  	_ = 	snop  }
0x2a1: {  	[spmem:s2] =	stream.indirect.scatter.add.f32 [tilespmem:s28], [sflag:$0x4], $0x80, s6, s0, $0xb8;
	[tilespmem:$0x1E000] =	vst v63  }
0x2a2: {  	_ =	swait.ge [sflag:s29], $0x4000  }
0x2a3: {  	[sflag:s29] =	ssyncset.done $0x0  }
0x2a4: {  	s17 =	simm.s32 $0x100;
	[sflag:s29] =	ssyncadd.s32 $0xFFFFC000  }
0x2a5: {  	[tilespmem:s28], [sflag:$0x1] =	stream.indirect.gather [hbm4b:s1+s0], $0x80, s17, s0, $0xb8;
	[tilespmem:$0x1E000] =	vst v63  }
0x2a6: {  	_ =	swait.ge [sflag:s13], $0x4000  }
0x2a7: {  	[sflag:s13] =	ssyncset.done $0x0  }
0x2a8: {  	s20 =	simm.s32 $0x1080;
	[sflag:s13] =	ssyncadd.s32 $0xFFFFC000  }
0x2a9: {  	[spmem:s2] =	stream.indirect.scatter.add.f32 [tilespmem:s4], [sflag:$0x4], $0x80, s20, s0, $0xb8;
	[tilespmem:$0x1E000] =	vst v63  }
0x2aa: {  	_ =	swait.ge [sflag:s29], $0x4000  }
0x2ab: {  	[sflag:s29] =	ssyncset.done $0x0  }
0x2ac: {  	[sflag:s29] =	ssyncadd.s32 $0xFFFFC000  }
0x2ad: {  	_ =	swait.ge [sflag:s3], $0x4000  }
0x2ae: {  	[sflag:s3] =	ssyncset.done $0x0  }
0x2af: {  	s16 =	simm.s32 $0x180;
	[sflag:s3] =	ssyncadd.s32 $0xFFFFC000  }
0x2b0: {  	[tilespmem:s4], [sflag:$0x2] =	stream.indirect.gather [hbm4b:s1+s0], $0x80, s16, s0, $0xb8;
	[tilespmem:$0x1E000] =	vst v63  }
0x2b1: {  	s17 =	simm.s32 $0x1100  }
0x2b2: {  	[spmem:s2] =	stream.indirect.scatter.add.f32 [tilespmem:s28], [sflag:$0x4], $0x80, s17, s0, $0xb8;
	[tilespmem:$0x1E000] =	vst v63  }
0x2b3: {  	_ =	swait.ge [sflag:s29], $0x4000  }
0x2b4: {  	[sflag:s29] =	ssyncset.done $0x0  }
0x2b5: {  	s20 =	simm.s32 $0x200;
	[sflag:s29] =	ssyncadd.s32 $0xFFFFC000  }
0x2b6: {  	[tilespmem:s28], [sflag:$0x1] =	stream.indirect.gather [hbm4b:s1+s0], $0x80, s20, s0, $0xb8;
	[tilespmem:$0x1E000] =	vst v63  }
0x2b7: {  	_ =	swait.ge [sflag:s13], $0x4000  }
0x2b8: {  	[sflag:s13] =	ssyncset.done $0x0  }
0x2b9: {  	s16 =	simm.s32 $0x1180;
	[sflag:s13] =	ssyncadd.s32 $0xFFFFC000  }
0x2ba: {  	[spmem:s2] =	stream.indirect.scatter.add.f32 [tilespmem:s4], [sflag:$0x4], $0x80, s16, s0, $0xb8;
	[tilespmem:$0x1E000] =	vst v63  }
0x2bb: {  	_ =	swait.ge [sflag:s29], $0x4000  }
0x2bc: {  	[sflag:s29] =	ssyncset.done $0x0  }
0x2bd: {  	[sflag:s29] =	ssyncadd.s32 $0xFFFFC000  }
0x2be: {  	_ =	swait.ge [sflag:s3], $0x4000  }
0x2bf: {  	[sflag:s3] =	ssyncset.done $0x0  }
0x2c0: {  	s17 =	simm.s32 $0x280;
	[sflag:s3] =	ssyncadd.s32 $0xFFFFC000  }
0x2c1: {  	[tilespmem:s4], [sflag:$0x2] =	stream.indirect.gather [hbm4b:s1+s0], $0x80, s17, s0, $0xb8;
	[tilespmem:$0x1E000] =	vst v63  }
0x2c2: {  	s20 =	simm.s32 $0x1200  }
0x2c3: {  	[spmem:s2] =	stream.indirect.scatter.add.f32 [tilespmem:s28], [sflag:$0x4], $0x80, s20, s0, $0xb8;
	[tilespmem:$0x1E000] =	vst v63  }
0x2c4: {  	_ =	swait.ge [sflag:s29], $0x4000  }
0x2c5: {  	[sflag:s29] =	ssyncset.done $0x0  }
0x2c6: {  	s16 =	simm.s32 $0x300;
	[sflag:s29] =	ssyncadd.s32 $0xFFFFC000  }
0x2c7: {  	[tilespmem:s28], [sflag:$0x1] =	stream.indirect.gather [hbm4b:s1+s0], $0x80, s16, s0, $0xb8;
	[tilespmem:$0x1E000] =	vst v63  }
0x2c8: {  	_ =	swait.ge [sflag:s13], $0x4000  }
0x2c9: {  	[sflag:s13] =	ssyncset.done $0x0  }
0x2ca: {  	s17 =	simm.s32 $0x1280;
	[sflag:s13] =	ssyncadd.s32 $0xFFFFC000  }
0x2cb: {  	[spmem:s2] =	stream.indirect.scatter.add.f32 [tilespmem:s4], [sflag:$0x4], $0x80, s17, s0, $0xb8;
	[tilespmem:$0x1E000] =	vst v63  }
0x2cc: {  	_ =	swait.ge [sflag:s29], $0x4000  }
0x2cd: {  	[sflag:s29] =	ssyncset.done $0x0  }
0x2ce: {  	[sflag:s29] =	ssyncadd.s32 $0xFFFFC000  }
0x2cf: {  	_ =	swait.ge [sflag:s3], $0x4000  }
0x2d0: {  	[sflag:s3] =	ssyncset.done $0x0  }
0x2d1: {  	s20 =	simm.s32 $0x380;
	[sflag:s3] =	ssyncadd.s32 $0xFFFFC000  }
0x2d2: {  	[tilespmem:s4], [sflag:$0x2] =	stream.indirect.gather [hbm4b:s1+s0], $0x80, s20, s0, $0xb8;
	[tilespmem:$0x1E000] =	vst v63  }
0x2d3: {  	s16 =	simm.s32 $0x1300  }
0x2d4: {  	[spmem:s2] =	stream.indirect.scatter.add.f32 [tilespmem:s28], [sflag:$0x4], $0x80, s16, s0, $0xb8;
	[tilespmem:$0x1E000] =	vst v63  }
0x2d5: {  	_ =	swait.ge [sflag:s29], $0x4000  }
0x2d6: {  	[sflag:s29] =	ssyncset.done $0x0  }
0x2d7: {  	s17 =	simm.s32 $0x400;
	[sflag:s29] =	ssyncadd.s32 $0xFFFFC000  }
0x2d8: {  	[tilespmem:s28], [sflag:$0x1] =	stream.indirect.gather [hbm4b:s1+s0], $0x80, s17, s0, $0xb8;
	[tilespmem:$0x1E000] =	vst v63  }
0x2d9: {  	_ =	swait.ge [sflag:s13], $0x4000  }
0x2da: {  	[sflag:s13] =	ssyncset.done $0x0  }
0x2db: {  	s20 =	simm.s32 $0x1380;
	[sflag:s13] =	ssyncadd.s32 $0xFFFFC000  }
0x2dc: {  	[spmem:s2] =	stream.indirect.scatter.add.f32 [tilespmem:s4], [sflag:$0x4], $0x80, s20, s0, $0xb8;
	[tilespmem:$0x1E000] =	vst v63  }
0x2dd: {  	_ =	swait.ge [sflag:s29], $0x4000  }
0x2de: {  	[sflag:s29] =	ssyncset.done $0x0  }
0x2df: {  	[sflag:s29] =	ssyncadd.s32 $0xFFFFC000  }
0x2e0: {  	_ =	swait.ge [sflag:s3], $0x4000  }
0x2e1: {  	[sflag:s3] =	ssyncset.done $0x0  }
0x2e2: {  	s16 =	simm.s32 $0x480;
	[sflag:s3] =	ssyncadd.s32 $0xFFFFC000  }
0x2e3: {  	[tilespmem:s4], [sflag:$0x2] =	stream.indirect.gather [hbm4b:s1+s0], $0x80, s16, s0, $0xb8;
	[tilespmem:$0x1E000] =	vst v63  }
0x2e4: {  	s17 =	simm.s32 $0x1400  }
0x2e5: {  	[spmem:s2] =	stream.indirect.scatter.add.f32 [tilespmem:s28], [sflag:$0x4], $0x80, s17, s0, $0xb8;
	[tilespmem:$0x1E000] =	vst v63  }
0x2e6: {  	_ =	swait.ge [sflag:s29], $0x4000  }
0x2e7: {  	[sflag:s29] =	ssyncset.done $0x0  }
0x2e8: {  	s20 =	simm.s32 $0x500;
	[sflag:s29] =	ssyncadd.s32 $0xFFFFC000  }
0x2e9: {  	[tilespmem:s28], [sflag:$0x1] =	stream.indirect.gather [hbm4b:s1+s0], $0x80, s20, s0, $0xb8;
	[tilespmem:$0x1E000] =	vst v63  }
0x2ea: {  	_ =	swait.ge [sflag:s13], $0x4000  }
0x2eb: {  	[sflag:s13] =	ssyncset.done $0x0  }
0x2ec: {  	s16 =	simm.s32 $0x1480;
	[sflag:s13] =	ssyncadd.s32 $0xFFFFC000  }
0x2ed: {  	[spmem:s2] =	stream.indirect.scatter.add.f32 [tilespmem:s4], [sflag:$0x4], $0x80, s16, s0, $0xb8;
	[tilespmem:$0x1E000] =	vst v63  }
0x2ee: {  	_ =	swait.ge [sflag:s29], $0x4000  }
0x2ef: {  	[sflag:s29] =	ssyncset.done $0x0  }
0x2f0: {  	[sflag:s29] =	ssyncadd.s32 $0xFFFFC000  }
0x2f1: {  	_ =	swait.ge [sflag:s3], $0x4000  }
0x2f2: {  	[sflag:s3] =	ssyncset.done $0x0  }
0x2f3: {  	s17 =	simm.s32 $0x580;
	[sflag:s3] =	ssyncadd.s32 $0xFFFFC000  }
0x2f4: {  	[tilespmem:s4], [sflag:$0x2] =	stream.indirect.gather [hbm4b:s1+s0], $0x80, s17, s0, $0xb8;
	[tilespmem:$0x1E000] =	vst v63  }
0x2f5: {  	s20 =	simm.s32 $0x1500  }
0x2f6: {  	[spmem:s2] =	stream.indirect.scatter.add.f32 [tilespmem:s28], [sflag:$0x4], $0x80, s20, s0, $0xb8;
	[tilespmem:$0x1E000] =	vst v63  }
0x2f7: {  	_ =	swait.ge [sflag:s29], $0x4000  }
0x2f8: {  	[sflag:s29] =	ssyncset.done $0x0  }
0x2f9: {  	s16 =	simm.s32 $0x600;
	[sflag:s29] =	ssyncadd.s32 $0xFFFFC000  }
0x2fa: {  	[tilespmem:s28], [sflag:$0x1] =	stream.indirect.gather [hbm4b:s1+s0], $0x80, s16, s0, $0xb8;
	[tilespmem:$0x1E000] =	vst v63  }
0x2fb: {  	_ =	swait.ge [sflag:s13], $0x4000  }
0x2fc: {  	[sflag:s13] =	ssyncset.done $0x0  }
0x2fd: {  	s17 =	simm.s32 $0x1580;
	[sflag:s13] =	ssyncadd.s32 $0xFFFFC000  }
0x2fe: {  	[spmem:s2] =	stream.indirect.scatter.add.f32 [tilespmem:s4], [sflag:$0x4], $0x80, s17, s0, $0xb8;
	[tilespmem:$0x1E000] =	vst v63  }
0x2ff: {  	_ =	swait.ge [sflag:s29], $0x4000  }
0x300: {  	[sflag:s29] =	ssyncset.done $0x0  }
0x301: {  	[sflag:s29] =	ssyncadd.s32 $0xFFFFC000  }
0x302: {  	_ =	swait.ge [sflag:s3], $0x4000  }
0x303: {  	[sflag:s3] =	ssyncset.done $0x0  }
0x304: {  	s20 =	simm.s32 $0x680;
	[sflag:s3] =	ssyncadd.s32 $0xFFFFC000  }
0x305: {  	[tilespmem:s4], [sflag:$0x2] =	stream.indirect.gather [hbm4b:s1+s0], $0x80, s20, s0, $0xb8;
	[tilespmem:$0x1E000] =	vst v63  }
0x306: {  	s16 =	simm.s32 $0x1600  }
0x307: {  	[spmem:s2] =	stream.indirect.scatter.add.f32 [tilespmem:s28], [sflag:$0x4], $0x80, s16, s0, $0xb8;
	[tilespmem:$0x1E000] =	vst v63  }
0x308: {  	_ =	swait.ge [sflag:s29], $0x4000  }
0x309: {  	[sflag:s29] =	ssyncset.done $0x0  }
0x30a: {  	s17 =	simm.s32 $0x700;
	[sflag:s29] =	ssyncadd.s32 $0xFFFFC000  }
0x30b: {  	[tilespmem:s28], [sflag:$0x1] =	stream.indirect.gather [hbm4b:s1+s0], $0x80, s17, s0, $0xb8;
	[tilespmem:$0x1E000] =	vst v63  }
0x30c: {  	_ =	swait.ge [sflag:s13], $0x4000  }
0x30d: {  	[sflag:s13] =	ssyncset.done $0x0  }
0x30e: {  	s20 =	simm.s32 $0x1680;
	[sflag:s13] =	ssyncadd.s32 $0xFFFFC000  }
0x30f: {  	[spmem:s2] =	stream.indirect.scatter.add.f32 [tilespmem:s4], [sflag:$0x4], $0x80, s20, s0, $0xb8;
	[tilespmem:$0x1E000] =	vst v63  }
0x310: {  	_ =	swait.ge [sflag:s29], $0x4000  }
0x311: {  	[sflag:s29] =	ssyncset.done $0x0  }
0x312: {  	[sflag:s29] =	ssyncadd.s32 $0xFFFFC000  }
0x313: {  	_ =	swait.ge [sflag:s3], $0x4000  }
0x314: {  	[sflag:s3] =	ssyncset.done $0x0  }
0x315: {  	s16 =	simm.s32 $0x780;
	[sflag:s3] =	ssyncadd.s32 $0xFFFFC000  }
0x316: {  	[tilespmem:s4], [sflag:$0x2] =	stream.indirect.gather [hbm4b:s1+s0], $0x80, s16, s0, $0xb8;
	[tilespmem:$0x1E000] =	vst v63  }
0x317: {  	s17 =	simm.s32 $0x1700  }
0x318: {  	[spmem:s2] =	stream.indirect.scatter.add.f32 [tilespmem:s28], [sflag:$0x4], $0x80, s17, s0, $0xb8;
	[tilespmem:$0x1E000] =	vst v63  }
0x319: {  	_ =	swait.ge [sflag:s29], $0x4000  }
0x31a: {  	[sflag:s29] =	ssyncset.done $0x0  }
0x31b: {  	[sflag:s29] =	ssyncadd.s32 $0xFFFFC000  }
0x31c: {  	_ =	swait.ge [sflag:s13], $0x4000  }
0x31d: {  	[sflag:s13] =	ssyncset.done $0x0  }
0x31e: {  	s20 =	simm.s32 $0x1780;
	[sflag:s13] =	ssyncadd.s32 $0xFFFFC000  }
0x31f: {  	[spmem:s2] =	stream.indirect.scatter.add.f32 [tilespmem:s4], [sflag:$0x4], $0x80, s20, s0, $0xb8;
	[tilespmem:$0x1E000] =	vst v63  }
0x320: {  	_ =	swait.ge [sflag:s29], $0x4000  }
0x321: {  	[sflag:s29] =	ssyncset.done $0x0  }
0x322: {  	[sflag:s29] =	ssyncadd.s32 $0xFFFFC000  }
0x323: {  	[bflag:$0x0] =	sbarrier.arrive $0xFFFF  }
0x324: {  	s16 =	rddreg [dreg:$0x15]  }
0x325: {  	[tilespmem:s28], [sflag:$0x4] =	stream.linear.gather [spmem:s16], $0x4000, $0x38;
	[tilespmem:$0x1E000] =	vst v63  }
0x326: {  	_ =	swait.ge [sflag:s29], $0x4000  }
0x327: {  	[sflag:s29] =	ssyncset.done $0x0  }
0x328: {  	s17 =	rddreg [dreg:$0xe];
	[sflag:s29] =	ssyncadd.s32 $0xFFFFC000  }
0x329: {  	[hbm4b:s17+s18] =	stream.linear.scatter [tilespmem:s28], [sflag:$0x4], $0x4000, $0x38;
	[tilespmem:$0x1E000] =	vst v63  }
0x32a: {  	_ =	swait.ge [sflag:s29], $0x4000  }
0x32b: {  	[sflag:s29] =	ssyncset.done $0x0  }
0x32c: {  	s20 =	rddreg [dreg:$0x16];
	[sflag:s29] =	ssyncadd.s32 $0xFFFFC000  }
0x32d: {  	[tilespmem:s28], [sflag:$0x4] =	stream.linear.gather [spmem:s20], $0x4000, $0x38;
	[tilespmem:$0x1E000] =	vst v63  }
0x32e: {  	_ =	swait.ge [sflag:s29], $0x4000  }
0x32f: {  	[sflag:s29] =	ssyncset.done $0x0  }
0x330: {  	s5 =	rddreg [dreg:$0xf];
	[sflag:s29] =	ssyncadd.s32 $0xFFFFC000  }
0x331: {  	[hbm4b:s5+s18] =	stream.linear.scatter [tilespmem:s28], [sflag:$0x4], $0x4000, $0x38;
	[tilespmem:$0x1E000] =	vst v63  }
0x332: {  	_ =	swait.ge [sflag:s29], $0x4000  }
0x333: {  	[sflag:s29] =	ssyncset.done $0x0  }
0x334: {  	s16 =	rddreg [dreg:$0x17];
	[sflag:s29] =	ssyncadd.s32 $0xFFFFC000  }
0x335: {  	[tilespmem:s28], [sflag:$0x4] =	stream.linear.gather [spmem:s16], $0x4000, $0x38;
	[tilespmem:$0x1E000] =	vst v63  }
0x336: {  	_ =	swait.ge [sflag:s29], $0x4000  }
0x337: {  	[sflag:s29] =	ssyncset.done $0x0  }
0x338: {  	s17 =	rddreg [dreg:$0x10];
	[sflag:s29] =	ssyncadd.s32 $0xFFFFC000  }
0x339: {  	[hbm4b:s17+s18] =	stream.linear.scatter [tilespmem:s28], [sflag:$0x4], $0x4000, $0x38;
	[tilespmem:$0x1E000] =	vst v63  }
0x33a: {  	_ =	swait.ge [sflag:s29], $0x4000  }
0x33b: {  	[sflag:s29] =	ssyncset.done $0x0  }
0x33c: {  	s20 =	rddreg [dreg:$0x18];
	[sflag:s29] =	ssyncadd.s32 $0xFFFFC000  }
0x33d: {  	[tilespmem:s28], [sflag:$0x4] =	stream.linear.gather [spmem:s20], $0x4000, $0x38;
	[tilespmem:$0x1E000] =	vst v63  }
0x33e: {  	_ =	swait.ge [sflag:s29], $0x4000  }
0x33f: {  	[sflag:s29] =	ssyncset.done $0x0  }
0x340: {  	s5 =	rddreg [dreg:$0x11];
	[sflag:s29] =	ssyncadd.s32 $0xFFFFC000  }
0x341: {  	[hbm4b:s5+s18] =	stream.linear.scatter [tilespmem:s28], [sflag:$0x4], $0x4000, $0x38;
	[tilespmem:$0x1E000] =	vst v63  }
0x342: {  	_ =	swait.ge [sflag:s29], $0x4000  }
0x343: {  	[sflag:s29] =	ssyncset.done $0x0  }
0x344: {  	s16 =	rddreg [dreg:$0x19];
	[sflag:s29] =	ssyncadd.s32 $0xFFFFC000  }
0x345: {  	[tilespmem:s28], [sflag:$0x4] =	stream.linear.gather [spmem:s16], $0x4000, $0x38;
	[tilespmem:$0x1E000] =	vst v63  }
0x346: {  	_ =	swait.ge [sflag:s29], $0x4000  }
0x347: {  	[sflag:s29] =	ssyncset.done $0x0  }
0x348: {  	s17 =	rddreg [dreg:$0x12];
	[sflag:s29] =	ssyncadd.s32 $0xFFFFC000  }
0x349: {  	[hbm4b:s17+s18] =	stream.linear.scatter [tilespmem:s28], [sflag:$0x4], $0x4000, $0x38;
	[tilespmem:$0x1E000] =	vst v63  }
0x34a: {  	_ =	swait.ge [sflag:s29], $0x4000  }
0x34b: {  	s15 =	sadd.s32 $0x1, s15;
	s20 =	rddreg [dreg:$0x14]  }
0x34c: {  	p1 =	sne.s32 s15, s20  }
.Ltmp1:
0x34d: {  	_ = 	snop;
	(pc) =	sbr.rel @p1 .LBB2_1-.Ltmp1, $3  }
0x34e: {  	_ =	sdelay $0x1  }
0x34f: {  	[sflag:s29] =	ssyncset.done $0x0  }
0x350: {  	[sflag:s29] =	ssyncadd.s32 $0xFFFFC000  }
0x351: {  	_ =	sfence.sel $0x180000  }
0x352: {  	[bflag:$0x0] =	sbarrier.arrive $0xFFFF  }
0x353: {  	_ =	strace $0x9000004A  }
0x354: {  	s0 =	stileid.u32;
	[bflag:$0x2] =	sbarrier.arrive $0xFFFF  }
0x355: {  	p0 =	sne.s32 s0, $0x0;
	s0 =	rddreg [dreg:$0x3]  }
0x356: {  	s0 =	sadd.s32 @!p0 $0x100000, s0  }
0x357: {  	[sflag:s0] =	ssyncadd.tile.s32 @!p0 $0x1;
	_ =	shalt  }
.Lfunc_end2:
_tile_overlayer_lowered:
.L_overlay_start_2:
0x358: {  	(tag) =	ssettag $0x2  }
0x359: {  	s0 =	rddreg [dreg:$0x0];
	s2 =	stileid.u32  }
0x35a: {  	s1 =	rddreg [dreg:$0x1];
	p0 =	sne.s32 s2, $0x0  }
0x35b: {  	s3 =	rddreg [dreg:$0x2];
	[bflag:$0x3] =	sbarrier.arrive $0xFFFF;
	s2 =	simm.s32 @!p0 $0x1C04  }
0x35c: {  	[timem:s3], [sflag:s2] =	dma.local @!p0 [hbm:s0], s1  }
0x35d: {  	s0 =	simm.s32 @!p0 $0x4  }
0x35e: {  	_ =	swait.ge @!p0 [sflag:s0], s1  }
0x35f: {  	s1 =	ssub.s32 @!p0 $0x0, s1;
	[sflag:s0] =	ssyncset.done @!p0 $0x0  }
0x360: {  	[sflag:s0] =	ssyncadd.s32 @!p0 s1  }
0x361: {  	[bflag:$0x3] =	sbarrier.arrive $0xFFFF  }
0x362: {  	_ =	shalt  }

</sc_bundles>
